<compile_context>
chip_gen: v7x
topology: tpu7x:2x2x1
jax: 0.10.2.dev20260603
libtpu: 0.0.44.dev20260713+nightly
codegen_flags: <defaults>
</compile_context>

<pallas_src>
import jax
import jax.numpy as jnp
from jax import lax
from jax.experimental import pallas as pl
from jax.experimental.pallas import tpu as pltpu
from jax.experimental.pallas import tpu_sc as plsc

BATCH = 16384
N_FIELDS = 26
VOCAB = 100000
EMBED_DIM = 16

NC = 2
NS = 16
L = 16
NW = NC * NS

PAIRS = N_FIELDS * EMBED_DIM
P_PER_W = PAIRS // NW
CHUNK = 1024
N_CPAIR = BATCH // (2 * CHUNK)
UNROLL = 8


def _body(tbl, didx_hbm, out, tbuf, didx, obuf, osem0, osem1):
    cid = lax.axis_index("c")
    sid = lax.axis_index("s")
    wid = sid * NC + cid
    pair0 = wid * P_PER_W

    sems = (osem0, osem1)

    def out_desc(f, e, c, slot):
        return pltpu.make_async_copy(
            obuf.at[slot],
            out.at[f, e, pl.ds(c * CHUNK, CHUNK)],
            sems[slot],
        )

    for j in range(P_PER_W):
        p = pair0 + j
        f = p // EMBED_DIM
        e = lax.rem(p, EMBED_DIM)

        if j == 0:
            pltpu.sync_copy(didx_hbm.at[f], didx)
        else:
            @pl.when(e == 0)
            def _(f=f):
                pltpu.sync_copy(didx_hbm.at[f], didx)
        pltpu.sync_copy(tbl.at[f, e], tbuf)

        def step(t, _, j=j, f=f, e=e):
            for slot in range(2):
                c = 2 * t + slot

                def _wait(c=c, slot=slot):
                    out_desc(f, e, c, slot).wait()

                if j == 0:
                    pl.when(c >= 2)(_wait)
                else:
                    _wait()

                @plsc.parallel_loop(0, CHUNK, step=L, unroll=UNROLL)
                def _gather(o, c=c, slot=slot):
                    iv = didx[pl.ds(c * CHUNK + o, L)]
                    obuf[slot, pl.ds(o, L)] = plsc.load_gather(tbuf, [iv])
                out_desc(f, e, c, slot).start()
            return _

        lax.fori_loop(0, N_CPAIR, step, 0)

    for slot in range(2):
        out_desc(0, 0, 0, slot).wait()


@jax.jit
def _run(tbl_t, data_t):
    mesh = plsc.VectorSubcoreMesh(core_axis_name="c", subcore_axis_name="s")
    k = pl.kernel(
        _body,
        out_type=jax.ShapeDtypeStruct((N_FIELDS, EMBED_DIM, BATCH), jnp.float32),
        mesh=mesh,
        scratch_types=[
            pltpu.VMEM((VOCAB,), jnp.float32),
            pltpu.VMEM((BATCH,), jnp.int32),
            pltpu.VMEM((2, CHUNK), jnp.float32),
            pltpu.SemaphoreType.DMA,
            pltpu.SemaphoreType.DMA,
        ],
        compiler_params=pltpu.CompilerParams(
            use_tc_tiling_on_sc=True, needs_layout_passes=False
        ),
    )
    return k(tbl_t, data_t)


def kernel(tables, data):
    tbl_t = jnp.transpose(tables, (0, 2, 1))
    data_t = data.T
    out_t = _run(tbl_t, data_t)
    return jnp.transpose(out_t, (2, 0, 1))

# --- scband reference (transcript-rebuilt; emitter-appended) ---
"""Pipeline reference for scband-base-model-55533927137950 (READ-ONLY COPY).

The authoritative reference and input builder live on the scoring server;
editing this copy changes nothing except your own understanding.
"""

import jax, jax.numpy as jnp
import numpy as np

BATCH = 16384
N_FIELDS = 26
VOCAB = 100000
EMBED_DIM = 16
INIT_STD = 0.0001

def setup_inputs(seed: int = 0) -> dict:
    key = jax.random.key(seed)
    k1, k2 = jax.random.split(key)
    data = jax.random.randint(k1, (BATCH, N_FIELDS), 0, VOCAB, dtype=jnp.int32)
    tables = jax.random.normal(k2, (N_FIELDS, VOCAB, EMBED_DIM), dtype=jnp.float32) * INIT_STD
    return {"tables": tables, "data": data}

def reference(tables, data):
    # Equivalent of inputs_from_feature_columns: per-field embedding lookup
    # sparse_embedding_list[f] = embedding_dict[f](data[:, f])
    # Stacked along field axis -> [batch, n_fields, embed_dim]
    out = jax.vmap(lambda t, idx: jnp.take(t, idx, axis=0), in_axes=(0, 1), out_axes=1)(tables, data)
    return out

if __name__ == "__main__":
    import jax
    _d = setup_inputs()
    print(jax.jit(kernel)(*tuple(_d.values())))

</pallas_src>

<mosaic_0001>
#map = affine_map<(d0, d1) -> (0, 0, 0)>
#map1 = affine_map<(d0, d1) -> (0, 0)>
module attributes {stable_mosaic.version = 14 : i64} {
  func.func @_body(%arg0: i32, %arg1: i32, %arg2: memref<26x16x100000xf32, #tpu.memory_space<hbm>>, %arg3: memref<26x16384xi32, #tpu.memory_space<hbm>>, %arg4: memref<26x16x16384xf32, #tpu.memory_space<hbm>>, %arg5: memref<100000xf32, #tpu.memory_space<vmem>>, %arg6: memref<16384xi32, #tpu.memory_space<vmem>>, %arg7: memref<2x1024xf32, #tpu.memory_space<vmem>>, %arg8: memref<!tpu.dma_semaphore, #tpu.memory_space<semaphore_mem>>, %arg9: memref<!tpu.dma_semaphore, #tpu.memory_space<semaphore_mem>>) attributes {dimension_semantics = [#tpu.dimension_semantics<core_parallel>, #tpu.dimension_semantics<subcore_parallel>], iteration_bounds = array<i64: 2, 16>, scalar_prefetch = 0 : i64, scratch_operands = 5 : i64, tpu.core_type = #tpu.core_type<sc_vector_subcore>, window_params = [{transform_indices = #map}, {transform_indices = #map1}, {transform_indices = #map}]} {
    %mul3A = arith.constant 2 : i32
    %mul3A_0 = arith.muli %arg1, %mul3A : i32
    %add3A = arith.addi %mul3A_0, %arg0 : i32
    %mul3A_1 = arith.constant 13 : i32
    %mul3A_2 = arith.muli %add3A, %mul3A_1 : i32
    %add3A_3 = arith.constant 0 : i32
    %add3A_4 = arith.addi %mul3A_2, %add3A_3 : i32
    %jit3A = arith.constant 16 : i32
    %div3A = arith.divsi %add3A_4, %jit3A : i32
    %sign3A = arith.constant 0 : i32
    %sign3A_5 = arith.cmpi sgt, %add3A_4, %sign3A : i32
    %sign3A_6 = arith.extui %sign3A_5 : i1 to i32
    %sign3A_7 = arith.constant 0 : i32
    %sign3A_8 = arith.cmpi slt, %add3A_4, %sign3A_7 : i32
    %sign3A_9 = arith.extui %sign3A_8 : i1 to i32
    %sign3A_10 = arith.subi %sign3A_6, %sign3A_9 : i32
    %sign3A_11 = arith.constant 0 : i32
    %sign3A_12 = arith.cmpi sgt, %jit3A, %sign3A_11 : i32
    %sign3A_13 = arith.extui %sign3A_12 : i1 to i32
    %sign3A_14 = arith.constant 0 : i32
    %sign3A_15 = arith.cmpi slt, %jit3A, %sign3A_14 : i32
    %sign3A_16 = arith.extui %sign3A_15 : i1 to i32
    %sign3A_17 = arith.subi %sign3A_13, %sign3A_16 : i32
    %ne3A = arith.cmpi ne, %sign3A_10, %sign3A_17 : i32
    %rem3A = arith.remsi %add3A_4, %jit3A : i32
    %ne3A_18 = arith.constant 0 : i32
    %ne3A_19 = arith.cmpi ne, %rem3A, %ne3A_18 : i32
    %and3A = arith.andi %ne3A, %ne3A_19 : i1
    %sub3A = arith.constant 1 : i32
    %sub3A_20 = arith.subi %div3A, %sub3A : i32
    %select_n3A = arith.select %and3A, %sub3A_20, %div3A : i32
    %rem3A_21 = arith.constant 16 : i32
    %rem3A_22 = arith.remsi %add3A_4, %rem3A_21 : i32
    "tpu.region"() ({
      %run_scoped3A = tpu.sem_alloc : memref<!tpu.dma_semaphore, #tpu.memory_space<semaphore_mem>>
      %dma_start3A = arith.constant 0 : i32
      %dma_start3A_522 = tpu.memref_slice %arg3[%select_n3A, %dma_start3A] : memref<26x16384xi32, #tpu.memory_space<hbm>> -> memref<1x16384xi32, #tpu.memory_space<hbm>>
      %dma_start3A_523 = tpu.memref_squeeze %dma_start3A_522 : memref<1x16384xi32, #tpu.memory_space<hbm>> -> memref<16384xi32, #tpu.memory_space<hbm>>
      %dma_start3A_524 = arith.constant 0 : i32
      %dma_start3A_525 = tpu.memref_slice %arg3[%select_n3A, %dma_start3A_524] : memref<26x16384xi32, #tpu.memory_space<hbm>> -> memref<1x16384xi32, #tpu.memory_space<hbm>>
      %dma_start3A_526 = tpu.memref_squeeze %dma_start3A_525 : memref<1x16384xi32, #tpu.memory_space<hbm>> -> memref<16384xi32, #tpu.memory_space<hbm>>
      tpu.enqueue_dma source(%dma_start3A_526 : memref<16384xi32, #tpu.memory_space<hbm>>) target(%arg6 : memref<16384xi32, #tpu.memory_space<vmem>>) target_semaphore(%run_scoped3A : memref<!tpu.dma_semaphore, #tpu.memory_space<semaphore_mem>>)
      %dma_wait3A_527 = arith.constant 0 : i32
      %dma_wait3A_528 = tpu.memref_slice %arg3[%select_n3A, %dma_wait3A_527] : memref<26x16384xi32, #tpu.memory_space<hbm>> -> memref<1x16384xi32, #tpu.memory_space<hbm>>
      %dma_wait3A_529 = tpu.memref_squeeze %dma_wait3A_528 : memref<1x16384xi32, #tpu.memory_space<hbm>> -> memref<16384xi32, #tpu.memory_space<hbm>>
      %dma_wait3A_530 = arith.constant 0 : i32
      %dma_wait3A_531 = tpu.memref_slice %arg3[%select_n3A, %dma_wait3A_530] : memref<26x16384xi32, #tpu.memory_space<hbm>> -> memref<1x16384xi32, #tpu.memory_space<hbm>>
      %dma_wait3A_532 = tpu.memref_squeeze %dma_wait3A_531 : memref<1x16384xi32, #tpu.memory_space<hbm>> -> memref<16384xi32, #tpu.memory_space<hbm>>
      tpu.wait_dma2 semaphore(%run_scoped3A : memref<!tpu.dma_semaphore, #tpu.memory_space<semaphore_mem>>) src(%dma_wait3A_532 : memref<16384xi32, #tpu.memory_space<hbm>>) dst(%arg6 : memref<16384xi32, #tpu.memory_space<vmem>>)
      tpu.yield
    }) : () -> ()
    "tpu.region"() ({
      %run_scoped3A = tpu.sem_alloc : memref<!tpu.dma_semaphore, #tpu.memory_space<semaphore_mem>>
      %dma_start3A = arith.constant 0 : i32
      %dma_start3A_522 = tpu.memref_slice %arg2[%select_n3A, %rem3A_22, %dma_start3A] : memref<26x16x100000xf32, #tpu.memory_space<hbm>> -> memref<1x1x100000xf32, #tpu.memory_space<hbm>>
      %dma_start3A_523 = tpu.memref_squeeze %dma_start3A_522 : memref<1x1x100000xf32, #tpu.memory_space<hbm>> -> memref<100000xf32, #tpu.memory_space<hbm>>
      %dma_start3A_524 = arith.constant 0 : i32
      %dma_start3A_525 = tpu.memref_slice %arg2[%select_n3A, %rem3A_22, %dma_start3A_524] : memref<26x16x100000xf32, #tpu.memory_space<hbm>> -> memref<1x1x100000xf32, #tpu.memory_space<hbm>>
      %dma_start3A_526 = tpu.memref_squeeze %dma_start3A_525 : memref<1x1x100000xf32, #tpu.memory_space<hbm>> -> memref<100000xf32, #tpu.memory_space<hbm>>
      tpu.enqueue_dma source(%dma_start3A_526 : memref<100000xf32, #tpu.memory_space<hbm>>) target(%arg5 : memref<100000xf32, #tpu.memory_space<vmem>>) target_semaphore(%run_scoped3A : memref<!tpu.dma_semaphore, #tpu.memory_space<semaphore_mem>>)
      %dma_wait3A_527 = arith.constant 0 : i32
      %dma_wait3A_528 = tpu.memref_slice %arg2[%select_n3A, %rem3A_22, %dma_wait3A_527] : memref<26x16x100000xf32, #tpu.memory_space<hbm>> -> memref<1x1x100000xf32, #tpu.memory_space<hbm>>
      %dma_wait3A_529 = tpu.memref_squeeze %dma_wait3A_528 : memref<1x1x100000xf32, #tpu.memory_space<hbm>> -> memref<100000xf32, #tpu.memory_space<hbm>>
      %dma_wait3A_530 = arith.constant 0 : i32
      %dma_wait3A_531 = tpu.memref_slice %arg2[%select_n3A, %rem3A_22, %dma_wait3A_530] : memref<26x16x100000xf32, #tpu.memory_space<hbm>> -> memref<1x1x100000xf32, #tpu.memory_space<hbm>>
      %dma_wait3A_532 = tpu.memref_squeeze %dma_wait3A_531 : memref<1x1x100000xf32, #tpu.memory_space<hbm>> -> memref<100000xf32, #tpu.memory_space<hbm>>
      tpu.wait_dma2 semaphore(%run_scoped3A : memref<!tpu.dma_semaphore, #tpu.memory_space<semaphore_mem>>) src(%dma_wait3A_532 : memref<100000xf32, #tpu.memory_space<hbm>>) dst(%arg5 : memref<100000xf32, #tpu.memory_space<vmem>>)
      tpu.yield
    }) : () -> ()
    %scan3A = arith.constant 0 : i32
    %scan3A_23 = arith.constant 0 : i32
    %scan3A_24 = arith.constant 8 : i32
    %scan3A_25 = arith.addi %scan3A_23, %scan3A_24 : i32
    %scan3A_26 = arith.constant 1 : i32
    scf.for %scan3A_522 = %scan3A_23 to %scan3A_25 step %scan3A_26  : i32 {
      %mul3A_523 = arith.constant 2 : i32
      %mul3A_524 = arith.muli %mul3A_523, %scan3A_522 : i32
      %add3A_525 = arith.constant 0 : i32
      %add3A_526 = arith.addi %mul3A_524, %add3A_525 : i32
      %ge3A = arith.constant 2 : i32
      %ge3A_527 = arith.cmpi sge, %add3A_526, %ge3A : i32
      %convert_element_type3A_528 = arith.extui %ge3A_527 : i1 to i32
      %cond3A_529 = arith.constant 0 : i32
      %cond3A_530 = arith.cmpi ne, %convert_element_type3A_528, %cond3A_529 : i32
      scf.if %cond3A_530 {
        %mul3A_570 = arith.constant 1024 : i32
        %mul3A_571 = arith.muli %add3A_526, %mul3A_570 : i32
        %dma_wait3A_572 = arith.constant 0 : i32
        %dma_wait3A_573 = arith.constant 0 : i32
        %dma_wait3A_574 = tpu.memref_slice %arg7[%dma_wait3A_572, %dma_wait3A_573] : memref<2x1024xf32, #tpu.memory_space<vmem>> -> memref<1x1024xf32, #tpu.memory_space<vmem>>
        %dma_wait3A_575 = tpu.memref_squeeze %dma_wait3A_574 : memref<1x1024xf32, #tpu.memory_space<vmem>> -> memref<1024xf32, #tpu.memory_space<vmem>>
        %dma_wait3A_576 = tpu.memref_slice %arg4[%select_n3A, %rem3A_22, %mul3A_571] : memref<26x16x16384xf32, #tpu.memory_space<hbm>> -> memref<1x1x1024xf32, #tpu.memory_space<hbm>>
        %dma_wait3A_577 = tpu.memref_squeeze %dma_wait3A_576 : memref<1x1x1024xf32, #tpu.memory_space<hbm>> -> memref<1024xf32, #tpu.memory_space<hbm>>
        %dma_wait3A_578 = tpu.memref_slice %arg4[%select_n3A, %rem3A_22, %mul3A_571] : memref<26x16x16384xf32, #tpu.memory_space<hbm>> -> memref<1x1x1024xf32, #tpu.memory_space<hbm>>
        %dma_wait3A_579 = tpu.memref_squeeze %dma_wait3A_578 : memref<1x1x1024xf32, #tpu.memory_space<hbm>> -> memref<1024xf32, #tpu.memory_space<hbm>>
        %dma_wait3A_580 = arith.constant 0 : i32
        %dma_wait3A_581 = tpu.memref_slice %arg7[%dma_wait3A_572, %dma_wait3A_580] : memref<2x1024xf32, #tpu.memory_space<vmem>> -> memref<1x1024xf32, #tpu.memory_space<vmem>>
        %dma_wait3A_582 = tpu.memref_squeeze %dma_wait3A_581 : memref<1x1024xf32, #tpu.memory_space<vmem>> -> memref<1024xf32, #tpu.memory_space<vmem>>
        tpu.wait_dma2 semaphore(%arg8 : memref<!tpu.dma_semaphore, #tpu.memory_space<semaphore_mem>>) src(%dma_wait3A_582 : memref<1024xf32, #tpu.memory_space<vmem>>) dst(%dma_wait3A_579 : memref<1024xf32, #tpu.memory_space<hbm>>)
      } else {
      }
      %parallel_loop3A = arith.constant 0 : i32
      %parallel_loop3A_531 = arith.constant 1024 : i32
      %parallel_loop3A_532 = arith.constant 16 : i32
      scf.for %parallel_loop3A_570 = %parallel_loop3A to %parallel_loop3A_531 step %parallel_loop3A_532  : i32 {
        %parallel_loop3A_571 = arith.constant 1024 : i32
        %parallel_loop3A_572 = arith.muli %add3A_526, %parallel_loop3A_571 : i32
        %parallel_loop3A_573 = arith.addi %parallel_loop3A_572, %parallel_loop3A_570 : i32
        %parallel_loop3A_574 = arith.index_cast %parallel_loop3A_573 : i32 to index
        %parallel_loop3A_575 = tpu.vector_load %arg6[%parallel_loop3A_574] {strides = array<i32>} : memref<16384xi32, #tpu.memory_space<vmem>>, vector<16xi32>,
        %parallel_loop3A_576 = tpu.vector_load_idx %arg5[%parallel_loop3A_575] : memref<100000xf32, #tpu.memory_space<vmem>>[vector<16xi32>], vector<16xf32>,
        %parallel_loop3A_577 = arith.constant 0 : i32
        %parallel_loop3A_578 = arith.index_cast %parallel_loop3A_577 : i32 to index
        %parallel_loop3A_579 = arith.index_cast %parallel_loop3A_570 : i32 to index
        %parallel_loop3A_580 = tpu.vector_load %arg7[%parallel_loop3A_578, %parallel_loop3A_579] {strides = array<i32>} : memref<2x1024xf32, #tpu.memory_space<vmem>>, vector<16xf32>,
        tpu.vector_store %arg7[%parallel_loop3A_578, %parallel_loop3A_579], %parallel_loop3A_576 {strides = array<i32>} : memref<2x1024xf32, #tpu.memory_space<vmem>>, vector<16xf32>,
      } {sc.loop_unroll_factor = 8 : i64, sc.parallel_access}
      %mul3A_533 = arith.constant 1024 : i32
      %mul3A_534 = arith.muli %add3A_526, %mul3A_533 : i32
      %dma_start3A = arith.constant 0 : i32
      %dma_start3A_535 = arith.constant 0 : i32
      %dma_start3A_536 = tpu.memref_slice %arg7[%dma_start3A, %dma_start3A_535] : memref<2x1024xf32, #tpu.memory_space<vmem>> -> memref<1x1024xf32, #tpu.memory_space<vmem>>
      %dma_start3A_537 = tpu.memref_squeeze %dma_start3A_536 : memref<1x1024xf32, #tpu.memory_space<vmem>> -> memref<1024xf32, #tpu.memory_space<vmem>>
      %dma_start3A_538 = tpu.memref_slice %arg4[%select_n3A, %rem3A_22, %mul3A_534] : memref<26x16x16384xf32, #tpu.memory_space<hbm>> -> memref<1x1x1024xf32, #tpu.memory_space<hbm>>
      %dma_start3A_539 = tpu.memref_squeeze %dma_start3A_538 : memref<1x1x1024xf32, #tpu.memory_space<hbm>> -> memref<1024xf32, #tpu.memory_space<hbm>>
      %dma_start3A_540 = tpu.memref_slice %arg4[%select_n3A, %rem3A_22, %mul3A_534] : memref<26x16x16384xf32, #tpu.memory_space<hbm>> -> memref<1x1x1024xf32, #tpu.memory_space<hbm>>
      %dma_start3A_541 = tpu.memref_squeeze %dma_start3A_540 : memref<1x1x1024xf32, #tpu.memory_space<hbm>> -> memref<1024xf32, #tpu.memory_space<hbm>>
      %dma_start3A_542 = arith.constant 0 : i32
      %dma_start3A_543 = tpu.memref_slice %arg7[%dma_start3A, %dma_start3A_542] : memref<2x1024xf32, #tpu.memory_space<vmem>> -> memref<1x1024xf32, #tpu.memory_space<vmem>>
      %dma_start3A_544 = tpu.memref_squeeze %dma_start3A_543 : memref<1x1024xf32, #tpu.memory_space<vmem>> -> memref<1024xf32, #tpu.memory_space<vmem>>
      tpu.enqueue_dma source(%dma_start3A_544 : memref<1024xf32, #tpu.memory_space<vmem>>) target(%dma_start3A_541 : memref<1024xf32, #tpu.memory_space<hbm>>) target_semaphore(%arg8 : memref<!tpu.dma_semaphore, #tpu.memory_space<semaphore_mem>>)
      %mul3A_545 = arith.constant 2 : i32
      %mul3A_546 = arith.muli %mul3A_545, %scan3A_522 : i32
      %add3A_547 = arith.constant 1 : i32
      %add3A_548 = arith.addi %mul3A_546, %add3A_547 : i32
      %ge3A_549 = arith.constant 2 : i32
      %ge3A_550 = arith.cmpi sge, %add3A_548, %ge3A_549 : i32
      %convert_element_type3A_551 = arith.extui %ge3A_550 : i1 to i32
      %cond3A_552 = arith.constant 0 : i32
      %cond3A_553 = arith.cmpi ne, %convert_element_type3A_551, %cond3A_552 : i32
      scf.if %cond3A_553 {
        %mul3A_570 = arith.constant 1024 : i32
        %mul3A_571 = arith.muli %add3A_548, %mul3A_570 : i32
        %dma_wait3A_572 = arith.constant 1 : i32
        %dma_wait3A_573 = arith.constant 0 : i32
        %dma_wait3A_574 = tpu.memref_slice %arg7[%dma_wait3A_572, %dma_wait3A_573] : memref<2x1024xf32, #tpu.memory_space<vmem>> -> memref<1x1024xf32, #tpu.memory_space<vmem>>
        %dma_wait3A_575 = tpu.memref_squeeze %dma_wait3A_574 : memref<1x1024xf32, #tpu.memory_space<vmem>> -> memref<1024xf32, #tpu.memory_space<vmem>>
        %dma_wait3A_576 = tpu.memref_slice %arg4[%select_n3A, %rem3A_22, %mul3A_571] : memref<26x16x16384xf32, #tpu.memory_space<hbm>> -> memref<1x1x1024xf32, #tpu.memory_space<hbm>>
        %dma_wait3A_577 = tpu.memref_squeeze %dma_wait3A_576 : memref<1x1x1024xf32, #tpu.memory_space<hbm>> -> memref<1024xf32, #tpu.memory_space<hbm>>
        %dma_wait3A_578 = tpu.memref_slice %arg4[%select_n3A, %rem3A_22, %mul3A_571] : memref<26x16x16384xf32, #tpu.memory_space<hbm>> -> memref<1x1x1024xf32, #tpu.memory_space<hbm>>
        %dma_wait3A_579 = tpu.memref_squeeze %dma_wait3A_578 : memref<1x1x1024xf32, #tpu.memory_space<hbm>> -> memref<1024xf32, #tpu.memory_space<hbm>>
        %dma_wait3A_580 = arith.constant 0 : i32
        %dma_wait3A_581 = tpu.memref_slice %arg7[%dma_wait3A_572, %dma_wait3A_580] : memref<2x1024xf32, #tpu.memory_space<vmem>> -> memref<1x1024xf32, #tpu.memory_space<vmem>>
        %dma_wait3A_582 = tpu.memref_squeeze %dma_wait3A_581 : memref<1x1024xf32, #tpu.memory_space<vmem>> -> memref<1024xf32, #tpu.memory_space<vmem>>
        tpu.wait_dma2 semaphore(%arg9 : memref<!tpu.dma_semaphore, #tpu.memory_space<semaphore_mem>>) src(%dma_wait3A_582 : memref<1024xf32, #tpu.memory_space<vmem>>) dst(%dma_wait3A_579 : memref<1024xf32, #tpu.memory_space<hbm>>)
      } else {
      }
      %parallel_loop3A_554 = arith.constant 0 : i32
      %parallel_loop3A_555 = arith.constant 1024 : i32
      %parallel_loop3A_556 = arith.constant 16 : i32
      scf.for %parallel_loop3A_570 = %parallel_loop3A_554 to %parallel_loop3A_555 step %parallel_loop3A_556  : i32 {
        %parallel_loop3A_571 = arith.constant 1024 : i32
        %parallel_loop3A_572 = arith.muli %add3A_548, %parallel_loop3A_571 : i32
        %parallel_loop3A_573 = arith.addi %parallel_loop3A_572, %parallel_loop3A_570 : i32
        %parallel_loop3A_574 = arith.index_cast %parallel_loop3A_573 : i32 to index
        %parallel_loop3A_575 = tpu.vector_load %arg6[%parallel_loop3A_574] {strides = array<i32>} : memref<16384xi32, #tpu.memory_space<vmem>>, vector<16xi32>,
        %parallel_loop3A_576 = tpu.vector_load_idx %arg5[%parallel_loop3A_575] : memref<100000xf32, #tpu.memory_space<vmem>>[vector<16xi32>], vector<16xf32>,
        %parallel_loop3A_577 = arith.constant 1 : i32
        %parallel_loop3A_578 = arith.index_cast %parallel_loop3A_577 : i32 to index
        %parallel_loop3A_579 = arith.index_cast %parallel_loop3A_570 : i32 to index
        %parallel_loop3A_580 = tpu.vector_load %arg7[%parallel_loop3A_578, %parallel_loop3A_579] {strides = array<i32>} : memref<2x1024xf32, #tpu.memory_space<vmem>>, vector<16xf32>,
        tpu.vector_store %arg7[%parallel_loop3A_578, %parallel_loop3A_579], %parallel_loop3A_576 {strides = array<i32>} : memref<2x1024xf32, #tpu.memory_space<vmem>>, vector<16xf32>,
      } {sc.loop_unroll_factor = 8 : i64, sc.parallel_access}
      %mul3A_557 = arith.constant 1024 : i32
      %mul3A_558 = arith.muli %add3A_548, %mul3A_557 : i32
      %dma_start3A_559 = arith.constant 1 : i32
      %dma_start3A_560 = arith.constant 0 : i32
      %dma_start3A_561 = tpu.memref_slice %arg7[%dma_start3A_559, %dma_start3A_560] : memref<2x1024xf32, #tpu.memory_space<vmem>> -> memref<1x1024xf32, #tpu.memory_space<vmem>>
      %dma_start3A_562 = tpu.memref_squeeze %dma_start3A_561 : memref<1x1024xf32, #tpu.memory_space<vmem>> -> memref<1024xf32, #tpu.memory_space<vmem>>
      %dma_start3A_563 = tpu.memref_slice %arg4[%select_n3A, %rem3A_22, %mul3A_558] : memref<26x16x16384xf32, #tpu.memory_space<hbm>> -> memref<1x1x1024xf32, #tpu.memory_space<hbm>>
      %dma_start3A_564 = tpu.memref_squeeze %dma_start3A_563 : memref<1x1x1024xf32, #tpu.memory_space<hbm>> -> memref<1024xf32, #tpu.memory_space<hbm>>
      %dma_start3A_565 = tpu.memref_slice %arg4[%select_n3A, %rem3A_22, %mul3A_558] : memref<26x16x16384xf32, #tpu.memory_space<hbm>> -> memref<1x1x1024xf32, #tpu.memory_space<hbm>>
      %dma_start3A_566 = tpu.memref_squeeze %dma_start3A_565 : memref<1x1x1024xf32, #tpu.memory_space<hbm>> -> memref<1024xf32, #tpu.memory_space<hbm>>
      %dma_start3A_567 = arith.constant 0 : i32
      %dma_start3A_568 = tpu.memref_slice %arg7[%dma_start3A_559, %dma_start3A_567] : memref<2x1024xf32, #tpu.memory_space<vmem>> -> memref<1x1024xf32, #tpu.memory_space<vmem>>
      %dma_start3A_569 = tpu.memref_squeeze %dma_start3A_568 : memref<1x1024xf32, #tpu.memory_space<vmem>> -> memref<1024xf32, #tpu.memory_space<vmem>>
      tpu.enqueue_dma source(%dma_start3A_569 : memref<1024xf32, #tpu.memory_space<vmem>>) target(%dma_start3A_566 : memref<1024xf32, #tpu.memory_space<hbm>>) target_semaphore(%arg9 : memref<!tpu.dma_semaphore, #tpu.memory_space<semaphore_mem>>)
    }
    %scan3A_27 = arith.constant 8 : i32
    %add3A_28 = arith.constant 1 : i32
    %add3A_29 = arith.addi %mul3A_2, %add3A_28 : i32
    %jit3A_30 = arith.constant 16 : i32
    %div3A_31 = arith.divsi %add3A_29, %jit3A_30 : i32
    %sign3A_32 = arith.constant 0 : i32
    %sign3A_33 = arith.cmpi sgt, %add3A_29, %sign3A_32 : i32
    %sign3A_34 = arith.extui %sign3A_33 : i1 to i32
    %sign3A_35 = arith.constant 0 : i32
    %sign3A_36 = arith.cmpi slt, %add3A_29, %sign3A_35 : i32
    %sign3A_37 = arith.extui %sign3A_36 : i1 to i32
    %sign3A_38 = arith.subi %sign3A_34, %sign3A_37 : i32
    %sign3A_39 = arith.constant 0 : i32
    %sign3A_40 = arith.cmpi sgt, %jit3A_30, %sign3A_39 : i32
    %sign3A_41 = arith.extui %sign3A_40 : i1 to i32
    %sign3A_42 = arith.constant 0 : i32
    %sign3A_43 = arith.cmpi slt, %jit3A_30, %sign3A_42 : i32
    %sign3A_44 = arith.extui %sign3A_43 : i1 to i32
    %sign3A_45 = arith.subi %sign3A_41, %sign3A_44 : i32
    %ne3A_46 = arith.cmpi ne, %sign3A_38, %sign3A_45 : i32
    %rem3A_47 = arith.remsi %add3A_29, %jit3A_30 : i32
    %ne3A_48 = arith.constant 0 : i32
    %ne3A_49 = arith.cmpi ne, %rem3A_47, %ne3A_48 : i32
    %and3A_50 = arith.andi %ne3A_46, %ne3A_49 : i1
    %sub3A_51 = arith.constant 1 : i32
    %sub3A_52 = arith.subi %div3A_31, %sub3A_51 : i32
    %select_n3A_53 = arith.select %and3A_50, %sub3A_52, %div3A_31 : i32
    %rem3A_54 = arith.constant 16 : i32
    %rem3A_55 = arith.remsi %add3A_29, %rem3A_54 : i32
    %eq3A = arith.constant 0 : i32
    %eq3A_56 = arith.cmpi eq, %rem3A_55, %eq3A : i32
    %convert_element_type3A = arith.extui %eq3A_56 : i1 to i32
    %cond3A = arith.constant 0 : i32
    %cond3A_57 = arith.cmpi ne, %convert_element_type3A, %cond3A : i32
    scf.if %cond3A_57 {
      "tpu.region"() ({
        %run_scoped3A = tpu.sem_alloc : memref<!tpu.dma_semaphore, #tpu.memory_space<semaphore_mem>>
        %dma_start3A = arith.constant 0 : i32
        %dma_start3A_522 = tpu.memref_slice %arg3[%select_n3A_53, %dma_start3A] : memref<26x16384xi32, #tpu.memory_space<hbm>> -> memref<1x16384xi32, #tpu.memory_space<hbm>>
        %dma_start3A_523 = tpu.memref_squeeze %dma_start3A_522 : memref<1x16384xi32, #tpu.memory_space<hbm>> -> memref<16384xi32, #tpu.memory_space<hbm>>
        %dma_start3A_524 = arith.constant 0 : i32
        %dma_start3A_525 = tpu.memref_slice %arg3[%select_n3A_53, %dma_start3A_524] : memref<26x16384xi32, #tpu.memory_space<hbm>> -> memref<1x16384xi32, #tpu.memory_space<hbm>>
        %dma_start3A_526 = tpu.memref_squeeze %dma_start3A_525 : memref<1x16384xi32, #tpu.memory_space<hbm>> -> memref<16384xi32, #tpu.memory_space<hbm>>
        tpu.enqueue_dma source(%dma_start3A_526 : memref<16384xi32, #tpu.memory_space<hbm>>) target(%arg6 : memref<16384xi32, #tpu.memory_space<vmem>>) target_semaphore(%run_scoped3A : memref<!tpu.dma_semaphore, #tpu.memory_space<semaphore_mem>>)
        %dma_wait3A_527 = arith.constant 0 : i32
        %dma_wait3A_528 = tpu.memref_slice %arg3[%select_n3A_53, %dma_wait3A_527] : memref<26x16384xi32, #tpu.memory_space<hbm>> -> memref<1x16384xi32, #tpu.memory_space<hbm>>
        %dma_wait3A_529 = tpu.memref_squeeze %dma_wait3A_528 : memref<1x16384xi32, #tpu.memory_space<hbm>> -> memref<16384xi32, #tpu.memory_space<hbm>>
        %dma_wait3A_530 = arith.constant 0 : i32
        %dma_wait3A_531 = tpu.memref_slice %arg3[%select_n3A_53, %dma_wait3A_530] : memref<26x16384xi32, #tpu.memory_space<hbm>> -> memref<1x16384xi32, #tpu.memory_space<hbm>>
        %dma_wait3A_532 = tpu.memref_squeeze %dma_wait3A_531 : memref<1x16384xi32, #tpu.memory_space<hbm>> -> memref<16384xi32, #tpu.memory_space<hbm>>
        tpu.wait_dma2 semaphore(%run_scoped3A : memref<!tpu.dma_semaphore, #tpu.memory_space<semaphore_mem>>) src(%dma_wait3A_532 : memref<16384xi32, #tpu.memory_space<hbm>>) dst(%arg6 : memref<16384xi32, #tpu.memory_space<vmem>>)
        tpu.yield
      }) : () -> ()
    } else {
    }
    "tpu.region"() ({
      %run_scoped3A = tpu.sem_alloc : memref<!tpu.dma_semaphore, #tpu.memory_space<semaphore_mem>>
      %dma_start3A = arith.constant 0 : i32
      %dma_start3A_522 = tpu.memref_slice %arg2[%select_n3A_53, %rem3A_55, %dma_start3A] : memref<26x16x100000xf32, #tpu.memory_space<hbm>> -> memref<1x1x100000xf32, #tpu.memory_space<hbm>>
      %dma_start3A_523 = tpu.memref_squeeze %dma_start3A_522 : memref<1x1x100000xf32, #tpu.memory_space<hbm>> -> memref<100000xf32, #tpu.memory_space<hbm>>
      %dma_start3A_524 = arith.constant 0 : i32
      %dma_start3A_525 = tpu.memref_slice %arg2[%select_n3A_53, %rem3A_55, %dma_start3A_524] : memref<26x16x100000xf32, #tpu.memory_space<hbm>> -> memref<1x1x100000xf32, #tpu.memory_space<hbm>>
      %dma_start3A_526 = tpu.memref_squeeze %dma_start3A_525 : memref<1x1x100000xf32, #tpu.memory_space<hbm>> -> memref<100000xf32, #tpu.memory_space<hbm>>
      tpu.enqueue_dma source(%dma_start3A_526 : memref<100000xf32, #tpu.memory_space<hbm>>) target(%arg5 : memref<100000xf32, #tpu.memory_space<vmem>>) target_semaphore(%run_scoped3A : memref<!tpu.dma_semaphore, #tpu.memory_space<semaphore_mem>>)
      %dma_wait3A_527 = arith.constant 0 : i32
      %dma_wait3A_528 = tpu.memref_slice %arg2[%select_n3A_53, %rem3A_55, %dma_wait3A_527] : memref<26x16x100000xf32, #tpu.memory_space<hbm>> -> memref<1x1x100000xf32, #tpu.memory_space<hbm>>
      %dma_wait3A_529 = tpu.memref_squeeze %dma_wait3A_528 : memref<1x1x100000xf32, #tpu.memory_space<hbm>> -> memref<100000xf32, #tpu.memory_space<hbm>>
      %dma_wait3A_530 = arith.constant 0 : i32
      %dma_wait3A_531 = tpu.memref_slice %arg2[%select_n3A_53, %rem3A_55, %dma_wait3A_530] : memref<26x16x100000xf32, #tpu.memory_space<hbm>> -> memref<1x1x100000xf32, #tpu.memory_space<hbm>>
      %dma_wait3A_532 = tpu.memref_squeeze %dma_wait3A_531 : memref<1x1x100000xf32, #tpu.memory_space<hbm>> -> memref<100000xf32, #tpu.memory_space<hbm>>
      tpu.wait_dma2 semaphore(%run_scoped3A : memref<!tpu.dma_semaphore, #tpu.memory_space<semaphore_mem>>) src(%dma_wait3A_532 : memref<100000xf32, #tpu.memory_space<hbm>>) dst(%arg5 : memref<100000xf32, #tpu.memory_space<vmem>>)
      tpu.yield
    }) : () -> ()
    %scan3A_58 = arith.constant 0 : i32
    %scan3A_59 = arith.constant 0 : i32
    %scan3A_60 = arith.constant 8 : i32
    %scan3A_61 = arith.addi %scan3A_59, %scan3A_60 : i32
    %scan3A_62 = arith.constant 1 : i32
    scf.for %scan3A_522 = %scan3A_59 to %scan3A_61 step %scan3A_62  : i32 {
      %mul3A_523 = arith.constant 2 : i32
      %mul3A_524 = arith.muli %mul3A_523, %scan3A_522 : i32
      %add3A_525 = arith.constant 0 : i32
      %add3A_526 = arith.addi %mul3A_524, %add3A_525 : i32
      %mul3A_527 = arith.constant 1024 : i32
      %mul3A_528 = arith.muli %add3A_526, %mul3A_527 : i32
      %dma_wait3A_529 = arith.constant 0 : i32
      %dma_wait3A_530 = arith.constant 0 : i32
      %dma_wait3A_531 = tpu.memref_slice %arg7[%dma_wait3A_529, %dma_wait3A_530] : memref<2x1024xf32, #tpu.memory_space<vmem>> -> memref<1x1024xf32, #tpu.memory_space<vmem>>
      %dma_wait3A_532 = tpu.memref_squeeze %dma_wait3A_531 : memref<1x1024xf32, #tpu.memory_space<vmem>> -> memref<1024xf32, #tpu.memory_space<vmem>>
      %dma_wait3A_533 = tpu.memref_slice %arg4[%select_n3A_53, %rem3A_55, %mul3A_528] : memref<26x16x16384xf32, #tpu.memory_space<hbm>> -> memref<1x1x1024xf32, #tpu.memory_space<hbm>>
      %dma_wait3A_534 = tpu.memref_squeeze %dma_wait3A_533 : memref<1x1x1024xf32, #tpu.memory_space<hbm>> -> memref<1024xf32, #tpu.memory_space<hbm>>
      %dma_wait3A_535 = tpu.memref_slice %arg4[%select_n3A_53, %rem3A_55, %mul3A_528] : memref<26x16x16384xf32, #tpu.memory_space<hbm>> -> memref<1x1x1024xf32, #tpu.memory_space<hbm>>
      %dma_wait3A_536 = tpu.memref_squeeze %dma_wait3A_535 : memref<1x1x1024xf32, #tpu.memory_space<hbm>> -> memref<1024xf32, #tpu.memory_space<hbm>>
      %dma_wait3A_537 = arith.constant 0 : i32
      %dma_wait3A_538 = tpu.memref_slice %arg7[%dma_wait3A_529, %dma_wait3A_537] : memref<2x1024xf32, #tpu.memory_space<vmem>> -> memref<1x1024xf32, #tpu.memory_space<vmem>>
      %dma_wait3A_539 = tpu.memref_squeeze %dma_wait3A_538 : memref<1x1024xf32, #tpu.memory_space<vmem>> -> memref<1024xf32, #tpu.memory_space<vmem>>
      tpu.wait_dma2 semaphore(%arg8 : memref<!tpu.dma_semaphore, #tpu.memory_space<semaphore_mem>>) src(%dma_wait3A_539 : memref<1024xf32, #tpu.memory_space<vmem>>) dst(%dma_wait3A_536 : memref<1024xf32, #tpu.memory_space<hbm>>)
      %parallel_loop3A = arith.constant 0 : i32
      %parallel_loop3A_540 = arith.constant 1024 : i32
      %parallel_loop3A_541 = arith.constant 16 : i32
      scf.for %parallel_loop3A_587 = %parallel_loop3A to %parallel_loop3A_540 step %parallel_loop3A_541  : i32 {
        %parallel_loop3A_588 = arith.constant 1024 : i32
        %parallel_loop3A_589 = arith.muli %add3A_526, %parallel_loop3A_588 : i32
        %parallel_loop3A_590 = arith.addi %parallel_loop3A_589, %parallel_loop3A_587 : i32
        %parallel_loop3A_591 = arith.index_cast %parallel_loop3A_590 : i32 to index
        %parallel_loop3A_592 = tpu.vector_load %arg6[%parallel_loop3A_591] {strides = array<i32>} : memref<16384xi32, #tpu.memory_space<vmem>>, vector<16xi32>,
        %parallel_loop3A_593 = tpu.vector_load_idx %arg5[%parallel_loop3A_592] : memref<100000xf32, #tpu.memory_space<vmem>>[vector<16xi32>], vector<16xf32>,
        %parallel_loop3A_594 = arith.constant 0 : i32
        %parallel_loop3A_595 = arith.index_cast %parallel_loop3A_594 : i32 to index
        %parallel_loop3A_596 = arith.index_cast %parallel_loop3A_587 : i32 to index
        %parallel_loop3A_597 = tpu.vector_load %arg7[%parallel_loop3A_595, %parallel_loop3A_596] {strides = array<i32>} : memref<2x1024xf32, #tpu.memory_space<vmem>>, vector<16xf32>,
        tpu.vector_store %arg7[%parallel_loop3A_595, %parallel_loop3A_596], %parallel_loop3A_593 {strides = array<i32>} : memref<2x1024xf32, #tpu.memory_space<vmem>>, vector<16xf32>,
      } {sc.loop_unroll_factor = 8 : i64, sc.parallel_access}
      %mul3A_542 = arith.constant 1024 : i32
      %mul3A_543 = arith.muli %add3A_526, %mul3A_542 : i32
      %dma_start3A = arith.constant 0 : i32
      %dma_start3A_544 = arith.constant 0 : i32
      %dma_start3A_545 = tpu.memref_slice %arg7[%dma_start3A, %dma_start3A_544] : memref<2x1024xf32, #tpu.memory_space<vmem>> -> memref<1x1024xf32, #tpu.memory_space<vmem>>
      %dma_start3A_546 = tpu.memref_squeeze %dma_start3A_545 : memref<1x1024xf32, #tpu.memory_space<vmem>> -> memref<1024xf32, #tpu.memory_space<vmem>>
      %dma_start3A_547 = tpu.memref_slice %arg4[%select_n3A_53, %rem3A_55, %mul3A_543] : memref<26x16x16384xf32, #tpu.memory_space<hbm>> -> memref<1x1x1024xf32, #tpu.memory_space<hbm>>
      %dma_start3A_548 = tpu.memref_squeeze %dma_start3A_547 : memref<1x1x1024xf32, #tpu.memory_space<hbm>> -> memref<1024xf32, #tpu.memory_space<hbm>>
      %dma_start3A_549 = tpu.memref_slice %arg4[%select_n3A_53, %rem3A_55, %mul3A_543] : memref<26x16x16384xf32, #tpu.memory_space<hbm>> -> memref<1x1x1024xf32, #tpu.memory_space<hbm>>
      %dma_start3A_550 = tpu.memref_squeeze %dma_start3A_549 : memref<1x1x1024xf32, #tpu.memory_space<hbm>> -> memref<1024xf32, #tpu.memory_space<hbm>>
      %dma_start3A_551 = arith.constant 0 : i32
      %dma_start3A_552 = tpu.memref_slice %arg7[%dma_start3A, %dma_start3A_551] : memref<2x1024xf32, #tpu.memory_space<vmem>> -> memref<1x1024xf32, #tpu.memory_space<vmem>>
      %dma_start3A_553 = tpu.memref_squeeze %dma_start3A_552 : memref<1x1024xf32, #tpu.memory_space<vmem>> -> memref<1024xf32, #tpu.memory_space<vmem>>
      tpu.enqueue_dma source(%dma_start3A_553 : memref<1024xf32, #tpu.memory_space<vmem>>) target(%dma_start3A_550 : memref<1024xf32, #tpu.memory_space<hbm>>) target_semaphore(%arg8 : memref<!tpu.dma_semaphore, #tpu.memory_space<semaphore_mem>>)
      %mul3A_554 = arith.constant 2 : i32
      %mul3A_555 = arith.muli %mul3A_554, %scan3A_522 : i32
      %add3A_556 = arith.constant 1 : i32
      %add3A_557 = arith.addi %mul3A_555, %add3A_556 : i32
      %mul3A_558 = arith.constant 1024 : i32
      %mul3A_559 = arith.muli %add3A_557, %mul3A_558 : i32
      %dma_wait3A_560 = arith.constant 1 : i32
      %dma_wait3A_561 = arith.constant 0 : i32
      %dma_wait3A_562 = tpu.memref_slice %arg7[%dma_wait3A_560, %dma_wait3A_561] : memref<2x1024xf32, #tpu.memory_space<vmem>> -> memref<1x1024xf32, #tpu.memory_space<vmem>>
      %dma_wait3A_563 = tpu.memref_squeeze %dma_wait3A_562 : memref<1x1024xf32, #tpu.memory_space<vmem>> -> memref<1024xf32, #tpu.memory_space<vmem>>
      %dma_wait3A_564 = tpu.memref_slice %arg4[%select_n3A_53, %rem3A_55, %mul3A_559] : memref<26x16x16384xf32, #tpu.memory_space<hbm>> -> memref<1x1x1024xf32, #tpu.memory_space<hbm>>
      %dma_wait3A_565 = tpu.memref_squeeze %dma_wait3A_564 : memref<1x1x1024xf32, #tpu.memory_space<hbm>> -> memref<1024xf32, #tpu.memory_space<hbm>>
      %dma_wait3A_566 = tpu.memref_slice %arg4[%select_n3A_53, %rem3A_55, %mul3A_559] : memref<26x16x16384xf32, #tpu.memory_space<hbm>> -> memref<1x1x1024xf32, #tpu.memory_space<hbm>>
      %dma_wait3A_567 = tpu.memref_squeeze %dma_wait3A_566 : memref<1x1x1024xf32, #tpu.memory_space<hbm>> -> memref<1024xf32, #tpu.memory_space<hbm>>
      %dma_wait3A_568 = arith.constant 0 : i32
      %dma_wait3A_569 = tpu.memref_slice %arg7[%dma_wait3A_560, %dma_wait3A_568] : memref<2x1024xf32, #tpu.memory_space<vmem>> -> memref<1x1024xf32, #tpu.memory_space<vmem>>
      %dma_wait3A_570 = tpu.memref_squeeze %dma_wait3A_569 : memref<1x1024xf32, #tpu.memory_space<vmem>> -> memref<1024xf32, #tpu.memory_space<vmem>>
      tpu.wait_dma2 semaphore(%arg9 : memref<!tpu.dma_semaphore, #tpu.memory_space<semaphore_mem>>) src(%dma_wait3A_570 : memref<1024xf32, #tpu.memory_space<vmem>>) dst(%dma_wait3A_567 : memref<1024xf32, #tpu.memory_space<hbm>>)
      %parallel_loop3A_571 = arith.constant 0 : i32
      %parallel_loop3A_572 = arith.constant 1024 : i32
      %parallel_loop3A_573 = arith.constant 16 : i32
      scf.for %parallel_loop3A_587 = %parallel_loop3A_571 to %parallel_loop3A_572 step %parallel_loop3A_573  : i32 {
        %parallel_loop3A_588 = arith.constant 1024 : i32
        %parallel_loop3A_589 = arith.muli %add3A_557, %parallel_loop3A_588 : i32
        %parallel_loop3A_590 = arith.addi %parallel_loop3A_589, %parallel_loop3A_587 : i32
        %parallel_loop3A_591 = arith.index_cast %parallel_loop3A_590 : i32 to index
        %parallel_loop3A_592 = tpu.vector_load %arg6[%parallel_loop3A_591] {strides = array<i32>} : memref<16384xi32, #tpu.memory_space<vmem>>, vector<16xi32>,
        %parallel_loop3A_593 = tpu.vector_load_idx %arg5[%parallel_loop3A_592] : memref<100000xf32, #tpu.memory_space<vmem>>[vector<16xi32>], vector<16xf32>,
        %parallel_loop3A_594 = arith.constant 1 : i32
        %parallel_loop3A_595 = arith.index_cast %parallel_loop3A_594 : i32 to index
        %parallel_loop3A_596 = arith.index_cast %parallel_loop3A_587 : i32 to index
        %parallel_loop3A_597 = tpu.vector_load %arg7[%parallel_loop3A_595, %parallel_loop3A_596] {strides = array<i32>} : memref<2x1024xf32, #tpu.memory_space<vmem>>, vector<16xf32>,
        tpu.vector_store %arg7[%parallel_loop3A_595, %parallel_loop3A_596], %parallel_loop3A_593 {strides = array<i32>} : memref<2x1024xf32, #tpu.memory_space<vmem>>, vector<16xf32>,
      } {sc.loop_unroll_factor = 8 : i64, sc.parallel_access}
      %mul3A_574 = arith.constant 1024 : i32
      %mul3A_575 = arith.muli %add3A_557, %mul3A_574 : i32
      %dma_start3A_576 = arith.constant 1 : i32
      %dma_start3A_577 = arith.constant 0 : i32
      %dma_start3A_578 = tpu.memref_slice %arg7[%dma_start3A_576, %dma_start3A_577] : memref<2x1024xf32, #tpu.memory_space<vmem>> -> memref<1x1024xf32, #tpu.memory_space<vmem>>
      %dma_start3A_579 = tpu.memref_squeeze %dma_start3A_578 : memref<1x1024xf32, #tpu.memory_space<vmem>> -> memref<1024xf32, #tpu.memory_space<vmem>>
      %dma_start3A_580 = tpu.memref_slice %arg4[%select_n3A_53, %rem3A_55, %mul3A_575] : memref<26x16x16384xf32, #tpu.memory_space<hbm>> -> memref<1x1x1024xf32, #tpu.memory_space<hbm>>
      %dma_start3A_581 = tpu.memref_squeeze %dma_start3A_580 : memref<1x1x1024xf32, #tpu.memory_space<hbm>> -> memref<1024xf32, #tpu.memory_space<hbm>>
      %dma_start3A_582 = tpu.memref_slice %arg4[%select_n3A_53, %rem3A_55, %mul3A_575] : memref<26x16x16384xf32, #tpu.memory_space<hbm>> -> memref<1x1x1024xf32, #tpu.memory_space<hbm>>
      %dma_start3A_583 = tpu.memref_squeeze %dma_start3A_582 : memref<1x1x1024xf32, #tpu.memory_space<hbm>> -> memref<1024xf32, #tpu.memory_space<hbm>>
      %dma_start3A_584 = arith.constant 0 : i32
      %dma_start3A_585 = tpu.memref_slice %arg7[%dma_start3A_576, %dma_start3A_584] : memref<2x1024xf32, #tpu.memory_space<vmem>> -> memref<1x1024xf32, #tpu.memory_space<vmem>>
      %dma_start3A_586 = tpu.memref_squeeze %dma_start3A_585 : memref<1x1024xf32, #tpu.memory_space<vmem>> -> memref<1024xf32, #tpu.memory_space<vmem>>
      tpu.enqueue_dma source(%dma_start3A_586 : memref<1024xf32, #tpu.memory_space<vmem>>) target(%dma_start3A_583 : memref<1024xf32, #tpu.memory_space<hbm>>) target_semaphore(%arg9 : memref<!tpu.dma_semaphore, #tpu.memory_space<semaphore_mem>>)
    }
    %scan3A_63 = arith.constant 8 : i32
    %add3A_64 = arith.constant 2 : i32
    %add3A_65 = arith.addi %mul3A_2, %add3A_64 : i32
    %jit3A_66 = arith.constant 16 : i32
    %div3A_67 = arith.divsi %add3A_65, %jit3A_66 : i32
    %sign3A_68 = arith.constant 0 : i32
    %sign3A_69 = arith.cmpi sgt, %add3A_65, %sign3A_68 : i32
    %sign3A_70 = arith.extui %sign3A_69 : i1 to i32
    %sign3A_71 = arith.constant 0 : i32
    %sign3A_72 = arith.cmpi slt, %add3A_65, %sign3A_71 : i32
    %sign3A_73 = arith.extui %sign3A_72 : i1 to i32
    %sign3A_74 = arith.subi %sign3A_70, %sign3A_73 : i32
    %sign3A_75 = arith.constant 0 : i32
    %sign3A_76 = arith.cmpi sgt, %jit3A_66, %sign3A_75 : i32
    %sign3A_77 = arith.extui %sign3A_76 : i1 to i32
    %sign3A_78 = arith.constant 0 : i32
    %sign3A_79 = arith.cmpi slt, %jit3A_66, %sign3A_78 : i32
    %sign3A_80 = arith.extui %sign3A_79 : i1 to i32
    %sign3A_81 = arith.subi %sign3A_77, %sign3A_80 : i32
    %ne3A_82 = arith.cmpi ne, %sign3A_74, %sign3A_81 : i32
    %rem3A_83 = arith.remsi %add3A_65, %jit3A_66 : i32
    %ne3A_84 = arith.constant 0 : i32
    %ne3A_85 = arith.cmpi ne, %rem3A_83, %ne3A_84 : i32
    %and3A_86 = arith.andi %ne3A_82, %ne3A_85 : i1
    %sub3A_87 = arith.constant 1 : i32
    %sub3A_88 = arith.subi %div3A_67, %sub3A_87 : i32
    %select_n3A_89 = arith.select %and3A_86, %sub3A_88, %div3A_67 : i32
    %rem3A_90 = arith.constant 16 : i32
    %rem3A_91 = arith.remsi %add3A_65, %rem3A_90 : i32
    %eq3A_92 = arith.constant 0 : i32
    %eq3A_93 = arith.cmpi eq, %rem3A_91, %eq3A_92 : i32
    %convert_element_type3A_94 = arith.extui %eq3A_93 : i1 to i32
    %cond3A_95 = arith.constant 0 : i32
    %cond3A_96 = arith.cmpi ne, %convert_element_type3A_94, %cond3A_95 : i32
    scf.if %cond3A_96 {
      "tpu.region"() ({
        %run_scoped3A = tpu.sem_alloc : memref<!tpu.dma_semaphore, #tpu.memory_space<semaphore_mem>>
        %dma_start3A = arith.constant 0 : i32
        %dma_start3A_522 = tpu.memref_slice %arg3[%select_n3A_89, %dma_start3A] : memref<26x16384xi32, #tpu.memory_space<hbm>> -> memref<1x16384xi32, #tpu.memory_space<hbm>>
        %dma_start3A_523 = tpu.memref_squeeze %dma_start3A_522 : memref<1x16384xi32, #tpu.memory_space<hbm>> -> memref<16384xi32, #tpu.memory_space<hbm>>
        %dma_start3A_524 = arith.constant 0 : i32
        %dma_start3A_525 = tpu.memref_slice %arg3[%select_n3A_89, %dma_start3A_524] : memref<26x16384xi32, #tpu.memory_space<hbm>> -> memref<1x16384xi32, #tpu.memory_space<hbm>>
        %dma_start3A_526 = tpu.memref_squeeze %dma_start3A_525 : memref<1x16384xi32, #tpu.memory_space<hbm>> -> memref<16384xi32, #tpu.memory_space<hbm>>
        tpu.enqueue_dma source(%dma_start3A_526 : memref<16384xi32, #tpu.memory_space<hbm>>) target(%arg6 : memref<16384xi32, #tpu.memory_space<vmem>>) target_semaphore(%run_scoped3A : memref<!tpu.dma_semaphore, #tpu.memory_space<semaphore_mem>>)
        %dma_wait3A_527 = arith.constant 0 : i32
        %dma_wait3A_528 = tpu.memref_slice %arg3[%select_n3A_89, %dma_wait3A_527] : memref<26x16384xi32, #tpu.memory_space<hbm>> -> memref<1x16384xi32, #tpu.memory_space<hbm>>
        %dma_wait3A_529 = tpu.memref_squeeze %dma_wait3A_528 : memref<1x16384xi32, #tpu.memory_space<hbm>> -> memref<16384xi32, #tpu.memory_space<hbm>>
        %dma_wait3A_530 = arith.constant 0 : i32
        %dma_wait3A_531 = tpu.memref_slice %arg3[%select_n3A_89, %dma_wait3A_530] : memref<26x16384xi32, #tpu.memory_space<hbm>> -> memref<1x16384xi32, #tpu.memory_space<hbm>>
        %dma_wait3A_532 = tpu.memref_squeeze %dma_wait3A_531 : memref<1x16384xi32, #tpu.memory_space<hbm>> -> memref<16384xi32, #tpu.memory_space<hbm>>
        tpu.wait_dma2 semaphore(%run_scoped3A : memref<!tpu.dma_semaphore, #tpu.memory_space<semaphore_mem>>) src(%dma_wait3A_532 : memref<16384xi32, #tpu.memory_space<hbm>>) dst(%arg6 : memref<16384xi32, #tpu.memory_space<vmem>>)
        tpu.yield
      }) : () -> ()
    } else {
    }
    "tpu.region"() ({
      %run_scoped3A = tpu.sem_alloc : memref<!tpu.dma_semaphore, #tpu.memory_space<semaphore_mem>>
      %dma_start3A = arith.constant 0 : i32
      %dma_start3A_522 = tpu.memref_slice %arg2[%select_n3A_89, %rem3A_91, %dma_start3A] : memref<26x16x100000xf32, #tpu.memory_space<hbm>> -> memref<1x1x100000xf32, #tpu.memory_space<hbm>>
      %dma_start3A_523 = tpu.memref_squeeze %dma_start3A_522 : memref<1x1x100000xf32, #tpu.memory_space<hbm>> -> memref<100000xf32, #tpu.memory_space<hbm>>
      %dma_start3A_524 = arith.constant 0 : i32
      %dma_start3A_525 = tpu.memref_slice %arg2[%select_n3A_89, %rem3A_91, %dma_start3A_524] : memref<26x16x100000xf32, #tpu.memory_space<hbm>> -> memref<1x1x100000xf32, #tpu.memory_space<hbm>>
      %dma_start3A_526 = tpu.memref_squeeze %dma_start3A_525 : memref<1x1x100000xf32, #tpu.memory_space<hbm>> -> memref<100000xf32, #tpu.memory_space<hbm>>
      tpu.enqueue_dma source(%dma_start3A_526 : memref<100000xf32, #tpu.memory_space<hbm>>) target(%arg5 : memref<100000xf32, #tpu.memory_space<vmem>>) target_semaphore(%run_scoped3A : memref<!tpu.dma_semaphore, #tpu.memory_space<semaphore_mem>>)
      %dma_wait3A_527 = arith.constant 0 : i32
      %dma_wait3A_528 = tpu.memref_slice %arg2[%select_n3A_89, %rem3A_91, %dma_wait3A_527] : memref<26x16x100000xf32, #tpu.memory_space<hbm>> -> memref<1x1x100000xf32, #tpu.memory_space<hbm>>
      %dma_wait3A_529 = tpu.memref_squeeze %dma_wait3A_528 : memref<1x1x100000xf32, #tpu.memory_space<hbm>> -> memref<100000xf32, #tpu.memory_space<hbm>>
      %dma_wait3A_530 = arith.constant 0 : i32
      %dma_wait3A_531 = tpu.memref_slice %arg2[%select_n3A_89, %rem3A_91, %dma_wait3A_530] : memref<26x16x100000xf32, #tpu.memory_space<hbm>> -> memref<1x1x100000xf32, #tpu.memory_space<hbm>>
      %dma_wait3A_532 = tpu.memref_squeeze %dma_wait3A_531 : memref<1x1x100000xf32, #tpu.memory_space<hbm>> -> memref<100000xf32, #tpu.memory_space<hbm>>
      tpu.wait_dma2 semaphore(%run_scoped3A : memref<!tpu.dma_semaphore, #tpu.memory_space<semaphore_mem>>) src(%dma_wait3A_532 : memref<100000xf32, #tpu.memory_space<hbm>>) dst(%arg5 : memref<100000xf32, #tpu.memory_space<vmem>>)
      tpu.yield
    }) : () -> ()
    %scan3A_97 = arith.constant 0 : i32
    %scan3A_98 = arith.constant 0 : i32
    %scan3A_99 = arith.constant 8 : i32
    %scan3A_100 = arith.addi %scan3A_98, %scan3A_99 : i32
    %scan3A_101 = arith.constant 1 : i32
    scf.for %scan3A_522 = %scan3A_98 to %scan3A_100 step %scan3A_101  : i32 {
      %mul3A_523 = arith.constant 2 : i32
      %mul3A_524 = arith.muli %mul3A_523, %scan3A_522 : i32
      %add3A_525 = arith.constant 0 : i32
      %add3A_526 = arith.addi %mul3A_524, %add3A_525 : i32
      %mul3A_527 = arith.constant 1024 : i32
      %mul3A_528 = arith.muli %add3A_526, %mul3A_527 : i32
      %dma_wait3A_529 = arith.constant 0 : i32
      %dma_wait3A_530 = arith.constant 0 : i32
      %dma_wait3A_531 = tpu.memref_slice %arg7[%dma_wait3A_529, %dma_wait3A_530] : memref<2x1024xf32, #tpu.memory_space<vmem>> -> memref<1x1024xf32, #tpu.memory_space<vmem>>
      %dma_wait3A_532 = tpu.memref_squeeze %dma_wait3A_531 : memref<1x1024xf32, #tpu.memory_space<vmem>> -> memref<1024xf32, #tpu.memory_space<vmem>>
      %dma_wait3A_533 = tpu.memref_slice %arg4[%select_n3A_89, %rem3A_91, %mul3A_528] : memref<26x16x16384xf32, #tpu.memory_space<hbm>> -> memref<1x1x1024xf32, #tpu.memory_space<hbm>>
      %dma_wait3A_534 = tpu.memref_squeeze %dma_wait3A_533 : memref<1x1x1024xf32, #tpu.memory_space<hbm>> -> memref<1024xf32, #tpu.memory_space<hbm>>
      %dma_wait3A_535 = tpu.memref_slice %arg4[%select_n3A_89, %rem3A_91, %mul3A_528] : memref<26x16x16384xf32, #tpu.memory_space<hbm>> -> memref<1x1x1024xf32, #tpu.memory_space<hbm>>
      %dma_wait3A_536 = tpu.memref_squeeze %dma_wait3A_535 : memref<1x1x1024xf32, #tpu.memory_space<hbm>> -> memref<1024xf32, #tpu.memory_space<hbm>>
      %dma_wait3A_537 = arith.constant 0 : i32
      %dma_wait3A_538 = tpu.memref_slice %arg7[%dma_wait3A_529, %dma_wait3A_537] : memref<2x1024xf32, #tpu.memory_space<vmem>> -> memref<1x1024xf32, #tpu.memory_space<vmem>>
      %dma_wait3A_539 = tpu.memref_squeeze %dma_wait3A_538 : memref<1x1024xf32, #tpu.memory_space<vmem>> -> memref<1024xf32, #tpu.memory_space<vmem>>
      tpu.wait_dma2 semaphore(%arg8 : memref<!tpu.dma_semaphore, #tpu.memory_space<semaphore_mem>>) src(%dma_wait3A_539 : memref<1024xf32, #tpu.memory_space<vmem>>) dst(%dma_wait3A_536 : memref<1024xf32, #tpu.memory_space<hbm>>)
      %parallel_loop3A = arith.constant 0 : i32
      %parallel_loop3A_540 = arith.constant 1024 : i32
      %parallel_loop3A_541 = arith.constant 16 : i32
      scf.for %parallel_loop3A_587 = %parallel_loop3A to %parallel_loop3A_540 step %parallel_loop3A_541  : i32 {
        %parallel_loop3A_588 = arith.constant 1024 : i32
        %parallel_loop3A_589 = arith.muli %add3A_526, %parallel_loop3A_588 : i32
        %parallel_loop3A_590 = arith.addi %parallel_loop3A_589, %parallel_loop3A_587 : i32
        %parallel_loop3A_591 = arith.index_cast %parallel_loop3A_590 : i32 to index
        %parallel_loop3A_592 = tpu.vector_load %arg6[%parallel_loop3A_591] {strides = array<i32>} : memref<16384xi32, #tpu.memory_space<vmem>>, vector<16xi32>,
        %parallel_loop3A_593 = tpu.vector_load_idx %arg5[%parallel_loop3A_592] : memref<100000xf32, #tpu.memory_space<vmem>>[vector<16xi32>], vector<16xf32>,
        %parallel_loop3A_594 = arith.constant 0 : i32
        %parallel_loop3A_595 = arith.index_cast %parallel_loop3A_594 : i32 to index
        %parallel_loop3A_596 = arith.index_cast %parallel_loop3A_587 : i32 to index
        %parallel_loop3A_597 = tpu.vector_load %arg7[%parallel_loop3A_595, %parallel_loop3A_596] {strides = array<i32>} : memref<2x1024xf32, #tpu.memory_space<vmem>>, vector<16xf32>,
        tpu.vector_store %arg7[%parallel_loop3A_595, %parallel_loop3A_596], %parallel_loop3A_593 {strides = array<i32>} : memref<2x1024xf32, #tpu.memory_space<vmem>>, vector<16xf32>,
      } {sc.loop_unroll_factor = 8 : i64, sc.parallel_access}
      %mul3A_542 = arith.constant 1024 : i32
      %mul3A_543 = arith.muli %add3A_526, %mul3A_542 : i32
      %dma_start3A = arith.constant 0 : i32
      %dma_start3A_544 = arith.constant 0 : i32
      %dma_start3A_545 = tpu.memref_slice %arg7[%dma_start3A, %dma_start3A_544] : memref<2x1024xf32, #tpu.memory_space<vmem>> -> memref<1x1024xf32, #tpu.memory_space<vmem>>
      %dma_start3A_546 = tpu.memref_squeeze %dma_start3A_545 : memref<1x1024xf32, #tpu.memory_space<vmem>> -> memref<1024xf32, #tpu.memory_space<vmem>>
      %dma_start3A_547 = tpu.memref_slice %arg4[%select_n3A_89, %rem3A_91, %mul3A_543] : memref<26x16x16384xf32, #tpu.memory_space<hbm>> -> memref<1x1x1024xf32, #tpu.memory_space<hbm>>
      %dma_start3A_548 = tpu.memref_squeeze %dma_start3A_547 : memref<1x1x1024xf32, #tpu.memory_space<hbm>> -> memref<1024xf32, #tpu.memory_space<hbm>>
      %dma_start3A_549 = tpu.memref_slice %arg4[%select_n3A_89, %rem3A_91, %mul3A_543] : memref<26x16x16384xf32, #tpu.memory_space<hbm>> -> memref<1x1x1024xf32, #tpu.memory_space<hbm>>
      %dma_start3A_550 = tpu.memref_squeeze %dma_start3A_549 : memref<1x1x1024xf32, #tpu.memory_space<hbm>> -> memref<1024xf32, #tpu.memory_space<hbm>>
      %dma_start3A_551 = arith.constant 0 : i32
      %dma_start3A_552 = tpu.memref_slice %arg7[%dma_start3A, %dma_start3A_551] : memref<2x1024xf32, #tpu.memory_space<vmem>> -> memref<1x1024xf32, #tpu.memory_space<vmem>>
      %dma_start3A_553 = tpu.memref_squeeze %dma_start3A_552 : memref<1x1024xf32, #tpu.memory_space<vmem>> -> memref<1024xf32, #tpu.memory_space<vmem>>
      tpu.enqueue_dma source(%dma_start3A_553 : memref<1024xf32, #tpu.memory_space<vmem>>) target(%dma_start3A_550 : memref<1024xf32, #tpu.memory_space<hbm>>) target_semaphore(%arg8 : memref<!tpu.dma_semaphore, #tpu.memory_space<semaphore_mem>>)
      %mul3A_554 = arith.constant 2 : i32
      %mul3A_555 = arith.muli %mul3A_554, %scan3A_522 : i32
      %add3A_556 = arith.constant 1 : i32
      %add3A_557 = arith.addi %mul3A_555, %add3A_556 : i32
      %mul3A_558 = arith.constant 1024 : i32
      %mul3A_559 = arith.muli %add3A_557, %mul3A_558 : i32
      %dma_wait3A_560 = arith.constant 1 : i32
      %dma_wait3A_561 = arith.constant 0 : i32
      %dma_wait3A_562 = tpu.memref_slice %arg7[%dma_wait3A_560, %dma_wait3A_561] : memref<2x1024xf32, #tpu.memory_space<vmem>> -> memref<1x1024xf32, #tpu.memory_space<vmem>>
      %dma_wait3A_563 = tpu.memref_squeeze %dma_wait3A_562 : memref<1x1024xf32, #tpu.memory_space<vmem>> -> memref<1024xf32, #tpu.memory_space<vmem>>
      %dma_wait3A_564 = tpu.memref_slice %arg4[%select_n3A_89, %rem3A_91, %mul3A_559] : memref<26x16x16384xf32, #tpu.memory_space<hbm>> -> memref<1x1x1024xf32, #tpu.memory_space<hbm>>
      %dma_wait3A_565 = tpu.memref_squeeze %dma_wait3A_564 : memref<1x1x1024xf32, #tpu.memory_space<hbm>> -> memref<1024xf32, #tpu.memory_space<hbm>>
      %dma_wait3A_566 = tpu.memref_slice %arg4[%select_n3A_89, %rem3A_91, %mul3A_559] : memref<26x16x16384xf32, #tpu.memory_space<hbm>> -> memref<1x1x1024xf32, #tpu.memory_space<hbm>>
      %dma_wait3A_567 = tpu.memref_squeeze %dma_wait3A_566 : memref<1x1x1024xf32, #tpu.memory_space<hbm>> -> memref<1024xf32, #tpu.memory_space<hbm>>
      %dma_wait3A_568 = arith.constant 0 : i32
      %dma_wait3A_569 = tpu.memref_slice %arg7[%dma_wait3A_560, %dma_wait3A_568] : memref<2x1024xf32, #tpu.memory_space<vmem>> -> memref<1x1024xf32, #tpu.memory_space<vmem>>
      %dma_wait3A_570 = tpu.memref_squeeze %dma_wait3A_569 : memref<1x1024xf32, #tpu.memory_space<vmem>> -> memref<1024xf32, #tpu.memory_space<vmem>>
      tpu.wait_dma2 semaphore(%arg9 : memref<!tpu.dma_semaphore, #tpu.memory_space<semaphore_mem>>) src(%dma_wait3A_570 : memref<1024xf32, #tpu.memory_space<vmem>>) dst(%dma_wait3A_567 : memref<1024xf32, #tpu.memory_space<hbm>>)
      %parallel_loop3A_571 = arith.constant 0 : i32
      %parallel_loop3A_572 = arith.constant 1024 : i32
      %parallel_loop3A_573 = arith.constant 16 : i32
      scf.for %parallel_loop3A_587 = %parallel_loop3A_571 to %parallel_loop3A_572 step %parallel_loop3A_573  : i32 {
        %parallel_loop3A_588 = arith.constant 1024 : i32
        %parallel_loop3A_589 = arith.muli %add3A_557, %parallel_loop3A_588 : i32
        %parallel_loop3A_590 = arith.addi %parallel_loop3A_589, %parallel_loop3A_587 : i32
        %parallel_loop3A_591 = arith.index_cast %parallel_loop3A_590 : i32 to index
        %parallel_loop3A_592 = tpu.vector_load %arg6[%parallel_loop3A_591] {strides = array<i32>} : memref<16384xi32, #tpu.memory_space<vmem>>, vector<16xi32>,
        %parallel_loop3A_593 = tpu.vector_load_idx %arg5[%parallel_loop3A_592] : memref<100000xf32, #tpu.memory_space<vmem>>[vector<16xi32>], vector<16xf32>,
        %parallel_loop3A_594 = arith.constant 1 : i32
        %parallel_loop3A_595 = arith.index_cast %parallel_loop3A_594 : i32 to index
        %parallel_loop3A_596 = arith.index_cast %parallel_loop3A_587 : i32 to index
        %parallel_loop3A_597 = tpu.vector_load %arg7[%parallel_loop3A_595, %parallel_loop3A_596] {strides = array<i32>} : memref<2x1024xf32, #tpu.memory_space<vmem>>, vector<16xf32>,
        tpu.vector_store %arg7[%parallel_loop3A_595, %parallel_loop3A_596], %parallel_loop3A_593 {strides = array<i32>} : memref<2x1024xf32, #tpu.memory_space<vmem>>, vector<16xf32>,
      } {sc.loop_unroll_factor = 8 : i64, sc.parallel_access}
      %mul3A_574 = arith.constant 1024 : i32
      %mul3A_575 = arith.muli %add3A_557, %mul3A_574 : i32
      %dma_start3A_576 = arith.constant 1 : i32
      %dma_start3A_577 = arith.constant 0 : i32
      %dma_start3A_578 = tpu.memref_slice %arg7[%dma_start3A_576, %dma_start3A_577] : memref<2x1024xf32, #tpu.memory_space<vmem>> -> memref<1x1024xf32, #tpu.memory_space<vmem>>
      %dma_start3A_579 = tpu.memref_squeeze %dma_start3A_578 : memref<1x1024xf32, #tpu.memory_space<vmem>> -> memref<1024xf32, #tpu.memory_space<vmem>>
      %dma_start3A_580 = tpu.memref_slice %arg4[%select_n3A_89, %rem3A_91, %mul3A_575] : memref<26x16x16384xf32, #tpu.memory_space<hbm>> -> memref<1x1x1024xf32, #tpu.memory_space<hbm>>
      %dma_start3A_581 = tpu.memref_squeeze %dma_start3A_580 : memref<1x1x1024xf32, #tpu.memory_space<hbm>> -> memref<1024xf32, #tpu.memory_space<hbm>>
      %dma_start3A_582 = tpu.memref_slice %arg4[%select_n3A_89, %rem3A_91, %mul3A_575] : memref<26x16x16384xf32, #tpu.memory_space<hbm>> -> memref<1x1x1024xf32, #tpu.memory_space<hbm>>
      %dma_start3A_583 = tpu.memref_squeeze %dma_start3A_582 : memref<1x1x1024xf32, #tpu.memory_space<hbm>> -> memref<1024xf32, #tpu.memory_space<hbm>>
      %dma_start3A_584 = arith.constant 0 : i32
      %dma_start3A_585 = tpu.memref_slice %arg7[%dma_start3A_576, %dma_start3A_584] : memref<2x1024xf32, #tpu.memory_space<vmem>> -> memref<1x1024xf32, #tpu.memory_space<vmem>>
      %dma_start3A_586 = tpu.memref_squeeze %dma_start3A_585 : memref<1x1024xf32, #tpu.memory_space<vmem>> -> memref<1024xf32, #tpu.memory_space<vmem>>
      tpu.enqueue_dma source(%dma_start3A_586 : memref<1024xf32, #tpu.memory_space<vmem>>) target(%dma_start3A_583 : memref<1024xf32, #tpu.memory_space<hbm>>) target_semaphore(%arg9 : memref<!tpu.dma_semaphore, #tpu.memory_space<semaphore_mem>>)
    }
    %scan3A_102 = arith.constant 8 : i32
    %add3A_103 = arith.constant 3 : i32
    %add3A_104 = arith.addi %mul3A_2, %add3A_103 : i32
    %jit3A_105 = arith.constant 16 : i32
    %div3A_106 = arith.divsi %add3A_104, %jit3A_105 : i32
    %sign3A_107 = arith.constant 0 : i32
    %sign3A_108 = arith.cmpi sgt, %add3A_104, %sign3A_107 : i32
    %sign3A_109 = arith.extui %sign3A_108 : i1 to i32
    %sign3A_110 = arith.constant 0 : i32
    %sign3A_111 = arith.cmpi slt, %add3A_104, %sign3A_110 : i32
    %sign3A_112 = arith.extui %sign3A_111 : i1 to i32
    %sign3A_113 = arith.subi %sign3A_109, %sign3A_112 : i32
    %sign3A_114 = arith.constant 0 : i32
    %sign3A_115 = arith.cmpi sgt, %jit3A_105, %sign3A_114 : i32
    %sign3A_116 = arith.extui %sign3A_115 : i1 to i32
    %sign3A_117 = arith.constant 0 : i32
    %sign3A_118 = arith.cmpi slt, %jit3A_105, %sign3A_117 : i32
    %sign3A_119 = arith.extui %sign3A_118 : i1 to i32
    %sign3A_120 = arith.subi %sign3A_116, %sign3A_119 : i32
    %ne3A_121 = arith.cmpi ne, %sign3A_113, %sign3A_120 : i32
    %rem3A_122 = arith.remsi %add3A_104, %jit3A_105 : i32
    %ne3A_123 = arith.constant 0 : i32
    %ne3A_124 = arith.cmpi ne, %rem3A_122, %ne3A_123 : i32
    %and3A_125 = arith.andi %ne3A_121, %ne3A_124 : i1
    %sub3A_126 = arith.constant 1 : i32
    %sub3A_127 = arith.subi %div3A_106, %sub3A_126 : i32
    %select_n3A_128 = arith.select %and3A_125, %sub3A_127, %div3A_106 : i32
    %rem3A_129 = arith.constant 16 : i32
    %rem3A_130 = arith.remsi %add3A_104, %rem3A_129 : i32
    %eq3A_131 = arith.constant 0 : i32
    %eq3A_132 = arith.cmpi eq, %rem3A_130, %eq3A_131 : i32
    %convert_element_type3A_133 = arith.extui %eq3A_132 : i1 to i32
    %cond3A_134 = arith.constant 0 : i32
    %cond3A_135 = arith.cmpi ne, %convert_element_type3A_133, %cond3A_134 : i32
    scf.if %cond3A_135 {
      "tpu.region"() ({
        %run_scoped3A = tpu.sem_alloc : memref<!tpu.dma_semaphore, #tpu.memory_space<semaphore_mem>>
        %dma_start3A = arith.constant 0 : i32
        %dma_start3A_522 = tpu.memref_slice %arg3[%select_n3A_128, %dma_start3A] : memref<26x16384xi32, #tpu.memory_space<hbm>> -> memref<1x16384xi32, #tpu.memory_space<hbm>>
        %dma_start3A_523 = tpu.memref_squeeze %dma_start3A_522 : memref<1x16384xi32, #tpu.memory_space<hbm>> -> memref<16384xi32, #tpu.memory_space<hbm>>
        %dma_start3A_524 = arith.constant 0 : i32
        %dma_start3A_525 = tpu.memref_slice %arg3[%select_n3A_128, %dma_start3A_524] : memref<26x16384xi32, #tpu.memory_space<hbm>> -> memref<1x16384xi32, #tpu.memory_space<hbm>>
        %dma_start3A_526 = tpu.memref_squeeze %dma_start3A_525 : memref<1x16384xi32, #tpu.memory_space<hbm>> -> memref<16384xi32, #tpu.memory_space<hbm>>
        tpu.enqueue_dma source(%dma_start3A_526 : memref<16384xi32, #tpu.memory_space<hbm>>) target(%arg6 : memref<16384xi32, #tpu.memory_space<vmem>>) target_semaphore(%run_scoped3A : memref<!tpu.dma_semaphore, #tpu.memory_space<semaphore_mem>>)
        %dma_wait3A_527 = arith.constant 0 : i32
        %dma_wait3A_528 = tpu.memref_slice %arg3[%select_n3A_128, %dma_wait3A_527] : memref<26x16384xi32, #tpu.memory_space<hbm>> -> memref<1x16384xi32, #tpu.memory_space<hbm>>
        %dma_wait3A_529 = tpu.memref_squeeze %dma_wait3A_528 : memref<1x16384xi32, #tpu.memory_space<hbm>> -> memref<16384xi32, #tpu.memory_space<hbm>>
        %dma_wait3A_530 = arith.constant 0 : i32
        %dma_wait3A_531 = tpu.memref_slice %arg3[%select_n3A_128, %dma_wait3A_530] : memref<26x16384xi32, #tpu.memory_space<hbm>> -> memref<1x16384xi32, #tpu.memory_space<hbm>>
        %dma_wait3A_532 = tpu.memref_squeeze %dma_wait3A_531 : memref<1x16384xi32, #tpu.memory_space<hbm>> -> memref<16384xi32, #tpu.memory_space<hbm>>
        tpu.wait_dma2 semaphore(%run_scoped3A : memref<!tpu.dma_semaphore, #tpu.memory_space<semaphore_mem>>) src(%dma_wait3A_532 : memref<16384xi32, #tpu.memory_space<hbm>>) dst(%arg6 : memref<16384xi32, #tpu.memory_space<vmem>>)
        tpu.yield
      }) : () -> ()
    } else {
    }
    "tpu.region"() ({
      %run_scoped3A = tpu.sem_alloc : memref<!tpu.dma_semaphore, #tpu.memory_space<semaphore_mem>>
      %dma_start3A = arith.constant 0 : i32
      %dma_start3A_522 = tpu.memref_slice %arg2[%select_n3A_128, %rem3A_130, %dma_start3A] : memref<26x16x100000xf32, #tpu.memory_space<hbm>> -> memref<1x1x100000xf32, #tpu.memory_space<hbm>>
      %dma_start3A_523 = tpu.memref_squeeze %dma_start3A_522 : memref<1x1x100000xf32, #tpu.memory_space<hbm>> -> memref<100000xf32, #tpu.memory_space<hbm>>
      %dma_start3A_524 = arith.constant 0 : i32
      %dma_start3A_525 = tpu.memref_slice %arg2[%select_n3A_128, %rem3A_130, %dma_start3A_524] : memref<26x16x100000xf32, #tpu.memory_space<hbm>> -> memref<1x1x100000xf32, #tpu.memory_space<hbm>>
      %dma_start3A_526 = tpu.memref_squeeze %dma_start3A_525 : memref<1x1x100000xf32, #tpu.memory_space<hbm>> -> memref<100000xf32, #tpu.memory_space<hbm>>
      tpu.enqueue_dma source(%dma_start3A_526 : memref<100000xf32, #tpu.memory_space<hbm>>) target(%arg5 : memref<100000xf32, #tpu.memory_space<vmem>>) target_semaphore(%run_scoped3A : memref<!tpu.dma_semaphore, #tpu.memory_space<semaphore_mem>>)
      %dma_wait3A_527 = arith.constant 0 : i32
      %dma_wait3A_528 = tpu.memref_slice %arg2[%select_n3A_128, %rem3A_130, %dma_wait3A_527] : memref<26x16x100000xf32, #tpu.memory_space<hbm>> -> memref<1x1x100000xf32, #tpu.memory_space<hbm>>
      %dma_wait3A_529 = tpu.memref_squeeze %dma_wait3A_528 : memref<1x1x100000xf32, #tpu.memory_space<hbm>> -> memref<100000xf32, #tpu.memory_space<hbm>>
      %dma_wait3A_530 = arith.constant 0 : i32
      %dma_wait3A_531 = tpu.memref_slice %arg2[%select_n3A_128, %rem3A_130, %dma_wait3A_530] : memref<26x16x100000xf32, #tpu.memory_space<hbm>> -> memref<1x1x100000xf32, #tpu.memory_space<hbm>>
      %dma_wait3A_532 = tpu.memref_squeeze %dma_wait3A_531 : memref<1x1x100000xf32, #tpu.memory_space<hbm>> -> memref<100000xf32, #tpu.memory_space<hbm>>
      tpu.wait_dma2 semaphore(%run_scoped3A : memref<!tpu.dma_semaphore, #tpu.memory_space<semaphore_mem>>) src(%dma_wait3A_532 : memref<100000xf32, #tpu.memory_space<hbm>>) dst(%arg5 : memref<100000xf32, #tpu.memory_space<vmem>>)
      tpu.yield
    }) : () -> ()
    %scan3A_136 = arith.constant 0 : i32
    %scan3A_137 = arith.constant 0 : i32
    %scan3A_138 = arith.constant 8 : i32
    %scan3A_139 = arith.addi %scan3A_137, %scan3A_138 : i32
    %scan3A_140 = arith.constant 1 : i32
    scf.for %scan3A_522 = %scan3A_137 to %scan3A_139 step %scan3A_140  : i32 {
      %mul3A_523 = arith.constant 2 : i32
      %mul3A_524 = arith.muli %mul3A_523, %scan3A_522 : i32
      %add3A_525 = arith.constant 0 : i32
      %add3A_526 = arith.addi %mul3A_524, %add3A_525 : i32
      %mul3A_527 = arith.constant 1024 : i32
      %mul3A_528 = arith.muli %add3A_526, %mul3A_527 : i32
      %dma_wait3A_529 = arith.constant 0 : i32
      %dma_wait3A_530 = arith.constant 0 : i32
      %dma_wait3A_531 = tpu.memref_slice %arg7[%dma_wait3A_529, %dma_wait3A_530] : memref<2x1024xf32, #tpu.memory_space<vmem>> -> memref<1x1024xf32, #tpu.memory_space<vmem>>
      %dma_wait3A_532 = tpu.memref_squeeze %dma_wait3A_531 : memref<1x1024xf32, #tpu.memory_space<vmem>> -> memref<1024xf32, #tpu.memory_space<vmem>>
      %dma_wait3A_533 = tpu.memref_slice %arg4[%select_n3A_128, %rem3A_130, %mul3A_528] : memref<26x16x16384xf32, #tpu.memory_space<hbm>> -> memref<1x1x1024xf32, #tpu.memory_space<hbm>>
      %dma_wait3A_534 = tpu.memref_squeeze %dma_wait3A_533 : memref<1x1x1024xf32, #tpu.memory_space<hbm>> -> memref<1024xf32, #tpu.memory_space<hbm>>
      %dma_wait3A_535 = tpu.memref_slice %arg4[%select_n3A_128, %rem3A_130, %mul3A_528] : memref<26x16x16384xf32, #tpu.memory_space<hbm>> -> memref<1x1x1024xf32, #tpu.memory_space<hbm>>
      %dma_wait3A_536 = tpu.memref_squeeze %dma_wait3A_535 : memref<1x1x1024xf32, #tpu.memory_space<hbm>> -> memref<1024xf32, #tpu.memory_space<hbm>>
      %dma_wait3A_537 = arith.constant 0 : i32
      %dma_wait3A_538 = tpu.memref_slice %arg7[%dma_wait3A_529, %dma_wait3A_537] : memref<2x1024xf32, #tpu.memory_space<vmem>> -> memref<1x1024xf32, #tpu.memory_space<vmem>>
      %dma_wait3A_539 = tpu.memref_squeeze %dma_wait3A_538 : memref<1x1024xf32, #tpu.memory_space<vmem>> -> memref<1024xf32, #tpu.memory_space<vmem>>
      tpu.wait_dma2 semaphore(%arg8 : memref<!tpu.dma_semaphore, #tpu.memory_space<semaphore_mem>>) src(%dma_wait3A_539 : memref<1024xf32, #tpu.memory_space<vmem>>) dst(%dma_wait3A_536 : memref<1024xf32, #tpu.memory_space<hbm>>)
      %parallel_loop3A = arith.constant 0 : i32
      %parallel_loop3A_540 = arith.constant 1024 : i32
      %parallel_loop3A_541 = arith.constant 16 : i32
      scf.for %parallel_loop3A_587 = %parallel_loop3A to %parallel_loop3A_540 step %parallel_loop3A_541  : i32 {
        %parallel_loop3A_588 = arith.constant 1024 : i32
        %parallel_loop3A_589 = arith.muli %add3A_526, %parallel_loop3A_588 : i32
        %parallel_loop3A_590 = arith.addi %parallel_loop3A_589, %parallel_loop3A_587 : i32
        %parallel_loop3A_591 = arith.index_cast %parallel_loop3A_590 : i32 to index
        %parallel_loop3A_592 = tpu.vector_load %arg6[%parallel_loop3A_591] {strides = array<i32>} : memref<16384xi32, #tpu.memory_space<vmem>>, vector<16xi32>,
        %parallel_loop3A_593 = tpu.vector_load_idx %arg5[%parallel_loop3A_592] : memref<100000xf32, #tpu.memory_space<vmem>>[vector<16xi32>], vector<16xf32>,
        %parallel_loop3A_594 = arith.constant 0 : i32
        %parallel_loop3A_595 = arith.index_cast %parallel_loop3A_594 : i32 to index
        %parallel_loop3A_596 = arith.index_cast %parallel_loop3A_587 : i32 to index
        %parallel_loop3A_597 = tpu.vector_load %arg7[%parallel_loop3A_595, %parallel_loop3A_596] {strides = array<i32>} : memref<2x1024xf32, #tpu.memory_space<vmem>>, vector<16xf32>,
        tpu.vector_store %arg7[%parallel_loop3A_595, %parallel_loop3A_596], %parallel_loop3A_593 {strides = array<i32>} : memref<2x1024xf32, #tpu.memory_space<vmem>>, vector<16xf32>,
      } {sc.loop_unroll_factor = 8 : i64, sc.parallel_access}
      %mul3A_542 = arith.constant 1024 : i32
      %mul3A_543 = arith.muli %add3A_526, %mul3A_542 : i32
      %dma_start3A = arith.constant 0 : i32
      %dma_start3A_544 = arith.constant 0 : i32
      %dma_start3A_545 = tpu.memref_slice %arg7[%dma_start3A, %dma_start3A_544] : memref<2x1024xf32, #tpu.memory_space<vmem>> -> memref<1x1024xf32, #tpu.memory_space<vmem>>
      %dma_start3A_546 = tpu.memref_squeeze %dma_start3A_545 : memref<1x1024xf32, #tpu.memory_space<vmem>> -> memref<1024xf32, #tpu.memory_space<vmem>>
      %dma_start3A_547 = tpu.memref_slice %arg4[%select_n3A_128, %rem3A_130, %mul3A_543] : memref<26x16x16384xf32, #tpu.memory_space<hbm>> -> memref<1x1x1024xf32, #tpu.memory_space<hbm>>
      %dma_start3A_548 = tpu.memref_squeeze %dma_start3A_547 : memref<1x1x1024xf32, #tpu.memory_space<hbm>> -> memref<1024xf32, #tpu.memory_space<hbm>>
      %dma_start3A_549 = tpu.memref_slice %arg4[%select_n3A_128, %rem3A_130, %mul3A_543] : memref<26x16x16384xf32, #tpu.memory_space<hbm>> -> memref<1x1x1024xf32, #tpu.memory_space<hbm>>
      %dma_start3A_550 = tpu.memref_squeeze %dma_start3A_549 : memref<1x1x1024xf32, #tpu.memory_space<hbm>> -> memref<1024xf32, #tpu.memory_space<hbm>>
      %dma_start3A_551 = arith.constant 0 : i32
      %dma_start3A_552 = tpu.memref_slice %arg7[%dma_start3A, %dma_start3A_551] : memref<2x1024xf32, #tpu.memory_space<vmem>> -> memref<1x1024xf32, #tpu.memory_space<vmem>>
      %dma_start3A_553 = tpu.memref_squeeze %dma_start3A_552 : memref<1x1024xf32, #tpu.memory_space<vmem>> -> memref<1024xf32, #tpu.memory_space<vmem>>
      tpu.enqueue_dma source(%dma_start3A_553 : memref<1024xf32, #tpu.memory_space<vmem>>) target(%dma_start3A_550 : memref<1024xf32, #tpu.memory_space<hbm>>) target_semaphore(%arg8 : memref<!tpu.dma_semaphore, #tpu.memory_space<semaphore_mem>>)
      %mul3A_554 = arith.constant 2 : i32
      %mul3A_555 = arith.muli %mul3A_554, %scan3A_522 : i32
      %add3A_556 = arith.constant 1 : i32
      %add3A_557 = arith.addi %mul3A_555, %add3A_556 : i32
      %mul3A_558 = arith.constant 1024 : i32
      %mul3A_559 = arith.muli %add3A_557, %mul3A_558 : i32
      %dma_wait3A_560 = arith.constant 1 : i32
      %dma_wait3A_561 = arith.constant 0 : i32
      %dma_wait3A_562 = tpu.memref_slice %arg7[%dma_wait3A_560, %dma_wait3A_561] : memref<2x1024xf32, #tpu.memory_space<vmem>> -> memref<1x1024xf32, #tpu.memory_space<vmem>>
      %dma_wait3A_563 = tpu.memref_squeeze %dma_wait3A_562 : memref<1x1024xf32, #tpu.memory_space<vmem>> -> memref<1024xf32, #tpu.memory_space<vmem>>
      %dma_wait3A_564 = tpu.memref_slice %arg4[%select_n3A_128, %rem3A_130, %mul3A_559] : memref<26x16x16384xf32, #tpu.memory_space<hbm>> -> memref<1x1x1024xf32, #tpu.memory_space<hbm>>
      %dma_wait3A_565 = tpu.memref_squeeze %dma_wait3A_564 : memref<1x1x1024xf32, #tpu.memory_space<hbm>> -> memref<1024xf32, #tpu.memory_space<hbm>>
      %dma_wait3A_566 = tpu.memref_slice %arg4[%select_n3A_128, %rem3A_130, %mul3A_559] : memref<26x16x16384xf32, #tpu.memory_space<hbm>> -> memref<1x1x1024xf32, #tpu.memory_space<hbm>>
      %dma_wait3A_567 = tpu.memref_squeeze %dma_wait3A_566 : memref<1x1x1024xf32, #tpu.memory_space<hbm>> -> memref<1024xf32, #tpu.memory_space<hbm>>
      %dma_wait3A_568 = arith.constant 0 : i32
      %dma_wait3A_569 = tpu.memref_slice %arg7[%dma_wait3A_560, %dma_wait3A_568] : memref<2x1024xf32, #tpu.memory_space<vmem>> -> memref<1x1024xf32, #tpu.memory_space<vmem>>
      %dma_wait3A_570 = tpu.memref_squeeze %dma_wait3A_569 : memref<1x1024xf32, #tpu.memory_space<vmem>> -> memref<1024xf32, #tpu.memory_space<vmem>>
      tpu.wait_dma2 semaphore(%arg9 : memref<!tpu.dma_semaphore, #tpu.memory_space<semaphore_mem>>) src(%dma_wait3A_570 : memref<1024xf32, #tpu.memory_space<vmem>>) dst(%dma_wait3A_567 : memref<1024xf32, #tpu.memory_space<hbm>>)
      %parallel_loop3A_571 = arith.constant 0 : i32
      %parallel_loop3A_572 = arith.constant 1024 : i32
      %parallel_loop3A_573 = arith.constant 16 : i32
      scf.for %parallel_loop3A_587 = %parallel_loop3A_571 to %parallel_loop3A_572 step %parallel_loop3A_573  : i32 {
        %parallel_loop3A_588 = arith.constant 1024 : i32
        %parallel_loop3A_589 = arith.muli %add3A_557, %parallel_loop3A_588 : i32
        %parallel_loop3A_590 = arith.addi %parallel_loop3A_589, %parallel_loop3A_587 : i32
        %parallel_loop3A_591 = arith.index_cast %parallel_loop3A_590 : i32 to index
        %parallel_loop3A_592 = tpu.vector_load %arg6[%parallel_loop3A_591] {strides = array<i32>} : memref<16384xi32, #tpu.memory_space<vmem>>, vector<16xi32>,
        %parallel_loop3A_593 = tpu.vector_load_idx %arg5[%parallel_loop3A_592] : memref<100000xf32, #tpu.memory_space<vmem>>[vector<16xi32>], vector<16xf32>,
        %parallel_loop3A_594 = arith.constant 1 : i32
        %parallel_loop3A_595 = arith.index_cast %parallel_loop3A_594 : i32 to index
        %parallel_loop3A_596 = arith.index_cast %parallel_loop3A_587 : i32 to index
        %parallel_loop3A_597 = tpu.vector_load %arg7[%parallel_loop3A_595, %parallel_loop3A_596] {strides = array<i32>} : memref<2x1024xf32, #tpu.memory_space<vmem>>, vector<16xf32>,
        tpu.vector_store %arg7[%parallel_loop3A_595, %parallel_loop3A_596], %parallel_loop3A_593 {strides = array<i32>} : memref<2x1024xf32, #tpu.memory_space<vmem>>, vector<16xf32>,
      } {sc.loop_unroll_factor = 8 : i64, sc.parallel_access}
      %mul3A_574 = arith.constant 1024 : i32
      %mul3A_575 = arith.muli %add3A_557, %mul3A_574 : i32
      %dma_start3A_576 = arith.constant 1 : i32
      %dma_start3A_577 = arith.constant 0 : i32
      %dma_start3A_578 = tpu.memref_slice %arg7[%dma_start3A_576, %dma_start3A_577] : memref<2x1024xf32, #tpu.memory_space<vmem>> -> memref<1x1024xf32, #tpu.memory_space<vmem>>
      %dma_start3A_579 = tpu.memref_squeeze %dma_start3A_578 : memref<1x1024xf32, #tpu.memory_space<vmem>> -> memref<1024xf32, #tpu.memory_space<vmem>>
      %dma_start3A_580 = tpu.memref_slice %arg4[%select_n3A_128, %rem3A_130, %mul3A_575] : memref<26x16x16384xf32, #tpu.memory_space<hbm>> -> memref<1x1x1024xf32, #tpu.memory_space<hbm>>
      %dma_start3A_581 = tpu.memref_squeeze %dma_start3A_580 : memref<1x1x1024xf32, #tpu.memory_space<hbm>> -> memref<1024xf32, #tpu.memory_space<hbm>>
      %dma_start3A_582 = tpu.memref_slice %arg4[%select_n3A_128, %rem3A_130, %mul3A_575] : memref<26x16x16384xf32, #tpu.memory_space<hbm>> -> memref<1x1x1024xf32, #tpu.memory_space<hbm>>
      %dma_start3A_583 = tpu.memref_squeeze %dma_start3A_582 : memref<1x1x1024xf32, #tpu.memory_space<hbm>> -> memref<1024xf32, #tpu.memory_space<hbm>>
      %dma_start3A_584 = arith.constant 0 : i32
      %dma_start3A_585 = tpu.memref_slice %arg7[%dma_start3A_576, %dma_start3A_584] : memref<2x1024xf32, #tpu.memory_space<vmem>> -> memref<1x1024xf32, #tpu.memory_space<vmem>>
      %dma_start3A_586 = tpu.memref_squeeze %dma_start3A_585 : memref<1x1024xf32, #tpu.memory_space<vmem>> -> memref<1024xf32, #tpu.memory_space<vmem>>
      tpu.enqueue_dma source(%dma_start3A_586 : memref<1024xf32, #tpu.memory_space<vmem>>) target(%dma_start3A_583 : memref<1024xf32, #tpu.memory_space<hbm>>) target_semaphore(%arg9 : memref<!tpu.dma_semaphore, #tpu.memory_space<semaphore_mem>>)
    }
    %scan3A_141 = arith.constant 8 : i32
    %add3A_142 = arith.constant 4 : i32
    %add3A_143 = arith.addi %mul3A_2, %add3A_142 : i32
    %jit3A_144 = arith.constant 16 : i32
    %div3A_145 = arith.divsi %add3A_143, %jit3A_144 : i32
    %sign3A_146 = arith.constant 0 : i32
    %sign3A_147 = arith.cmpi sgt, %add3A_143, %sign3A_146 : i32
    %sign3A_148 = arith.extui %sign3A_147 : i1 to i32
    %sign3A_149 = arith.constant 0 : i32
    %sign3A_150 = arith.cmpi slt, %add3A_143, %sign3A_149 : i32
    %sign3A_151 = arith.extui %sign3A_150 : i1 to i32
    %sign3A_152 = arith.subi %sign3A_148, %sign3A_151 : i32
    %sign3A_153 = arith.constant 0 : i32
    %sign3A_154 = arith.cmpi sgt, %jit3A_144, %sign3A_153 : i32
    %sign3A_155 = arith.extui %sign3A_154 : i1 to i32
    %sign3A_156 = arith.constant 0 : i32
    %sign3A_157 = arith.cmpi slt, %jit3A_144, %sign3A_156 : i32
    %sign3A_158 = arith.extui %sign3A_157 : i1 to i32
    %sign3A_159 = arith.subi %sign3A_155, %sign3A_158 : i32
    %ne3A_160 = arith.cmpi ne, %sign3A_152, %sign3A_159 : i32
    %rem3A_161 = arith.remsi %add3A_143, %jit3A_144 : i32
    %ne3A_162 = arith.constant 0 : i32
    %ne3A_163 = arith.cmpi ne, %rem3A_161, %ne3A_162 : i32
    %and3A_164 = arith.andi %ne3A_160, %ne3A_163 : i1
    %sub3A_165 = arith.constant 1 : i32
    %sub3A_166 = arith.subi %div3A_145, %sub3A_165 : i32
    %select_n3A_167 = arith.select %and3A_164, %sub3A_166, %div3A_145 : i32
    %rem3A_168 = arith.constant 16 : i32
    %rem3A_169 = arith.remsi %add3A_143, %rem3A_168 : i32
    %eq3A_170 = arith.constant 0 : i32
    %eq3A_171 = arith.cmpi eq, %rem3A_169, %eq3A_170 : i32
    %convert_element_type3A_172 = arith.extui %eq3A_171 : i1 to i32
    %cond3A_173 = arith.constant 0 : i32
    %cond3A_174 = arith.cmpi ne, %convert_element_type3A_172, %cond3A_173 : i32
    scf.if %cond3A_174 {
      "tpu.region"() ({
        %run_scoped3A = tpu.sem_alloc : memref<!tpu.dma_semaphore, #tpu.memory_space<semaphore_mem>>
        %dma_start3A = arith.constant 0 : i32
        %dma_start3A_522 = tpu.memref_slice %arg3[%select_n3A_167, %dma_start3A] : memref<26x16384xi32, #tpu.memory_space<hbm>> -> memref<1x16384xi32, #tpu.memory_space<hbm>>
        %dma_start3A_523 = tpu.memref_squeeze %dma_start3A_522 : memref<1x16384xi32, #tpu.memory_space<hbm>> -> memref<16384xi32, #tpu.memory_space<hbm>>
        %dma_start3A_524 = arith.constant 0 : i32
        %dma_start3A_525 = tpu.memref_slice %arg3[%select_n3A_167, %dma_start3A_524] : memref<26x16384xi32, #tpu.memory_space<hbm>> -> memref<1x16384xi32, #tpu.memory_space<hbm>>
        %dma_start3A_526 = tpu.memref_squeeze %dma_start3A_525 : memref<1x16384xi32, #tpu.memory_space<hbm>> -> memref<16384xi32, #tpu.memory_space<hbm>>
        tpu.enqueue_dma source(%dma_start3A_526 : memref<16384xi32, #tpu.memory_space<hbm>>) target(%arg6 : memref<16384xi32, #tpu.memory_space<vmem>>) target_semaphore(%run_scoped3A : memref<!tpu.dma_semaphore, #tpu.memory_space<semaphore_mem>>)
        %dma_wait3A_527 = arith.constant 0 : i32
        %dma_wait3A_528 = tpu.memref_slice %arg3[%select_n3A_167, %dma_wait3A_527] : memref<26x16384xi32, #tpu.memory_space<hbm>> -> memref<1x16384xi32, #tpu.memory_space<hbm>>
        %dma_wait3A_529 = tpu.memref_squeeze %dma_wait3A_528 : memref<1x16384xi32, #tpu.memory_space<hbm>> -> memref<16384xi32, #tpu.memory_space<hbm>>
        %dma_wait3A_530 = arith.constant 0 : i32
        %dma_wait3A_531 = tpu.memref_slice %arg3[%select_n3A_167, %dma_wait3A_530] : memref<26x16384xi32, #tpu.memory_space<hbm>> -> memref<1x16384xi32, #tpu.memory_space<hbm>>
        %dma_wait3A_532 = tpu.memref_squeeze %dma_wait3A_531 : memref<1x16384xi32, #tpu.memory_space<hbm>> -> memref<16384xi32, #tpu.memory_space<hbm>>
        tpu.wait_dma2 semaphore(%run_scoped3A : memref<!tpu.dma_semaphore, #tpu.memory_space<semaphore_mem>>) src(%dma_wait3A_532 : memref<16384xi32, #tpu.memory_space<hbm>>) dst(%arg6 : memref<16384xi32, #tpu.memory_space<vmem>>)
        tpu.yield
      }) : () -> ()
    } else {
    }
    "tpu.region"() ({
      %run_scoped3A = tpu.sem_alloc : memref<!tpu.dma_semaphore, #tpu.memory_space<semaphore_mem>>
      %dma_start3A = arith.constant 0 : i32
      %dma_start3A_522 = tpu.memref_slice %arg2[%select_n3A_167, %rem3A_169, %dma_start3A] : memref<26x16x100000xf32, #tpu.memory_space<hbm>> -> memref<1x1x100000xf32, #tpu.memory_space<hbm>>
      %dma_start3A_523 = tpu.memref_squeeze %dma_start3A_522 : memref<1x1x100000xf32, #tpu.memory_space<hbm>> -> memref<100000xf32, #tpu.memory_space<hbm>>
      %dma_start3A_524 = arith.constant 0 : i32
      %dma_start3A_525 = tpu.memref_slice %arg2[%select_n3A_167, %rem3A_169, %dma_start3A_524] : memref<26x16x100000xf32, #tpu.memory_space<hbm>> -> memref<1x1x100000xf32, #tpu.memory_space<hbm>>
      %dma_start3A_526 = tpu.memref_squeeze %dma_start3A_525 : memref<1x1x100000xf32, #tpu.memory_space<hbm>> -> memref<100000xf32, #tpu.memory_space<hbm>>
      tpu.enqueue_dma source(%dma_start3A_526 : memref<100000xf32, #tpu.memory_space<hbm>>) target(%arg5 : memref<100000xf32, #tpu.memory_space<vmem>>) target_semaphore(%run_scoped3A : memref<!tpu.dma_semaphore, #tpu.memory_space<semaphore_mem>>)
      %dma_wait3A_527 = arith.constant 0 : i32
      %dma_wait3A_528 = tpu.memref_slice %arg2[%select_n3A_167, %rem3A_169, %dma_wait3A_527] : memref<26x16x100000xf32, #tpu.memory_space<hbm>> -> memref<1x1x100000xf32, #tpu.memory_space<hbm>>
      %dma_wait3A_529 = tpu.memref_squeeze %dma_wait3A_528 : memref<1x1x100000xf32, #tpu.memory_space<hbm>> -> memref<100000xf32, #tpu.memory_space<hbm>>
      %dma_wait3A_530 = arith.constant 0 : i32
      %dma_wait3A_531 = tpu.memref_slice %arg2[%select_n3A_167, %rem3A_169, %dma_wait3A_530] : memref<26x16x100000xf32, #tpu.memory_space<hbm>> -> memref<1x1x100000xf32, #tpu.memory_space<hbm>>
      %dma_wait3A_532 = tpu.memref_squeeze %dma_wait3A_531 : memref<1x1x100000xf32, #tpu.memory_space<hbm>> -> memref<100000xf32, #tpu.memory_space<hbm>>
      tpu.wait_dma2 semaphore(%run_scoped3A : memref<!tpu.dma_semaphore, #tpu.memory_space<semaphore_mem>>) src(%dma_wait3A_532 : memref<100000xf32, #tpu.memory_space<hbm>>) dst(%arg5 : memref<100000xf32, #tpu.memory_space<vmem>>)
      tpu.yield
    }) : () -> ()
    %scan3A_175 = arith.constant 0 : i32
    %scan3A_176 = arith.constant 0 : i32
    %scan3A_177 = arith.constant 8 : i32
    %scan3A_178 = arith.addi %scan3A_176, %scan3A_177 : i32
    %scan3A_179 = arith.constant 1 : i32
    scf.for %scan3A_522 = %scan3A_176 to %scan3A_178 step %scan3A_179  : i32 {
      %mul3A_523 = arith.constant 2 : i32
      %mul3A_524 = arith.muli %mul3A_523, %scan3A_522 : i32
      %add3A_525 = arith.constant 0 : i32
      %add3A_526 = arith.addi %mul3A_524, %add3A_525 : i32
      %mul3A_527 = arith.constant 1024 : i32
      %mul3A_528 = arith.muli %add3A_526, %mul3A_527 : i32
      %dma_wait3A_529 = arith.constant 0 : i32
      %dma_wait3A_530 = arith.constant 0 : i32
      %dma_wait3A_531 = tpu.memref_slice %arg7[%dma_wait3A_529, %dma_wait3A_530] : memref<2x1024xf32, #tpu.memory_space<vmem>> -> memref<1x1024xf32, #tpu.memory_space<vmem>>
      %dma_wait3A_532 = tpu.memref_squeeze %dma_wait3A_531 : memref<1x1024xf32, #tpu.memory_space<vmem>> -> memref<1024xf32, #tpu.memory_space<vmem>>
      %dma_wait3A_533 = tpu.memref_slice %arg4[%select_n3A_167, %rem3A_169, %mul3A_528] : memref<26x16x16384xf32, #tpu.memory_space<hbm>> -> memref<1x1x1024xf32, #tpu.memory_space<hbm>>
      %dma_wait3A_534 = tpu.memref_squeeze %dma_wait3A_533 : memref<1x1x1024xf32, #tpu.memory_space<hbm>> -> memref<1024xf32, #tpu.memory_space<hbm>>
      %dma_wait3A_535 = tpu.memref_slice %arg4[%select_n3A_167, %rem3A_169, %mul3A_528] : memref<26x16x16384xf32, #tpu.memory_space<hbm>> -> memref<1x1x1024xf32, #tpu.memory_space<hbm>>
      %dma_wait3A_536 = tpu.memref_squeeze %dma_wait3A_535 : memref<1x1x1024xf32, #tpu.memory_space<hbm>> -> memref<1024xf32, #tpu.memory_space<hbm>>
      %dma_wait3A_537 = arith.constant 0 : i32
      %dma_wait3A_538 = tpu.memref_slice %arg7[%dma_wait3A_529, %dma_wait3A_537] : memref<2x1024xf32, #tpu.memory_space<vmem>> -> memref<1x1024xf32, #tpu.memory_space<vmem>>
      %dma_wait3A_539 = tpu.memref_squeeze %dma_wait3A_538 : memref<1x1024xf32, #tpu.memory_space<vmem>> -> memref<1024xf32, #tpu.memory_space<vmem>>
      tpu.wait_dma2 semaphore(%arg8 : memref<!tpu.dma_semaphore, #tpu.memory_space<semaphore_mem>>) src(%dma_wait3A_539 : memref<1024xf32, #tpu.memory_space<vmem>>) dst(%dma_wait3A_536 : memref<1024xf32, #tpu.memory_space<hbm>>)
      %parallel_loop3A = arith.constant 0 : i32
      %parallel_loop3A_540 = arith.constant 1024 : i32
      %parallel_loop3A_541 = arith.constant 16 : i32
      scf.for %parallel_loop3A_587 = %parallel_loop3A to %parallel_loop3A_540 step %parallel_loop3A_541  : i32 {
        %parallel_loop3A_588 = arith.constant 1024 : i32
        %parallel_loop3A_589 = arith.muli %add3A_526, %parallel_loop3A_588 : i32
        %parallel_loop3A_590 = arith.addi %parallel_loop3A_589, %parallel_loop3A_587 : i32
        %parallel_loop3A_591 = arith.index_cast %parallel_loop3A_590 : i32 to index
        %parallel_loop3A_592 = tpu.vector_load %arg6[%parallel_loop3A_591] {strides = array<i32>} : memref<16384xi32, #tpu.memory_space<vmem>>, vector<16xi32>,
        %parallel_loop3A_593 = tpu.vector_load_idx %arg5[%parallel_loop3A_592] : memref<100000xf32, #tpu.memory_space<vmem>>[vector<16xi32>], vector<16xf32>,
        %parallel_loop3A_594 = arith.constant 0 : i32
        %parallel_loop3A_595 = arith.index_cast %parallel_loop3A_594 : i32 to index
        %parallel_loop3A_596 = arith.index_cast %parallel_loop3A_587 : i32 to index
        %parallel_loop3A_597 = tpu.vector_load %arg7[%parallel_loop3A_595, %parallel_loop3A_596] {strides = array<i32>} : memref<2x1024xf32, #tpu.memory_space<vmem>>, vector<16xf32>,
        tpu.vector_store %arg7[%parallel_loop3A_595, %parallel_loop3A_596], %parallel_loop3A_593 {strides = array<i32>} : memref<2x1024xf32, #tpu.memory_space<vmem>>, vector<16xf32>,
      } {sc.loop_unroll_factor = 8 : i64, sc.parallel_access}
      %mul3A_542 = arith.constant 1024 : i32
      %mul3A_543 = arith.muli %add3A_526, %mul3A_542 : i32
      %dma_start3A = arith.constant 0 : i32
      %dma_start3A_544 = arith.constant 0 : i32
      %dma_start3A_545 = tpu.memref_slice %arg7[%dma_start3A, %dma_start3A_544] : memref<2x1024xf32, #tpu.memory_space<vmem>> -> memref<1x1024xf32, #tpu.memory_space<vmem>>
      %dma_start3A_546 = tpu.memref_squeeze %dma_start3A_545 : memref<1x1024xf32, #tpu.memory_space<vmem>> -> memref<1024xf32, #tpu.memory_space<vmem>>
      %dma_start3A_547 = tpu.memref_slice %arg4[%select_n3A_167, %rem3A_169, %mul3A_543] : memref<26x16x16384xf32, #tpu.memory_space<hbm>> -> memref<1x1x1024xf32, #tpu.memory_space<hbm>>
      %dma_start3A_548 = tpu.memref_squeeze %dma_start3A_547 : memref<1x1x1024xf32, #tpu.memory_space<hbm>> -> memref<1024xf32, #tpu.memory_space<hbm>>
      %dma_start3A_549 = tpu.memref_slice %arg4[%select_n3A_167, %rem3A_169, %mul3A_543] : memref<26x16x16384xf32, #tpu.memory_space<hbm>> -> memref<1x1x1024xf32, #tpu.memory_space<hbm>>
      %dma_start3A_550 = tpu.memref_squeeze %dma_start3A_549 : memref<1x1x1024xf32, #tpu.memory_space<hbm>> -> memref<1024xf32, #tpu.memory_space<hbm>>
      %dma_start3A_551 = arith.constant 0 : i32
      %dma_start3A_552 = tpu.memref_slice %arg7[%dma_start3A, %dma_start3A_551] : memref<2x1024xf32, #tpu.memory_space<vmem>> -> memref<1x1024xf32, #tpu.memory_space<vmem>>
      %dma_start3A_553 = tpu.memref_squeeze %dma_start3A_552 : memref<1x1024xf32, #tpu.memory_space<vmem>> -> memref<1024xf32, #tpu.memory_space<vmem>>
      tpu.enqueue_dma source(%dma_start3A_553 : memref<1024xf32, #tpu.memory_space<vmem>>) target(%dma_start3A_550 : memref<1024xf32, #tpu.memory_space<hbm>>) target_semaphore(%arg8 : memref<!tpu.dma_semaphore, #tpu.memory_space<semaphore_mem>>)
      %mul3A_554 = arith.constant 2 : i32
      %mul3A_555 = arith.muli %mul3A_554, %scan3A_522 : i32
      %add3A_556 = arith.constant 1 : i32
      %add3A_557 = arith.addi %mul3A_555, %add3A_556 : i32
      %mul3A_558 = arith.constant 1024 : i32
      %mul3A_559 = arith.muli %add3A_557, %mul3A_558 : i32
      %dma_wait3A_560 = arith.constant 1 : i32
      %dma_wait3A_561 = arith.constant 0 : i32
      %dma_wait3A_562 = tpu.memref_slice %arg7[%dma_wait3A_560, %dma_wait3A_561] : memref<2x1024xf32, #tpu.memory_space<vmem>> -> memref<1x1024xf32, #tpu.memory_space<vmem>>
      %dma_wait3A_563 = tpu.memref_squeeze %dma_wait3A_562 : memref<1x1024xf32, #tpu.memory_space<vmem>> -> memref<1024xf32, #tpu.memory_space<vmem>>
      %dma_wait3A_564 = tpu.memref_slice %arg4[%select_n3A_167, %rem3A_169, %mul3A_559] : memref<26x16x16384xf32, #tpu.memory_space<hbm>> -> memref<1x1x1024xf32, #tpu.memory_space<hbm>>
      %dma_wait3A_565 = tpu.memref_squeeze %dma_wait3A_564 : memref<1x1x1024xf32, #tpu.memory_space<hbm>> -> memref<1024xf32, #tpu.memory_space<hbm>>
      %dma_wait3A_566 = tpu.memref_slice %arg4[%select_n3A_167, %rem3A_169, %mul3A_559] : memref<26x16x16384xf32, #tpu.memory_space<hbm>> -> memref<1x1x1024xf32, #tpu.memory_space<hbm>>
      %dma_wait3A_567 = tpu.memref_squeeze %dma_wait3A_566 : memref<1x1x1024xf32, #tpu.memory_space<hbm>> -> memref<1024xf32, #tpu.memory_space<hbm>>
      %dma_wait3A_568 = arith.constant 0 : i32
      %dma_wait3A_569 = tpu.memref_slice %arg7[%dma_wait3A_560, %dma_wait3A_568] : memref<2x1024xf32, #tpu.memory_space<vmem>> -> memref<1x1024xf32, #tpu.memory_space<vmem>>
      %dma_wait3A_570 = tpu.memref_squeeze %dma_wait3A_569 : memref<1x1024xf32, #tpu.memory_space<vmem>> -> memref<1024xf32, #tpu.memory_space<vmem>>
      tpu.wait_dma2 semaphore(%arg9 : memref<!tpu.dma_semaphore, #tpu.memory_space<semaphore_mem>>) src(%dma_wait3A_570 : memref<1024xf32, #tpu.memory_space<vmem>>) dst(%dma_wait3A_567 : memref<1024xf32, #tpu.memory_space<hbm>>)
      %parallel_loop3A_571 = arith.constant 0 : i32
      %parallel_loop3A_572 = arith.constant 1024 : i32
      %parallel_loop3A_573 = arith.constant 16 : i32
      scf.for %parallel_loop3A_587 = %parallel_loop3A_571 to %parallel_loop3A_572 step %parallel_loop3A_573  : i32 {
        %parallel_loop3A_588 = arith.constant 1024 : i32
        %parallel_loop3A_589 = arith.muli %add3A_557, %parallel_loop3A_588 : i32
        %parallel_loop3A_590 = arith.addi %parallel_loop3A_589, %parallel_loop3A_587 : i32
        %parallel_loop3A_591 = arith.index_cast %parallel_loop3A_590 : i32 to index
        %parallel_loop3A_592 = tpu.vector_load %arg6[%parallel_loop3A_591] {strides = array<i32>} : memref<16384xi32, #tpu.memory_space<vmem>>, vector<16xi32>,
        %parallel_loop3A_593 = tpu.vector_load_idx %arg5[%parallel_loop3A_592] : memref<100000xf32, #tpu.memory_space<vmem>>[vector<16xi32>], vector<16xf32>,
        %parallel_loop3A_594 = arith.constant 1 : i32
        %parallel_loop3A_595 = arith.index_cast %parallel_loop3A_594 : i32 to index
        %parallel_loop3A_596 = arith.index_cast %parallel_loop3A_587 : i32 to index
        %parallel_loop3A_597 = tpu.vector_load %arg7[%parallel_loop3A_595, %parallel_loop3A_596] {strides = array<i32>} : memref<2x1024xf32, #tpu.memory_space<vmem>>, vector<16xf32>,
        tpu.vector_store %arg7[%parallel_loop3A_595, %parallel_loop3A_596], %parallel_loop3A_593 {strides = array<i32>} : memref<2x1024xf32, #tpu.memory_space<vmem>>, vector<16xf32>,
      } {sc.loop_unroll_factor = 8 : i64, sc.parallel_access}
      %mul3A_574 = arith.constant 1024 : i32
      %mul3A_575 = arith.muli %add3A_557, %mul3A_574 : i32
      %dma_start3A_576 = arith.constant 1 : i32
      %dma_start3A_577 = arith.constant 0 : i32
      %dma_start3A_578 = tpu.memref_slice %arg7[%dma_start3A_576, %dma_start3A_577] : memref<2x1024xf32, #tpu.memory_space<vmem>> -> memref<1x1024xf32, #tpu.memory_space<vmem>>
      %dma_start3A_579 = tpu.memref_squeeze %dma_start3A_578 : memref<1x1024xf32, #tpu.memory_space<vmem>> -> memref<1024xf32, #tpu.memory_space<vmem>>
      %dma_start3A_580 = tpu.memref_slice %arg4[%select_n3A_167, %rem3A_169, %mul3A_575] : memref<26x16x16384xf32, #tpu.memory_space<hbm>> -> memref<1x1x1024xf32, #tpu.memory_space<hbm>>
      %dma_start3A_581 = tpu.memref_squeeze %dma_start3A_580 : memref<1x1x1024xf32, #tpu.memory_space<hbm>> -> memref<1024xf32, #tpu.memory_space<hbm>>
      %dma_start3A_582 = tpu.memref_slice %arg4[%select_n3A_167, %rem3A_169, %mul3A_575] : memref<26x16x16384xf32, #tpu.memory_space<hbm>> -> memref<1x1x1024xf32, #tpu.memory_space<hbm>>
      %dma_start3A_583 = tpu.memref_squeeze %dma_start3A_582 : memref<1x1x1024xf32, #tpu.memory_space<hbm>> -> memref<1024xf32, #tpu.memory_space<hbm>>
      %dma_start3A_584 = arith.constant 0 : i32
      %dma_start3A_585 = tpu.memref_slice %arg7[%dma_start3A_576, %dma_start3A_584] : memref<2x1024xf32, #tpu.memory_space<vmem>> -> memref<1x1024xf32, #tpu.memory_space<vmem>>
      %dma_start3A_586 = tpu.memref_squeeze %dma_start3A_585 : memref<1x1024xf32, #tpu.memory_space<vmem>> -> memref<1024xf32, #tpu.memory_space<vmem>>
      tpu.enqueue_dma source(%dma_start3A_586 : memref<1024xf32, #tpu.memory_space<vmem>>) target(%dma_start3A_583 : memref<1024xf32, #tpu.memory_space<hbm>>) target_semaphore(%arg9 : memref<!tpu.dma_semaphore, #tpu.memory_space<semaphore_mem>>)
    }
    %scan3A_180 = arith.constant 8 : i32
    %add3A_181 = arith.constant 5 : i32
    %add3A_182 = arith.addi %mul3A_2, %add3A_181 : i32
    %jit3A_183 = arith.constant 16 : i32
    %div3A_184 = arith.divsi %add3A_182, %jit3A_183 : i32
    %sign3A_185 = arith.constant 0 : i32
    %sign3A_186 = arith.cmpi sgt, %add3A_182, %sign3A_185 : i32
    %sign3A_187 = arith.extui %sign3A_186 : i1 to i32
    %sign3A_188 = arith.constant 0 : i32
    %sign3A_189 = arith.cmpi slt, %add3A_182, %sign3A_188 : i32
    %sign3A_190 = arith.extui %sign3A_189 : i1 to i32
    %sign3A_191 = arith.subi %sign3A_187, %sign3A_190 : i32
    %sign3A_192 = arith.constant 0 : i32
    %sign3A_193 = arith.cmpi sgt, %jit3A_183, %sign3A_192 : i32
    %sign3A_194 = arith.extui %sign3A_193 : i1 to i32
    %sign3A_195 = arith.constant 0 : i32
    %sign3A_196 = arith.cmpi slt, %jit3A_183, %sign3A_195 : i32
    %sign3A_197 = arith.extui %sign3A_196 : i1 to i32
    %sign3A_198 = arith.subi %sign3A_194, %sign3A_197 : i32
    %ne3A_199 = arith.cmpi ne, %sign3A_191, %sign3A_198 : i32
    %rem3A_200 = arith.remsi %add3A_182, %jit3A_183 : i32
    %ne3A_201 = arith.constant 0 : i32
    %ne3A_202 = arith.cmpi ne, %rem3A_200, %ne3A_201 : i32
    %and3A_203 = arith.andi %ne3A_199, %ne3A_202 : i1
    %sub3A_204 = arith.constant 1 : i32
    %sub3A_205 = arith.subi %div3A_184, %sub3A_204 : i32
    %select_n3A_206 = arith.select %and3A_203, %sub3A_205, %div3A_184 : i32
    %rem3A_207 = arith.constant 16 : i32
    %rem3A_208 = arith.remsi %add3A_182, %rem3A_207 : i32
    %eq3A_209 = arith.constant 0 : i32
    %eq3A_210 = arith.cmpi eq, %rem3A_208, %eq3A_209 : i32
    %convert_element_type3A_211 = arith.extui %eq3A_210 : i1 to i32
    %cond3A_212 = arith.constant 0 : i32
    %cond3A_213 = arith.cmpi ne, %convert_element_type3A_211, %cond3A_212 : i32
    scf.if %cond3A_213 {
      "tpu.region"() ({
        %run_scoped3A = tpu.sem_alloc : memref<!tpu.dma_semaphore, #tpu.memory_space<semaphore_mem>>
        %dma_start3A = arith.constant 0 : i32
        %dma_start3A_522 = tpu.memref_slice %arg3[%select_n3A_206, %dma_start3A] : memref<26x16384xi32, #tpu.memory_space<hbm>> -> memref<1x16384xi32, #tpu.memory_space<hbm>>
        %dma_start3A_523 = tpu.memref_squeeze %dma_start3A_522 : memref<1x16384xi32, #tpu.memory_space<hbm>> -> memref<16384xi32, #tpu.memory_space<hbm>>
        %dma_start3A_524 = arith.constant 0 : i32
        %dma_start3A_525 = tpu.memref_slice %arg3[%select_n3A_206, %dma_start3A_524] : memref<26x16384xi32, #tpu.memory_space<hbm>> -> memref<1x16384xi32, #tpu.memory_space<hbm>>
        %dma_start3A_526 = tpu.memref_squeeze %dma_start3A_525 : memref<1x16384xi32, #tpu.memory_space<hbm>> -> memref<16384xi32, #tpu.memory_space<hbm>>
        tpu.enqueue_dma source(%dma_start3A_526 : memref<16384xi32, #tpu.memory_space<hbm>>) target(%arg6 : memref<16384xi32, #tpu.memory_space<vmem>>) target_semaphore(%run_scoped3A : memref<!tpu.dma_semaphore, #tpu.memory_space<semaphore_mem>>)
        %dma_wait3A_527 = arith.constant 0 : i32
        %dma_wait3A_528 = tpu.memref_slice %arg3[%select_n3A_206, %dma_wait3A_527] : memref<26x16384xi32, #tpu.memory_space<hbm>> -> memref<1x16384xi32, #tpu.memory_space<hbm>>
        %dma_wait3A_529 = tpu.memref_squeeze %dma_wait3A_528 : memref<1x16384xi32, #tpu.memory_space<hbm>> -> memref<16384xi32, #tpu.memory_space<hbm>>
        %dma_wait3A_530 = arith.constant 0 : i32
        %dma_wait3A_531 = tpu.memref_slice %arg3[%select_n3A_206, %dma_wait3A_530] : memref<26x16384xi32, #tpu.memory_space<hbm>> -> memref<1x16384xi32, #tpu.memory_space<hbm>>
        %dma_wait3A_532 = tpu.memref_squeeze %dma_wait3A_531 : memref<1x16384xi32, #tpu.memory_space<hbm>> -> memref<16384xi32, #tpu.memory_space<hbm>>
        tpu.wait_dma2 semaphore(%run_scoped3A : memref<!tpu.dma_semaphore, #tpu.memory_space<semaphore_mem>>) src(%dma_wait3A_532 : memref<16384xi32, #tpu.memory_space<hbm>>) dst(%arg6 : memref<16384xi32, #tpu.memory_space<vmem>>)
        tpu.yield
      }) : () -> ()
    } else {
    }
    "tpu.region"() ({
      %run_scoped3A = tpu.sem_alloc : memref<!tpu.dma_semaphore, #tpu.memory_space<semaphore_mem>>
      %dma_start3A = arith.constant 0 : i32
      %dma_start3A_522 = tpu.memref_slice %arg2[%select_n3A_206, %rem3A_208, %dma_start3A] : memref<26x16x100000xf32, #tpu.memory_space<hbm>> -> memref<1x1x100000xf32, #tpu.memory_space<hbm>>
      %dma_start3A_523 = tpu.memref_squeeze %dma_start3A_522 : memref<1x1x100000xf32, #tpu.memory_space<hbm>> -> memref<100000xf32, #tpu.memory_space<hbm>>
      %dma_start3A_524 = arith.constant 0 : i32
      %dma_start3A_525 = tpu.memref_slice %arg2[%select_n3A_206, %rem3A_208, %dma_start3A_524] : memref<26x16x100000xf32, #tpu.memory_space<hbm>> -> memref<1x1x100000xf32, #tpu.memory_space<hbm>>
      %dma_start3A_526 = tpu.memref_squeeze %dma_start3A_525 : memref<1x1x100000xf32, #tpu.memory_space<hbm>> -> memref<100000xf32, #tpu.memory_space<hbm>>
      tpu.enqueue_dma source(%dma_start3A_526 : memref<100000xf32, #tpu.memory_space<hbm>>) target(%arg5 : memref<100000xf32, #tpu.memory_space<vmem>>) target_semaphore(%run_scoped3A : memref<!tpu.dma_semaphore, #tpu.memory_space<semaphore_mem>>)
      %dma_wait3A_527 = arith.constant 0 : i32
      %dma_wait3A_528 = tpu.memref_slice %arg2[%select_n3A_206, %rem3A_208, %dma_wait3A_527] : memref<26x16x100000xf32, #tpu.memory_space<hbm>> -> memref<1x1x100000xf32, #tpu.memory_space<hbm>>
      %dma_wait3A_529 = tpu.memref_squeeze %dma_wait3A_528 : memref<1x1x100000xf32, #tpu.memory_space<hbm>> -> memref<100000xf32, #tpu.memory_space<hbm>>
      %dma_wait3A_530 = arith.constant 0 : i32
      %dma_wait3A_531 = tpu.memref_slice %arg2[%select_n3A_206, %rem3A_208, %dma_wait3A_530] : memref<26x16x100000xf32, #tpu.memory_space<hbm>> -> memref<1x1x100000xf32, #tpu.memory_space<hbm>>
      %dma_wait3A_532 = tpu.memref_squeeze %dma_wait3A_531 : memref<1x1x100000xf32, #tpu.memory_space<hbm>> -> memref<100000xf32, #tpu.memory_space<hbm>>
      tpu.wait_dma2 semaphore(%run_scoped3A : memref<!tpu.dma_semaphore, #tpu.memory_space<semaphore_mem>>) src(%dma_wait3A_532 : memref<100000xf32, #tpu.memory_space<hbm>>) dst(%arg5 : memref<100000xf32, #tpu.memory_space<vmem>>)
      tpu.yield
    }) : () -> ()
    %scan3A_214 = arith.constant 0 : i32
    %scan3A_215 = arith.constant 0 : i32
    %scan3A_216 = arith.constant 8 : i32
    %scan3A_217 = arith.addi %scan3A_215, %scan3A_216 : i32
    %scan3A_218 = arith.constant 1 : i32
    scf.for %scan3A_522 = %scan3A_215 to %scan3A_217 step %scan3A_218  : i32 {
      %mul3A_523 = arith.constant 2 : i32
      %mul3A_524 = arith.muli %mul3A_523, %scan3A_522 : i32
      %add3A_525 = arith.constant 0 : i32
      %add3A_526 = arith.addi %mul3A_524, %add3A_525 : i32
      %mul3A_527 = arith.constant 1024 : i32
      %mul3A_528 = arith.muli %add3A_526, %mul3A_527 : i32
      %dma_wait3A_529 = arith.constant 0 : i32
      %dma_wait3A_530 = arith.constant 0 : i32
      %dma_wait3A_531 = tpu.memref_slice %arg7[%dma_wait3A_529, %dma_wait3A_530] : memref<2x1024xf32, #tpu.memory_space<vmem>> -> memref<1x1024xf32, #tpu.memory_space<vmem>>
      %dma_wait3A_532 = tpu.memref_squeeze %dma_wait3A_531 : memref<1x1024xf32, #tpu.memory_space<vmem>> -> memref<1024xf32, #tpu.memory_space<vmem>>
      %dma_wait3A_533 = tpu.memref_slice %arg4[%select_n3A_206, %rem3A_208, %mul3A_528] : memref<26x16x16384xf32, #tpu.memory_space<hbm>> -> memref<1x1x1024xf32, #tpu.memory_space<hbm>>
      %dma_wait3A_534 = tpu.memref_squeeze %dma_wait3A_533 : memref<1x1x1024xf32, #tpu.memory_space<hbm>> -> memref<1024xf32, #tpu.memory_space<hbm>>
      %dma_wait3A_535 = tpu.memref_slice %arg4[%select_n3A_206, %rem3A_208, %mul3A_528] : memref<26x16x16384xf32, #tpu.memory_space<hbm>> -> memref<1x1x1024xf32, #tpu.memory_space<hbm>>
      %dma_wait3A_536 = tpu.memref_squeeze %dma_wait3A_535 : memref<1x1x1024xf32, #tpu.memory_space<hbm>> -> memref<1024xf32, #tpu.memory_space<hbm>>
      %dma_wait3A_537 = arith.constant 0 : i32
      %dma_wait3A_538 = tpu.memref_slice %arg7[%dma_wait3A_529, %dma_wait3A_537] : memref<2x1024xf32, #tpu.memory_space<vmem>> -> memref<1x1024xf32, #tpu.memory_space<vmem>>
      %dma_wait3A_539 = tpu.memref_squeeze %dma_wait3A_538 : memref<1x1024xf32, #tpu.memory_space<vmem>> -> memref<1024xf32, #tpu.memory_space<vmem>>
      tpu.wait_dma2 semaphore(%arg8 : memref<!tpu.dma_semaphore, #tpu.memory_space<semaphore_mem>>) src(%dma_wait3A_539 : memref<1024xf32, #tpu.memory_space<vmem>>) dst(%dma_wait3A_536 : memref<1024xf32, #tpu.memory_space<hbm>>)
      %parallel_loop3A = arith.constant 0 : i32
      %parallel_loop3A_540 = arith.constant 1024 : i32
      %parallel_loop3A_541 = arith.constant 16 : i32
      scf.for %parallel_loop3A_587 = %parallel_loop3A to %parallel_loop3A_540 step %parallel_loop3A_541  : i32 {
        %parallel_loop3A_588 = arith.constant 1024 : i32
        %parallel_loop3A_589 = arith.muli %add3A_526, %parallel_loop3A_588 : i32
        %parallel_loop3A_590 = arith.addi %parallel_loop3A_589, %parallel_loop3A_587 : i32
        %parallel_loop3A_591 = arith.index_cast %parallel_loop3A_590 : i32 to index
        %parallel_loop3A_592 = tpu.vector_load %arg6[%parallel_loop3A_591] {strides = array<i32>} : memref<16384xi32, #tpu.memory_space<vmem>>, vector<16xi32>,
        %parallel_loop3A_593 = tpu.vector_load_idx %arg5[%parallel_loop3A_592] : memref<100000xf32, #tpu.memory_space<vmem>>[vector<16xi32>], vector<16xf32>,
        %parallel_loop3A_594 = arith.constant 0 : i32
        %parallel_loop3A_595 = arith.index_cast %parallel_loop3A_594 : i32 to index
        %parallel_loop3A_596 = arith.index_cast %parallel_loop3A_587 : i32 to index
        %parallel_loop3A_597 = tpu.vector_load %arg7[%parallel_loop3A_595, %parallel_loop3A_596] {strides = array<i32>} : memref<2x1024xf32, #tpu.memory_space<vmem>>, vector<16xf32>,
        tpu.vector_store %arg7[%parallel_loop3A_595, %parallel_loop3A_596], %parallel_loop3A_593 {strides = array<i32>} : memref<2x1024xf32, #tpu.memory_space<vmem>>, vector<16xf32>,
      } {sc.loop_unroll_factor = 8 : i64, sc.parallel_access}
      %mul3A_542 = arith.constant 1024 : i32
      %mul3A_543 = arith.muli %add3A_526, %mul3A_542 : i32
      %dma_start3A = arith.constant 0 : i32
      %dma_start3A_544 = arith.constant 0 : i32
      %dma_start3A_545 = tpu.memref_slice %arg7[%dma_start3A, %dma_start3A_544] : memref<2x1024xf32, #tpu.memory_space<vmem>> -> memref<1x1024xf32, #tpu.memory_space<vmem>>
      %dma_start3A_546 = tpu.memref_squeeze %dma_start3A_545 : memref<1x1024xf32, #tpu.memory_space<vmem>> -> memref<1024xf32, #tpu.memory_space<vmem>>
      %dma_start3A_547 = tpu.memref_slice %arg4[%select_n3A_206, %rem3A_208, %mul3A_543] : memref<26x16x16384xf32, #tpu.memory_space<hbm>> -> memref<1x1x1024xf32, #tpu.memory_space<hbm>>
      %dma_start3A_548 = tpu.memref_squeeze %dma_start3A_547 : memref<1x1x1024xf32, #tpu.memory_space<hbm>> -> memref<1024xf32, #tpu.memory_space<hbm>>
      %dma_start3A_549 = tpu.memref_slice %arg4[%select_n3A_206, %rem3A_208, %mul3A_543] : memref<26x16x16384xf32, #tpu.memory_space<hbm>> -> memref<1x1x1024xf32, #tpu.memory_space<hbm>>
      %dma_start3A_550 = tpu.memref_squeeze %dma_start3A_549 : memref<1x1x1024xf32, #tpu.memory_space<hbm>> -> memref<1024xf32, #tpu.memory_space<hbm>>
      %dma_start3A_551 = arith.constant 0 : i32
      %dma_start3A_552 = tpu.memref_slice %arg7[%dma_start3A, %dma_start3A_551] : memref<2x1024xf32, #tpu.memory_space<vmem>> -> memref<1x1024xf32, #tpu.memory_space<vmem>>
      %dma_start3A_553 = tpu.memref_squeeze %dma_start3A_552 : memref<1x1024xf32, #tpu.memory_space<vmem>> -> memref<1024xf32, #tpu.memory_space<vmem>>
      tpu.enqueue_dma source(%dma_start3A_553 : memref<1024xf32, #tpu.memory_space<vmem>>) target(%dma_start3A_550 : memref<1024xf32, #tpu.memory_space<hbm>>) target_semaphore(%arg8 : memref<!tpu.dma_semaphore, #tpu.memory_space<semaphore_mem>>)
      %mul3A_554 = arith.constant 2 : i32
      %mul3A_555 = arith.muli %mul3A_554, %scan3A_522 : i32
      %add3A_556 = arith.constant 1 : i32
      %add3A_557 = arith.addi %mul3A_555, %add3A_556 : i32
      %mul3A_558 = arith.constant 1024 : i32
      %mul3A_559 = arith.muli %add3A_557, %mul3A_558 : i32
      %dma_wait3A_560 = arith.constant 1 : i32
      %dma_wait3A_561 = arith.constant 0 : i32
      %dma_wait3A_562 = tpu.memref_slice %arg7[%dma_wait3A_560, %dma_wait3A_561] : memref<2x1024xf32, #tpu.memory_space<vmem>> -> memref<1x1024xf32, #tpu.memory_space<vmem>>
      %dma_wait3A_563 = tpu.memref_squeeze %dma_wait3A_562 : memref<1x1024xf32, #tpu.memory_space<vmem>> -> memref<1024xf32, #tpu.memory_space<vmem>>
      %dma_wait3A_564 = tpu.memref_slice %arg4[%select_n3A_206, %rem3A_208, %mul3A_559] : memref<26x16x16384xf32, #tpu.memory_space<hbm>> -> memref<1x1x1024xf32, #tpu.memory_space<hbm>>
      %dma_wait3A_565 = tpu.memref_squeeze %dma_wait3A_564 : memref<1x1x1024xf32, #tpu.memory_space<hbm>> -> memref<1024xf32, #tpu.memory_space<hbm>>
      %dma_wait3A_566 = tpu.memref_slice %arg4[%select_n3A_206, %rem3A_208, %mul3A_559] : memref<26x16x16384xf32, #tpu.memory_space<hbm>> -> memref<1x1x1024xf32, #tpu.memory_space<hbm>>
      %dma_wait3A_567 = tpu.memref_squeeze %dma_wait3A_566 : memref<1x1x1024xf32, #tpu.memory_space<hbm>> -> memref<1024xf32, #tpu.memory_space<hbm>>
      %dma_wait3A_568 = arith.constant 0 : i32
      %dma_wait3A_569 = tpu.memref_slice %arg7[%dma_wait3A_560, %dma_wait3A_568] : memref<2x1024xf32, #tpu.memory_space<vmem>> -> memref<1x1024xf32, #tpu.memory_space<vmem>>
      %dma_wait3A_570 = tpu.memref_squeeze %dma_wait3A_569 : memref<1x1024xf32, #tpu.memory_space<vmem>> -> memref<1024xf32, #tpu.memory_space<vmem>>
      tpu.wait_dma2 semaphore(%arg9 : memref<!tpu.dma_semaphore, #tpu.memory_space<semaphore_mem>>) src(%dma_wait3A_570 : memref<1024xf32, #tpu.memory_space<vmem>>) dst(%dma_wait3A_567 : memref<1024xf32, #tpu.memory_space<hbm>>)
      %parallel_loop3A_571 = arith.constant 0 : i32
      %parallel_loop3A_572 = arith.constant 1024 : i32
      %parallel_loop3A_573 = arith.constant 16 : i32
      scf.for %parallel_loop3A_587 = %parallel_loop3A_571 to %parallel_loop3A_572 step %parallel_loop3A_573  : i32 {
        %parallel_loop3A_588 = arith.constant 1024 : i32
        %parallel_loop3A_589 = arith.muli %add3A_557, %parallel_loop3A_588 : i32
        %parallel_loop3A_590 = arith.addi %parallel_loop3A_589, %parallel_loop3A_587 : i32
        %parallel_loop3A_591 = arith.index_cast %parallel_loop3A_590 : i32 to index
        %parallel_loop3A_592 = tpu.vector_load %arg6[%parallel_loop3A_591] {strides = array<i32>} : memref<16384xi32, #tpu.memory_space<vmem>>, vector<16xi32>,
        %parallel_loop3A_593 = tpu.vector_load_idx %arg5[%parallel_loop3A_592] : memref<100000xf32, #tpu.memory_space<vmem>>[vector<16xi32>], vector<16xf32>,
        %parallel_loop3A_594 = arith.constant 1 : i32
        %parallel_loop3A_595 = arith.index_cast %parallel_loop3A_594 : i32 to index
        %parallel_loop3A_596 = arith.index_cast %parallel_loop3A_587 : i32 to index
        %parallel_loop3A_597 = tpu.vector_load %arg7[%parallel_loop3A_595, %parallel_loop3A_596] {strides = array<i32>} : memref<2x1024xf32, #tpu.memory_space<vmem>>, vector<16xf32>,
        tpu.vector_store %arg7[%parallel_loop3A_595, %parallel_loop3A_596], %parallel_loop3A_593 {strides = array<i32>} : memref<2x1024xf32, #tpu.memory_space<vmem>>, vector<16xf32>,
      } {sc.loop_unroll_factor = 8 : i64, sc.parallel_access}
      %mul3A_574 = arith.constant 1024 : i32
      %mul3A_575 = arith.muli %add3A_557, %mul3A_574 : i32
      %dma_start3A_576 = arith.constant 1 : i32
      %dma_start3A_577 = arith.constant 0 : i32
      %dma_start3A_578 = tpu.memref_slice %arg7[%dma_start3A_576, %dma_start3A_577] : memref<2x1024xf32, #tpu.memory_space<vmem>> -> memref<1x1024xf32, #tpu.memory_space<vmem>>
      %dma_start3A_579 = tpu.memref_squeeze %dma_start3A_578 : memref<1x1024xf32, #tpu.memory_space<vmem>> -> memref<1024xf32, #tpu.memory_space<vmem>>
      %dma_start3A_580 = tpu.memref_slice %arg4[%select_n3A_206, %rem3A_208, %mul3A_575] : memref<26x16x16384xf32, #tpu.memory_space<hbm>> -> memref<1x1x1024xf32, #tpu.memory_space<hbm>>
      %dma_start3A_581 = tpu.memref_squeeze %dma_start3A_580 : memref<1x1x1024xf32, #tpu.memory_space<hbm>> -> memref<1024xf32, #tpu.memory_space<hbm>>
      %dma_start3A_582 = tpu.memref_slice %arg4[%select_n3A_206, %rem3A_208, %mul3A_575] : memref<26x16x16384xf32, #tpu.memory_space<hbm>> -> memref<1x1x1024xf32, #tpu.memory_space<hbm>>
      %dma_start3A_583 = tpu.memref_squeeze %dma_start3A_582 : memref<1x1x1024xf32, #tpu.memory_space<hbm>> -> memref<1024xf32, #tpu.memory_space<hbm>>
      %dma_start3A_584 = arith.constant 0 : i32
      %dma_start3A_585 = tpu.memref_slice %arg7[%dma_start3A_576, %dma_start3A_584] : memref<2x1024xf32, #tpu.memory_space<vmem>> -> memref<1x1024xf32, #tpu.memory_space<vmem>>
      %dma_start3A_586 = tpu.memref_squeeze %dma_start3A_585 : memref<1x1024xf32, #tpu.memory_space<vmem>> -> memref<1024xf32, #tpu.memory_space<vmem>>
      tpu.enqueue_dma source(%dma_start3A_586 : memref<1024xf32, #tpu.memory_space<vmem>>) target(%dma_start3A_583 : memref<1024xf32, #tpu.memory_space<hbm>>) target_semaphore(%arg9 : memref<!tpu.dma_semaphore, #tpu.memory_space<semaphore_mem>>)
    }
    %scan3A_219 = arith.constant 8 : i32
    %add3A_220 = arith.constant 6 : i32
    %add3A_221 = arith.addi %mul3A_2, %add3A_220 : i32
    %jit3A_222 = arith.constant 16 : i32
    %div3A_223 = arith.divsi %add3A_221, %jit3A_222 : i32
    %sign3A_224 = arith.constant 0 : i32
    %sign3A_225 = arith.cmpi sgt, %add3A_221, %sign3A_224 : i32
    %sign3A_226 = arith.extui %sign3A_225 : i1 to i32
    %sign3A_227 = arith.constant 0 : i32
    %sign3A_228 = arith.cmpi slt, %add3A_221, %sign3A_227 : i32
    %sign3A_229 = arith.extui %sign3A_228 : i1 to i32
    %sign3A_230 = arith.subi %sign3A_226, %sign3A_229 : i32
    %sign3A_231 = arith.constant 0 : i32
    %sign3A_232 = arith.cmpi sgt, %jit3A_222, %sign3A_231 : i32
    %sign3A_233 = arith.extui %sign3A_232 : i1 to i32
    %sign3A_234 = arith.constant 0 : i32
    %sign3A_235 = arith.cmpi slt, %jit3A_222, %sign3A_234 : i32
    %sign3A_236 = arith.extui %sign3A_235 : i1 to i32
    %sign3A_237 = arith.subi %sign3A_233, %sign3A_236 : i32
    %ne3A_238 = arith.cmpi ne, %sign3A_230, %sign3A_237 : i32
    %rem3A_239 = arith.remsi %add3A_221, %jit3A_222 : i32
    %ne3A_240 = arith.constant 0 : i32
    %ne3A_241 = arith.cmpi ne, %rem3A_239, %ne3A_240 : i32
    %and3A_242 = arith.andi %ne3A_238, %ne3A_241 : i1
    %sub3A_243 = arith.constant 1 : i32
    %sub3A_244 = arith.subi %div3A_223, %sub3A_243 : i32
    %select_n3A_245 = arith.select %and3A_242, %sub3A_244, %div3A_223 : i32
    %rem3A_246 = arith.constant 16 : i32
    %rem3A_247 = arith.remsi %add3A_221, %rem3A_246 : i32
    %eq3A_248 = arith.constant 0 : i32
    %eq3A_249 = arith.cmpi eq, %rem3A_247, %eq3A_248 : i32
    %convert_element_type3A_250 = arith.extui %eq3A_249 : i1 to i32
    %cond3A_251 = arith.constant 0 : i32
    %cond3A_252 = arith.cmpi ne, %convert_element_type3A_250, %cond3A_251 : i32
    scf.if %cond3A_252 {
      "tpu.region"() ({
        %run_scoped3A = tpu.sem_alloc : memref<!tpu.dma_semaphore, #tpu.memory_space<semaphore_mem>>
        %dma_start3A = arith.constant 0 : i32
        %dma_start3A_522 = tpu.memref_slice %arg3[%select_n3A_245, %dma_start3A] : memref<26x16384xi32, #tpu.memory_space<hbm>> -> memref<1x16384xi32, #tpu.memory_space<hbm>>
        %dma_start3A_523 = tpu.memref_squeeze %dma_start3A_522 : memref<1x16384xi32, #tpu.memory_space<hbm>> -> memref<16384xi32, #tpu.memory_space<hbm>>
        %dma_start3A_524 = arith.constant 0 : i32
        %dma_start3A_525 = tpu.memref_slice %arg3[%select_n3A_245, %dma_start3A_524] : memref<26x16384xi32, #tpu.memory_space<hbm>> -> memref<1x16384xi32, #tpu.memory_space<hbm>>
        %dma_start3A_526 = tpu.memref_squeeze %dma_start3A_525 : memref<1x16384xi32, #tpu.memory_space<hbm>> -> memref<16384xi32, #tpu.memory_space<hbm>>
        tpu.enqueue_dma source(%dma_start3A_526 : memref<16384xi32, #tpu.memory_space<hbm>>) target(%arg6 : memref<16384xi32, #tpu.memory_space<vmem>>) target_semaphore(%run_scoped3A : memref<!tpu.dma_semaphore, #tpu.memory_space<semaphore_mem>>)
        %dma_wait3A_527 = arith.constant 0 : i32
        %dma_wait3A_528 = tpu.memref_slice %arg3[%select_n3A_245, %dma_wait3A_527] : memref<26x16384xi32, #tpu.memory_space<hbm>> -> memref<1x16384xi32, #tpu.memory_space<hbm>>
        %dma_wait3A_529 = tpu.memref_squeeze %dma_wait3A_528 : memref<1x16384xi32, #tpu.memory_space<hbm>> -> memref<16384xi32, #tpu.memory_space<hbm>>
        %dma_wait3A_530 = arith.constant 0 : i32
        %dma_wait3A_531 = tpu.memref_slice %arg3[%select_n3A_245, %dma_wait3A_530] : memref<26x16384xi32, #tpu.memory_space<hbm>> -> memref<1x16384xi32, #tpu.memory_space<hbm>>
        %dma_wait3A_532 = tpu.memref_squeeze %dma_wait3A_531 : memref<1x16384xi32, #tpu.memory_space<hbm>> -> memref<16384xi32, #tpu.memory_space<hbm>>
        tpu.wait_dma2 semaphore(%run_scoped3A : memref<!tpu.dma_semaphore, #tpu.memory_space<semaphore_mem>>) src(%dma_wait3A_532 : memref<16384xi32, #tpu.memory_space<hbm>>) dst(%arg6 : memref<16384xi32, #tpu.memory_space<vmem>>)
        tpu.yield
      }) : () -> ()
    } else {
    }
    "tpu.region"() ({
      %run_scoped3A = tpu.sem_alloc : memref<!tpu.dma_semaphore, #tpu.memory_space<semaphore_mem>>
      %dma_start3A = arith.constant 0 : i32
      %dma_start3A_522 = tpu.memref_slice %arg2[%select_n3A_245, %rem3A_247, %dma_start3A] : memref<26x16x100000xf32, #tpu.memory_space<hbm>> -> memref<1x1x100000xf32, #tpu.memory_space<hbm>>
      %dma_start3A_523 = tpu.memref_squeeze %dma_start3A_522 : memref<1x1x100000xf32, #tpu.memory_space<hbm>> -> memref<100000xf32, #tpu.memory_space<hbm>>
      %dma_start3A_524 = arith.constant 0 : i32
      %dma_start3A_525 = tpu.memref_slice %arg2[%select_n3A_245, %rem3A_247, %dma_start3A_524] : memref<26x16x100000xf32, #tpu.memory_space<hbm>> -> memref<1x1x100000xf32, #tpu.memory_space<hbm>>
      %dma_start3A_526 = tpu.memref_squeeze %dma_start3A_525 : memref<1x1x100000xf32, #tpu.memory_space<hbm>> -> memref<100000xf32, #tpu.memory_space<hbm>>
      tpu.enqueue_dma source(%dma_start3A_526 : memref<100000xf32, #tpu.memory_space<hbm>>) target(%arg5 : memref<100000xf32, #tpu.memory_space<vmem>>) target_semaphore(%run_scoped3A : memref<!tpu.dma_semaphore, #tpu.memory_space<semaphore_mem>>)
      %dma_wait3A_527 = arith.constant 0 : i32
      %dma_wait3A_528 = tpu.memref_slice %arg2[%select_n3A_245, %rem3A_247, %dma_wait3A_527] : memref<26x16x100000xf32, #tpu.memory_space<hbm>> -> memref<1x1x100000xf32, #tpu.memory_space<hbm>>
      %dma_wait3A_529 = tpu.memref_squeeze %dma_wait3A_528 : memref<1x1x100000xf32, #tpu.memory_space<hbm>> -> memref<100000xf32, #tpu.memory_space<hbm>>
      %dma_wait3A_530 = arith.constant 0 : i32
      %dma_wait3A_531 = tpu.memref_slice %arg2[%select_n3A_245, %rem3A_247, %dma_wait3A_530] : memref<26x16x100000xf32, #tpu.memory_space<hbm>> -> memref<1x1x100000xf32, #tpu.memory_space<hbm>>
      %dma_wait3A_532 = tpu.memref_squeeze %dma_wait3A_531 : memref<1x1x100000xf32, #tpu.memory_space<hbm>> -> memref<100000xf32, #tpu.memory_space<hbm>>
      tpu.wait_dma2 semaphore(%run_scoped3A : memref<!tpu.dma_semaphore, #tpu.memory_space<semaphore_mem>>) src(%dma_wait3A_532 : memref<100000xf32, #tpu.memory_space<hbm>>) dst(%arg5 : memref<100000xf32, #tpu.memory_space<vmem>>)
      tpu.yield
    }) : () -> ()
    %scan3A_253 = arith.constant 0 : i32
    %scan3A_254 = arith.constant 0 : i32
    %scan3A_255 = arith.constant 8 : i32
    %scan3A_256 = arith.addi %scan3A_254, %scan3A_255 : i32
    %scan3A_257 = arith.constant 1 : i32
    scf.for %scan3A_522 = %scan3A_254 to %scan3A_256 step %scan3A_257  : i32 {
      %mul3A_523 = arith.constant 2 : i32
      %mul3A_524 = arith.muli %mul3A_523, %scan3A_522 : i32
      %add3A_525 = arith.constant 0 : i32
      %add3A_526 = arith.addi %mul3A_524, %add3A_525 : i32
      %mul3A_527 = arith.constant 1024 : i32
      %mul3A_528 = arith.muli %add3A_526, %mul3A_527 : i32
      %dma_wait3A_529 = arith.constant 0 : i32
      %dma_wait3A_530 = arith.constant 0 : i32
      %dma_wait3A_531 = tpu.memref_slice %arg7[%dma_wait3A_529, %dma_wait3A_530] : memref<2x1024xf32, #tpu.memory_space<vmem>> -> memref<1x1024xf32, #tpu.memory_space<vmem>>
      %dma_wait3A_532 = tpu.memref_squeeze %dma_wait3A_531 : memref<1x1024xf32, #tpu.memory_space<vmem>> -> memref<1024xf32, #tpu.memory_space<vmem>>
      %dma_wait3A_533 = tpu.memref_slice %arg4[%select_n3A_245, %rem3A_247, %mul3A_528] : memref<26x16x16384xf32, #tpu.memory_space<hbm>> -> memref<1x1x1024xf32, #tpu.memory_space<hbm>>
      %dma_wait3A_534 = tpu.memref_squeeze %dma_wait3A_533 : memref<1x1x1024xf32, #tpu.memory_space<hbm>> -> memref<1024xf32, #tpu.memory_space<hbm>>
      %dma_wait3A_535 = tpu.memref_slice %arg4[%select_n3A_245, %rem3A_247, %mul3A_528] : memref<26x16x16384xf32, #tpu.memory_space<hbm>> -> memref<1x1x1024xf32, #tpu.memory_space<hbm>>
      %dma_wait3A_536 = tpu.memref_squeeze %dma_wait3A_535 : memref<1x1x1024xf32, #tpu.memory_space<hbm>> -> memref<1024xf32, #tpu.memory_space<hbm>>
      %dma_wait3A_537 = arith.constant 0 : i32
      %dma_wait3A_538 = tpu.memref_slice %arg7[%dma_wait3A_529, %dma_wait3A_537] : memref<2x1024xf32, #tpu.memory_space<vmem>> -> memref<1x1024xf32, #tpu.memory_space<vmem>>
      %dma_wait3A_539 = tpu.memref_squeeze %dma_wait3A_538 : memref<1x1024xf32, #tpu.memory_space<vmem>> -> memref<1024xf32, #tpu.memory_space<vmem>>
      tpu.wait_dma2 semaphore(%arg8 : memref<!tpu.dma_semaphore, #tpu.memory_space<semaphore_mem>>) src(%dma_wait3A_539 : memref<1024xf32, #tpu.memory_space<vmem>>) dst(%dma_wait3A_536 : memref<1024xf32, #tpu.memory_space<hbm>>)
      %parallel_loop3A = arith.constant 0 : i32
      %parallel_loop3A_540 = arith.constant 1024 : i32
      %parallel_loop3A_541 = arith.constant 16 : i32
      scf.for %parallel_loop3A_587 = %parallel_loop3A to %parallel_loop3A_540 step %parallel_loop3A_541  : i32 {
        %parallel_loop3A_588 = arith.constant 1024 : i32
        %parallel_loop3A_589 = arith.muli %add3A_526, %parallel_loop3A_588 : i32
        %parallel_loop3A_590 = arith.addi %parallel_loop3A_589, %parallel_loop3A_587 : i32
        %parallel_loop3A_591 = arith.index_cast %parallel_loop3A_590 : i32 to index
        %parallel_loop3A_592 = tpu.vector_load %arg6[%parallel_loop3A_591] {strides = array<i32>} : memref<16384xi32, #tpu.memory_space<vmem>>, vector<16xi32>,
        %parallel_loop3A_593 = tpu.vector_load_idx %arg5[%parallel_loop3A_592] : memref<100000xf32, #tpu.memory_space<vmem>>[vector<16xi32>], vector<16xf32>,
        %parallel_loop3A_594 = arith.constant 0 : i32
        %parallel_loop3A_595 = arith.index_cast %parallel_loop3A_594 : i32 to index
        %parallel_loop3A_596 = arith.index_cast %parallel_loop3A_587 : i32 to index
        %parallel_loop3A_597 = tpu.vector_load %arg7[%parallel_loop3A_595, %parallel_loop3A_596] {strides = array<i32>} : memref<2x1024xf32, #tpu.memory_space<vmem>>, vector<16xf32>,
        tpu.vector_store %arg7[%parallel_loop3A_595, %parallel_loop3A_596], %parallel_loop3A_593 {strides = array<i32>} : memref<2x1024xf32, #tpu.memory_space<vmem>>, vector<16xf32>,
      } {sc.loop_unroll_factor = 8 : i64, sc.parallel_access}
      %mul3A_542 = arith.constant 1024 : i32
      %mul3A_543 = arith.muli %add3A_526, %mul3A_542 : i32
      %dma_start3A = arith.constant 0 : i32
      %dma_start3A_544 = arith.constant 0 : i32
      %dma_start3A_545 = tpu.memref_slice %arg7[%dma_start3A, %dma_start3A_544] : memref<2x1024xf32, #tpu.memory_space<vmem>> -> memref<1x1024xf32, #tpu.memory_space<vmem>>
      %dma_start3A_546 = tpu.memref_squeeze %dma_start3A_545 : memref<1x1024xf32, #tpu.memory_space<vmem>> -> memref<1024xf32, #tpu.memory_space<vmem>>
      %dma_start3A_547 = tpu.memref_slice %arg4[%select_n3A_245, %rem3A_247, %mul3A_543] : memref<26x16x16384xf32, #tpu.memory_space<hbm>> -> memref<1x1x1024xf32, #tpu.memory_space<hbm>>
      %dma_start3A_548 = tpu.memref_squeeze %dma_start3A_547 : memref<1x1x1024xf32, #tpu.memory_space<hbm>> -> memref<1024xf32, #tpu.memory_space<hbm>>
      %dma_start3A_549 = tpu.memref_slice %arg4[%select_n3A_245, %rem3A_247, %mul3A_543] : memref<26x16x16384xf32, #tpu.memory_space<hbm>> -> memref<1x1x1024xf32, #tpu.memory_space<hbm>>
      %dma_start3A_550 = tpu.memref_squeeze %dma_start3A_549 : memref<1x1x1024xf32, #tpu.memory_space<hbm>> -> memref<1024xf32, #tpu.memory_space<hbm>>
      %dma_start3A_551 = arith.constant 0 : i32
      %dma_start3A_552 = tpu.memref_slice %arg7[%dma_start3A, %dma_start3A_551] : memref<2x1024xf32, #tpu.memory_space<vmem>> -> memref<1x1024xf32, #tpu.memory_space<vmem>>
      %dma_start3A_553 = tpu.memref_squeeze %dma_start3A_552 : memref<1x1024xf32, #tpu.memory_space<vmem>> -> memref<1024xf32, #tpu.memory_space<vmem>>
      tpu.enqueue_dma source(%dma_start3A_553 : memref<1024xf32, #tpu.memory_space<vmem>>) target(%dma_start3A_550 : memref<1024xf32, #tpu.memory_space<hbm>>) target_semaphore(%arg8 : memref<!tpu.dma_semaphore, #tpu.memory_space<semaphore_mem>>)
      %mul3A_554 = arith.constant 2 : i32
      %mul3A_555 = arith.muli %mul3A_554, %scan3A_522 : i32
      %add3A_556 = arith.constant 1 : i32
      %add3A_557 = arith.addi %mul3A_555, %add3A_556 : i32
      %mul3A_558 = arith.constant 1024 : i32
      %mul3A_559 = arith.muli %add3A_557, %mul3A_558 : i32
      %dma_wait3A_560 = arith.constant 1 : i32
      %dma_wait3A_561 = arith.constant 0 : i32
      %dma_wait3A_562 = tpu.memref_slice %arg7[%dma_wait3A_560, %dma_wait3A_561] : memref<2x1024xf32, #tpu.memory_space<vmem>> -> memref<1x1024xf32, #tpu.memory_space<vmem>>
      %dma_wait3A_563 = tpu.memref_squeeze %dma_wait3A_562 : memref<1x1024xf32, #tpu.memory_space<vmem>> -> memref<1024xf32, #tpu.memory_space<vmem>>
      %dma_wait3A_564 = tpu.memref_slice %arg4[%select_n3A_245, %rem3A_247, %mul3A_559] : memref<26x16x16384xf32, #tpu.memory_space<hbm>> -> memref<1x1x1024xf32, #tpu.memory_space<hbm>>
      %dma_wait3A_565 = tpu.memref_squeeze %dma_wait3A_564 : memref<1x1x1024xf32, #tpu.memory_space<hbm>> -> memref<1024xf32, #tpu.memory_space<hbm>>
      %dma_wait3A_566 = tpu.memref_slice %arg4[%select_n3A_245, %rem3A_247, %mul3A_559] : memref<26x16x16384xf32, #tpu.memory_space<hbm>> -> memref<1x1x1024xf32, #tpu.memory_space<hbm>>
      %dma_wait3A_567 = tpu.memref_squeeze %dma_wait3A_566 : memref<1x1x1024xf32, #tpu.memory_space<hbm>> -> memref<1024xf32, #tpu.memory_space<hbm>>
      %dma_wait3A_568 = arith.constant 0 : i32
      %dma_wait3A_569 = tpu.memref_slice %arg7[%dma_wait3A_560, %dma_wait3A_568] : memref<2x1024xf32, #tpu.memory_space<vmem>> -> memref<1x1024xf32, #tpu.memory_space<vmem>>
      %dma_wait3A_570 = tpu.memref_squeeze %dma_wait3A_569 : memref<1x1024xf32, #tpu.memory_space<vmem>> -> memref<1024xf32, #tpu.memory_space<vmem>>
      tpu.wait_dma2 semaphore(%arg9 : memref<!tpu.dma_semaphore, #tpu.memory_space<semaphore_mem>>) src(%dma_wait3A_570 : memref<1024xf32, #tpu.memory_space<vmem>>) dst(%dma_wait3A_567 : memref<1024xf32, #tpu.memory_space<hbm>>)
      %parallel_loop3A_571 = arith.constant 0 : i32
      %parallel_loop3A_572 = arith.constant 1024 : i32
      %parallel_loop3A_573 = arith.constant 16 : i32
      scf.for %parallel_loop3A_587 = %parallel_loop3A_571 to %parallel_loop3A_572 step %parallel_loop3A_573  : i32 {
        %parallel_loop3A_588 = arith.constant 1024 : i32
        %parallel_loop3A_589 = arith.muli %add3A_557, %parallel_loop3A_588 : i32
        %parallel_loop3A_590 = arith.addi %parallel_loop3A_589, %parallel_loop3A_587 : i32
        %parallel_loop3A_591 = arith.index_cast %parallel_loop3A_590 : i32 to index
        %parallel_loop3A_592 = tpu.vector_load %arg6[%parallel_loop3A_591] {strides = array<i32>} : memref<16384xi32, #tpu.memory_space<vmem>>, vector<16xi32>,
        %parallel_loop3A_593 = tpu.vector_load_idx %arg5[%parallel_loop3A_592] : memref<100000xf32, #tpu.memory_space<vmem>>[vector<16xi32>], vector<16xf32>,
        %parallel_loop3A_594 = arith.constant 1 : i32
        %parallel_loop3A_595 = arith.index_cast %parallel_loop3A_594 : i32 to index
        %parallel_loop3A_596 = arith.index_cast %parallel_loop3A_587 : i32 to index
        %parallel_loop3A_597 = tpu.vector_load %arg7[%parallel_loop3A_595, %parallel_loop3A_596] {strides = array<i32>} : memref<2x1024xf32, #tpu.memory_space<vmem>>, vector<16xf32>,
        tpu.vector_store %arg7[%parallel_loop3A_595, %parallel_loop3A_596], %parallel_loop3A_593 {strides = array<i32>} : memref<2x1024xf32, #tpu.memory_space<vmem>>, vector<16xf32>,
      } {sc.loop_unroll_factor = 8 : i64, sc.parallel_access}
      %mul3A_574 = arith.constant 1024 : i32
      %mul3A_575 = arith.muli %add3A_557, %mul3A_574 : i32
      %dma_start3A_576 = arith.constant 1 : i32
      %dma_start3A_577 = arith.constant 0 : i32
      %dma_start3A_578 = tpu.memref_slice %arg7[%dma_start3A_576, %dma_start3A_577] : memref<2x1024xf32, #tpu.memory_space<vmem>> -> memref<1x1024xf32, #tpu.memory_space<vmem>>
      %dma_start3A_579 = tpu.memref_squeeze %dma_start3A_578 : memref<1x1024xf32, #tpu.memory_space<vmem>> -> memref<1024xf32, #tpu.memory_space<vmem>>
      %dma_start3A_580 = tpu.memref_slice %arg4[%select_n3A_245, %rem3A_247, %mul3A_575] : memref<26x16x16384xf32, #tpu.memory_space<hbm>> -> memref<1x1x1024xf32, #tpu.memory_space<hbm>>
      %dma_start3A_581 = tpu.memref_squeeze %dma_start3A_580 : memref<1x1x1024xf32, #tpu.memory_space<hbm>> -> memref<1024xf32, #tpu.memory_space<hbm>>
      %dma_start3A_582 = tpu.memref_slice %arg4[%select_n3A_245, %rem3A_247, %mul3A_575] : memref<26x16x16384xf32, #tpu.memory_space<hbm>> -> memref<1x1x1024xf32, #tpu.memory_space<hbm>>
      %dma_start3A_583 = tpu.memref_squeeze %dma_start3A_582 : memref<1x1x1024xf32, #tpu.memory_space<hbm>> -> memref<1024xf32, #tpu.memory_space<hbm>>
      %dma_start3A_584 = arith.constant 0 : i32
      %dma_start3A_585 = tpu.memref_slice %arg7[%dma_start3A_576, %dma_start3A_584] : memref<2x1024xf32, #tpu.memory_space<vmem>> -> memref<1x1024xf32, #tpu.memory_space<vmem>>
      %dma_start3A_586 = tpu.memref_squeeze %dma_start3A_585 : memref<1x1024xf32, #tpu.memory_space<vmem>> -> memref<1024xf32, #tpu.memory_space<vmem>>
      tpu.enqueue_dma source(%dma_start3A_586 : memref<1024xf32, #tpu.memory_space<vmem>>) target(%dma_start3A_583 : memref<1024xf32, #tpu.memory_space<hbm>>) target_semaphore(%arg9 : memref<!tpu.dma_semaphore, #tpu.memory_space<semaphore_mem>>)
    }
    %scan3A_258 = arith.constant 8 : i32
    %add3A_259 = arith.constant 7 : i32
    %add3A_260 = arith.addi %mul3A_2, %add3A_259 : i32
    %jit3A_261 = arith.constant 16 : i32
    %div3A_262 = arith.divsi %add3A_260, %jit3A_261 : i32
    %sign3A_263 = arith.constant 0 : i32
    %sign3A_264 = arith.cmpi sgt, %add3A_260, %sign3A_263 : i32
    %sign3A_265 = arith.extui %sign3A_264 : i1 to i32
    %sign3A_266 = arith.constant 0 : i32
    %sign3A_267 = arith.cmpi slt, %add3A_260, %sign3A_266 : i32
    %sign3A_268 = arith.extui %sign3A_267 : i1 to i32
    %sign3A_269 = arith.subi %sign3A_265, %sign3A_268 : i32
    %sign3A_270 = arith.constant 0 : i32
    %sign3A_271 = arith.cmpi sgt, %jit3A_261, %sign3A_270 : i32
    %sign3A_272 = arith.extui %sign3A_271 : i1 to i32
    %sign3A_273 = arith.constant 0 : i32
    %sign3A_274 = arith.cmpi slt, %jit3A_261, %sign3A_273 : i32
    %sign3A_275 = arith.extui %sign3A_274 : i1 to i32
    %sign3A_276 = arith.subi %sign3A_272, %sign3A_275 : i32
    %ne3A_277 = arith.cmpi ne, %sign3A_269, %sign3A_276 : i32
    %rem3A_278 = arith.remsi %add3A_260, %jit3A_261 : i32
    %ne3A_279 = arith.constant 0 : i32
    %ne3A_280 = arith.cmpi ne, %rem3A_278, %ne3A_279 : i32
    %and3A_281 = arith.andi %ne3A_277, %ne3A_280 : i1
    %sub3A_282 = arith.constant 1 : i32
    %sub3A_283 = arith.subi %div3A_262, %sub3A_282 : i32
    %select_n3A_284 = arith.select %and3A_281, %sub3A_283, %div3A_262 : i32
    %rem3A_285 = arith.constant 16 : i32
    %rem3A_286 = arith.remsi %add3A_260, %rem3A_285 : i32
    %eq3A_287 = arith.constant 0 : i32
    %eq3A_288 = arith.cmpi eq, %rem3A_286, %eq3A_287 : i32
    %convert_element_type3A_289 = arith.extui %eq3A_288 : i1 to i32
    %cond3A_290 = arith.constant 0 : i32
    %cond3A_291 = arith.cmpi ne, %convert_element_type3A_289, %cond3A_290 : i32
    scf.if %cond3A_291 {
      "tpu.region"() ({
        %run_scoped3A = tpu.sem_alloc : memref<!tpu.dma_semaphore, #tpu.memory_space<semaphore_mem>>
        %dma_start3A = arith.constant 0 : i32
        %dma_start3A_522 = tpu.memref_slice %arg3[%select_n3A_284, %dma_start3A] : memref<26x16384xi32, #tpu.memory_space<hbm>> -> memref<1x16384xi32, #tpu.memory_space<hbm>>
        %dma_start3A_523 = tpu.memref_squeeze %dma_start3A_522 : memref<1x16384xi32, #tpu.memory_space<hbm>> -> memref<16384xi32, #tpu.memory_space<hbm>>
        %dma_start3A_524 = arith.constant 0 : i32
        %dma_start3A_525 = tpu.memref_slice %arg3[%select_n3A_284, %dma_start3A_524] : memref<26x16384xi32, #tpu.memory_space<hbm>> -> memref<1x16384xi32, #tpu.memory_space<hbm>>
        %dma_start3A_526 = tpu.memref_squeeze %dma_start3A_525 : memref<1x16384xi32, #tpu.memory_space<hbm>> -> memref<16384xi32, #tpu.memory_space<hbm>>
        tpu.enqueue_dma source(%dma_start3A_526 : memref<16384xi32, #tpu.memory_space<hbm>>) target(%arg6 : memref<16384xi32, #tpu.memory_space<vmem>>) target_semaphore(%run_scoped3A : memref<!tpu.dma_semaphore, #tpu.memory_space<semaphore_mem>>)
        %dma_wait3A_527 = arith.constant 0 : i32
        %dma_wait3A_528 = tpu.memref_slice %arg3[%select_n3A_284, %dma_wait3A_527] : memref<26x16384xi32, #tpu.memory_space<hbm>> -> memref<1x16384xi32, #tpu.memory_space<hbm>>
        %dma_wait3A_529 = tpu.memref_squeeze %dma_wait3A_528 : memref<1x16384xi32, #tpu.memory_space<hbm>> -> memref<16384xi32, #tpu.memory_space<hbm>>
        %dma_wait3A_530 = arith.constant 0 : i32
        %dma_wait3A_531 = tpu.memref_slice %arg3[%select_n3A_284, %dma_wait3A_530] : memref<26x16384xi32, #tpu.memory_space<hbm>> -> memref<1x16384xi32, #tpu.memory_space<hbm>>
        %dma_wait3A_532 = tpu.memref_squeeze %dma_wait3A_531 : memref<1x16384xi32, #tpu.memory_space<hbm>> -> memref<16384xi32, #tpu.memory_space<hbm>>
        tpu.wait_dma2 semaphore(%run_scoped3A : memref<!tpu.dma_semaphore, #tpu.memory_space<semaphore_mem>>) src(%dma_wait3A_532 : memref<16384xi32, #tpu.memory_space<hbm>>) dst(%arg6 : memref<16384xi32, #tpu.memory_space<vmem>>)
        tpu.yield
      }) : () -> ()
    } else {
    }
    "tpu.region"() ({
      %run_scoped3A = tpu.sem_alloc : memref<!tpu.dma_semaphore, #tpu.memory_space<semaphore_mem>>
      %dma_start3A = arith.constant 0 : i32
      %dma_start3A_522 = tpu.memref_slice %arg2[%select_n3A_284, %rem3A_286, %dma_start3A] : memref<26x16x100000xf32, #tpu.memory_space<hbm>> -> memref<1x1x100000xf32, #tpu.memory_space<hbm>>
      %dma_start3A_523 = tpu.memref_squeeze %dma_start3A_522 : memref<1x1x100000xf32, #tpu.memory_space<hbm>> -> memref<100000xf32, #tpu.memory_space<hbm>>
      %dma_start3A_524 = arith.constant 0 : i32
      %dma_start3A_525 = tpu.memref_slice %arg2[%select_n3A_284, %rem3A_286, %dma_start3A_524] : memref<26x16x100000xf32, #tpu.memory_space<hbm>> -> memref<1x1x100000xf32, #tpu.memory_space<hbm>>
      %dma_start3A_526 = tpu.memref_squeeze %dma_start3A_525 : memref<1x1x100000xf32, #tpu.memory_space<hbm>> -> memref<100000xf32, #tpu.memory_space<hbm>>
      tpu.enqueue_dma source(%dma_start3A_526 : memref<100000xf32, #tpu.memory_space<hbm>>) target(%arg5 : memref<100000xf32, #tpu.memory_space<vmem>>) target_semaphore(%run_scoped3A : memref<!tpu.dma_semaphore, #tpu.memory_space<semaphore_mem>>)
      %dma_wait3A_527 = arith.constant 0 : i32
      %dma_wait3A_528 = tpu.memref_slice %arg2[%select_n3A_284, %rem3A_286, %dma_wait3A_527] : memref<26x16x100000xf32, #tpu.memory_space<hbm>> -> memref<1x1x100000xf32, #tpu.memory_space<hbm>>
      %dma_wait3A_529 = tpu.memref_squeeze %dma_wait3A_528 : memref<1x1x100000xf32, #tpu.memory_space<hbm>> -> memref<100000xf32, #tpu.memory_space<hbm>>
      %dma_wait3A_530 = arith.constant 0 : i32
      %dma_wait3A_531 = tpu.memref_slice %arg2[%select_n3A_284, %rem3A_286, %dma_wait3A_530] : memref<26x16x100000xf32, #tpu.memory_space<hbm>> -> memref<1x1x100000xf32, #tpu.memory_space<hbm>>
      %dma_wait3A_532 = tpu.memref_squeeze %dma_wait3A_531 : memref<1x1x100000xf32, #tpu.memory_space<hbm>> -> memref<100000xf32, #tpu.memory_space<hbm>>
      tpu.wait_dma2 semaphore(%run_scoped3A : memref<!tpu.dma_semaphore, #tpu.memory_space<semaphore_mem>>) src(%dma_wait3A_532 : memref<100000xf32, #tpu.memory_space<hbm>>) dst(%arg5 : memref<100000xf32, #tpu.memory_space<vmem>>)
      tpu.yield
    }) : () -> ()
    %scan3A_292 = arith.constant 0 : i32
    %scan3A_293 = arith.constant 0 : i32
    %scan3A_294 = arith.constant 8 : i32
    %scan3A_295 = arith.addi %scan3A_293, %scan3A_294 : i32
    %scan3A_296 = arith.constant 1 : i32
    scf.for %scan3A_522 = %scan3A_293 to %scan3A_295 step %scan3A_296  : i32 {
      %mul3A_523 = arith.constant 2 : i32
      %mul3A_524 = arith.muli %mul3A_523, %scan3A_522 : i32
      %add3A_525 = arith.constant 0 : i32
      %add3A_526 = arith.addi %mul3A_524, %add3A_525 : i32
      %mul3A_527 = arith.constant 1024 : i32
      %mul3A_528 = arith.muli %add3A_526, %mul3A_527 : i32
      %dma_wait3A_529 = arith.constant 0 : i32
      %dma_wait3A_530 = arith.constant 0 : i32
      %dma_wait3A_531 = tpu.memref_slice %arg7[%dma_wait3A_529, %dma_wait3A_530] : memref<2x1024xf32, #tpu.memory_space<vmem>> -> memref<1x1024xf32, #tpu.memory_space<vmem>>
      %dma_wait3A_532 = tpu.memref_squeeze %dma_wait3A_531 : memref<1x1024xf32, #tpu.memory_space<vmem>> -> memref<1024xf32, #tpu.memory_space<vmem>>
      %dma_wait3A_533 = tpu.memref_slice %arg4[%select_n3A_284, %rem3A_286, %mul3A_528] : memref<26x16x16384xf32, #tpu.memory_space<hbm>> -> memref<1x1x1024xf32, #tpu.memory_space<hbm>>
      %dma_wait3A_534 = tpu.memref_squeeze %dma_wait3A_533 : memref<1x1x1024xf32, #tpu.memory_space<hbm>> -> memref<1024xf32, #tpu.memory_space<hbm>>
      %dma_wait3A_535 = tpu.memref_slice %arg4[%select_n3A_284, %rem3A_286, %mul3A_528] : memref<26x16x16384xf32, #tpu.memory_space<hbm>> -> memref<1x1x1024xf32, #tpu.memory_space<hbm>>
      %dma_wait3A_536 = tpu.memref_squeeze %dma_wait3A_535 : memref<1x1x1024xf32, #tpu.memory_space<hbm>> -> memref<1024xf32, #tpu.memory_space<hbm>>
      %dma_wait3A_537 = arith.constant 0 : i32
      %dma_wait3A_538 = tpu.memref_slice %arg7[%dma_wait3A_529, %dma_wait3A_537] : memref<2x1024xf32, #tpu.memory_space<vmem>> -> memref<1x1024xf32, #tpu.memory_space<vmem>>
      %dma_wait3A_539 = tpu.memref_squeeze %dma_wait3A_538 : memref<1x1024xf32, #tpu.memory_space<vmem>> -> memref<1024xf32, #tpu.memory_space<vmem>>
      tpu.wait_dma2 semaphore(%arg8 : memref<!tpu.dma_semaphore, #tpu.memory_space<semaphore_mem>>) src(%dma_wait3A_539 : memref<1024xf32, #tpu.memory_space<vmem>>) dst(%dma_wait3A_536 : memref<1024xf32, #tpu.memory_space<hbm>>)
      %parallel_loop3A = arith.constant 0 : i32
      %parallel_loop3A_540 = arith.constant 1024 : i32
      %parallel_loop3A_541 = arith.constant 16 : i32
      scf.for %parallel_loop3A_587 = %parallel_loop3A to %parallel_loop3A_540 step %parallel_loop3A_541  : i32 {
        %parallel_loop3A_588 = arith.constant 1024 : i32
        %parallel_loop3A_589 = arith.muli %add3A_526, %parallel_loop3A_588 : i32
        %parallel_loop3A_590 = arith.addi %parallel_loop3A_589, %parallel_loop3A_587 : i32
        %parallel_loop3A_591 = arith.index_cast %parallel_loop3A_590 : i32 to index
        %parallel_loop3A_592 = tpu.vector_load %arg6[%parallel_loop3A_591] {strides = array<i32>} : memref<16384xi32, #tpu.memory_space<vmem>>, vector<16xi32>,
        %parallel_loop3A_593 = tpu.vector_load_idx %arg5[%parallel_loop3A_592] : memref<100000xf32, #tpu.memory_space<vmem>>[vector<16xi32>], vector<16xf32>,
        %parallel_loop3A_594 = arith.constant 0 : i32
        %parallel_loop3A_595 = arith.index_cast %parallel_loop3A_594 : i32 to index
        %parallel_loop3A_596 = arith.index_cast %parallel_loop3A_587 : i32 to index
        %parallel_loop3A_597 = tpu.vector_load %arg7[%parallel_loop3A_595, %parallel_loop3A_596] {strides = array<i32>} : memref<2x1024xf32, #tpu.memory_space<vmem>>, vector<16xf32>,
        tpu.vector_store %arg7[%parallel_loop3A_595, %parallel_loop3A_596], %parallel_loop3A_593 {strides = array<i32>} : memref<2x1024xf32, #tpu.memory_space<vmem>>, vector<16xf32>,
      } {sc.loop_unroll_factor = 8 : i64, sc.parallel_access}
      %mul3A_542 = arith.constant 1024 : i32
      %mul3A_543 = arith.muli %add3A_526, %mul3A_542 : i32
      %dma_start3A = arith.constant 0 : i32
      %dma_start3A_544 = arith.constant 0 : i32
      %dma_start3A_545 = tpu.memref_slice %arg7[%dma_start3A, %dma_start3A_544] : memref<2x1024xf32, #tpu.memory_space<vmem>> -> memref<1x1024xf32, #tpu.memory_space<vmem>>
      %dma_start3A_546 = tpu.memref_squeeze %dma_start3A_545 : memref<1x1024xf32, #tpu.memory_space<vmem>> -> memref<1024xf32, #tpu.memory_space<vmem>>
      %dma_start3A_547 = tpu.memref_slice %arg4[%select_n3A_284, %rem3A_286, %mul3A_543] : memref<26x16x16384xf32, #tpu.memory_space<hbm>> -> memref<1x1x1024xf32, #tpu.memory_space<hbm>>
      %dma_start3A_548 = tpu.memref_squeeze %dma_start3A_547 : memref<1x1x1024xf32, #tpu.memory_space<hbm>> -> memref<1024xf32, #tpu.memory_space<hbm>>
      %dma_start3A_549 = tpu.memref_slice %arg4[%select_n3A_284, %rem3A_286, %mul3A_543] : memref<26x16x16384xf32, #tpu.memory_space<hbm>> -> memref<1x1x1024xf32, #tpu.memory_space<hbm>>
      %dma_start3A_550 = tpu.memref_squeeze %dma_start3A_549 : memref<1x1x1024xf32, #tpu.memory_space<hbm>> -> memref<1024xf32, #tpu.memory_space<hbm>>
      %dma_start3A_551 = arith.constant 0 : i32
      %dma_start3A_552 = tpu.memref_slice %arg7[%dma_start3A, %dma_start3A_551] : memref<2x1024xf32, #tpu.memory_space<vmem>> -> memref<1x1024xf32, #tpu.memory_space<vmem>>
      %dma_start3A_553 = tpu.memref_squeeze %dma_start3A_552 : memref<1x1024xf32, #tpu.memory_space<vmem>> -> memref<1024xf32, #tpu.memory_space<vmem>>
      tpu.enqueue_dma source(%dma_start3A_553 : memref<1024xf32, #tpu.memory_space<vmem>>) target(%dma_start3A_550 : memref<1024xf32, #tpu.memory_space<hbm>>) target_semaphore(%arg8 : memref<!tpu.dma_semaphore, #tpu.memory_space<semaphore_mem>>)
      %mul3A_554 = arith.constant 2 : i32
      %mul3A_555 = arith.muli %mul3A_554, %scan3A_522 : i32
      %add3A_556 = arith.constant 1 : i32
      %add3A_557 = arith.addi %mul3A_555, %add3A_556 : i32
      %mul3A_558 = arith.constant 1024 : i32
      %mul3A_559 = arith.muli %add3A_557, %mul3A_558 : i32
      %dma_wait3A_560 = arith.constant 1 : i32
      %dma_wait3A_561 = arith.constant 0 : i32
      %dma_wait3A_562 = tpu.memref_slice %arg7[%dma_wait3A_560, %dma_wait3A_561] : memref<2x1024xf32, #tpu.memory_space<vmem>> -> memref<1x1024xf32, #tpu.memory_space<vmem>>
      %dma_wait3A_563 = tpu.memref_squeeze %dma_wait3A_562 : memref<1x1024xf32, #tpu.memory_space<vmem>> -> memref<1024xf32, #tpu.memory_space<vmem>>
      %dma_wait3A_564 = tpu.memref_slice %arg4[%select_n3A_284, %rem3A_286, %mul3A_559] : memref<26x16x16384xf32, #tpu.memory_space<hbm>> -> memref<1x1x1024xf32, #tpu.memory_space<hbm>>
      %dma_wait3A_565 = tpu.memref_squeeze %dma_wait3A_564 : memref<1x1x1024xf32, #tpu.memory_space<hbm>> -> memref<1024xf32, #tpu.memory_space<hbm>>
      %dma_wait3A_566 = tpu.memref_slice %arg4[%select_n3A_284, %rem3A_286, %mul3A_559] : memref<26x16x16384xf32, #tpu.memory_space<hbm>> -> memref<1x1x1024xf32, #tpu.memory_space<hbm>>
      %dma_wait3A_567 = tpu.memref_squeeze %dma_wait3A_566 : memref<1x1x1024xf32, #tpu.memory_space<hbm>> -> memref<1024xf32, #tpu.memory_space<hbm>>
      %dma_wait3A_568 = arith.constant 0 : i32
      %dma_wait3A_569 = tpu.memref_slice %arg7[%dma_wait3A_560, %dma_wait3A_568] : memref<2x1024xf32, #tpu.memory_space<vmem>> -> memref<1x1024xf32, #tpu.memory_space<vmem>>
      %dma_wait3A_570 = tpu.memref_squeeze %dma_wait3A_569 : memref<1x1024xf32, #tpu.memory_space<vmem>> -> memref<1024xf32, #tpu.memory_space<vmem>>
      tpu.wait_dma2 semaphore(%arg9 : memref<!tpu.dma_semaphore, #tpu.memory_space<semaphore_mem>>) src(%dma_wait3A_570 : memref<1024xf32, #tpu.memory_space<vmem>>) dst(%dma_wait3A_567 : memref<1024xf32, #tpu.memory_space<hbm>>)
      %parallel_loop3A_571 = arith.constant 0 : i32
      %parallel_loop3A_572 = arith.constant 1024 : i32
      %parallel_loop3A_573 = arith.constant 16 : i32
      scf.for %parallel_loop3A_587 = %parallel_loop3A_571 to %parallel_loop3A_572 step %parallel_loop3A_573  : i32 {
        %parallel_loop3A_588 = arith.constant 1024 : i32
        %parallel_loop3A_589 = arith.muli %add3A_557, %parallel_loop3A_588 : i32
        %parallel_loop3A_590 = arith.addi %parallel_loop3A_589, %parallel_loop3A_587 : i32
        %parallel_loop3A_591 = arith.index_cast %parallel_loop3A_590 : i32 to index
        %parallel_loop3A_592 = tpu.vector_load %arg6[%parallel_loop3A_591] {strides = array<i32>} : memref<16384xi32, #tpu.memory_space<vmem>>, vector<16xi32>,
        %parallel_loop3A_593 = tpu.vector_load_idx %arg5[%parallel_loop3A_592] : memref<100000xf32, #tpu.memory_space<vmem>>[vector<16xi32>], vector<16xf32>,
        %parallel_loop3A_594 = arith.constant 1 : i32
        %parallel_loop3A_595 = arith.index_cast %parallel_loop3A_594 : i32 to index
        %parallel_loop3A_596 = arith.index_cast %parallel_loop3A_587 : i32 to index
        %parallel_loop3A_597 = tpu.vector_load %arg7[%parallel_loop3A_595, %parallel_loop3A_596] {strides = array<i32>} : memref<2x1024xf32, #tpu.memory_space<vmem>>, vector<16xf32>,
        tpu.vector_store %arg7[%parallel_loop3A_595, %parallel_loop3A_596], %parallel_loop3A_593 {strides = array<i32>} : memref<2x1024xf32, #tpu.memory_space<vmem>>, vector<16xf32>,
      } {sc.loop_unroll_factor = 8 : i64, sc.parallel_access}
      %mul3A_574 = arith.constant 1024 : i32
      %mul3A_575 = arith.muli %add3A_557, %mul3A_574 : i32
      %dma_start3A_576 = arith.constant 1 : i32
      %dma_start3A_577 = arith.constant 0 : i32
      %dma_start3A_578 = tpu.memref_slice %arg7[%dma_start3A_576, %dma_start3A_577] : memref<2x1024xf32, #tpu.memory_space<vmem>> -> memref<1x1024xf32, #tpu.memory_space<vmem>>
      %dma_start3A_579 = tpu.memref_squeeze %dma_start3A_578 : memref<1x1024xf32, #tpu.memory_space<vmem>> -> memref<1024xf32, #tpu.memory_space<vmem>>
      %dma_start3A_580 = tpu.memref_slice %arg4[%select_n3A_284, %rem3A_286, %mul3A_575] : memref<26x16x16384xf32, #tpu.memory_space<hbm>> -> memref<1x1x1024xf32, #tpu.memory_space<hbm>>
      %dma_start3A_581 = tpu.memref_squeeze %dma_start3A_580 : memref<1x1x1024xf32, #tpu.memory_space<hbm>> -> memref<1024xf32, #tpu.memory_space<hbm>>
      %dma_start3A_582 = tpu.memref_slice %arg4[%select_n3A_284, %rem3A_286, %mul3A_575] : memref<26x16x16384xf32, #tpu.memory_space<hbm>> -> memref<1x1x1024xf32, #tpu.memory_space<hbm>>
      %dma_start3A_583 = tpu.memref_squeeze %dma_start3A_582 : memref<1x1x1024xf32, #tpu.memory_space<hbm>> -> memref<1024xf32, #tpu.memory_space<hbm>>
      %dma_start3A_584 = arith.constant 0 : i32
      %dma_start3A_585 = tpu.memref_slice %arg7[%dma_start3A_576, %dma_start3A_584] : memref<2x1024xf32, #tpu.memory_space<vmem>> -> memref<1x1024xf32, #tpu.memory_space<vmem>>
      %dma_start3A_586 = tpu.memref_squeeze %dma_start3A_585 : memref<1x1024xf32, #tpu.memory_space<vmem>> -> memref<1024xf32, #tpu.memory_space<vmem>>
      tpu.enqueue_dma source(%dma_start3A_586 : memref<1024xf32, #tpu.memory_space<vmem>>) target(%dma_start3A_583 : memref<1024xf32, #tpu.memory_space<hbm>>) target_semaphore(%arg9 : memref<!tpu.dma_semaphore, #tpu.memory_space<semaphore_mem>>)
    }
    %scan3A_297 = arith.constant 8 : i32
    %add3A_298 = arith.constant 8 : i32
    %add3A_299 = arith.addi %mul3A_2, %add3A_298 : i32
    %jit3A_300 = arith.constant 16 : i32
    %div3A_301 = arith.divsi %add3A_299, %jit3A_300 : i32
    %sign3A_302 = arith.constant 0 : i32
    %sign3A_303 = arith.cmpi sgt, %add3A_299, %sign3A_302 : i32
    %sign3A_304 = arith.extui %sign3A_303 : i1 to i32
    %sign3A_305 = arith.constant 0 : i32
    %sign3A_306 = arith.cmpi slt, %add3A_299, %sign3A_305 : i32
    %sign3A_307 = arith.extui %sign3A_306 : i1 to i32
    %sign3A_308 = arith.subi %sign3A_304, %sign3A_307 : i32
    %sign3A_309 = arith.constant 0 : i32
    %sign3A_310 = arith.cmpi sgt, %jit3A_300, %sign3A_309 : i32
    %sign3A_311 = arith.extui %sign3A_310 : i1 to i32
    %sign3A_312 = arith.constant 0 : i32
    %sign3A_313 = arith.cmpi slt, %jit3A_300, %sign3A_312 : i32
    %sign3A_314 = arith.extui %sign3A_313 : i1 to i32
    %sign3A_315 = arith.subi %sign3A_311, %sign3A_314 : i32
    %ne3A_316 = arith.cmpi ne, %sign3A_308, %sign3A_315 : i32
    %rem3A_317 = arith.remsi %add3A_299, %jit3A_300 : i32
    %ne3A_318 = arith.constant 0 : i32
    %ne3A_319 = arith.cmpi ne, %rem3A_317, %ne3A_318 : i32
    %and3A_320 = arith.andi %ne3A_316, %ne3A_319 : i1
    %sub3A_321 = arith.constant 1 : i32
    %sub3A_322 = arith.subi %div3A_301, %sub3A_321 : i32
    %select_n3A_323 = arith.select %and3A_320, %sub3A_322, %div3A_301 : i32
    %rem3A_324 = arith.constant 16 : i32
    %rem3A_325 = arith.remsi %add3A_299, %rem3A_324 : i32
    %eq3A_326 = arith.constant 0 : i32
    %eq3A_327 = arith.cmpi eq, %rem3A_325, %eq3A_326 : i32
    %convert_element_type3A_328 = arith.extui %eq3A_327 : i1 to i32
    %cond3A_329 = arith.constant 0 : i32
    %cond3A_330 = arith.cmpi ne, %convert_element_type3A_328, %cond3A_329 : i32
    scf.if %cond3A_330 {
      "tpu.region"() ({
        %run_scoped3A = tpu.sem_alloc : memref<!tpu.dma_semaphore, #tpu.memory_space<semaphore_mem>>
        %dma_start3A = arith.constant 0 : i32
        %dma_start3A_522 = tpu.memref_slice %arg3[%select_n3A_323, %dma_start3A] : memref<26x16384xi32, #tpu.memory_space<hbm>> -> memref<1x16384xi32, #tpu.memory_space<hbm>>
        %dma_start3A_523 = tpu.memref_squeeze %dma_start3A_522 : memref<1x16384xi32, #tpu.memory_space<hbm>> -> memref<16384xi32, #tpu.memory_space<hbm>>
        %dma_start3A_524 = arith.constant 0 : i32
        %dma_start3A_525 = tpu.memref_slice %arg3[%select_n3A_323, %dma_start3A_524] : memref<26x16384xi32, #tpu.memory_space<hbm>> -> memref<1x16384xi32, #tpu.memory_space<hbm>>
        %dma_start3A_526 = tpu.memref_squeeze %dma_start3A_525 : memref<1x16384xi32, #tpu.memory_space<hbm>> -> memref<16384xi32, #tpu.memory_space<hbm>>
        tpu.enqueue_dma source(%dma_start3A_526 : memref<16384xi32, #tpu.memory_space<hbm>>) target(%arg6 : memref<16384xi32, #tpu.memory_space<vmem>>) target_semaphore(%run_scoped3A : memref<!tpu.dma_semaphore, #tpu.memory_space<semaphore_mem>>)
        %dma_wait3A_527 = arith.constant 0 : i32
        %dma_wait3A_528 = tpu.memref_slice %arg3[%select_n3A_323, %dma_wait3A_527] : memref<26x16384xi32, #tpu.memory_space<hbm>> -> memref<1x16384xi32, #tpu.memory_space<hbm>>
        %dma_wait3A_529 = tpu.memref_squeeze %dma_wait3A_528 : memref<1x16384xi32, #tpu.memory_space<hbm>> -> memref<16384xi32, #tpu.memory_space<hbm>>
        %dma_wait3A_530 = arith.constant 0 : i32
        %dma_wait3A_531 = tpu.memref_slice %arg3[%select_n3A_323, %dma_wait3A_530] : memref<26x16384xi32, #tpu.memory_space<hbm>> -> memref<1x16384xi32, #tpu.memory_space<hbm>>
        %dma_wait3A_532 = tpu.memref_squeeze %dma_wait3A_531 : memref<1x16384xi32, #tpu.memory_space<hbm>> -> memref<16384xi32, #tpu.memory_space<hbm>>
        tpu.wait_dma2 semaphore(%run_scoped3A : memref<!tpu.dma_semaphore, #tpu.memory_space<semaphore_mem>>) src(%dma_wait3A_532 : memref<16384xi32, #tpu.memory_space<hbm>>) dst(%arg6 : memref<16384xi32, #tpu.memory_space<vmem>>)
        tpu.yield
      }) : () -> ()
    } else {
    }
    "tpu.region"() ({
      %run_scoped3A = tpu.sem_alloc : memref<!tpu.dma_semaphore, #tpu.memory_space<semaphore_mem>>
      %dma_start3A = arith.constant 0 : i32
      %dma_start3A_522 = tpu.memref_slice %arg2[%select_n3A_323, %rem3A_325, %dma_start3A] : memref<26x16x100000xf32, #tpu.memory_space<hbm>> -> memref<1x1x100000xf32, #tpu.memory_space<hbm>>
      %dma_start3A_523 = tpu.memref_squeeze %dma_start3A_522 : memref<1x1x100000xf32, #tpu.memory_space<hbm>> -> memref<100000xf32, #tpu.memory_space<hbm>>
      %dma_start3A_524 = arith.constant 0 : i32
      %dma_start3A_525 = tpu.memref_slice %arg2[%select_n3A_323, %rem3A_325, %dma_start3A_524] : memref<26x16x100000xf32, #tpu.memory_space<hbm>> -> memref<1x1x100000xf32, #tpu.memory_space<hbm>>
      %dma_start3A_526 = tpu.memref_squeeze %dma_start3A_525 : memref<1x1x100000xf32, #tpu.memory_space<hbm>> -> memref<100000xf32, #tpu.memory_space<hbm>>
      tpu.enqueue_dma source(%dma_start3A_526 : memref<100000xf32, #tpu.memory_space<hbm>>) target(%arg5 : memref<100000xf32, #tpu.memory_space<vmem>>) target_semaphore(%run_scoped3A : memref<!tpu.dma_semaphore, #tpu.memory_space<semaphore_mem>>)
      %dma_wait3A_527 = arith.constant 0 : i32
      %dma_wait3A_528 = tpu.memref_slice %arg2[%select_n3A_323, %rem3A_325, %dma_wait3A_527] : memref<26x16x100000xf32, #tpu.memory_space<hbm>> -> memref<1x1x100000xf32, #tpu.memory_space<hbm>>
      %dma_wait3A_529 = tpu.memref_squeeze %dma_wait3A_528 : memref<1x1x100000xf32, #tpu.memory_space<hbm>> -> memref<100000xf32, #tpu.memory_space<hbm>>
      %dma_wait3A_530 = arith.constant 0 : i32
      %dma_wait3A_531 = tpu.memref_slice %arg2[%select_n3A_323, %rem3A_325, %dma_wait3A_530] : memref<26x16x100000xf32, #tpu.memory_space<hbm>> -> memref<1x1x100000xf32, #tpu.memory_space<hbm>>
      %dma_wait3A_532 = tpu.memref_squeeze %dma_wait3A_531 : memref<1x1x100000xf32, #tpu.memory_space<hbm>> -> memref<100000xf32, #tpu.memory_space<hbm>>
      tpu.wait_dma2 semaphore(%run_scoped3A : memref<!tpu.dma_semaphore, #tpu.memory_space<semaphore_mem>>) src(%dma_wait3A_532 : memref<100000xf32, #tpu.memory_space<hbm>>) dst(%arg5 : memref<100000xf32, #tpu.memory_space<vmem>>)
      tpu.yield
    }) : () -> ()
    %scan3A_331 = arith.constant 0 : i32
    %scan3A_332 = arith.constant 0 : i32
    %scan3A_333 = arith.constant 8 : i32
    %scan3A_334 = arith.addi %scan3A_332, %scan3A_333 : i32
    %scan3A_335 = arith.constant 1 : i32
    scf.for %scan3A_522 = %scan3A_332 to %scan3A_334 step %scan3A_335  : i32 {
      %mul3A_523 = arith.constant 2 : i32
      %mul3A_524 = arith.muli %mul3A_523, %scan3A_522 : i32
      %add3A_525 = arith.constant 0 : i32
      %add3A_526 = arith.addi %mul3A_524, %add3A_525 : i32
      %mul3A_527 = arith.constant 1024 : i32
      %mul3A_528 = arith.muli %add3A_526, %mul3A_527 : i32
      %dma_wait3A_529 = arith.constant 0 : i32
      %dma_wait3A_530 = arith.constant 0 : i32
      %dma_wait3A_531 = tpu.memref_slice %arg7[%dma_wait3A_529, %dma_wait3A_530] : memref<2x1024xf32, #tpu.memory_space<vmem>> -> memref<1x1024xf32, #tpu.memory_space<vmem>>
      %dma_wait3A_532 = tpu.memref_squeeze %dma_wait3A_531 : memref<1x1024xf32, #tpu.memory_space<vmem>> -> memref<1024xf32, #tpu.memory_space<vmem>>
      %dma_wait3A_533 = tpu.memref_slice %arg4[%select_n3A_323, %rem3A_325, %mul3A_528] : memref<26x16x16384xf32, #tpu.memory_space<hbm>> -> memref<1x1x1024xf32, #tpu.memory_space<hbm>>
      %dma_wait3A_534 = tpu.memref_squeeze %dma_wait3A_533 : memref<1x1x1024xf32, #tpu.memory_space<hbm>> -> memref<1024xf32, #tpu.memory_space<hbm>>
      %dma_wait3A_535 = tpu.memref_slice %arg4[%select_n3A_323, %rem3A_325, %mul3A_528] : memref<26x16x16384xf32, #tpu.memory_space<hbm>> -> memref<1x1x1024xf32, #tpu.memory_space<hbm>>
      %dma_wait3A_536 = tpu.memref_squeeze %dma_wait3A_535 : memref<1x1x1024xf32, #tpu.memory_space<hbm>> -> memref<1024xf32, #tpu.memory_space<hbm>>
      %dma_wait3A_537 = arith.constant 0 : i32
      %dma_wait3A_538 = tpu.memref_slice %arg7[%dma_wait3A_529, %dma_wait3A_537] : memref<2x1024xf32, #tpu.memory_space<vmem>> -> memref<1x1024xf32, #tpu.memory_space<vmem>>
      %dma_wait3A_539 = tpu.memref_squeeze %dma_wait3A_538 : memref<1x1024xf32, #tpu.memory_space<vmem>> -> memref<1024xf32, #tpu.memory_space<vmem>>
      tpu.wait_dma2 semaphore(%arg8 : memref<!tpu.dma_semaphore, #tpu.memory_space<semaphore_mem>>) src(%dma_wait3A_539 : memref<1024xf32, #tpu.memory_space<vmem>>) dst(%dma_wait3A_536 : memref<1024xf32, #tpu.memory_space<hbm>>)
      %parallel_loop3A = arith.constant 0 : i32
      %parallel_loop3A_540 = arith.constant 1024 : i32
      %parallel_loop3A_541 = arith.constant 16 : i32
      scf.for %parallel_loop3A_587 = %parallel_loop3A to %parallel_loop3A_540 step %parallel_loop3A_541  : i32 {
        %parallel_loop3A_588 = arith.constant 1024 : i32
        %parallel_loop3A_589 = arith.muli %add3A_526, %parallel_loop3A_588 : i32
        %parallel_loop3A_590 = arith.addi %parallel_loop3A_589, %parallel_loop3A_587 : i32
        %parallel_loop3A_591 = arith.index_cast %parallel_loop3A_590 : i32 to index
        %parallel_loop3A_592 = tpu.vector_load %arg6[%parallel_loop3A_591] {strides = array<i32>} : memref<16384xi32, #tpu.memory_space<vmem>>, vector<16xi32>,
        %parallel_loop3A_593 = tpu.vector_load_idx %arg5[%parallel_loop3A_592] : memref<100000xf32, #tpu.memory_space<vmem>>[vector<16xi32>], vector<16xf32>,
        %parallel_loop3A_594 = arith.constant 0 : i32
        %parallel_loop3A_595 = arith.index_cast %parallel_loop3A_594 : i32 to index
        %parallel_loop3A_596 = arith.index_cast %parallel_loop3A_587 : i32 to index
        %parallel_loop3A_597 = tpu.vector_load %arg7[%parallel_loop3A_595, %parallel_loop3A_596] {strides = array<i32>} : memref<2x1024xf32, #tpu.memory_space<vmem>>, vector<16xf32>,
        tpu.vector_store %arg7[%parallel_loop3A_595, %parallel_loop3A_596], %parallel_loop3A_593 {strides = array<i32>} : memref<2x1024xf32, #tpu.memory_space<vmem>>, vector<16xf32>,
      } {sc.loop_unroll_factor = 8 : i64, sc.parallel_access}
      %mul3A_542 = arith.constant 1024 : i32
      %mul3A_543 = arith.muli %add3A_526, %mul3A_542 : i32
      %dma_start3A = arith.constant 0 : i32
      %dma_start3A_544 = arith.constant 0 : i32
      %dma_start3A_545 = tpu.memref_slice %arg7[%dma_start3A, %dma_start3A_544] : memref<2x1024xf32, #tpu.memory_space<vmem>> -> memref<1x1024xf32, #tpu.memory_space<vmem>>
      %dma_start3A_546 = tpu.memref_squeeze %dma_start3A_545 : memref<1x1024xf32, #tpu.memory_space<vmem>> -> memref<1024xf32, #tpu.memory_space<vmem>>
      %dma_start3A_547 = tpu.memref_slice %arg4[%select_n3A_323, %rem3A_325, %mul3A_543] : memref<26x16x16384xf32, #tpu.memory_space<hbm>> -> memref<1x1x1024xf32, #tpu.memory_space<hbm>>
      %dma_start3A_548 = tpu.memref_squeeze %dma_start3A_547 : memref<1x1x1024xf32, #tpu.memory_space<hbm>> -> memref<1024xf32, #tpu.memory_space<hbm>>
      %dma_start3A_549 = tpu.memref_slice %arg4[%select_n3A_323, %rem3A_325, %mul3A_543] : memref<26x16x16384xf32, #tpu.memory_space<hbm>> -> memref<1x1x1024xf32, #tpu.memory_space<hbm>>
      %dma_start3A_550 = tpu.memref_squeeze %dma_start3A_549 : memref<1x1x1024xf32, #tpu.memory_space<hbm>> -> memref<1024xf32, #tpu.memory_space<hbm>>
      %dma_start3A_551 = arith.constant 0 : i32
      %dma_start3A_552 = tpu.memref_slice %arg7[%dma_start3A, %dma_start3A_551] : memref<2x1024xf32, #tpu.memory_space<vmem>> -> memref<1x1024xf32, #tpu.memory_space<vmem>>
      %dma_start3A_553 = tpu.memref_squeeze %dma_start3A_552 : memref<1x1024xf32, #tpu.memory_space<vmem>> -> memref<1024xf32, #tpu.memory_space<vmem>>
      tpu.enqueue_dma source(%dma_start3A_553 : memref<1024xf32, #tpu.memory_space<vmem>>) target(%dma_start3A_550 : memref<1024xf32, #tpu.memory_space<hbm>>) target_semaphore(%arg8 : memref<!tpu.dma_semaphore, #tpu.memory_space<semaphore_mem>>)
      %mul3A_554 = arith.constant 2 : i32
      %mul3A_555 = arith.muli %mul3A_554, %scan3A_522 : i32
      %add3A_556 = arith.constant 1 : i32
      %add3A_557 = arith.addi %mul3A_555, %add3A_556 : i32
      %mul3A_558 = arith.constant 1024 : i32
      %mul3A_559 = arith.muli %add3A_557, %mul3A_558 : i32
      %dma_wait3A_560 = arith.constant 1 : i32
      %dma_wait3A_561 = arith.constant 0 : i32
      %dma_wait3A_562 = tpu.memref_slice %arg7[%dma_wait3A_560, %dma_wait3A_561] : memref<2x1024xf32, #tpu.memory_space<vmem>> -> memref<1x1024xf32, #tpu.memory_space<vmem>>
      %dma_wait3A_563 = tpu.memref_squeeze %dma_wait3A_562 : memref<1x1024xf32, #tpu.memory_space<vmem>> -> memref<1024xf32, #tpu.memory_space<vmem>>
      %dma_wait3A_564 = tpu.memref_slice %arg4[%select_n3A_323, %rem3A_325, %mul3A_559] : memref<26x16x16384xf32, #tpu.memory_space<hbm>> -> memref<1x1x1024xf32, #tpu.memory_space<hbm>>
      %dma_wait3A_565 = tpu.memref_squeeze %dma_wait3A_564 : memref<1x1x1024xf32, #tpu.memory_space<hbm>> -> memref<1024xf32, #tpu.memory_space<hbm>>
      %dma_wait3A_566 = tpu.memref_slice %arg4[%select_n3A_323, %rem3A_325, %mul3A_559] : memref<26x16x16384xf32, #tpu.memory_space<hbm>> -> memref<1x1x1024xf32, #tpu.memory_space<hbm>>
      %dma_wait3A_567 = tpu.memref_squeeze %dma_wait3A_566 : memref<1x1x1024xf32, #tpu.memory_space<hbm>> -> memref<1024xf32, #tpu.memory_space<hbm>>
      %dma_wait3A_568 = arith.constant 0 : i32
      %dma_wait3A_569 = tpu.memref_slice %arg7[%dma_wait3A_560, %dma_wait3A_568] : memref<2x1024xf32, #tpu.memory_space<vmem>> -> memref<1x1024xf32, #tpu.memory_space<vmem>>
      %dma_wait3A_570 = tpu.memref_squeeze %dma_wait3A_569 : memref<1x1024xf32, #tpu.memory_space<vmem>> -> memref<1024xf32, #tpu.memory_space<vmem>>
      tpu.wait_dma2 semaphore(%arg9 : memref<!tpu.dma_semaphore, #tpu.memory_space<semaphore_mem>>) src(%dma_wait3A_570 : memref<1024xf32, #tpu.memory_space<vmem>>) dst(%dma_wait3A_567 : memref<1024xf32, #tpu.memory_space<hbm>>)
      %parallel_loop3A_571 = arith.constant 0 : i32
      %parallel_loop3A_572 = arith.constant 1024 : i32
      %parallel_loop3A_573 = arith.constant 16 : i32
      scf.for %parallel_loop3A_587 = %parallel_loop3A_571 to %parallel_loop3A_572 step %parallel_loop3A_573  : i32 {
        %parallel_loop3A_588 = arith.constant 1024 : i32
        %parallel_loop3A_589 = arith.muli %add3A_557, %parallel_loop3A_588 : i32
        %parallel_loop3A_590 = arith.addi %parallel_loop3A_589, %parallel_loop3A_587 : i32
        %parallel_loop3A_591 = arith.index_cast %parallel_loop3A_590 : i32 to index
        %parallel_loop3A_592 = tpu.vector_load %arg6[%parallel_loop3A_591] {strides = array<i32>} : memref<16384xi32, #tpu.memory_space<vmem>>, vector<16xi32>,
        %parallel_loop3A_593 = tpu.vector_load_idx %arg5[%parallel_loop3A_592] : memref<100000xf32, #tpu.memory_space<vmem>>[vector<16xi32>], vector<16xf32>,
        %parallel_loop3A_594 = arith.constant 1 : i32
        %parallel_loop3A_595 = arith.index_cast %parallel_loop3A_594 : i32 to index
        %parallel_loop3A_596 = arith.index_cast %parallel_loop3A_587 : i32 to index
        %parallel_loop3A_597 = tpu.vector_load %arg7[%parallel_loop3A_595, %parallel_loop3A_596] {strides = array<i32>} : memref<2x1024xf32, #tpu.memory_space<vmem>>, vector<16xf32>,
        tpu.vector_store %arg7[%parallel_loop3A_595, %parallel_loop3A_596], %parallel_loop3A_593 {strides = array<i32>} : memref<2x1024xf32, #tpu.memory_space<vmem>>, vector<16xf32>,
      } {sc.loop_unroll_factor = 8 : i64, sc.parallel_access}
      %mul3A_574 = arith.constant 1024 : i32
      %mul3A_575 = arith.muli %add3A_557, %mul3A_574 : i32
      %dma_start3A_576 = arith.constant 1 : i32
      %dma_start3A_577 = arith.constant 0 : i32
      %dma_start3A_578 = tpu.memref_slice %arg7[%dma_start3A_576, %dma_start3A_577] : memref<2x1024xf32, #tpu.memory_space<vmem>> -> memref<1x1024xf32, #tpu.memory_space<vmem>>
      %dma_start3A_579 = tpu.memref_squeeze %dma_start3A_578 : memref<1x1024xf32, #tpu.memory_space<vmem>> -> memref<1024xf32, #tpu.memory_space<vmem>>
      %dma_start3A_580 = tpu.memref_slice %arg4[%select_n3A_323, %rem3A_325, %mul3A_575] : memref<26x16x16384xf32, #tpu.memory_space<hbm>> -> memref<1x1x1024xf32, #tpu.memory_space<hbm>>
      %dma_start3A_581 = tpu.memref_squeeze %dma_start3A_580 : memref<1x1x1024xf32, #tpu.memory_space<hbm>> -> memref<1024xf32, #tpu.memory_space<hbm>>
      %dma_start3A_582 = tpu.memref_slice %arg4[%select_n3A_323, %rem3A_325, %mul3A_575] : memref<26x16x16384xf32, #tpu.memory_space<hbm>> -> memref<1x1x1024xf32, #tpu.memory_space<hbm>>
      %dma_start3A_583 = tpu.memref_squeeze %dma_start3A_582 : memref<1x1x1024xf32, #tpu.memory_space<hbm>> -> memref<1024xf32, #tpu.memory_space<hbm>>
      %dma_start3A_584 = arith.constant 0 : i32
      %dma_start3A_585 = tpu.memref_slice %arg7[%dma_start3A_576, %dma_start3A_584] : memref<2x1024xf32, #tpu.memory_space<vmem>> -> memref<1x1024xf32, #tpu.memory_space<vmem>>
      %dma_start3A_586 = tpu.memref_squeeze %dma_start3A_585 : memref<1x1024xf32, #tpu.memory_space<vmem>> -> memref<1024xf32, #tpu.memory_space<vmem>>
      tpu.enqueue_dma source(%dma_start3A_586 : memref<1024xf32, #tpu.memory_space<vmem>>) target(%dma_start3A_583 : memref<1024xf32, #tpu.memory_space<hbm>>) target_semaphore(%arg9 : memref<!tpu.dma_semaphore, #tpu.memory_space<semaphore_mem>>)
    }
    %scan3A_336 = arith.constant 8 : i32
    %add3A_337 = arith.constant 9 : i32
    %add3A_338 = arith.addi %mul3A_2, %add3A_337 : i32
    %jit3A_339 = arith.constant 16 : i32
    %div3A_340 = arith.divsi %add3A_338, %jit3A_339 : i32
    %sign3A_341 = arith.constant 0 : i32
    %sign3A_342 = arith.cmpi sgt, %add3A_338, %sign3A_341 : i32
    %sign3A_343 = arith.extui %sign3A_342 : i1 to i32
    %sign3A_344 = arith.constant 0 : i32
    %sign3A_345 = arith.cmpi slt, %add3A_338, %sign3A_344 : i32
    %sign3A_346 = arith.extui %sign3A_345 : i1 to i32
    %sign3A_347 = arith.subi %sign3A_343, %sign3A_346 : i32
    %sign3A_348 = arith.constant 0 : i32
    %sign3A_349 = arith.cmpi sgt, %jit3A_339, %sign3A_348 : i32
    %sign3A_350 = arith.extui %sign3A_349 : i1 to i32
    %sign3A_351 = arith.constant 0 : i32
    %sign3A_352 = arith.cmpi slt, %jit3A_339, %sign3A_351 : i32
    %sign3A_353 = arith.extui %sign3A_352 : i1 to i32
    %sign3A_354 = arith.subi %sign3A_350, %sign3A_353 : i32
    %ne3A_355 = arith.cmpi ne, %sign3A_347, %sign3A_354 : i32
    %rem3A_356 = arith.remsi %add3A_338, %jit3A_339 : i32
    %ne3A_357 = arith.constant 0 : i32
    %ne3A_358 = arith.cmpi ne, %rem3A_356, %ne3A_357 : i32
    %and3A_359 = arith.andi %ne3A_355, %ne3A_358 : i1
    %sub3A_360 = arith.constant 1 : i32
    %sub3A_361 = arith.subi %div3A_340, %sub3A_360 : i32
    %select_n3A_362 = arith.select %and3A_359, %sub3A_361, %div3A_340 : i32
    %rem3A_363 = arith.constant 16 : i32
    %rem3A_364 = arith.remsi %add3A_338, %rem3A_363 : i32
    %eq3A_365 = arith.constant 0 : i32
    %eq3A_366 = arith.cmpi eq, %rem3A_364, %eq3A_365 : i32
    %convert_element_type3A_367 = arith.extui %eq3A_366 : i1 to i32
    %cond3A_368 = arith.constant 0 : i32
    %cond3A_369 = arith.cmpi ne, %convert_element_type3A_367, %cond3A_368 : i32
    scf.if %cond3A_369 {
      "tpu.region"() ({
        %run_scoped3A = tpu.sem_alloc : memref<!tpu.dma_semaphore, #tpu.memory_space<semaphore_mem>>
        %dma_start3A = arith.constant 0 : i32
        %dma_start3A_522 = tpu.memref_slice %arg3[%select_n3A_362, %dma_start3A] : memref<26x16384xi32, #tpu.memory_space<hbm>> -> memref<1x16384xi32, #tpu.memory_space<hbm>>
        %dma_start3A_523 = tpu.memref_squeeze %dma_start3A_522 : memref<1x16384xi32, #tpu.memory_space<hbm>> -> memref<16384xi32, #tpu.memory_space<hbm>>
        %dma_start3A_524 = arith.constant 0 : i32
        %dma_start3A_525 = tpu.memref_slice %arg3[%select_n3A_362, %dma_start3A_524] : memref<26x16384xi32, #tpu.memory_space<hbm>> -> memref<1x16384xi32, #tpu.memory_space<hbm>>
        %dma_start3A_526 = tpu.memref_squeeze %dma_start3A_525 : memref<1x16384xi32, #tpu.memory_space<hbm>> -> memref<16384xi32, #tpu.memory_space<hbm>>
        tpu.enqueue_dma source(%dma_start3A_526 : memref<16384xi32, #tpu.memory_space<hbm>>) target(%arg6 : memref<16384xi32, #tpu.memory_space<vmem>>) target_semaphore(%run_scoped3A : memref<!tpu.dma_semaphore, #tpu.memory_space<semaphore_mem>>)
        %dma_wait3A_527 = arith.constant 0 : i32
        %dma_wait3A_528 = tpu.memref_slice %arg3[%select_n3A_362, %dma_wait3A_527] : memref<26x16384xi32, #tpu.memory_space<hbm>> -> memref<1x16384xi32, #tpu.memory_space<hbm>>
        %dma_wait3A_529 = tpu.memref_squeeze %dma_wait3A_528 : memref<1x16384xi32, #tpu.memory_space<hbm>> -> memref<16384xi32, #tpu.memory_space<hbm>>
        %dma_wait3A_530 = arith.constant 0 : i32
        %dma_wait3A_531 = tpu.memref_slice %arg3[%select_n3A_362, %dma_wait3A_530] : memref<26x16384xi32, #tpu.memory_space<hbm>> -> memref<1x16384xi32, #tpu.memory_space<hbm>>
        %dma_wait3A_532 = tpu.memref_squeeze %dma_wait3A_531 : memref<1x16384xi32, #tpu.memory_space<hbm>> -> memref<16384xi32, #tpu.memory_space<hbm>>
        tpu.wait_dma2 semaphore(%run_scoped3A : memref<!tpu.dma_semaphore, #tpu.memory_space<semaphore_mem>>) src(%dma_wait3A_532 : memref<16384xi32, #tpu.memory_space<hbm>>) dst(%arg6 : memref<16384xi32, #tpu.memory_space<vmem>>)
        tpu.yield
      }) : () -> ()
    } else {
    }
    "tpu.region"() ({
      %run_scoped3A = tpu.sem_alloc : memref<!tpu.dma_semaphore, #tpu.memory_space<semaphore_mem>>
      %dma_start3A = arith.constant 0 : i32
      %dma_start3A_522 = tpu.memref_slice %arg2[%select_n3A_362, %rem3A_364, %dma_start3A] : memref<26x16x100000xf32, #tpu.memory_space<hbm>> -> memref<1x1x100000xf32, #tpu.memory_space<hbm>>
      %dma_start3A_523 = tpu.memref_squeeze %dma_start3A_522 : memref<1x1x100000xf32, #tpu.memory_space<hbm>> -> memref<100000xf32, #tpu.memory_space<hbm>>
      %dma_start3A_524 = arith.constant 0 : i32
      %dma_start3A_525 = tpu.memref_slice %arg2[%select_n3A_362, %rem3A_364, %dma_start3A_524] : memref<26x16x100000xf32, #tpu.memory_space<hbm>> -> memref<1x1x100000xf32, #tpu.memory_space<hbm>>
      %dma_start3A_526 = tpu.memref_squeeze %dma_start3A_525 : memref<1x1x100000xf32, #tpu.memory_space<hbm>> -> memref<100000xf32, #tpu.memory_space<hbm>>
      tpu.enqueue_dma source(%dma_start3A_526 : memref<100000xf32, #tpu.memory_space<hbm>>) target(%arg5 : memref<100000xf32, #tpu.memory_space<vmem>>) target_semaphore(%run_scoped3A : memref<!tpu.dma_semaphore, #tpu.memory_space<semaphore_mem>>)
      %dma_wait3A_527 = arith.constant 0 : i32
      %dma_wait3A_528 = tpu.memref_slice %arg2[%select_n3A_362, %rem3A_364, %dma_wait3A_527] : memref<26x16x100000xf32, #tpu.memory_space<hbm>> -> memref<1x1x100000xf32, #tpu.memory_space<hbm>>
      %dma_wait3A_529 = tpu.memref_squeeze %dma_wait3A_528 : memref<1x1x100000xf32, #tpu.memory_space<hbm>> -> memref<100000xf32, #tpu.memory_space<hbm>>
      %dma_wait3A_530 = arith.constant 0 : i32
      %dma_wait3A_531 = tpu.memref_slice %arg2[%select_n3A_362, %rem3A_364, %dma_wait3A_530] : memref<26x16x100000xf32, #tpu.memory_space<hbm>> -> memref<1x1x100000xf32, #tpu.memory_space<hbm>>
      %dma_wait3A_532 = tpu.memref_squeeze %dma_wait3A_531 : memref<1x1x100000xf32, #tpu.memory_space<hbm>> -> memref<100000xf32, #tpu.memory_space<hbm>>
      tpu.wait_dma2 semaphore(%run_scoped3A : memref<!tpu.dma_semaphore, #tpu.memory_space<semaphore_mem>>) src(%dma_wait3A_532 : memref<100000xf32, #tpu.memory_space<hbm>>) dst(%arg5 : memref<100000xf32, #tpu.memory_space<vmem>>)
      tpu.yield
    }) : () -> ()
    %scan3A_370 = arith.constant 0 : i32
    %scan3A_371 = arith.constant 0 : i32
    %scan3A_372 = arith.constant 8 : i32
    %scan3A_373 = arith.addi %scan3A_371, %scan3A_372 : i32
    %scan3A_374 = arith.constant 1 : i32
    scf.for %scan3A_522 = %scan3A_371 to %scan3A_373 step %scan3A_374  : i32 {
      %mul3A_523 = arith.constant 2 : i32
      %mul3A_524 = arith.muli %mul3A_523, %scan3A_522 : i32
      %add3A_525 = arith.constant 0 : i32
      %add3A_526 = arith.addi %mul3A_524, %add3A_525 : i32
      %mul3A_527 = arith.constant 1024 : i32
      %mul3A_528 = arith.muli %add3A_526, %mul3A_527 : i32
      %dma_wait3A_529 = arith.constant 0 : i32
      %dma_wait3A_530 = arith.constant 0 : i32
      %dma_wait3A_531 = tpu.memref_slice %arg7[%dma_wait3A_529, %dma_wait3A_530] : memref<2x1024xf32, #tpu.memory_space<vmem>> -> memref<1x1024xf32, #tpu.memory_space<vmem>>
      %dma_wait3A_532 = tpu.memref_squeeze %dma_wait3A_531 : memref<1x1024xf32, #tpu.memory_space<vmem>> -> memref<1024xf32, #tpu.memory_space<vmem>>
      %dma_wait3A_533 = tpu.memref_slice %arg4[%select_n3A_362, %rem3A_364, %mul3A_528] : memref<26x16x16384xf32, #tpu.memory_space<hbm>> -> memref<1x1x1024xf32, #tpu.memory_space<hbm>>
      %dma_wait3A_534 = tpu.memref_squeeze %dma_wait3A_533 : memref<1x1x1024xf32, #tpu.memory_space<hbm>> -> memref<1024xf32, #tpu.memory_space<hbm>>
      %dma_wait3A_535 = tpu.memref_slice %arg4[%select_n3A_362, %rem3A_364, %mul3A_528] : memref<26x16x16384xf32, #tpu.memory_space<hbm>> -> memref<1x1x1024xf32, #tpu.memory_space<hbm>>
      %dma_wait3A_536 = tpu.memref_squeeze %dma_wait3A_535 : memref<1x1x1024xf32, #tpu.memory_space<hbm>> -> memref<1024xf32, #tpu.memory_space<hbm>>
      %dma_wait3A_537 = arith.constant 0 : i32
      %dma_wait3A_538 = tpu.memref_slice %arg7[%dma_wait3A_529, %dma_wait3A_537] : memref<2x1024xf32, #tpu.memory_space<vmem>> -> memref<1x1024xf32, #tpu.memory_space<vmem>>
      %dma_wait3A_539 = tpu.memref_squeeze %dma_wait3A_538 : memref<1x1024xf32, #tpu.memory_space<vmem>> -> memref<1024xf32, #tpu.memory_space<vmem>>
      tpu.wait_dma2 semaphore(%arg8 : memref<!tpu.dma_semaphore, #tpu.memory_space<semaphore_mem>>) src(%dma_wait3A_539 : memref<1024xf32, #tpu.memory_space<vmem>>) dst(%dma_wait3A_536 : memref<1024xf32, #tpu.memory_space<hbm>>)
      %parallel_loop3A = arith.constant 0 : i32
      %parallel_loop3A_540 = arith.constant 1024 : i32
      %parallel_loop3A_541 = arith.constant 16 : i32
      scf.for %parallel_loop3A_587 = %parallel_loop3A to %parallel_loop3A_540 step %parallel_loop3A_541  : i32 {
        %parallel_loop3A_588 = arith.constant 1024 : i32
        %parallel_loop3A_589 = arith.muli %add3A_526, %parallel_loop3A_588 : i32
        %parallel_loop3A_590 = arith.addi %parallel_loop3A_589, %parallel_loop3A_587 : i32
        %parallel_loop3A_591 = arith.index_cast %parallel_loop3A_590 : i32 to index
        %parallel_loop3A_592 = tpu.vector_load %arg6[%parallel_loop3A_591] {strides = array<i32>} : memref<16384xi32, #tpu.memory_space<vmem>>, vector<16xi32>,
        %parallel_loop3A_593 = tpu.vector_load_idx %arg5[%parallel_loop3A_592] : memref<100000xf32, #tpu.memory_space<vmem>>[vector<16xi32>], vector<16xf32>,
        %parallel_loop3A_594 = arith.constant 0 : i32
        %parallel_loop3A_595 = arith.index_cast %parallel_loop3A_594 : i32 to index
        %parallel_loop3A_596 = arith.index_cast %parallel_loop3A_587 : i32 to index
        %parallel_loop3A_597 = tpu.vector_load %arg7[%parallel_loop3A_595, %parallel_loop3A_596] {strides = array<i32>} : memref<2x1024xf32, #tpu.memory_space<vmem>>, vector<16xf32>,
        tpu.vector_store %arg7[%parallel_loop3A_595, %parallel_loop3A_596], %parallel_loop3A_593 {strides = array<i32>} : memref<2x1024xf32, #tpu.memory_space<vmem>>, vector<16xf32>,
      } {sc.loop_unroll_factor = 8 : i64, sc.parallel_access}
      %mul3A_542 = arith.constant 1024 : i32
      %mul3A_543 = arith.muli %add3A_526, %mul3A_542 : i32
      %dma_start3A = arith.constant 0 : i32
      %dma_start3A_544 = arith.constant 0 : i32
      %dma_start3A_545 = tpu.memref_slice %arg7[%dma_start3A, %dma_start3A_544] : memref<2x1024xf32, #tpu.memory_space<vmem>> -> memref<1x1024xf32, #tpu.memory_space<vmem>>
      %dma_start3A_546 = tpu.memref_squeeze %dma_start3A_545 : memref<1x1024xf32, #tpu.memory_space<vmem>> -> memref<1024xf32, #tpu.memory_space<vmem>>
      %dma_start3A_547 = tpu.memref_slice %arg4[%select_n3A_362, %rem3A_364, %mul3A_543] : memref<26x16x16384xf32, #tpu.memory_space<hbm>> -> memref<1x1x1024xf32, #tpu.memory_space<hbm>>
      %dma_start3A_548 = tpu.memref_squeeze %dma_start3A_547 : memref<1x1x1024xf32, #tpu.memory_space<hbm>> -> memref<1024xf32, #tpu.memory_space<hbm>>
      %dma_start3A_549 = tpu.memref_slice %arg4[%select_n3A_362, %rem3A_364, %mul3A_543] : memref<26x16x16384xf32, #tpu.memory_space<hbm>> -> memref<1x1x1024xf32, #tpu.memory_space<hbm>>
      %dma_start3A_550 = tpu.memref_squeeze %dma_start3A_549 : memref<1x1x1024xf32, #tpu.memory_space<hbm>> -> memref<1024xf32, #tpu.memory_space<hbm>>
      %dma_start3A_551 = arith.constant 0 : i32
      %dma_start3A_552 = tpu.memref_slice %arg7[%dma_start3A, %dma_start3A_551] : memref<2x1024xf32, #tpu.memory_space<vmem>> -> memref<1x1024xf32, #tpu.memory_space<vmem>>
      %dma_start3A_553 = tpu.memref_squeeze %dma_start3A_552 : memref<1x1024xf32, #tpu.memory_space<vmem>> -> memref<1024xf32, #tpu.memory_space<vmem>>
      tpu.enqueue_dma source(%dma_start3A_553 : memref<1024xf32, #tpu.memory_space<vmem>>) target(%dma_start3A_550 : memref<1024xf32, #tpu.memory_space<hbm>>) target_semaphore(%arg8 : memref<!tpu.dma_semaphore, #tpu.memory_space<semaphore_mem>>)
      %mul3A_554 = arith.constant 2 : i32
      %mul3A_555 = arith.muli %mul3A_554, %scan3A_522 : i32
      %add3A_556 = arith.constant 1 : i32
      %add3A_557 = arith.addi %mul3A_555, %add3A_556 : i32
      %mul3A_558 = arith.constant 1024 : i32
      %mul3A_559 = arith.muli %add3A_557, %mul3A_558 : i32
      %dma_wait3A_560 = arith.constant 1 : i32
      %dma_wait3A_561 = arith.constant 0 : i32
      %dma_wait3A_562 = tpu.memref_slice %arg7[%dma_wait3A_560, %dma_wait3A_561] : memref<2x1024xf32, #tpu.memory_space<vmem>> -> memref<1x1024xf32, #tpu.memory_space<vmem>>
      %dma_wait3A_563 = tpu.memref_squeeze %dma_wait3A_562 : memref<1x1024xf32, #tpu.memory_space<vmem>> -> memref<1024xf32, #tpu.memory_space<vmem>>
      %dma_wait3A_564 = tpu.memref_slice %arg4[%select_n3A_362, %rem3A_364, %mul3A_559] : memref<26x16x16384xf32, #tpu.memory_space<hbm>> -> memref<1x1x1024xf32, #tpu.memory_space<hbm>>
      %dma_wait3A_565 = tpu.memref_squeeze %dma_wait3A_564 : memref<1x1x1024xf32, #tpu.memory_space<hbm>> -> memref<1024xf32, #tpu.memory_space<hbm>>
      %dma_wait3A_566 = tpu.memref_slice %arg4[%select_n3A_362, %rem3A_364, %mul3A_559] : memref<26x16x16384xf32, #tpu.memory_space<hbm>> -> memref<1x1x1024xf32, #tpu.memory_space<hbm>>
      %dma_wait3A_567 = tpu.memref_squeeze %dma_wait3A_566 : memref<1x1x1024xf32, #tpu.memory_space<hbm>> -> memref<1024xf32, #tpu.memory_space<hbm>>
      %dma_wait3A_568 = arith.constant 0 : i32
      %dma_wait3A_569 = tpu.memref_slice %arg7[%dma_wait3A_560, %dma_wait3A_568] : memref<2x1024xf32, #tpu.memory_space<vmem>> -> memref<1x1024xf32, #tpu.memory_space<vmem>>
      %dma_wait3A_570 = tpu.memref_squeeze %dma_wait3A_569 : memref<1x1024xf32, #tpu.memory_space<vmem>> -> memref<1024xf32, #tpu.memory_space<vmem>>
      tpu.wait_dma2 semaphore(%arg9 : memref<!tpu.dma_semaphore, #tpu.memory_space<semaphore_mem>>) src(%dma_wait3A_570 : memref<1024xf32, #tpu.memory_space<vmem>>) dst(%dma_wait3A_567 : memref<1024xf32, #tpu.memory_space<hbm>>)
      %parallel_loop3A_571 = arith.constant 0 : i32
      %parallel_loop3A_572 = arith.constant 1024 : i32
      %parallel_loop3A_573 = arith.constant 16 : i32
      scf.for %parallel_loop3A_587 = %parallel_loop3A_571 to %parallel_loop3A_572 step %parallel_loop3A_573  : i32 {
        %parallel_loop3A_588 = arith.constant 1024 : i32
        %parallel_loop3A_589 = arith.muli %add3A_557, %parallel_loop3A_588 : i32
        %parallel_loop3A_590 = arith.addi %parallel_loop3A_589, %parallel_loop3A_587 : i32
        %parallel_loop3A_591 = arith.index_cast %parallel_loop3A_590 : i32 to index
        %parallel_loop3A_592 = tpu.vector_load %arg6[%parallel_loop3A_591] {strides = array<i32>} : memref<16384xi32, #tpu.memory_space<vmem>>, vector<16xi32>,
        %parallel_loop3A_593 = tpu.vector_load_idx %arg5[%parallel_loop3A_592] : memref<100000xf32, #tpu.memory_space<vmem>>[vector<16xi32>], vector<16xf32>,
        %parallel_loop3A_594 = arith.constant 1 : i32
        %parallel_loop3A_595 = arith.index_cast %parallel_loop3A_594 : i32 to index
        %parallel_loop3A_596 = arith.index_cast %parallel_loop3A_587 : i32 to index
        %parallel_loop3A_597 = tpu.vector_load %arg7[%parallel_loop3A_595, %parallel_loop3A_596] {strides = array<i32>} : memref<2x1024xf32, #tpu.memory_space<vmem>>, vector<16xf32>,
        tpu.vector_store %arg7[%parallel_loop3A_595, %parallel_loop3A_596], %parallel_loop3A_593 {strides = array<i32>} : memref<2x1024xf32, #tpu.memory_space<vmem>>, vector<16xf32>,
      } {sc.loop_unroll_factor = 8 : i64, sc.parallel_access}
      %mul3A_574 = arith.constant 1024 : i32
      %mul3A_575 = arith.muli %add3A_557, %mul3A_574 : i32
      %dma_start3A_576 = arith.constant 1 : i32
      %dma_start3A_577 = arith.constant 0 : i32
      %dma_start3A_578 = tpu.memref_slice %arg7[%dma_start3A_576, %dma_start3A_577] : memref<2x1024xf32, #tpu.memory_space<vmem>> -> memref<1x1024xf32, #tpu.memory_space<vmem>>
      %dma_start3A_579 = tpu.memref_squeeze %dma_start3A_578 : memref<1x1024xf32, #tpu.memory_space<vmem>> -> memref<1024xf32, #tpu.memory_space<vmem>>
      %dma_start3A_580 = tpu.memref_slice %arg4[%select_n3A_362, %rem3A_364, %mul3A_575] : memref<26x16x16384xf32, #tpu.memory_space<hbm>> -> memref<1x1x1024xf32, #tpu.memory_space<hbm>>
      %dma_start3A_581 = tpu.memref_squeeze %dma_start3A_580 : memref<1x1x1024xf32, #tpu.memory_space<hbm>> -> memref<1024xf32, #tpu.memory_space<hbm>>
      %dma_start3A_582 = tpu.memref_slice %arg4[%select_n3A_362, %rem3A_364, %mul3A_575] : memref<26x16x16384xf32, #tpu.memory_space<hbm>> -> memref<1x1x1024xf32, #tpu.memory_space<hbm>>
      %dma_start3A_583 = tpu.memref_squeeze %dma_start3A_582 : memref<1x1x1024xf32, #tpu.memory_space<hbm>> -> memref<1024xf32, #tpu.memory_space<hbm>>
      %dma_start3A_584 = arith.constant 0 : i32
      %dma_start3A_585 = tpu.memref_slice %arg7[%dma_start3A_576, %dma_start3A_584] : memref<2x1024xf32, #tpu.memory_space<vmem>> -> memref<1x1024xf32, #tpu.memory_space<vmem>>
      %dma_start3A_586 = tpu.memref_squeeze %dma_start3A_585 : memref<1x1024xf32, #tpu.memory_space<vmem>> -> memref<1024xf32, #tpu.memory_space<vmem>>
      tpu.enqueue_dma source(%dma_start3A_586 : memref<1024xf32, #tpu.memory_space<vmem>>) target(%dma_start3A_583 : memref<1024xf32, #tpu.memory_space<hbm>>) target_semaphore(%arg9 : memref<!tpu.dma_semaphore, #tpu.memory_space<semaphore_mem>>)
    }
    %scan3A_375 = arith.constant 8 : i32
    %add3A_376 = arith.constant 10 : i32
    %add3A_377 = arith.addi %mul3A_2, %add3A_376 : i32
    %jit3A_378 = arith.constant 16 : i32
    %div3A_379 = arith.divsi %add3A_377, %jit3A_378 : i32
    %sign3A_380 = arith.constant 0 : i32
    %sign3A_381 = arith.cmpi sgt, %add3A_377, %sign3A_380 : i32
    %sign3A_382 = arith.extui %sign3A_381 : i1 to i32
    %sign3A_383 = arith.constant 0 : i32
    %sign3A_384 = arith.cmpi slt, %add3A_377, %sign3A_383 : i32
    %sign3A_385 = arith.extui %sign3A_384 : i1 to i32
    %sign3A_386 = arith.subi %sign3A_382, %sign3A_385 : i32
    %sign3A_387 = arith.constant 0 : i32
    %sign3A_388 = arith.cmpi sgt, %jit3A_378, %sign3A_387 : i32
    %sign3A_389 = arith.extui %sign3A_388 : i1 to i32
    %sign3A_390 = arith.constant 0 : i32
    %sign3A_391 = arith.cmpi slt, %jit3A_378, %sign3A_390 : i32
    %sign3A_392 = arith.extui %sign3A_391 : i1 to i32
    %sign3A_393 = arith.subi %sign3A_389, %sign3A_392 : i32
    %ne3A_394 = arith.cmpi ne, %sign3A_386, %sign3A_393 : i32
    %rem3A_395 = arith.remsi %add3A_377, %jit3A_378 : i32
    %ne3A_396 = arith.constant 0 : i32
    %ne3A_397 = arith.cmpi ne, %rem3A_395, %ne3A_396 : i32
    %and3A_398 = arith.andi %ne3A_394, %ne3A_397 : i1
    %sub3A_399 = arith.constant 1 : i32
    %sub3A_400 = arith.subi %div3A_379, %sub3A_399 : i32
    %select_n3A_401 = arith.select %and3A_398, %sub3A_400, %div3A_379 : i32
    %rem3A_402 = arith.constant 16 : i32
    %rem3A_403 = arith.remsi %add3A_377, %rem3A_402 : i32
    %eq3A_404 = arith.constant 0 : i32
    %eq3A_405 = arith.cmpi eq, %rem3A_403, %eq3A_404 : i32
    %convert_element_type3A_406 = arith.extui %eq3A_405 : i1 to i32
    %cond3A_407 = arith.constant 0 : i32
    %cond3A_408 = arith.cmpi ne, %convert_element_type3A_406, %cond3A_407 : i32
    scf.if %cond3A_408 {
      "tpu.region"() ({
        %run_scoped3A = tpu.sem_alloc : memref<!tpu.dma_semaphore, #tpu.memory_space<semaphore_mem>>
        %dma_start3A = arith.constant 0 : i32
        %dma_start3A_522 = tpu.memref_slice %arg3[%select_n3A_401, %dma_start3A] : memref<26x16384xi32, #tpu.memory_space<hbm>> -> memref<1x16384xi32, #tpu.memory_space<hbm>>
        %dma_start3A_523 = tpu.memref_squeeze %dma_start3A_522 : memref<1x16384xi32, #tpu.memory_space<hbm>> -> memref<16384xi32, #tpu.memory_space<hbm>>
        %dma_start3A_524 = arith.constant 0 : i32
        %dma_start3A_525 = tpu.memref_slice %arg3[%select_n3A_401, %dma_start3A_524] : memref<26x16384xi32, #tpu.memory_space<hbm>> -> memref<1x16384xi32, #tpu.memory_space<hbm>>
        %dma_start3A_526 = tpu.memref_squeeze %dma_start3A_525 : memref<1x16384xi32, #tpu.memory_space<hbm>> -> memref<16384xi32, #tpu.memory_space<hbm>>
        tpu.enqueue_dma source(%dma_start3A_526 : memref<16384xi32, #tpu.memory_space<hbm>>) target(%arg6 : memref<16384xi32, #tpu.memory_space<vmem>>) target_semaphore(%run_scoped3A : memref<!tpu.dma_semaphore, #tpu.memory_space<semaphore_mem>>)
        %dma_wait3A_527 = arith.constant 0 : i32
        %dma_wait3A_528 = tpu.memref_slice %arg3[%select_n3A_401, %dma_wait3A_527] : memref<26x16384xi32, #tpu.memory_space<hbm>> -> memref<1x16384xi32, #tpu.memory_space<hbm>>
        %dma_wait3A_529 = tpu.memref_squeeze %dma_wait3A_528 : memref<1x16384xi32, #tpu.memory_space<hbm>> -> memref<16384xi32, #tpu.memory_space<hbm>>
        %dma_wait3A_530 = arith.constant 0 : i32
        %dma_wait3A_531 = tpu.memref_slice %arg3[%select_n3A_401, %dma_wait3A_530] : memref<26x16384xi32, #tpu.memory_space<hbm>> -> memref<1x16384xi32, #tpu.memory_space<hbm>>
        %dma_wait3A_532 = tpu.memref_squeeze %dma_wait3A_531 : memref<1x16384xi32, #tpu.memory_space<hbm>> -> memref<16384xi32, #tpu.memory_space<hbm>>
        tpu.wait_dma2 semaphore(%run_scoped3A : memref<!tpu.dma_semaphore, #tpu.memory_space<semaphore_mem>>) src(%dma_wait3A_532 : memref<16384xi32, #tpu.memory_space<hbm>>) dst(%arg6 : memref<16384xi32, #tpu.memory_space<vmem>>)
        tpu.yield
      }) : () -> ()
    } else {
    }
    "tpu.region"() ({
      %run_scoped3A = tpu.sem_alloc : memref<!tpu.dma_semaphore, #tpu.memory_space<semaphore_mem>>
      %dma_start3A = arith.constant 0 : i32
      %dma_start3A_522 = tpu.memref_slice %arg2[%select_n3A_401, %rem3A_403, %dma_start3A] : memref<26x16x100000xf32, #tpu.memory_space<hbm>> -> memref<1x1x100000xf32, #tpu.memory_space<hbm>>
      %dma_start3A_523 = tpu.memref_squeeze %dma_start3A_522 : memref<1x1x100000xf32, #tpu.memory_space<hbm>> -> memref<100000xf32, #tpu.memory_space<hbm>>
      %dma_start3A_524 = arith.constant 0 : i32
      %dma_start3A_525 = tpu.memref_slice %arg2[%select_n3A_401, %rem3A_403, %dma_start3A_524] : memref<26x16x100000xf32, #tpu.memory_space<hbm>> -> memref<1x1x100000xf32, #tpu.memory_space<hbm>>
      %dma_start3A_526 = tpu.memref_squeeze %dma_start3A_525 : memref<1x1x100000xf32, #tpu.memory_space<hbm>> -> memref<100000xf32, #tpu.memory_space<hbm>>
      tpu.enqueue_dma source(%dma_start3A_526 : memref<100000xf32, #tpu.memory_space<hbm>>) target(%arg5 : memref<100000xf32, #tpu.memory_space<vmem>>) target_semaphore(%run_scoped3A : memref<!tpu.dma_semaphore, #tpu.memory_space<semaphore_mem>>)
      %dma_wait3A_527 = arith.constant 0 : i32
      %dma_wait3A_528 = tpu.memref_slice %arg2[%select_n3A_401, %rem3A_403, %dma_wait3A_527] : memref<26x16x100000xf32, #tpu.memory_space<hbm>> -> memref<1x1x100000xf32, #tpu.memory_space<hbm>>
      %dma_wait3A_529 = tpu.memref_squeeze %dma_wait3A_528 : memref<1x1x100000xf32, #tpu.memory_space<hbm>> -> memref<100000xf32, #tpu.memory_space<hbm>>
      %dma_wait3A_530 = arith.constant 0 : i32
      %dma_wait3A_531 = tpu.memref_slice %arg2[%select_n3A_401, %rem3A_403, %dma_wait3A_530] : memref<26x16x100000xf32, #tpu.memory_space<hbm>> -> memref<1x1x100000xf32, #tpu.memory_space<hbm>>
      %dma_wait3A_532 = tpu.memref_squeeze %dma_wait3A_531 : memref<1x1x100000xf32, #tpu.memory_space<hbm>> -> memref<100000xf32, #tpu.memory_space<hbm>>
      tpu.wait_dma2 semaphore(%run_scoped3A : memref<!tpu.dma_semaphore, #tpu.memory_space<semaphore_mem>>) src(%dma_wait3A_532 : memref<100000xf32, #tpu.memory_space<hbm>>) dst(%arg5 : memref<100000xf32, #tpu.memory_space<vmem>>)
      tpu.yield
    }) : () -> ()
    %scan3A_409 = arith.constant 0 : i32
    %scan3A_410 = arith.constant 0 : i32
    %scan3A_411 = arith.constant 8 : i32
    %scan3A_412 = arith.addi %scan3A_410, %scan3A_411 : i32
    %scan3A_413 = arith.constant 1 : i32
    scf.for %scan3A_522 = %scan3A_410 to %scan3A_412 step %scan3A_413  : i32 {
      %mul3A_523 = arith.constant 2 : i32
      %mul3A_524 = arith.muli %mul3A_523, %scan3A_522 : i32
      %add3A_525 = arith.constant 0 : i32
      %add3A_526 = arith.addi %mul3A_524, %add3A_525 : i32
      %mul3A_527 = arith.constant 1024 : i32
      %mul3A_528 = arith.muli %add3A_526, %mul3A_527 : i32
      %dma_wait3A_529 = arith.constant 0 : i32
      %dma_wait3A_530 = arith.constant 0 : i32
      %dma_wait3A_531 = tpu.memref_slice %arg7[%dma_wait3A_529, %dma_wait3A_530] : memref<2x1024xf32, #tpu.memory_space<vmem>> -> memref<1x1024xf32, #tpu.memory_space<vmem>>
      %dma_wait3A_532 = tpu.memref_squeeze %dma_wait3A_531 : memref<1x1024xf32, #tpu.memory_space<vmem>> -> memref<1024xf32, #tpu.memory_space<vmem>>
      %dma_wait3A_533 = tpu.memref_slice %arg4[%select_n3A_401, %rem3A_403, %mul3A_528] : memref<26x16x16384xf32, #tpu.memory_space<hbm>> -> memref<1x1x1024xf32, #tpu.memory_space<hbm>>
      %dma_wait3A_534 = tpu.memref_squeeze %dma_wait3A_533 : memref<1x1x1024xf32, #tpu.memory_space<hbm>> -> memref<1024xf32, #tpu.memory_space<hbm>>
      %dma_wait3A_535 = tpu.memref_slice %arg4[%select_n3A_401, %rem3A_403, %mul3A_528] : memref<26x16x16384xf32, #tpu.memory_space<hbm>> -> memref<1x1x1024xf32, #tpu.memory_space<hbm>>
      %dma_wait3A_536 = tpu.memref_squeeze %dma_wait3A_535 : memref<1x1x1024xf32, #tpu.memory_space<hbm>> -> memref<1024xf32, #tpu.memory_space<hbm>>
      %dma_wait3A_537 = arith.constant 0 : i32
      %dma_wait3A_538 = tpu.memref_slice %arg7[%dma_wait3A_529, %dma_wait3A_537] : memref<2x1024xf32, #tpu.memory_space<vmem>> -> memref<1x1024xf32, #tpu.memory_space<vmem>>
      %dma_wait3A_539 = tpu.memref_squeeze %dma_wait3A_538 : memref<1x1024xf32, #tpu.memory_space<vmem>> -> memref<1024xf32, #tpu.memory_space<vmem>>
      tpu.wait_dma2 semaphore(%arg8 : memref<!tpu.dma_semaphore, #tpu.memory_space<semaphore_mem>>) src(%dma_wait3A_539 : memref<1024xf32, #tpu.memory_space<vmem>>) dst(%dma_wait3A_536 : memref<1024xf32, #tpu.memory_space<hbm>>)
      %parallel_loop3A = arith.constant 0 : i32
      %parallel_loop3A_540 = arith.constant 1024 : i32
      %parallel_loop3A_541 = arith.constant 16 : i32
      scf.for %parallel_loop3A_587 = %parallel_loop3A to %parallel_loop3A_540 step %parallel_loop3A_541  : i32 {
        %parallel_loop3A_588 = arith.constant 1024 : i32
        %parallel_loop3A_589 = arith.muli %add3A_526, %parallel_loop3A_588 : i32
        %parallel_loop3A_590 = arith.addi %parallel_loop3A_589, %parallel_loop3A_587 : i32
        %parallel_loop3A_591 = arith.index_cast %parallel_loop3A_590 : i32 to index
        %parallel_loop3A_592 = tpu.vector_load %arg6[%parallel_loop3A_591] {strides = array<i32>} : memref<16384xi32, #tpu.memory_space<vmem>>, vector<16xi32>,
        %parallel_loop3A_593 = tpu.vector_load_idx %arg5[%parallel_loop3A_592] : memref<100000xf32, #tpu.memory_space<vmem>>[vector<16xi32>], vector<16xf32>,
        %parallel_loop3A_594 = arith.constant 0 : i32
        %parallel_loop3A_595 = arith.index_cast %parallel_loop3A_594 : i32 to index
        %parallel_loop3A_596 = arith.index_cast %parallel_loop3A_587 : i32 to index
        %parallel_loop3A_597 = tpu.vector_load %arg7[%parallel_loop3A_595, %parallel_loop3A_596] {strides = array<i32>} : memref<2x1024xf32, #tpu.memory_space<vmem>>, vector<16xf32>,
        tpu.vector_store %arg7[%parallel_loop3A_595, %parallel_loop3A_596], %parallel_loop3A_593 {strides = array<i32>} : memref<2x1024xf32, #tpu.memory_space<vmem>>, vector<16xf32>,
      } {sc.loop_unroll_factor = 8 : i64, sc.parallel_access}
      %mul3A_542 = arith.constant 1024 : i32
      %mul3A_543 = arith.muli %add3A_526, %mul3A_542 : i32
      %dma_start3A = arith.constant 0 : i32
      %dma_start3A_544 = arith.constant 0 : i32
      %dma_start3A_545 = tpu.memref_slice %arg7[%dma_start3A, %dma_start3A_544] : memref<2x1024xf32, #tpu.memory_space<vmem>> -> memref<1x1024xf32, #tpu.memory_space<vmem>>
      %dma_start3A_546 = tpu.memref_squeeze %dma_start3A_545 : memref<1x1024xf32, #tpu.memory_space<vmem>> -> memref<1024xf32, #tpu.memory_space<vmem>>
      %dma_start3A_547 = tpu.memref_slice %arg4[%select_n3A_401, %rem3A_403, %mul3A_543] : memref<26x16x16384xf32, #tpu.memory_space<hbm>> -> memref<1x1x1024xf32, #tpu.memory_space<hbm>>
      %dma_start3A_548 = tpu.memref_squeeze %dma_start3A_547 : memref<1x1x1024xf32, #tpu.memory_space<hbm>> -> memref<1024xf32, #tpu.memory_space<hbm>>
      %dma_start3A_549 = tpu.memref_slice %arg4[%select_n3A_401, %rem3A_403, %mul3A_543] : memref<26x16x16384xf32, #tpu.memory_space<hbm>> -> memref<1x1x1024xf32, #tpu.memory_space<hbm>>
      %dma_start3A_550 = tpu.memref_squeeze %dma_start3A_549 : memref<1x1x1024xf32, #tpu.memory_space<hbm>> -> memref<1024xf32, #tpu.memory_space<hbm>>
      %dma_start3A_551 = arith.constant 0 : i32
      %dma_start3A_552 = tpu.memref_slice %arg7[%dma_start3A, %dma_start3A_551] : memref<2x1024xf32, #tpu.memory_space<vmem>> -> memref<1x1024xf32, #tpu.memory_space<vmem>>
      %dma_start3A_553 = tpu.memref_squeeze %dma_start3A_552 : memref<1x1024xf32, #tpu.memory_space<vmem>> -> memref<1024xf32, #tpu.memory_space<vmem>>
      tpu.enqueue_dma source(%dma_start3A_553 : memref<1024xf32, #tpu.memory_space<vmem>>) target(%dma_start3A_550 : memref<1024xf32, #tpu.memory_space<hbm>>) target_semaphore(%arg8 : memref<!tpu.dma_semaphore, #tpu.memory_space<semaphore_mem>>)
      %mul3A_554 = arith.constant 2 : i32
      %mul3A_555 = arith.muli %mul3A_554, %scan3A_522 : i32
      %add3A_556 = arith.constant 1 : i32
      %add3A_557 = arith.addi %mul3A_555, %add3A_556 : i32
      %mul3A_558 = arith.constant 1024 : i32
      %mul3A_559 = arith.muli %add3A_557, %mul3A_558 : i32
      %dma_wait3A_560 = arith.constant 1 : i32
      %dma_wait3A_561 = arith.constant 0 : i32
      %dma_wait3A_562 = tpu.memref_slice %arg7[%dma_wait3A_560, %dma_wait3A_561] : memref<2x1024xf32, #tpu.memory_space<vmem>> -> memref<1x1024xf32, #tpu.memory_space<vmem>>
      %dma_wait3A_563 = tpu.memref_squeeze %dma_wait3A_562 : memref<1x1024xf32, #tpu.memory_space<vmem>> -> memref<1024xf32, #tpu.memory_space<vmem>>
      %dma_wait3A_564 = tpu.memref_slice %arg4[%select_n3A_401, %rem3A_403, %mul3A_559] : memref<26x16x16384xf32, #tpu.memory_space<hbm>> -> memref<1x1x1024xf32, #tpu.memory_space<hbm>>
      %dma_wait3A_565 = tpu.memref_squeeze %dma_wait3A_564 : memref<1x1x1024xf32, #tpu.memory_space<hbm>> -> memref<1024xf32, #tpu.memory_space<hbm>>
      %dma_wait3A_566 = tpu.memref_slice %arg4[%select_n3A_401, %rem3A_403, %mul3A_559] : memref<26x16x16384xf32, #tpu.memory_space<hbm>> -> memref<1x1x1024xf32, #tpu.memory_space<hbm>>
      %dma_wait3A_567 = tpu.memref_squeeze %dma_wait3A_566 : memref<1x1x1024xf32, #tpu.memory_space<hbm>> -> memref<1024xf32, #tpu.memory_space<hbm>>
      %dma_wait3A_568 = arith.constant 0 : i32
      %dma_wait3A_569 = tpu.memref_slice %arg7[%dma_wait3A_560, %dma_wait3A_568] : memref<2x1024xf32, #tpu.memory_space<vmem>> -> memref<1x1024xf32, #tpu.memory_space<vmem>>
      %dma_wait3A_570 = tpu.memref_squeeze %dma_wait3A_569 : memref<1x1024xf32, #tpu.memory_space<vmem>> -> memref<1024xf32, #tpu.memory_space<vmem>>
      tpu.wait_dma2 semaphore(%arg9 : memref<!tpu.dma_semaphore, #tpu.memory_space<semaphore_mem>>) src(%dma_wait3A_570 : memref<1024xf32, #tpu.memory_space<vmem>>) dst(%dma_wait3A_567 : memref<1024xf32, #tpu.memory_space<hbm>>)
      %parallel_loop3A_571 = arith.constant 0 : i32
      %parallel_loop3A_572 = arith.constant 1024 : i32
      %parallel_loop3A_573 = arith.constant 16 : i32
      scf.for %parallel_loop3A_587 = %parallel_loop3A_571 to %parallel_loop3A_572 step %parallel_loop3A_573  : i32 {
        %parallel_loop3A_588 = arith.constant 1024 : i32
        %parallel_loop3A_589 = arith.muli %add3A_557, %parallel_loop3A_588 : i32
        %parallel_loop3A_590 = arith.addi %parallel_loop3A_589, %parallel_loop3A_587 : i32
        %parallel_loop3A_591 = arith.index_cast %parallel_loop3A_590 : i32 to index
        %parallel_loop3A_592 = tpu.vector_load %arg6[%parallel_loop3A_591] {strides = array<i32>} : memref<16384xi32, #tpu.memory_space<vmem>>, vector<16xi32>,
        %parallel_loop3A_593 = tpu.vector_load_idx %arg5[%parallel_loop3A_592] : memref<100000xf32, #tpu.memory_space<vmem>>[vector<16xi32>], vector<16xf32>,
        %parallel_loop3A_594 = arith.constant 1 : i32
        %parallel_loop3A_595 = arith.index_cast %parallel_loop3A_594 : i32 to index
        %parallel_loop3A_596 = arith.index_cast %parallel_loop3A_587 : i32 to index
        %parallel_loop3A_597 = tpu.vector_load %arg7[%parallel_loop3A_595, %parallel_loop3A_596] {strides = array<i32>} : memref<2x1024xf32, #tpu.memory_space<vmem>>, vector<16xf32>,
        tpu.vector_store %arg7[%parallel_loop3A_595, %parallel_loop3A_596], %parallel_loop3A_593 {strides = array<i32>} : memref<2x1024xf32, #tpu.memory_space<vmem>>, vector<16xf32>,
      } {sc.loop_unroll_factor = 8 : i64, sc.parallel_access}
      %mul3A_574 = arith.constant 1024 : i32
      %mul3A_575 = arith.muli %add3A_557, %mul3A_574 : i32
      %dma_start3A_576 = arith.constant 1 : i32
      %dma_start3A_577 = arith.constant 0 : i32
      %dma_start3A_578 = tpu.memref_slice %arg7[%dma_start3A_576, %dma_start3A_577] : memref<2x1024xf32, #tpu.memory_space<vmem>> -> memref<1x1024xf32, #tpu.memory_space<vmem>>
      %dma_start3A_579 = tpu.memref_squeeze %dma_start3A_578 : memref<1x1024xf32, #tpu.memory_space<vmem>> -> memref<1024xf32, #tpu.memory_space<vmem>>
      %dma_start3A_580 = tpu.memref_slice %arg4[%select_n3A_401, %rem3A_403, %mul3A_575] : memref<26x16x16384xf32, #tpu.memory_space<hbm>> -> memref<1x1x1024xf32, #tpu.memory_space<hbm>>
      %dma_start3A_581 = tpu.memref_squeeze %dma_start3A_580 : memref<1x1x1024xf32, #tpu.memory_space<hbm>> -> memref<1024xf32, #tpu.memory_space<hbm>>
      %dma_start3A_582 = tpu.memref_slice %arg4[%select_n3A_401, %rem3A_403, %mul3A_575] : memref<26x16x16384xf32, #tpu.memory_space<hbm>> -> memref<1x1x1024xf32, #tpu.memory_space<hbm>>
      %dma_start3A_583 = tpu.memref_squeeze %dma_start3A_582 : memref<1x1x1024xf32, #tpu.memory_space<hbm>> -> memref<1024xf32, #tpu.memory_space<hbm>>
      %dma_start3A_584 = arith.constant 0 : i32
      %dma_start3A_585 = tpu.memref_slice %arg7[%dma_start3A_576, %dma_start3A_584] : memref<2x1024xf32, #tpu.memory_space<vmem>> -> memref<1x1024xf32, #tpu.memory_space<vmem>>
      %dma_start3A_586 = tpu.memref_squeeze %dma_start3A_585 : memref<1x1024xf32, #tpu.memory_space<vmem>> -> memref<1024xf32, #tpu.memory_space<vmem>>
      tpu.enqueue_dma source(%dma_start3A_586 : memref<1024xf32, #tpu.memory_space<vmem>>) target(%dma_start3A_583 : memref<1024xf32, #tpu.memory_space<hbm>>) target_semaphore(%arg9 : memref<!tpu.dma_semaphore, #tpu.memory_space<semaphore_mem>>)
    }
    %scan3A_414 = arith.constant 8 : i32
    %add3A_415 = arith.constant 11 : i32
    %add3A_416 = arith.addi %mul3A_2, %add3A_415 : i32
    %jit3A_417 = arith.constant 16 : i32
    %div3A_418 = arith.divsi %add3A_416, %jit3A_417 : i32
    %sign3A_419 = arith.constant 0 : i32
    %sign3A_420 = arith.cmpi sgt, %add3A_416, %sign3A_419 : i32
    %sign3A_421 = arith.extui %sign3A_420 : i1 to i32
    %sign3A_422 = arith.constant 0 : i32
    %sign3A_423 = arith.cmpi slt, %add3A_416, %sign3A_422 : i32
    %sign3A_424 = arith.extui %sign3A_423 : i1 to i32
    %sign3A_425 = arith.subi %sign3A_421, %sign3A_424 : i32
    %sign3A_426 = arith.constant 0 : i32
    %sign3A_427 = arith.cmpi sgt, %jit3A_417, %sign3A_426 : i32
    %sign3A_428 = arith.extui %sign3A_427 : i1 to i32
    %sign3A_429 = arith.constant 0 : i32
    %sign3A_430 = arith.cmpi slt, %jit3A_417, %sign3A_429 : i32
    %sign3A_431 = arith.extui %sign3A_430 : i1 to i32
    %sign3A_432 = arith.subi %sign3A_428, %sign3A_431 : i32
    %ne3A_433 = arith.cmpi ne, %sign3A_425, %sign3A_432 : i32
    %rem3A_434 = arith.remsi %add3A_416, %jit3A_417 : i32
    %ne3A_435 = arith.constant 0 : i32
    %ne3A_436 = arith.cmpi ne, %rem3A_434, %ne3A_435 : i32
    %and3A_437 = arith.andi %ne3A_433, %ne3A_436 : i1
    %sub3A_438 = arith.constant 1 : i32
    %sub3A_439 = arith.subi %div3A_418, %sub3A_438 : i32
    %select_n3A_440 = arith.select %and3A_437, %sub3A_439, %div3A_418 : i32
    %rem3A_441 = arith.constant 16 : i32
    %rem3A_442 = arith.remsi %add3A_416, %rem3A_441 : i32
    %eq3A_443 = arith.constant 0 : i32
    %eq3A_444 = arith.cmpi eq, %rem3A_442, %eq3A_443 : i32
    %convert_element_type3A_445 = arith.extui %eq3A_444 : i1 to i32
    %cond3A_446 = arith.constant 0 : i32
    %cond3A_447 = arith.cmpi ne, %convert_element_type3A_445, %cond3A_446 : i32
    scf.if %cond3A_447 {
      "tpu.region"() ({
        %run_scoped3A = tpu.sem_alloc : memref<!tpu.dma_semaphore, #tpu.memory_space<semaphore_mem>>
        %dma_start3A = arith.constant 0 : i32
        %dma_start3A_522 = tpu.memref_slice %arg3[%select_n3A_440, %dma_start3A] : memref<26x16384xi32, #tpu.memory_space<hbm>> -> memref<1x16384xi32, #tpu.memory_space<hbm>>
        %dma_start3A_523 = tpu.memref_squeeze %dma_start3A_522 : memref<1x16384xi32, #tpu.memory_space<hbm>> -> memref<16384xi32, #tpu.memory_space<hbm>>
        %dma_start3A_524 = arith.constant 0 : i32
        %dma_start3A_525 = tpu.memref_slice %arg3[%select_n3A_440, %dma_start3A_524] : memref<26x16384xi32, #tpu.memory_space<hbm>> -> memref<1x16384xi32, #tpu.memory_space<hbm>>
        %dma_start3A_526 = tpu.memref_squeeze %dma_start3A_525 : memref<1x16384xi32, #tpu.memory_space<hbm>> -> memref<16384xi32, #tpu.memory_space<hbm>>
        tpu.enqueue_dma source(%dma_start3A_526 : memref<16384xi32, #tpu.memory_space<hbm>>) target(%arg6 : memref<16384xi32, #tpu.memory_space<vmem>>) target_semaphore(%run_scoped3A : memref<!tpu.dma_semaphore, #tpu.memory_space<semaphore_mem>>)
        %dma_wait3A_527 = arith.constant 0 : i32
        %dma_wait3A_528 = tpu.memref_slice %arg3[%select_n3A_440, %dma_wait3A_527] : memref<26x16384xi32, #tpu.memory_space<hbm>> -> memref<1x16384xi32, #tpu.memory_space<hbm>>
        %dma_wait3A_529 = tpu.memref_squeeze %dma_wait3A_528 : memref<1x16384xi32, #tpu.memory_space<hbm>> -> memref<16384xi32, #tpu.memory_space<hbm>>
        %dma_wait3A_530 = arith.constant 0 : i32
        %dma_wait3A_531 = tpu.memref_slice %arg3[%select_n3A_440, %dma_wait3A_530] : memref<26x16384xi32, #tpu.memory_space<hbm>> -> memref<1x16384xi32, #tpu.memory_space<hbm>>
        %dma_wait3A_532 = tpu.memref_squeeze %dma_wait3A_531 : memref<1x16384xi32, #tpu.memory_space<hbm>> -> memref<16384xi32, #tpu.memory_space<hbm>>
        tpu.wait_dma2 semaphore(%run_scoped3A : memref<!tpu.dma_semaphore, #tpu.memory_space<semaphore_mem>>) src(%dma_wait3A_532 : memref<16384xi32, #tpu.memory_space<hbm>>) dst(%arg6 : memref<16384xi32, #tpu.memory_space<vmem>>)
        tpu.yield
      }) : () -> ()
    } else {
    }
    "tpu.region"() ({
      %run_scoped3A = tpu.sem_alloc : memref<!tpu.dma_semaphore, #tpu.memory_space<semaphore_mem>>
      %dma_start3A = arith.constant 0 : i32
      %dma_start3A_522 = tpu.memref_slice %arg2[%select_n3A_440, %rem3A_442, %dma_start3A] : memref<26x16x100000xf32, #tpu.memory_space<hbm>> -> memref<1x1x100000xf32, #tpu.memory_space<hbm>>
      %dma_start3A_523 = tpu.memref_squeeze %dma_start3A_522 : memref<1x1x100000xf32, #tpu.memory_space<hbm>> -> memref<100000xf32, #tpu.memory_space<hbm>>
      %dma_start3A_524 = arith.constant 0 : i32
      %dma_start3A_525 = tpu.memref_slice %arg2[%select_n3A_440, %rem3A_442, %dma_start3A_524] : memref<26x16x100000xf32, #tpu.memory_space<hbm>> -> memref<1x1x100000xf32, #tpu.memory_space<hbm>>
      %dma_start3A_526 = tpu.memref_squeeze %dma_start3A_525 : memref<1x1x100000xf32, #tpu.memory_space<hbm>> -> memref<100000xf32, #tpu.memory_space<hbm>>
      tpu.enqueue_dma source(%dma_start3A_526 : memref<100000xf32, #tpu.memory_space<hbm>>) target(%arg5 : memref<100000xf32, #tpu.memory_space<vmem>>) target_semaphore(%run_scoped3A : memref<!tpu.dma_semaphore, #tpu.memory_space<semaphore_mem>>)
      %dma_wait3A_527 = arith.constant 0 : i32
      %dma_wait3A_528 = tpu.memref_slice %arg2[%select_n3A_440, %rem3A_442, %dma_wait3A_527] : memref<26x16x100000xf32, #tpu.memory_space<hbm>> -> memref<1x1x100000xf32, #tpu.memory_space<hbm>>
      %dma_wait3A_529 = tpu.memref_squeeze %dma_wait3A_528 : memref<1x1x100000xf32, #tpu.memory_space<hbm>> -> memref<100000xf32, #tpu.memory_space<hbm>>
      %dma_wait3A_530 = arith.constant 0 : i32
      %dma_wait3A_531 = tpu.memref_slice %arg2[%select_n3A_440, %rem3A_442, %dma_wait3A_530] : memref<26x16x100000xf32, #tpu.memory_space<hbm>> -> memref<1x1x100000xf32, #tpu.memory_space<hbm>>
      %dma_wait3A_532 = tpu.memref_squeeze %dma_wait3A_531 : memref<1x1x100000xf32, #tpu.memory_space<hbm>> -> memref<100000xf32, #tpu.memory_space<hbm>>
      tpu.wait_dma2 semaphore(%run_scoped3A : memref<!tpu.dma_semaphore, #tpu.memory_space<semaphore_mem>>) src(%dma_wait3A_532 : memref<100000xf32, #tpu.memory_space<hbm>>) dst(%arg5 : memref<100000xf32, #tpu.memory_space<vmem>>)
      tpu.yield
    }) : () -> ()
    %scan3A_448 = arith.constant 0 : i32
    %scan3A_449 = arith.constant 0 : i32
    %scan3A_450 = arith.constant 8 : i32
    %scan3A_451 = arith.addi %scan3A_449, %scan3A_450 : i32
    %scan3A_452 = arith.constant 1 : i32
    scf.for %scan3A_522 = %scan3A_449 to %scan3A_451 step %scan3A_452  : i32 {
      %mul3A_523 = arith.constant 2 : i32
      %mul3A_524 = arith.muli %mul3A_523, %scan3A_522 : i32
      %add3A_525 = arith.constant 0 : i32
      %add3A_526 = arith.addi %mul3A_524, %add3A_525 : i32
      %mul3A_527 = arith.constant 1024 : i32
      %mul3A_528 = arith.muli %add3A_526, %mul3A_527 : i32
      %dma_wait3A_529 = arith.constant 0 : i32
      %dma_wait3A_530 = arith.constant 0 : i32
      %dma_wait3A_531 = tpu.memref_slice %arg7[%dma_wait3A_529, %dma_wait3A_530] : memref<2x1024xf32, #tpu.memory_space<vmem>> -> memref<1x1024xf32, #tpu.memory_space<vmem>>
      %dma_wait3A_532 = tpu.memref_squeeze %dma_wait3A_531 : memref<1x1024xf32, #tpu.memory_space<vmem>> -> memref<1024xf32, #tpu.memory_space<vmem>>
      %dma_wait3A_533 = tpu.memref_slice %arg4[%select_n3A_440, %rem3A_442, %mul3A_528] : memref<26x16x16384xf32, #tpu.memory_space<hbm>> -> memref<1x1x1024xf32, #tpu.memory_space<hbm>>
      %dma_wait3A_534 = tpu.memref_squeeze %dma_wait3A_533 : memref<1x1x1024xf32, #tpu.memory_space<hbm>> -> memref<1024xf32, #tpu.memory_space<hbm>>
      %dma_wait3A_535 = tpu.memref_slice %arg4[%select_n3A_440, %rem3A_442, %mul3A_528] : memref<26x16x16384xf32, #tpu.memory_space<hbm>> -> memref<1x1x1024xf32, #tpu.memory_space<hbm>>
      %dma_wait3A_536 = tpu.memref_squeeze %dma_wait3A_535 : memref<1x1x1024xf32, #tpu.memory_space<hbm>> -> memref<1024xf32, #tpu.memory_space<hbm>>
      %dma_wait3A_537 = arith.constant 0 : i32
      %dma_wait3A_538 = tpu.memref_slice %arg7[%dma_wait3A_529, %dma_wait3A_537] : memref<2x1024xf32, #tpu.memory_space<vmem>> -> memref<1x1024xf32, #tpu.memory_space<vmem>>
      %dma_wait3A_539 = tpu.memref_squeeze %dma_wait3A_538 : memref<1x1024xf32, #tpu.memory_space<vmem>> -> memref<1024xf32, #tpu.memory_space<vmem>>
      tpu.wait_dma2 semaphore(%arg8 : memref<!tpu.dma_semaphore, #tpu.memory_space<semaphore_mem>>) src(%dma_wait3A_539 : memref<1024xf32, #tpu.memory_space<vmem>>) dst(%dma_wait3A_536 : memref<1024xf32, #tpu.memory_space<hbm>>)
      %parallel_loop3A = arith.constant 0 : i32
      %parallel_loop3A_540 = arith.constant 1024 : i32
      %parallel_loop3A_541 = arith.constant 16 : i32
      scf.for %parallel_loop3A_587 = %parallel_loop3A to %parallel_loop3A_540 step %parallel_loop3A_541  : i32 {
        %parallel_loop3A_588 = arith.constant 1024 : i32
        %parallel_loop3A_589 = arith.muli %add3A_526, %parallel_loop3A_588 : i32
        %parallel_loop3A_590 = arith.addi %parallel_loop3A_589, %parallel_loop3A_587 : i32
        %parallel_loop3A_591 = arith.index_cast %parallel_loop3A_590 : i32 to index
        %parallel_loop3A_592 = tpu.vector_load %arg6[%parallel_loop3A_591] {strides = array<i32>} : memref<16384xi32, #tpu.memory_space<vmem>>, vector<16xi32>,
        %parallel_loop3A_593 = tpu.vector_load_idx %arg5[%parallel_loop3A_592] : memref<100000xf32, #tpu.memory_space<vmem>>[vector<16xi32>], vector<16xf32>,
        %parallel_loop3A_594 = arith.constant 0 : i32
        %parallel_loop3A_595 = arith.index_cast %parallel_loop3A_594 : i32 to index
        %parallel_loop3A_596 = arith.index_cast %parallel_loop3A_587 : i32 to index
        %parallel_loop3A_597 = tpu.vector_load %arg7[%parallel_loop3A_595, %parallel_loop3A_596] {strides = array<i32>} : memref<2x1024xf32, #tpu.memory_space<vmem>>, vector<16xf32>,
        tpu.vector_store %arg7[%parallel_loop3A_595, %parallel_loop3A_596], %parallel_loop3A_593 {strides = array<i32>} : memref<2x1024xf32, #tpu.memory_space<vmem>>, vector<16xf32>,
      } {sc.loop_unroll_factor = 8 : i64, sc.parallel_access}
      %mul3A_542 = arith.constant 1024 : i32
      %mul3A_543 = arith.muli %add3A_526, %mul3A_542 : i32
      %dma_start3A = arith.constant 0 : i32
      %dma_start3A_544 = arith.constant 0 : i32
      %dma_start3A_545 = tpu.memref_slice %arg7[%dma_start3A, %dma_start3A_544] : memref<2x1024xf32, #tpu.memory_space<vmem>> -> memref<1x1024xf32, #tpu.memory_space<vmem>>
      %dma_start3A_546 = tpu.memref_squeeze %dma_start3A_545 : memref<1x1024xf32, #tpu.memory_space<vmem>> -> memref<1024xf32, #tpu.memory_space<vmem>>
      %dma_start3A_547 = tpu.memref_slice %arg4[%select_n3A_440, %rem3A_442, %mul3A_543] : memref<26x16x16384xf32, #tpu.memory_space<hbm>> -> memref<1x1x1024xf32, #tpu.memory_space<hbm>>
      %dma_start3A_548 = tpu.memref_squeeze %dma_start3A_547 : memref<1x1x1024xf32, #tpu.memory_space<hbm>> -> memref<1024xf32, #tpu.memory_space<hbm>>
      %dma_start3A_549 = tpu.memref_slice %arg4[%select_n3A_440, %rem3A_442, %mul3A_543] : memref<26x16x16384xf32, #tpu.memory_space<hbm>> -> memref<1x1x1024xf32, #tpu.memory_space<hbm>>
      %dma_start3A_550 = tpu.memref_squeeze %dma_start3A_549 : memref<1x1x1024xf32, #tpu.memory_space<hbm>> -> memref<1024xf32, #tpu.memory_space<hbm>>
      %dma_start3A_551 = arith.constant 0 : i32
      %dma_start3A_552 = tpu.memref_slice %arg7[%dma_start3A, %dma_start3A_551] : memref<2x1024xf32, #tpu.memory_space<vmem>> -> memref<1x1024xf32, #tpu.memory_space<vmem>>
      %dma_start3A_553 = tpu.memref_squeeze %dma_start3A_552 : memref<1x1024xf32, #tpu.memory_space<vmem>> -> memref<1024xf32, #tpu.memory_space<vmem>>
      tpu.enqueue_dma source(%dma_start3A_553 : memref<1024xf32, #tpu.memory_space<vmem>>) target(%dma_start3A_550 : memref<1024xf32, #tpu.memory_space<hbm>>) target_semaphore(%arg8 : memref<!tpu.dma_semaphore, #tpu.memory_space<semaphore_mem>>)
      %mul3A_554 = arith.constant 2 : i32
      %mul3A_555 = arith.muli %mul3A_554, %scan3A_522 : i32
      %add3A_556 = arith.constant 1 : i32
      %add3A_557 = arith.addi %mul3A_555, %add3A_556 : i32
      %mul3A_558 = arith.constant 1024 : i32
      %mul3A_559 = arith.muli %add3A_557, %mul3A_558 : i32
      %dma_wait3A_560 = arith.constant 1 : i32
      %dma_wait3A_561 = arith.constant 0 : i32
      %dma_wait3A_562 = tpu.memref_slice %arg7[%dma_wait3A_560, %dma_wait3A_561] : memref<2x1024xf32, #tpu.memory_space<vmem>> -> memref<1x1024xf32, #tpu.memory_space<vmem>>
      %dma_wait3A_563 = tpu.memref_squeeze %dma_wait3A_562 : memref<1x1024xf32, #tpu.memory_space<vmem>> -> memref<1024xf32, #tpu.memory_space<vmem>>
      %dma_wait3A_564 = tpu.memref_slice %arg4[%select_n3A_440, %rem3A_442, %mul3A_559] : memref<26x16x16384xf32, #tpu.memory_space<hbm>> -> memref<1x1x1024xf32, #tpu.memory_space<hbm>>
      %dma_wait3A_565 = tpu.memref_squeeze %dma_wait3A_564 : memref<1x1x1024xf32, #tpu.memory_space<hbm>> -> memref<1024xf32, #tpu.memory_space<hbm>>
      %dma_wait3A_566 = tpu.memref_slice %arg4[%select_n3A_440, %rem3A_442, %mul3A_559] : memref<26x16x16384xf32, #tpu.memory_space<hbm>> -> memref<1x1x1024xf32, #tpu.memory_space<hbm>>
      %dma_wait3A_567 = tpu.memref_squeeze %dma_wait3A_566 : memref<1x1x1024xf32, #tpu.memory_space<hbm>> -> memref<1024xf32, #tpu.memory_space<hbm>>
      %dma_wait3A_568 = arith.constant 0 : i32
      %dma_wait3A_569 = tpu.memref_slice %arg7[%dma_wait3A_560, %dma_wait3A_568] : memref<2x1024xf32, #tpu.memory_space<vmem>> -> memref<1x1024xf32, #tpu.memory_space<vmem>>
      %dma_wait3A_570 = tpu.memref_squeeze %dma_wait3A_569 : memref<1x1024xf32, #tpu.memory_space<vmem>> -> memref<1024xf32, #tpu.memory_space<vmem>>
      tpu.wait_dma2 semaphore(%arg9 : memref<!tpu.dma_semaphore, #tpu.memory_space<semaphore_mem>>) src(%dma_wait3A_570 : memref<1024xf32, #tpu.memory_space<vmem>>) dst(%dma_wait3A_567 : memref<1024xf32, #tpu.memory_space<hbm>>)
      %parallel_loop3A_571 = arith.constant 0 : i32
      %parallel_loop3A_572 = arith.constant 1024 : i32
      %parallel_loop3A_573 = arith.constant 16 : i32
      scf.for %parallel_loop3A_587 = %parallel_loop3A_571 to %parallel_loop3A_572 step %parallel_loop3A_573  : i32 {
        %parallel_loop3A_588 = arith.constant 1024 : i32
        %parallel_loop3A_589 = arith.muli %add3A_557, %parallel_loop3A_588 : i32
        %parallel_loop3A_590 = arith.addi %parallel_loop3A_589, %parallel_loop3A_587 : i32
        %parallel_loop3A_591 = arith.index_cast %parallel_loop3A_590 : i32 to index
        %parallel_loop3A_592 = tpu.vector_load %arg6[%parallel_loop3A_591] {strides = array<i32>} : memref<16384xi32, #tpu.memory_space<vmem>>, vector<16xi32>,
        %parallel_loop3A_593 = tpu.vector_load_idx %arg5[%parallel_loop3A_592] : memref<100000xf32, #tpu.memory_space<vmem>>[vector<16xi32>], vector<16xf32>,
        %parallel_loop3A_594 = arith.constant 1 : i32
        %parallel_loop3A_595 = arith.index_cast %parallel_loop3A_594 : i32 to index
        %parallel_loop3A_596 = arith.index_cast %parallel_loop3A_587 : i32 to index
        %parallel_loop3A_597 = tpu.vector_load %arg7[%parallel_loop3A_595, %parallel_loop3A_596] {strides = array<i32>} : memref<2x1024xf32, #tpu.memory_space<vmem>>, vector<16xf32>,
        tpu.vector_store %arg7[%parallel_loop3A_595, %parallel_loop3A_596], %parallel_loop3A_593 {strides = array<i32>} : memref<2x1024xf32, #tpu.memory_space<vmem>>, vector<16xf32>,
      } {sc.loop_unroll_factor = 8 : i64, sc.parallel_access}
      %mul3A_574 = arith.constant 1024 : i32
      %mul3A_575 = arith.muli %add3A_557, %mul3A_574 : i32
      %dma_start3A_576 = arith.constant 1 : i32
      %dma_start3A_577 = arith.constant 0 : i32
      %dma_start3A_578 = tpu.memref_slice %arg7[%dma_start3A_576, %dma_start3A_577] : memref<2x1024xf32, #tpu.memory_space<vmem>> -> memref<1x1024xf32, #tpu.memory_space<vmem>>
      %dma_start3A_579 = tpu.memref_squeeze %dma_start3A_578 : memref<1x1024xf32, #tpu.memory_space<vmem>> -> memref<1024xf32, #tpu.memory_space<vmem>>
      %dma_start3A_580 = tpu.memref_slice %arg4[%select_n3A_440, %rem3A_442, %mul3A_575] : memref<26x16x16384xf32, #tpu.memory_space<hbm>> -> memref<1x1x1024xf32, #tpu.memory_space<hbm>>
      %dma_start3A_581 = tpu.memref_squeeze %dma_start3A_580 : memref<1x1x1024xf32, #tpu.memory_space<hbm>> -> memref<1024xf32, #tpu.memory_space<hbm>>
      %dma_start3A_582 = tpu.memref_slice %arg4[%select_n3A_440, %rem3A_442, %mul3A_575] : memref<26x16x16384xf32, #tpu.memory_space<hbm>> -> memref<1x1x1024xf32, #tpu.memory_space<hbm>>
      %dma_start3A_583 = tpu.memref_squeeze %dma_start3A_582 : memref<1x1x1024xf32, #tpu.memory_space<hbm>> -> memref<1024xf32, #tpu.memory_space<hbm>>
      %dma_start3A_584 = arith.constant 0 : i32
      %dma_start3A_585 = tpu.memref_slice %arg7[%dma_start3A_576, %dma_start3A_584] : memref<2x1024xf32, #tpu.memory_space<vmem>> -> memref<1x1024xf32, #tpu.memory_space<vmem>>
      %dma_start3A_586 = tpu.memref_squeeze %dma_start3A_585 : memref<1x1024xf32, #tpu.memory_space<vmem>> -> memref<1024xf32, #tpu.memory_space<vmem>>
      tpu.enqueue_dma source(%dma_start3A_586 : memref<1024xf32, #tpu.memory_space<vmem>>) target(%dma_start3A_583 : memref<1024xf32, #tpu.memory_space<hbm>>) target_semaphore(%arg9 : memref<!tpu.dma_semaphore, #tpu.memory_space<semaphore_mem>>)
    }
    %scan3A_453 = arith.constant 8 : i32
    %add3A_454 = arith.constant 12 : i32
    %add3A_455 = arith.addi %mul3A_2, %add3A_454 : i32
    %jit3A_456 = arith.constant 16 : i32
    %div3A_457 = arith.divsi %add3A_455, %jit3A_456 : i32
    %sign3A_458 = arith.constant 0 : i32
    %sign3A_459 = arith.cmpi sgt, %add3A_455, %sign3A_458 : i32
    %sign3A_460 = arith.extui %sign3A_459 : i1 to i32
    %sign3A_461 = arith.constant 0 : i32
    %sign3A_462 = arith.cmpi slt, %add3A_455, %sign3A_461 : i32
    %sign3A_463 = arith.extui %sign3A_462 : i1 to i32
    %sign3A_464 = arith.subi %sign3A_460, %sign3A_463 : i32
    %sign3A_465 = arith.constant 0 : i32
    %sign3A_466 = arith.cmpi sgt, %jit3A_456, %sign3A_465 : i32
    %sign3A_467 = arith.extui %sign3A_466 : i1 to i32
    %sign3A_468 = arith.constant 0 : i32
    %sign3A_469 = arith.cmpi slt, %jit3A_456, %sign3A_468 : i32
    %sign3A_470 = arith.extui %sign3A_469 : i1 to i32
    %sign3A_471 = arith.subi %sign3A_467, %sign3A_470 : i32
    %ne3A_472 = arith.cmpi ne, %sign3A_464, %sign3A_471 : i32
    %rem3A_473 = arith.remsi %add3A_455, %jit3A_456 : i32
    %ne3A_474 = arith.constant 0 : i32
    %ne3A_475 = arith.cmpi ne, %rem3A_473, %ne3A_474 : i32
    %and3A_476 = arith.andi %ne3A_472, %ne3A_475 : i1
    %sub3A_477 = arith.constant 1 : i32
    %sub3A_478 = arith.subi %div3A_457, %sub3A_477 : i32
    %select_n3A_479 = arith.select %and3A_476, %sub3A_478, %div3A_457 : i32
    %rem3A_480 = arith.constant 16 : i32
    %rem3A_481 = arith.remsi %add3A_455, %rem3A_480 : i32
    %eq3A_482 = arith.constant 0 : i32
    %eq3A_483 = arith.cmpi eq, %rem3A_481, %eq3A_482 : i32
    %convert_element_type3A_484 = arith.extui %eq3A_483 : i1 to i32
    %cond3A_485 = arith.constant 0 : i32
    %cond3A_486 = arith.cmpi ne, %convert_element_type3A_484, %cond3A_485 : i32
    scf.if %cond3A_486 {
      "tpu.region"() ({
        %run_scoped3A = tpu.sem_alloc : memref<!tpu.dma_semaphore, #tpu.memory_space<semaphore_mem>>
        %dma_start3A = arith.constant 0 : i32
        %dma_start3A_522 = tpu.memref_slice %arg3[%select_n3A_479, %dma_start3A] : memref<26x16384xi32, #tpu.memory_space<hbm>> -> memref<1x16384xi32, #tpu.memory_space<hbm>>
        %dma_start3A_523 = tpu.memref_squeeze %dma_start3A_522 : memref<1x16384xi32, #tpu.memory_space<hbm>> -> memref<16384xi32, #tpu.memory_space<hbm>>
        %dma_start3A_524 = arith.constant 0 : i32
        %dma_start3A_525 = tpu.memref_slice %arg3[%select_n3A_479, %dma_start3A_524] : memref<26x16384xi32, #tpu.memory_space<hbm>> -> memref<1x16384xi32, #tpu.memory_space<hbm>>
        %dma_start3A_526 = tpu.memref_squeeze %dma_start3A_525 : memref<1x16384xi32, #tpu.memory_space<hbm>> -> memref<16384xi32, #tpu.memory_space<hbm>>
        tpu.enqueue_dma source(%dma_start3A_526 : memref<16384xi32, #tpu.memory_space<hbm>>) target(%arg6 : memref<16384xi32, #tpu.memory_space<vmem>>) target_semaphore(%run_scoped3A : memref<!tpu.dma_semaphore, #tpu.memory_space<semaphore_mem>>)
        %dma_wait3A_527 = arith.constant 0 : i32
        %dma_wait3A_528 = tpu.memref_slice %arg3[%select_n3A_479, %dma_wait3A_527] : memref<26x16384xi32, #tpu.memory_space<hbm>> -> memref<1x16384xi32, #tpu.memory_space<hbm>>
        %dma_wait3A_529 = tpu.memref_squeeze %dma_wait3A_528 : memref<1x16384xi32, #tpu.memory_space<hbm>> -> memref<16384xi32, #tpu.memory_space<hbm>>
        %dma_wait3A_530 = arith.constant 0 : i32
        %dma_wait3A_531 = tpu.memref_slice %arg3[%select_n3A_479, %dma_wait3A_530] : memref<26x16384xi32, #tpu.memory_space<hbm>> -> memref<1x16384xi32, #tpu.memory_space<hbm>>
        %dma_wait3A_532 = tpu.memref_squeeze %dma_wait3A_531 : memref<1x16384xi32, #tpu.memory_space<hbm>> -> memref<16384xi32, #tpu.memory_space<hbm>>
        tpu.wait_dma2 semaphore(%run_scoped3A : memref<!tpu.dma_semaphore, #tpu.memory_space<semaphore_mem>>) src(%dma_wait3A_532 : memref<16384xi32, #tpu.memory_space<hbm>>) dst(%arg6 : memref<16384xi32, #tpu.memory_space<vmem>>)
        tpu.yield
      }) : () -> ()
    } else {
    }
    "tpu.region"() ({
      %run_scoped3A = tpu.sem_alloc : memref<!tpu.dma_semaphore, #tpu.memory_space<semaphore_mem>>
      %dma_start3A = arith.constant 0 : i32
      %dma_start3A_522 = tpu.memref_slice %arg2[%select_n3A_479, %rem3A_481, %dma_start3A] : memref<26x16x100000xf32, #tpu.memory_space<hbm>> -> memref<1x1x100000xf32, #tpu.memory_space<hbm>>
      %dma_start3A_523 = tpu.memref_squeeze %dma_start3A_522 : memref<1x1x100000xf32, #tpu.memory_space<hbm>> -> memref<100000xf32, #tpu.memory_space<hbm>>
      %dma_start3A_524 = arith.constant 0 : i32
      %dma_start3A_525 = tpu.memref_slice %arg2[%select_n3A_479, %rem3A_481, %dma_start3A_524] : memref<26x16x100000xf32, #tpu.memory_space<hbm>> -> memref<1x1x100000xf32, #tpu.memory_space<hbm>>
      %dma_start3A_526 = tpu.memref_squeeze %dma_start3A_525 : memref<1x1x100000xf32, #tpu.memory_space<hbm>> -> memref<100000xf32, #tpu.memory_space<hbm>>
      tpu.enqueue_dma source(%dma_start3A_526 : memref<100000xf32, #tpu.memory_space<hbm>>) target(%arg5 : memref<100000xf32, #tpu.memory_space<vmem>>) target_semaphore(%run_scoped3A : memref<!tpu.dma_semaphore, #tpu.memory_space<semaphore_mem>>)
      %dma_wait3A_527 = arith.constant 0 : i32
      %dma_wait3A_528 = tpu.memref_slice %arg2[%select_n3A_479, %rem3A_481, %dma_wait3A_527] : memref<26x16x100000xf32, #tpu.memory_space<hbm>> -> memref<1x1x100000xf32, #tpu.memory_space<hbm>>
      %dma_wait3A_529 = tpu.memref_squeeze %dma_wait3A_528 : memref<1x1x100000xf32, #tpu.memory_space<hbm>> -> memref<100000xf32, #tpu.memory_space<hbm>>
      %dma_wait3A_530 = arith.constant 0 : i32
      %dma_wait3A_531 = tpu.memref_slice %arg2[%select_n3A_479, %rem3A_481, %dma_wait3A_530] : memref<26x16x100000xf32, #tpu.memory_space<hbm>> -> memref<1x1x100000xf32, #tpu.memory_space<hbm>>
      %dma_wait3A_532 = tpu.memref_squeeze %dma_wait3A_531 : memref<1x1x100000xf32, #tpu.memory_space<hbm>> -> memref<100000xf32, #tpu.memory_space<hbm>>
      tpu.wait_dma2 semaphore(%run_scoped3A : memref<!tpu.dma_semaphore, #tpu.memory_space<semaphore_mem>>) src(%dma_wait3A_532 : memref<100000xf32, #tpu.memory_space<hbm>>) dst(%arg5 : memref<100000xf32, #tpu.memory_space<vmem>>)
      tpu.yield
    }) : () -> ()
    %scan3A_487 = arith.constant 0 : i32
    %scan3A_488 = arith.constant 0 : i32
    %scan3A_489 = arith.constant 8 : i32
    %scan3A_490 = arith.addi %scan3A_488, %scan3A_489 : i32
    %scan3A_491 = arith.constant 1 : i32
    scf.for %scan3A_522 = %scan3A_488 to %scan3A_490 step %scan3A_491  : i32 {
      %mul3A_523 = arith.constant 2 : i32
      %mul3A_524 = arith.muli %mul3A_523, %scan3A_522 : i32
      %add3A_525 = arith.constant 0 : i32
      %add3A_526 = arith.addi %mul3A_524, %add3A_525 : i32
      %mul3A_527 = arith.constant 1024 : i32
      %mul3A_528 = arith.muli %add3A_526, %mul3A_527 : i32
      %dma_wait3A_529 = arith.constant 0 : i32
      %dma_wait3A_530 = arith.constant 0 : i32
      %dma_wait3A_531 = tpu.memref_slice %arg7[%dma_wait3A_529, %dma_wait3A_530] : memref<2x1024xf32, #tpu.memory_space<vmem>> -> memref<1x1024xf32, #tpu.memory_space<vmem>>
      %dma_wait3A_532 = tpu.memref_squeeze %dma_wait3A_531 : memref<1x1024xf32, #tpu.memory_space<vmem>> -> memref<1024xf32, #tpu.memory_space<vmem>>
      %dma_wait3A_533 = tpu.memref_slice %arg4[%select_n3A_479, %rem3A_481, %mul3A_528] : memref<26x16x16384xf32, #tpu.memory_space<hbm>> -> memref<1x1x1024xf32, #tpu.memory_space<hbm>>
      %dma_wait3A_534 = tpu.memref_squeeze %dma_wait3A_533 : memref<1x1x1024xf32, #tpu.memory_space<hbm>> -> memref<1024xf32, #tpu.memory_space<hbm>>
      %dma_wait3A_535 = tpu.memref_slice %arg4[%select_n3A_479, %rem3A_481, %mul3A_528] : memref<26x16x16384xf32, #tpu.memory_space<hbm>> -> memref<1x1x1024xf32, #tpu.memory_space<hbm>>
      %dma_wait3A_536 = tpu.memref_squeeze %dma_wait3A_535 : memref<1x1x1024xf32, #tpu.memory_space<hbm>> -> memref<1024xf32, #tpu.memory_space<hbm>>
      %dma_wait3A_537 = arith.constant 0 : i32
      %dma_wait3A_538 = tpu.memref_slice %arg7[%dma_wait3A_529, %dma_wait3A_537] : memref<2x1024xf32, #tpu.memory_space<vmem>> -> memref<1x1024xf32, #tpu.memory_space<vmem>>
      %dma_wait3A_539 = tpu.memref_squeeze %dma_wait3A_538 : memref<1x1024xf32, #tpu.memory_space<vmem>> -> memref<1024xf32, #tpu.memory_space<vmem>>
      tpu.wait_dma2 semaphore(%arg8 : memref<!tpu.dma_semaphore, #tpu.memory_space<semaphore_mem>>) src(%dma_wait3A_539 : memref<1024xf32, #tpu.memory_space<vmem>>) dst(%dma_wait3A_536 : memref<1024xf32, #tpu.memory_space<hbm>>)
      %parallel_loop3A = arith.constant 0 : i32
      %parallel_loop3A_540 = arith.constant 1024 : i32
      %parallel_loop3A_541 = arith.constant 16 : i32
      scf.for %parallel_loop3A_587 = %parallel_loop3A to %parallel_loop3A_540 step %parallel_loop3A_541  : i32 {
        %parallel_loop3A_588 = arith.constant 1024 : i32
        %parallel_loop3A_589 = arith.muli %add3A_526, %parallel_loop3A_588 : i32
        %parallel_loop3A_590 = arith.addi %parallel_loop3A_589, %parallel_loop3A_587 : i32
        %parallel_loop3A_591 = arith.index_cast %parallel_loop3A_590 : i32 to index
        %parallel_loop3A_592 = tpu.vector_load %arg6[%parallel_loop3A_591] {strides = array<i32>} : memref<16384xi32, #tpu.memory_space<vmem>>, vector<16xi32>,
        %parallel_loop3A_593 = tpu.vector_load_idx %arg5[%parallel_loop3A_592] : memref<100000xf32, #tpu.memory_space<vmem>>[vector<16xi32>], vector<16xf32>,
        %parallel_loop3A_594 = arith.constant 0 : i32
        %parallel_loop3A_595 = arith.index_cast %parallel_loop3A_594 : i32 to index
        %parallel_loop3A_596 = arith.index_cast %parallel_loop3A_587 : i32 to index
        %parallel_loop3A_597 = tpu.vector_load %arg7[%parallel_loop3A_595, %parallel_loop3A_596] {strides = array<i32>} : memref<2x1024xf32, #tpu.memory_space<vmem>>, vector<16xf32>,
        tpu.vector_store %arg7[%parallel_loop3A_595, %parallel_loop3A_596], %parallel_loop3A_593 {strides = array<i32>} : memref<2x1024xf32, #tpu.memory_space<vmem>>, vector<16xf32>,
      } {sc.loop_unroll_factor = 8 : i64, sc.parallel_access}
      %mul3A_542 = arith.constant 1024 : i32
      %mul3A_543 = arith.muli %add3A_526, %mul3A_542 : i32
      %dma_start3A = arith.constant 0 : i32
      %dma_start3A_544 = arith.constant 0 : i32
      %dma_start3A_545 = tpu.memref_slice %arg7[%dma_start3A, %dma_start3A_544] : memref<2x1024xf32, #tpu.memory_space<vmem>> -> memref<1x1024xf32, #tpu.memory_space<vmem>>
      %dma_start3A_546 = tpu.memref_squeeze %dma_start3A_545 : memref<1x1024xf32, #tpu.memory_space<vmem>> -> memref<1024xf32, #tpu.memory_space<vmem>>
      %dma_start3A_547 = tpu.memref_slice %arg4[%select_n3A_479, %rem3A_481, %mul3A_543] : memref<26x16x16384xf32, #tpu.memory_space<hbm>> -> memref<1x1x1024xf32, #tpu.memory_space<hbm>>
      %dma_start3A_548 = tpu.memref_squeeze %dma_start3A_547 : memref<1x1x1024xf32, #tpu.memory_space<hbm>> -> memref<1024xf32, #tpu.memory_space<hbm>>
      %dma_start3A_549 = tpu.memref_slice %arg4[%select_n3A_479, %rem3A_481, %mul3A_543] : memref<26x16x16384xf32, #tpu.memory_space<hbm>> -> memref<1x1x1024xf32, #tpu.memory_space<hbm>>
      %dma_start3A_550 = tpu.memref_squeeze %dma_start3A_549 : memref<1x1x1024xf32, #tpu.memory_space<hbm>> -> memref<1024xf32, #tpu.memory_space<hbm>>
      %dma_start3A_551 = arith.constant 0 : i32
      %dma_start3A_552 = tpu.memref_slice %arg7[%dma_start3A, %dma_start3A_551] : memref<2x1024xf32, #tpu.memory_space<vmem>> -> memref<1x1024xf32, #tpu.memory_space<vmem>>
      %dma_start3A_553 = tpu.memref_squeeze %dma_start3A_552 : memref<1x1024xf32, #tpu.memory_space<vmem>> -> memref<1024xf32, #tpu.memory_space<vmem>>
      tpu.enqueue_dma source(%dma_start3A_553 : memref<1024xf32, #tpu.memory_space<vmem>>) target(%dma_start3A_550 : memref<1024xf32, #tpu.memory_space<hbm>>) target_semaphore(%arg8 : memref<!tpu.dma_semaphore, #tpu.memory_space<semaphore_mem>>)
      %mul3A_554 = arith.constant 2 : i32
      %mul3A_555 = arith.muli %mul3A_554, %scan3A_522 : i32
      %add3A_556 = arith.constant 1 : i32
      %add3A_557 = arith.addi %mul3A_555, %add3A_556 : i32
      %mul3A_558 = arith.constant 1024 : i32
      %mul3A_559 = arith.muli %add3A_557, %mul3A_558 : i32
      %dma_wait3A_560 = arith.constant 1 : i32
      %dma_wait3A_561 = arith.constant 0 : i32
      %dma_wait3A_562 = tpu.memref_slice %arg7[%dma_wait3A_560, %dma_wait3A_561] : memref<2x1024xf32, #tpu.memory_space<vmem>> -> memref<1x1024xf32, #tpu.memory_space<vmem>>
      %dma_wait3A_563 = tpu.memref_squeeze %dma_wait3A_562 : memref<1x1024xf32, #tpu.memory_space<vmem>> -> memref<1024xf32, #tpu.memory_space<vmem>>
      %dma_wait3A_564 = tpu.memref_slice %arg4[%select_n3A_479, %rem3A_481, %mul3A_559] : memref<26x16x16384xf32, #tpu.memory_space<hbm>> -> memref<1x1x1024xf32, #tpu.memory_space<hbm>>
      %dma_wait3A_565 = tpu.memref_squeeze %dma_wait3A_564 : memref<1x1x1024xf32, #tpu.memory_space<hbm>> -> memref<1024xf32, #tpu.memory_space<hbm>>
      %dma_wait3A_566 = tpu.memref_slice %arg4[%select_n3A_479, %rem3A_481, %mul3A_559] : memref<26x16x16384xf32, #tpu.memory_space<hbm>> -> memref<1x1x1024xf32, #tpu.memory_space<hbm>>
      %dma_wait3A_567 = tpu.memref_squeeze %dma_wait3A_566 : memref<1x1x1024xf32, #tpu.memory_space<hbm>> -> memref<1024xf32, #tpu.memory_space<hbm>>
      %dma_wait3A_568 = arith.constant 0 : i32
      %dma_wait3A_569 = tpu.memref_slice %arg7[%dma_wait3A_560, %dma_wait3A_568] : memref<2x1024xf32, #tpu.memory_space<vmem>> -> memref<1x1024xf32, #tpu.memory_space<vmem>>
      %dma_wait3A_570 = tpu.memref_squeeze %dma_wait3A_569 : memref<1x1024xf32, #tpu.memory_space<vmem>> -> memref<1024xf32, #tpu.memory_space<vmem>>
      tpu.wait_dma2 semaphore(%arg9 : memref<!tpu.dma_semaphore, #tpu.memory_space<semaphore_mem>>) src(%dma_wait3A_570 : memref<1024xf32, #tpu.memory_space<vmem>>) dst(%dma_wait3A_567 : memref<1024xf32, #tpu.memory_space<hbm>>)
      %parallel_loop3A_571 = arith.constant 0 : i32
      %parallel_loop3A_572 = arith.constant 1024 : i32
      %parallel_loop3A_573 = arith.constant 16 : i32
      scf.for %parallel_loop3A_587 = %parallel_loop3A_571 to %parallel_loop3A_572 step %parallel_loop3A_573  : i32 {
        %parallel_loop3A_588 = arith.constant 1024 : i32
        %parallel_loop3A_589 = arith.muli %add3A_557, %parallel_loop3A_588 : i32
        %parallel_loop3A_590 = arith.addi %parallel_loop3A_589, %parallel_loop3A_587 : i32
        %parallel_loop3A_591 = arith.index_cast %parallel_loop3A_590 : i32 to index
        %parallel_loop3A_592 = tpu.vector_load %arg6[%parallel_loop3A_591] {strides = array<i32>} : memref<16384xi32, #tpu.memory_space<vmem>>, vector<16xi32>,
        %parallel_loop3A_593 = tpu.vector_load_idx %arg5[%parallel_loop3A_592] : memref<100000xf32, #tpu.memory_space<vmem>>[vector<16xi32>], vector<16xf32>,
        %parallel_loop3A_594 = arith.constant 1 : i32
        %parallel_loop3A_595 = arith.index_cast %parallel_loop3A_594 : i32 to index
        %parallel_loop3A_596 = arith.index_cast %parallel_loop3A_587 : i32 to index
        %parallel_loop3A_597 = tpu.vector_load %arg7[%parallel_loop3A_595, %parallel_loop3A_596] {strides = array<i32>} : memref<2x1024xf32, #tpu.memory_space<vmem>>, vector<16xf32>,
        tpu.vector_store %arg7[%parallel_loop3A_595, %parallel_loop3A_596], %parallel_loop3A_593 {strides = array<i32>} : memref<2x1024xf32, #tpu.memory_space<vmem>>, vector<16xf32>,
      } {sc.loop_unroll_factor = 8 : i64, sc.parallel_access}
      %mul3A_574 = arith.constant 1024 : i32
      %mul3A_575 = arith.muli %add3A_557, %mul3A_574 : i32
      %dma_start3A_576 = arith.constant 1 : i32
      %dma_start3A_577 = arith.constant 0 : i32
      %dma_start3A_578 = tpu.memref_slice %arg7[%dma_start3A_576, %dma_start3A_577] : memref<2x1024xf32, #tpu.memory_space<vmem>> -> memref<1x1024xf32, #tpu.memory_space<vmem>>
      %dma_start3A_579 = tpu.memref_squeeze %dma_start3A_578 : memref<1x1024xf32, #tpu.memory_space<vmem>> -> memref<1024xf32, #tpu.memory_space<vmem>>
      %dma_start3A_580 = tpu.memref_slice %arg4[%select_n3A_479, %rem3A_481, %mul3A_575] : memref<26x16x16384xf32, #tpu.memory_space<hbm>> -> memref<1x1x1024xf32, #tpu.memory_space<hbm>>
      %dma_start3A_581 = tpu.memref_squeeze %dma_start3A_580 : memref<1x1x1024xf32, #tpu.memory_space<hbm>> -> memref<1024xf32, #tpu.memory_space<hbm>>
      %dma_start3A_582 = tpu.memref_slice %arg4[%select_n3A_479, %rem3A_481, %mul3A_575] : memref<26x16x16384xf32, #tpu.memory_space<hbm>> -> memref<1x1x1024xf32, #tpu.memory_space<hbm>>
      %dma_start3A_583 = tpu.memref_squeeze %dma_start3A_582 : memref<1x1x1024xf32, #tpu.memory_space<hbm>> -> memref<1024xf32, #tpu.memory_space<hbm>>
      %dma_start3A_584 = arith.constant 0 : i32
      %dma_start3A_585 = tpu.memref_slice %arg7[%dma_start3A_576, %dma_start3A_584] : memref<2x1024xf32, #tpu.memory_space<vmem>> -> memref<1x1024xf32, #tpu.memory_space<vmem>>
      %dma_start3A_586 = tpu.memref_squeeze %dma_start3A_585 : memref<1x1024xf32, #tpu.memory_space<vmem>> -> memref<1024xf32, #tpu.memory_space<vmem>>
      tpu.enqueue_dma source(%dma_start3A_586 : memref<1024xf32, #tpu.memory_space<vmem>>) target(%dma_start3A_583 : memref<1024xf32, #tpu.memory_space<hbm>>) target_semaphore(%arg9 : memref<!tpu.dma_semaphore, #tpu.memory_space<semaphore_mem>>)
    }
    %scan3A_492 = arith.constant 8 : i32
    %dma_wait3A = arith.constant 0 : i32
    %dma_wait3A_493 = arith.constant 0 : i32
    %dma_wait3A_494 = arith.constant 0 : i32
    %dma_wait3A_495 = arith.constant 0 : i32
    %dma_wait3A_496 = tpu.memref_slice %arg7[%dma_wait3A, %dma_wait3A_495] : memref<2x1024xf32, #tpu.memory_space<vmem>> -> memref<1x1024xf32, #tpu.memory_space<vmem>>
    %dma_wait3A_497 = tpu.memref_squeeze %dma_wait3A_496 : memref<1x1024xf32, #tpu.memory_space<vmem>> -> memref<1024xf32, #tpu.memory_space<vmem>>
    %dma_wait3A_498 = arith.constant 0 : i32
    %dma_wait3A_499 = tpu.memref_slice %arg4[%dma_wait3A_493, %dma_wait3A_494, %dma_wait3A_498] : memref<26x16x16384xf32, #tpu.memory_space<hbm>> -> memref<1x1x1024xf32, #tpu.memory_space<hbm>>
    %dma_wait3A_500 = tpu.memref_squeeze %dma_wait3A_499 : memref<1x1x1024xf32, #tpu.memory_space<hbm>> -> memref<1024xf32, #tpu.memory_space<hbm>>
    %dma_wait3A_501 = arith.constant 0 : i32
    %dma_wait3A_502 = tpu.memref_slice %arg4[%dma_wait3A_493, %dma_wait3A_494, %dma_wait3A_501] : memref<26x16x16384xf32, #tpu.memory_space<hbm>> -> memref<1x1x1024xf32, #tpu.memory_space<hbm>>
    %dma_wait3A_503 = tpu.memref_squeeze %dma_wait3A_502 : memref<1x1x1024xf32, #tpu.memory_space<hbm>> -> memref<1024xf32, #tpu.memory_space<hbm>>
    %dma_wait3A_504 = arith.constant 0 : i32
    %dma_wait3A_505 = tpu.memref_slice %arg7[%dma_wait3A, %dma_wait3A_504] : memref<2x1024xf32, #tpu.memory_space<vmem>> -> memref<1x1024xf32, #tpu.memory_space<vmem>>
    %dma_wait3A_506 = tpu.memref_squeeze %dma_wait3A_505 : memref<1x1024xf32, #tpu.memory_space<vmem>> -> memref<1024xf32, #tpu.memory_space<vmem>>
    tpu.wait_dma2 semaphore(%arg8 : memref<!tpu.dma_semaphore, #tpu.memory_space<semaphore_mem>>) src(%dma_wait3A_506 : memref<1024xf32, #tpu.memory_space<vmem>>) dst(%dma_wait3A_503 : memref<1024xf32, #tpu.memory_space<hbm>>)
    %dma_wait3A_507 = arith.constant 1 : i32
    %dma_wait3A_508 = arith.constant 0 : i32
    %dma_wait3A_509 = arith.constant 0 : i32
    %dma_wait3A_510 = arith.constant 0 : i32
    %dma_wait3A_511 = tpu.memref_slice %arg7[%dma_wait3A_507, %dma_wait3A_510] : memref<2x1024xf32, #tpu.memory_space<vmem>> -> memref<1x1024xf32, #tpu.memory_space<vmem>>
    %dma_wait3A_512 = tpu.memref_squeeze %dma_wait3A_511 : memref<1x1024xf32, #tpu.memory_space<vmem>> -> memref<1024xf32, #tpu.memory_space<vmem>>
    %dma_wait3A_513 = arith.constant 0 : i32
    %dma_wait3A_514 = tpu.memref_slice %arg4[%dma_wait3A_508, %dma_wait3A_509, %dma_wait3A_513] : memref<26x16x16384xf32, #tpu.memory_space<hbm>> -> memref<1x1x1024xf32, #tpu.memory_space<hbm>>
    %dma_wait3A_515 = tpu.memref_squeeze %dma_wait3A_514 : memref<1x1x1024xf32, #tpu.memory_space<hbm>> -> memref<1024xf32, #tpu.memory_space<hbm>>
    %dma_wait3A_516 = arith.constant 0 : i32
    %dma_wait3A_517 = tpu.memref_slice %arg4[%dma_wait3A_508, %dma_wait3A_509, %dma_wait3A_516] : memref<26x16x16384xf32, #tpu.memory_space<hbm>> -> memref<1x1x1024xf32, #tpu.memory_space<hbm>>
    %dma_wait3A_518 = tpu.memref_squeeze %dma_wait3A_517 : memref<1x1x1024xf32, #tpu.memory_space<hbm>> -> memref<1024xf32, #tpu.memory_space<hbm>>
    %dma_wait3A_519 = arith.constant 0 : i32
    %dma_wait3A_520 = tpu.memref_slice %arg7[%dma_wait3A_507, %dma_wait3A_519] : memref<2x1024xf32, #tpu.memory_space<vmem>> -> memref<1x1024xf32, #tpu.memory_space<vmem>>
    %dma_wait3A_521 = tpu.memref_squeeze %dma_wait3A_520 : memref<1x1024xf32, #tpu.memory_space<vmem>> -> memref<1024xf32, #tpu.memory_space<vmem>>
    tpu.wait_dma2 semaphore(%arg9 : memref<!tpu.dma_semaphore, #tpu.memory_space<semaphore_mem>>) src(%dma_wait3A_521 : memref<1024xf32, #tpu.memory_space<vmem>>) dst(%dma_wait3A_518 : memref<1024xf32, #tpu.memory_space<hbm>>)
    return
  }
}

</mosaic_0001>

<sc_bundles>
// kernel: _run.3.cloned.1.call-start
scs
__scs_entry_jumppad:
0x0: {  	(pc) =	sbr.rel $0x88, $3  }
0x1: {  	(tag) =	ssettag $0x0;
	lr =	simm.s32 $0x1  }
0x2: {  	[smem:$0x3F9F] =	sst lr;
	_ =	strace $0xD0000000  }
0x3: {  	_ = 	snop  }
0x4: {  	_ = 	snop  }
0x5: {  	_ = 	snop  }
0x6: {  	_ = 	snop  }
0x7: {  	_ = 	snop  }
__scs_overlays_trampoline_lowered:
0x8: {  	[smem:$0x3FAE] =	sst s0  }
0x9: {  	[smem:$0x3FAF] =	sst s1  }
0xa: {  	[smem:$0x3FB0] =	sst s2  }
0xb: {  	[smem:$0x3FB1] =	sst s3  }
0xc: {  	[smem:$0x3FB2] =	sst s4  }
0xd: {  	[smem:$0x3FB3] =	sst s5  }
0xe: {  	[smem:$0x3FB4] =	sst s6  }
0xf: {  	[smem:$0x3FB5] =	sst s7  }
0x10: {  	[smem:$0x3FB6] =	sst s8  }
0x11: {  	[smem:$0x3FB7] =	sst s9;
	s0 =	simm.s32 @!p0 $0x0  }
0x12: {  	s1 =	sld [smem:$0x3F9D];
	s0 =	simm.s32 @p0 $0x1  }
0x13: {  	[smem:$0x3FB8] =	sst s0;
	s0 =	simm.s32 @!p1 $0x0  }
0x14: {  	s2 =	sld [smem:$0x3F9C];
	s0 =	simm.s32 @p1 $0x1  }
0x15: {  	[smem:$0x3FB9] =	sst s0;
	s0 =	simm.s32 @!p2 $0x0  }
0x16: {  	s3 =	sld [smem:$0x3FDB];
	s0 =	simm.s32 @p2 $0x1  }
0x17: {  	s4 =	simm.s32 $0x1BF5;
	[smem:$0x3FBB] =	sst s0  }
0x18: {  	s0 =	sld [smem:$0x3F9E];
	_ =	swait.ge [sflag:s4], $0x0  }
0x19: {  	s7 =	sld [smem:$0x3F9F]  }
0x1a: {  	s8 =	sadd.s32 $0xFFFFE003, lr  }
0x1b: {  	s9 =	sadd.s32 $0xFFFFFEF7, lr;
	s5 =	simm.s32 $0xFFFFFFFF;
	p2 =	slt.u32 s8, $0xFFFFF086  }
0x1c: {  	p1 =	slt.u32 s9, $0xF7A;
	s5 =	simm.s32 @!p2 $0x0  }
0x1d: {  	s5 =	simm.s32 @p1 $0x1;
	p0 =	seq.s32 s7, s2  }
0x1e: {  	s7 =	smul.u32 @!p0 $0xF7A, s2;
	p2 =	seq.s32 @!p0 s5, $0x0  }
0x1f: {  	s9 =	smul.u32 $0xF7A, s1;
	s8 =	simm.s32 @!p0 $0x1BF5;
	p2 =	por !p2, p0  }
0x20: {  	[sflag:s8] =	ssyncset.s32 @!p0 $0xFFFFF086;
	s6 =	sadd.s32 @!p0 s3, s7;
	s7 =	simm.s32 @!p0 $0x108  }
0x21: {  	s3 =	sadd.s32 s3, s9;
	s6 =	sadd.s32 @!p0 $0x88, s6;
	s7 =	simm.s32 @p2 $0x1082  }
0x22: {  	[simem:s7], [sflag:s8] =	dma.local @!p0 [hbm:s6], $0xF7A  }
0x23: {  	s9 =	sor.u32 $0xD0000000, s2;
	s6 =	simm.s32 $0x108;
	_ =	swait.ge @!p0 [sflag:s8], $0x0  }
0x24: {  	s3 =	sadd.s32 $0x88, s3;
	s6 =	simm.s32 @!p1 $0x1082;
	[sflag:s4] =	ssyncset.s32 $0xFFFFF086  }
0x25: {  	[simem:s6], [sflag:s4] =	dma.local [hbm:s3], $0xF7A  }
0x26: {  	[smem:$0x3F9F] =	sst s1;
	(tag) =	ssettag s2;
	_ =	strace s9  }
0x27: {  	s1 =	sld [smem:$0x3FAF]  }
0x28: {  	s2 =	sld [smem:$0x3FB0]  }
0x29: {  	s4 =	sld [smem:$0x3FB2]  }
0x2a: {  	p0 =	seq.s32 s5, $0x0;
	s5 =	sld [smem:$0x3FB3]  }
0x2b: {  	s6 =	sld [smem:$0x3FB4]  }
0x2c: {  	s7 =	sld [smem:$0x3FB5]  }
0x2d: {  	s3 =	simm.s32 $0x108;
	s8 =	sld [smem:$0x3FB6]  }
0x2e: {  	s3 =	simm.s32 @!p0 $0x1082;
	s9 =	sld [smem:$0x3FB7]  }
0x2f: {  	lr =	sadd.s32 s0, s3;
	s0 =	sld [smem:$0x3FAE]  }
0x30: {  	s3 =	sld [smem:$0x3FB1]  }
0x31: {  	[smem:$0x3FBA] =	sst s10  }
0x32: {  	s10 =	sld [smem:$0x3FB8];
	_ =	sdelay $0x3  }
0x33: {  	p0 =	seq.s32 s10, $0x1;
	s10 =	sld [smem:$0x3FBA];
	_ =	sdelay $0x3  }
0x34: {  	[smem:$0x3FBA] =	sst s10  }
0x35: {  	s10 =	sld [smem:$0x3FB9];
	_ =	sdelay $0x3  }
0x36: {  	p1 =	seq.s32 s10, $0x1;
	s10 =	sld [smem:$0x3FBA];
	_ =	sdelay $0x3  }
0x37: {  	[smem:$0x3FBA] =	sst s10  }
0x38: {  	s10 =	sld [smem:$0x3FBB]  }
0x39: {  	_ = 	snop;
	(pc) =	sbr.ind lr, $3  }
0x3a: {  	_ = 	snop  }
0x3b: {  	_ = 	snop  }
0x3c: {  	p2 =	seq.s32 s10, $0x1;
	s10 =	sld [smem:$0x3FBA]  }
0x3d: {  	_ =	shalt  }
0x3e: {  	_ =	shalt  }
0x3f: {  	_ =	shalt  }
0x40: {  	_ =	shalt  }
0x41: {  	_ =	shalt  }
0x42: {  	_ =	shalt  }
0x43: {  	_ =	shalt  }
0x44: {  	_ =	shalt  }
0x45: {  	_ =	shalt  }
0x46: {  	_ =	shalt  }
0x47: {  	_ =	shalt  }
0x48: {  	_ =	shalt  }
0x49: {  	_ =	shalt  }
0x4a: {  	_ =	shalt  }
0x4b: {  	_ =	shalt  }
0x4c: {  	_ =	shalt  }
0x4d: {  	_ =	shalt  }
0x4e: {  	_ =	shalt  }
0x4f: {  	_ =	shalt  }
0x50: {  	_ =	shalt  }
0x51: {  	_ =	shalt  }
0x52: {  	_ =	shalt  }
0x53: {  	_ =	shalt  }
0x54: {  	_ =	shalt  }
0x55: {  	_ =	shalt  }
0x56: {  	_ =	shalt  }
0x57: {  	_ =	shalt  }
0x58: {  	_ =	shalt  }
0x59: {  	_ =	shalt  }
0x5a: {  	_ =	shalt  }
0x5b: {  	_ =	shalt  }
0x5c: {  	_ =	shalt  }
0x5d: {  	_ =	shalt  }
0x5e: {  	_ =	shalt  }
0x5f: {  	_ =	shalt  }
0x60: {  	_ =	shalt  }
0x61: {  	_ =	shalt  }
0x62: {  	_ =	shalt  }
0x63: {  	_ =	shalt  }
0x64: {  	_ =	shalt  }
0x65: {  	_ =	shalt  }
0x66: {  	_ =	shalt  }
0x67: {  	_ =	shalt  }
0x68: {  	_ =	shalt  }
0x69: {  	_ =	shalt  }
0x6a: {  	_ =	shalt  }
0x6b: {  	_ =	shalt  }
0x6c: {  	_ =	shalt  }
0x6d: {  	_ =	shalt  }
0x6e: {  	_ =	shalt  }
0x6f: {  	_ =	shalt  }
0x70: {  	_ =	shalt  }
0x71: {  	_ =	shalt  }
0x72: {  	_ =	shalt  }
0x73: {  	_ =	shalt  }
0x74: {  	_ =	shalt  }
0x75: {  	_ =	shalt  }
0x76: {  	_ =	shalt  }
0x77: {  	_ =	shalt  }
0x78: {  	_ =	shalt  }
0x79: {  	_ =	shalt  }
0x7a: {  	_ =	shalt  }
0x7b: {  	_ =	shalt  }
0x7c: {  	_ =	shalt  }
0x7d: {  	_ =	shalt  }
0x7e: {  	_ =	shalt  }
0x7f: {  	_ =	shalt  }
0x80: {  	_ =	shalt  }
0x81: {  	_ =	shalt  }
0x82: {  	_ =	shalt  }
0x83: {  	_ =	shalt  }
0x84: {  	_ =	shalt  }
0x85: {  	_ =	shalt  }
0x86: {  	_ =	shalt  }
0x87: {  	_ =	shalt  }
.Lfunc_end0:
.L_simem_size_0:
called_computation_lowered:
.L_overlay_start_0:
0x88: {  	s2 =	sld [smem:$0x3FD9]  }
0x89: {  	s3 =	sld [smem:$0x3FFE];
	_ =	sdelay $0x1  }
0x8a: {  	s1 =	srdreg.scid  }
0x8b: {  	s0 =	sand.u32 $0x1, s1  }
0x8c: {  	s18 =	sshll.u32 s0, $0xA;
	s2 =	sadd.s32 s3, s2  }
0x8d: {  	s2 =	sadd.s32 s2, s18  }
0x8e: {  	[smem:$0x3FC6] =	sst s2  }
0x8f: {  	_ = 	snop  }
0x90: {  	s2 =	sld [smem:$0x3FC9]  }
0x91: {  	s19 =	sld [smem:$0x3FC8]  }
0x92: {  	s4 =	sld [smem:$0x3FD0];
	(tm) =	ssettm $0x1  }
0x93: {  	s5 =	sld [smem:$0x3FFB];
	_ =	sdelay $0x3  }
0x94: {  	_ =	strace s5  }
0x95: {  	s5 =	sld [smem:$0x3FFC];
	_ =	sdelay $0x3  }
0x96: {  	_ =	strace s5  }
0x97: {  	s5 =	sld [smem:$0x3FFD];
	_ =	sdelay $0x3  }
0x98: {  	_ =	strace s5  }
0x99: {  	_ =	strace $0x8FFFFFFF  }
0x9a: {  	s20 =	sld [smem:$0x3FDB];
	_ =	sdelay $0x1  }
0x9b: {  	s6 =	simm.s32 $_scs_section_size  }
0x9c: {  	s7 =	simm.s32 $_size__tile_overlayer_lowered;
	s8 =	simm.s32 $_tile_overlayer_lowered  }
0x9d: {  	s23 =	simm.s32 $0x1BFF;
	s22 =	sshll.u32 s8, $0x1;
	s5 =	sadd.s32 s6, s20  }
0x9e: {  	s9 =	simm.s32 $0x0;
	s21 =	sshll.u32 s7, $0x1;
	s7 =	sadd.s32 s22, s5  }
0x9f: {  	[timem:s9], [sflag:s23] =	dma.local [hbm:s7], s21  }
0xa0: {  	_ =	swait.ge [sflag:s23], s21  }
0xa1: {  	s6 =	ssub.s32 $0x0, s21;
	[sflag:s23] =	ssyncset.done $0x0  }
0xa2: {  	[sflag:s23] =	ssyncadd.s32 s6;
	_ =	sdelay $0x1  }
0xa3: {  	s24 =	simm.s32 $0x1B8B  }
0xa4: {  	_ =	swait.ge [sflag:s24], $0x1  }
0xa5: {  	[sflag:s24] =	ssyncset.done $0x0  }
0xa6: {  	s25 =	simm.s32 $0x1B8E;
	[sflag:s24] =	ssyncadd.s32 $0xFFFFFFFF  }
0xa7: {  	s26 =	simm.s32 $execute0_lowered;
	[smem:$0x3FD2] =	sst s25  }
0xa8: {  	s6 =	sshll.u32 s26, $0x1;
	_ =	strace $0x80000046;
	[dreg:$0x1] =	wrdreg $0xFFFFFFFF  }
0xa9: {  	s28 =	simm.s32 $_size_execute0_lowered;
	s5 =	sadd.s32 s5, s6;
	[dreg:$0x0] =	wrdreg $0x0  }
0xaa: {  	s6 =	sshll.u32 s28, $0x1;
	[dreg:$0x2] =	wrdreg s5  }
0xab: {  	[dreg:$0x3] =	wrdreg s6  }
0xac: {  	[dreg:$0x4] =	wrdreg $0xC0  }
0xad: {  	_ =	task [dreg:s9], $0x5FFFF  }
0xae: {  	[dreg:$0x1] =	wrdreg $0xFFFFFFFF  }
0xaf: {  	[dreg:$0x0] =	wrdreg $0x60  }
0xb0: {  	[dreg:$0x2] =	wrdreg s2  }
0xb1: {  	[dreg:$0x3] =	wrdreg s19  }
0xb2: {  	[dreg:$0x4] =	wrdreg s4  }
0xb3: {  	[dreg:$0x5] =	wrdreg $0x9  }
0xb4: {  	_ =	task.clear_ibuf [dreg:s9], $0x6FFFF;
	_ =	strace $0x90000046  }
0xb5: {  	s29 =	simm.s32 $0x9;
	_ =	strace $0x80000048  }
0xb6: {  	_ =	swait.ge [sflag:s29], $0x1  }
0xb7: {  	[sflag:s29] =	ssyncadd.s32 $0xFFFFFFFF  }
0xb8: {  	_ =	strace $0x90000048  }
0xb9: {  	_ =	sfence  }
0xba: {  	s30 =	sld [smem:$0x0];
	_ =	sdelay $0x2  }
0xbb: {  	s31 =	sshll.u32 s1, $0xD;
	s1 =	sshrl.u32 s1, $0x2  }
0xbc: {  	s3 =	sand.u32 $0x4000, s31;
	s1 =	sadd.s32 s1, s30  }
0xbd: {  	s0 =	sor.u32 s3, s0;
	s1 =	sshll.u32 s1, $0x11  }
0xbe: {  	s0 =	sor.u32 s1, s0  }
0xbf: {  	s0 =	sadd.s32 $0x8F2B, s0  }
0xc0: {  	[sflag:s0] =	ssyncadd.remote.s32 $0x1  }
0xc1: {  	_ =	sfence.sel $0xFFFF  }
0xc2: {  	[dreg:$0x0] =	wrdreg $0xFFFFFFFF;
	(pc) =	sbr.abs _section_cstart, $3  }
0xc3: {  	[dreg:$0x1] =	wrdreg $0xFFFFFFFF  }
0xc4: {  	_ =	task.clear_ibuf [dreg:s9], $0x2FFFF;
	_ =	strace $0x9FFFFFFF  }
0xc5: {  	(tm) =	ssettm $0x7FFFFFFF  }
tec
execute0_lowered:
.L_overlay_start_1:
0x0: {  	(tag) =	ssettag $0x1  }
0x1: {  	s0 =	srdreg.scid;
	s1 =	stileid.u32  }
0x2: {  	s0 =	sand.u32 $0x1, s0;
	s1 =	sshll.u32 s1, $0x1  }
0x3: {  	s1 =	sor.u32 s0, s1  }
0x4: {  	s0 =	ssub.s32 $0x2, s0;
	s5 =	smul.u32 $0xD, s1  }
0x5: {  	s8 =	sshrl.u32 s0, $0x1  }
0x6: {  	s4 =	rddreg [dreg:$0x1];
	s0 =	ssub.s32 s0, s8;
	s1 =	sshrl.u32 s5, $0x4  }
0x7: {  	s2 =	sand.u32 $0x8, s5;
	s6 =	sshll.u32 s5, $0x7;
	s10 =	sand.u32 $0x70, s5  }
0x8: {  	[smem:$0x7EF] =	sst s0;
	s19 =	sadd.s32 $0x1, s5;
	s30 =	sadd.s32 $0x2, s5  }
0x9: {  	s2 =	sshrl.u32 s2, $0x3;
	s3 =	smul.u32 $0x187000, s1;
	s9 =	sand.u32 $0xC000, s6  }
0xa: {  	s10 =	sadd.s32 s4, s10;
	s11 =	sand.u32 $0x380, s6;
	s1 =	sshll.u32 s1, $0x12  }
0xb: {  	s20 =	sshrl.u32 s19, $0x4;
	s21 =	sshll.u32 s19, $0x7;
	s22 =	sand.u32 $0xF, s19  }
0xc: {  	s31 =	sshrl.u32 s30, $0x4;
	s7 =	smul.u32 $0xC3800, s2;
	s17 =	sadd.s32 s9, s10  }
0xd: {  	s2 =	sshll.u32 s2, $0x11;
	[smem:$0x7E3] =	sst s22;
	s23 =	sand.u32 $0x1C000, s21  }
0xe: {  	s24 =	sshrl.u32 s22, $0x3;
	s12 =	smul.u32 $0x187000, s20;
	s8 =	sand.u32 $0x380, s21  }
0xf: {  	s9 =	sand.u32 $0x70, s30;
	s14 =	smul.u32 $0x187000, s31;
	[dreg:$0x4] =	wrdreg s17  }
0x10: {  	s2 =	sor.u32 s1, s2;
	s26 =	smul.u32 $0xC3800, s24;
	s28 =	sshll.u32 s24, $0x11  }
0x11: {  	s1 =	sand.u32 $0xF, s30;
	s16 =	sadd.s32 s4, s9;
	s3 =	sadd.s32 s3, s7  }
0x12: {  	s2 =	sor.u32 s11, s2;
	s7 =	sshll.u32 s20, $0x12;
	[smem:$0x7E5] =	sst s1  }
0x13: {  	s13 =	sshrl.u32 s1, $0x3;
	s20 =	sadd.s32 $0x3, s5;
	s1 =	sadd.s32 $0x4, s5  }
0x14: {  	s18 =	sor.u32 s11, s3;
	s3 =	sand.u32 $0x70, s19;
	s29 =	sadd.s32 s12, s26  }
0x15: {  	s7 =	sor.u32 s7, s28;
	s17 =	smul.u32 $0xC3800, s13;
	s21 =	sshrl.u32 s20, $0x4  }
0x16: {  	s22 =	sand.u32 $0xF, s20;
	s11 =	sshll.u32 s31, $0x12;
	s13 =	sshll.u32 s13, $0x11  }
0x17: {  	s12 =	sand.u32 $0x70, s20;
	[smem:$0x7D8] =	sst s18;
	s3 =	sadd.s32 s4, s3  }
0x18: {  	s6 =	sor.u32 s8, s29;
	s9 =	sor.u32 s8, s7;
	[smem:$0x7E7] =	sst s22  }
0x19: {  	s24 =	smul.u32 $0x187000, s21;
	s11 =	sor.u32 s11, s13;
	s12 =	sadd.s32 s4, s12  }
0x1a: {  	s31 =	sshll.u32 s21, $0x12;
	s7 =	sand.u32 $0xF, s1;
	s13 =	sand.u32 $0x70, s1  }
0x1b: {  	s25 =	sadd.s32 s23, s3;
	s3 =	sshll.u32 s30, $0x7;
	[smem:$0x7D9] =	sst s6  }
0x1c: {  	[dreg:$0x8] =	wrdreg s9;
	s19 =	sadd.s32 s14, s17;
	s23 =	sshrl.u32 s22, $0x3  }
0x1d: {  	s6 =	sshll.u32 s1, $0x7;
	[smem:$0x7E9] =	sst s7;
	s13 =	sadd.s32 s4, s13  }
0x1e: {  	[dreg:$0x5] =	wrdreg s25;
	s15 =	sand.u32 $0x1C000, s3;
	s25 =	sshll.u32 s20, $0x7  }
0x1f: {  	s18 =	smul.u32 $0xC3800, s23;
	s0 =	sshll.u32 s23, $0x11;
	s8 =	sand.u32 $0x1C000, s6  }
0x20: {  	s10 =	sadd.s32 s15, s16;
	s15 =	sand.u32 $0x380, s3;
	s26 =	sand.u32 $0x1C000, s25  }
0x21: {  	s17 =	sand.u32 $0x380, s25;
	s3 =	sshrl.u32 s1, $0x4;
	s13 =	sadd.s32 s8, s13  }
0x22: {  	s25 =	sadd.s32 $0x5, s5;
	[dreg:$0x6] =	wrdreg s10;
	s9 =	sor.u32 s15, s19  }
0x23: {  	s16 =	sadd.s32 s24, s18;
	s28 =	sor.u32 s15, s11;
	s29 =	sadd.s32 s26, s12  }
0x24: {  	s11 =	sor.u32 s31, s0;
	s10 =	sshrl.u32 s7, $0x3;
	[dreg:$0x9] =	wrdreg s13  }
0x25: {  	s19 =	smul.u32 $0x187000, s3;
	s14 =	sshll.u32 s3, $0x12;
	[dreg:$0xa] =	wrdreg s28  }
0x26: {  	s26 =	sshrl.u32 s25, $0x4;
	s15 =	sand.u32 $0x70, s25;
	[dreg:$0x7] =	wrdreg s29  }
0x27: {  	s30 =	sor.u32 s17, s16;
	s12 =	sor.u32 s17, s11;
	s16 =	smul.u32 $0xC3800, s10  }
0x28: {  	s17 =	sand.u32 $0x380, s6;
	s23 =	sshll.u32 s10, $0x11;
	s28 =	sand.u32 $0xF, s25  }
0x29: {  	s29 =	sshll.u32 s25, $0x7;
	s20 =	smul.u32 $0x187000, s26;
	[smem:$0x7DA] =	sst s30  }
0x2a: {  	s21 =	sadd.s32 s4, s15;
	s7 =	sshll.u32 s26, $0x12;
	[dreg:$0xc] =	wrdreg s12  }
0x2b: {  	s10 =	sadd.s32 $0x6, s5;
	s14 =	sor.u32 s14, s23;
	[smem:$0x7EB] =	sst s28  }
0x2c: {  	s30 =	sshrl.u32 s28, $0x3;
	s22 =	sand.u32 $0x1C000, s29;
	s18 =	sand.u32 $0x380, s29  }
0x2d: {  	s11 =	sshrl.u32 s10, $0x4;
	s13 =	sand.u32 $0xF, s10;
	s12 =	sshll.u32 s10, $0x7  }
0x2e: {  	s24 =	sadd.s32 s19, s16;
	s23 =	smul.u32 $0xC3800, s30;
	s1 =	sor.u32 s17, s14  }
0x2f: {  	s3 =	sadd.s32 s22, s21;
	s8 =	sshll.u32 s30, $0x11;
	s26 =	sshrl.u32 s13, $0x3  }
0x30: {  	s28 =	smul.u32 $0x187000, s11;
	s0 =	sshll.u32 s11, $0x12;
	[dreg:$0xe] =	wrdreg s1  }
0x31: {  	s31 =	sor.u32 s17, s24;
	[dreg:$0xb] =	wrdreg s3;
	s16 =	sor.u32 s7, s8  }
0x32: {  	s17 =	sand.u32 $0x70, s10;
	s24 =	sand.u32 $0x1C000, s12;
	s25 =	smul.u32 $0xC3800, s26  }
0x33: {  	s1 =	sshll.u32 s26, $0x11;
	s3 =	sadd.s32 $0x7, s5;
	[smem:$0x7DB] =	sst s31  }
0x34: {  	s6 =	sadd.s32 s20, s23;
	s29 =	sadd.s32 s4, s17;
	s15 =	sor.u32 s18, s16  }
0x35: {  	s20 =	sand.u32 $0x380, s12;
	s14 =	sand.u32 $0xF, s3;
	s7 =	sshll.u32 s3, $0x7  }
0x36: {  	s19 =	sand.u32 $0x70, s3;
	s17 =	sor.u32 s18, s6;
	s30 =	sadd.s32 s24, s29  }
0x37: {  	s31 =	sadd.s32 s28, s25;
	s18 =	sor.u32 s0, s1;
	s6 =	sshrl.u32 s3, $0x4  }
0x38: {  	s8 =	sshrl.u32 s14, $0x3;
	s11 =	sadd.s32 s4, s19;
	s26 =	sand.u32 $0x1C000, s7  }
0x39: {  	s22 =	sand.u32 $0x380, s7;
	[dreg:$0xd] =	wrdreg s30;
	s10 =	smul.u32 $0x187000, s6  }
0x3a: {  	s28 =	smul.u32 $0xC3800, s8;
	s19 =	sor.u32 s20, s31;
	s12 =	sor.u32 s20, s18  }
0x3b: {  	s25 =	sadd.s32 s26, s11;
	s29 =	sshll.u32 s8, $0x11;
	s30 =	sadd.s32 $0x8, s5  }
0x3c: {  	[dreg:$0xf] =	wrdreg s25;
	s31 =	sshrl.u32 s30, $0x4;
	s16 =	sand.u32 $0xF, s30  }
0x3d: {  	s1 =	sshll.u32 s30, $0x7;
	s21 =	sand.u32 $0x70, s30;
	s26 =	sadd.s32 s10, s28  }
0x3e: {  	s28 =	sshll.u32 s6, $0x12;
	s3 =	sshrl.u32 s16, $0x3;
	s6 =	smul.u32 $0x187000, s31  }
0x3f: {  	s7 =	sadd.s32 s4, s21;
	s31 =	sshll.u32 s31, $0x12;
	s24 =	sand.u32 $0x380, s1  }
0x40: {  	s20 =	sor.u32 s28, s29;
	s29 =	sand.u32 $0x1C000, s1;
	s30 =	smul.u32 $0xC3800, s3  }
0x41: {  	s21 =	sor.u32 s22, s26;
	s0 =	sshll.u32 s3, $0x11;
	s1 =	sadd.s32 $0x9, s5  }
0x42: {  	s11 =	sor.u32 s22, s20;
	s8 =	sadd.s32 s29, s7;
	s22 =	sor.u32 s31, s0  }
0x43: {  	s25 =	sshrl.u32 s1, $0x4;
	s18 =	sand.u32 $0xF, s1;
	s26 =	sshll.u32 s1, $0x7  }
0x44: {  	s23 =	sand.u32 $0x70, s1;
	[dreg:$0x11] =	wrdreg s8;
	s10 =	sadd.s32 s6, s30  }
0x45: {  	s3 =	sshrl.u32 s18, $0x3;
	s6 =	smul.u32 $0x187000, s25;
	s7 =	sadd.s32 s4, s23  }
0x46: {  	s31 =	sand.u32 $0x1C000, s26;
	s8 =	smul.u32 $0xC3800, s3;
	s23 =	sor.u32 s24, s10  }
0x47: {  	s10 =	sor.u32 s24, s22;
	s22 =	sadd.s32 s31, s7;
	s31 =	sadd.s32 $0xA, s5  }
0x48: {  	s7 =	sshll.u32 s3, $0x11;
	[dreg:$0x13] =	wrdreg s22;
	s20 =	sand.u32 $0xF, s31  }
0x49: {  	s28 =	sshll.u32 s31, $0x7;
	s24 =	sadd.s32 s6, s8;
	s6 =	sshll.u32 s25, $0x12  }
0x4a: {  	s8 =	sand.u32 $0x380, s26;
	s26 =	sshrl.u32 s31, $0x4;
	s25 =	sand.u32 $0x70, s31  }
0x4b: {  	s29 =	sshrl.u32 s20, $0x3;
	s3 =	sand.u32 $0x1C000, s28;
	s0 =	smul.u32 $0x187000, s26  }
0x4c: {  	s22 =	sor.u32 s6, s7;
	s25 =	sadd.s32 s4, s25;
	s6 =	smul.u32 $0xC3800, s29  }
0x4d: {  	s7 =	sor.u32 s8, s24;
	s1 =	sshll.u32 s26, $0x12;
	s31 =	sadd.s32 s3, s25  }
0x4e: {  	s8 =	sor.u32 s8, s22;
	s3 =	sshll.u32 s29, $0x11;
	[dreg:$0x15] =	wrdreg s31  }
0x4f: {  	s0 =	sadd.s32 s0, s6;
	s24 =	sor.u32 s1, s3;
	s6 =	sand.u32 $0x380, s28  }
0x50: {  	s31 =	sadd.s32 $0xB, s5;
	s5 =	sadd.s32 $0xC, s5;
	s3 =	sor.u32 s6, s0  }
0x51: {  	s28 =	sshrl.u32 s31, $0x4;
	s0 =	sand.u32 $0x70, s31;
	s22 =	sand.u32 $0xF, s31  }
0x52: {  	s26 =	sshll.u32 s31, $0x7;
	s6 =	sor.u32 s6, s24;
	s29 =	sadd.s32 s4, s0  }
0x53: {  	s1 =	sand.u32 $0x1C000, s26;
	s31 =	sshrl.u32 s22, $0x3;
	s0 =	smul.u32 $0x187000, s28  }
0x54: {  	s30 =	sshll.u32 s28, $0x12;
	s28 =	sand.u32 $0xF, s5;
	s26 =	sand.u32 $0x380, s26  }
0x55: {  	s25 =	sadd.s32 s1, s29;
	s29 =	smul.u32 $0xC3800, s31;
	s31 =	sshll.u32 s31, $0x11  }
0x56: {  	[dreg:$0x17] =	wrdreg s25;
	s24 =	sor.u32 s30, s31;
	s25 =	sshrl.u32 s5, $0x4  }
0x57: {  	s1 =	sadd.s32 s0, s29;
	s0 =	sand.u32 $0x70, s5;
	s5 =	sshll.u32 s5, $0x7  }
0x58: {  	s29 =	sshrl.u32 s28, $0x3;
	s30 =	smul.u32 $0x187000, s25;
	s4 =	sadd.s32 s4, s0  }
0x59: {  	s31 =	sand.u32 $0x1C000, s5;
	s0 =	smul.u32 $0xC3800, s29;
	s1 =	sor.u32 s26, s1  }
0x5a: {  	s26 =	sor.u32 s26, s24;
	s24 =	sld [smem:$0x7D8];
	s4 =	sadd.s32 s31, s4  }
0x5b: {  	[dreg:$0x19] =	wrdreg s4  }
0x5c: {  	s0 =	sadd.s32 s30, s0;
	s30 =	sld [smem:$0x7D9]  }
0x5d: {  	s9 =	sshrl.u32 s9, $0x3;
	s4 =	sshrl.u32 s24, $0x3;
	s24 =	rddreg [dreg:$0x0]  }
0x5e: {  	s4 =	sadd.s32 s24, s4;
	s31 =	sadd.s32 s24, s9;
	s9 =	sld [smem:$0x7DA]  }
0x5f: {  	[dreg:$0x1a] =	wrdreg s4  }
0x60: {  	s1 =	sshrl.u32 s1, $0x3;
	[dreg:$0x1c] =	wrdreg s31  }
0x61: {  	s1 =	sadd.s32 s24, s1;
	s4 =	sshrl.u32 s30, $0x3;
	s30 =	sld [smem:$0x7DB]  }
0x62: {  	s31 =	sshrl.u32 s17, $0x3;
	[smem:$0x7E1] =	sst s1  }
0x63: {  	s1 =	sld [smem:$0x7E9];
	s4 =	sadd.s32 s24, s4;
	s17 =	sadd.s32 s24, s31  }
0x64: {  	s31 =	sshrl.u32 s23, $0x3;
	s23 =	sshll.u32 s29, $0x11;
	s29 =	sld [smem:$0x7E3]  }
0x65: {  	[dreg:$0x1b] =	wrdreg s4;
	s4 =	sshrl.u32 s9, $0x3  }
0x66: {  	s19 =	sshrl.u32 s19, $0x3;
	[dreg:$0x1f] =	wrdreg s17;
	s4 =	sadd.s32 s24, s4  }
0x67: {  	s9 =	sadd.s32 s24, s31;
	[dreg:$0x1d] =	wrdreg s4;
	s4 =	sshrl.u32 s30, $0x3  }
0x68: {  	s17 =	sshrl.u32 s7, $0x3;
	s31 =	sld [smem:$0x7E7];
	s4 =	sadd.s32 s24, s4  }
0x69: {  	[dreg:$0x1e] =	wrdreg s4;
	s4 =	sadd.s32 s24, s19;
	s19 =	sand.u32 $0x380, s5  }
0x6a: {  	s30 =	sshrl.u32 s21, $0x3;
	[smem:$0x7DC] =	sst s4;
	s0 =	sor.u32 s19, s0  }
0x6b: {  	s4 =	sadd.s32 s24, s30;
	s30 =	sld [smem:$0x7E5];
	s0 =	sshrl.u32 s0, $0x3  }
0x6c: {  	p0 =	sne.s32 s29, $0x0;
	[smem:$0x7DD] =	sst s4;
	s0 =	sadd.s32 s24, s0  }
0x6d: {  	s4 =	sadd.s32 s24, s17;
	[smem:$0x7E2] =	sst s0;
	s0 =	simm.s32 @!p0 $0x0  }
0x6e: {  	[smem:$0x7DF] =	sst s4;
	s0 =	simm.s32 @p0 $0x1;
	p0 =	sne.s32 s30, $0x0  }
0x6f: {  	s3 =	sshrl.u32 s3, $0x3;
	[smem:$0x7E4] =	sst s0;
	s0 =	simm.s32 @!p0 $0x0  }
0x70: {  	s4 =	sld [smem:$0x7EB];
	s0 =	simm.s32 @p0 $0x1;
	p0 =	sne.s32 s31, $0x0  }
0x71: {  	s3 =	sadd.s32 s24, s3;
	[smem:$0x7E6] =	sst s0;
	s0 =	simm.s32 @!p0 $0x0  }
0x72: {  	[smem:$0x7E0] =	sst s3;
	s0 =	simm.s32 @p0 $0x1;
	p0 =	sne.s32 s1, $0x0  }
0x73: {  	[smem:$0x7E8] =	sst s0;
	s0 =	simm.s32 @!p0 $0x0  }
0x74: {  	[smem:$0x7DE] =	sst s9;
	s0 =	simm.s32 @p0 $0x1;
	p0 =	sne.s32 s4, $0x0  }
0x75: {  	s21 =	sshll.u32 s25, $0x12;
	[smem:$0x7EA] =	sst s0;
	s0 =	simm.s32 @!p0 $0x0  }
0x76: {  	s25 =	sor.u32 s21, s23;
	s0 =	simm.s32 @p0 $0x1;
	p0 =	sne.s32 s13, $0x0  }
0x77: {  	s3 =	sor.u32 s19, s25;
	[smem:$0x7EC] =	sst s0;
	s0 =	simm.s32 @!p0 $0x0  }
0x78: {  	s19 =	rddreg [dreg:$0x2];
	s0 =	simm.s32 @p0 $0x1;
	p0 =	sne.s32 s14, $0x0  }
0x79: {  	s17 =	simm.s32 $0x0;
	[smem:$0x7ED] =	sst s0;
	s0 =	simm.s32 @!p0 $0x0  }
0x7a: {  	p1 =	sne.s32 s18, $0x0;
	[smem:$0x7FF] =	sst s17;
	s0 =	simm.s32 @p0 $0x1  }
0x7b: {  	s18 =	sshrl.u32 s15, $0x3;
	p2 =	sne.s32 s20, $0x0;
	[smem:$0x7EE] =	sst s0  }
0x7c: {  	s20 =	sadd.s32 s19, s18;
	_ =	strace $0x80000047;
	[dreg:$0x10] =	wrdreg s15  }
0x7d: {  	[smem:$0x7F5] =	sst s20  }
0x7e: {  	p3 =	sne.s32 s22, $0x0;
	s22 =	sshrl.u32 s11, $0x3;
	[dreg:$0x12] =	wrdreg s12  }
0x7f: {  	p4 =	sne.s32 s28, $0x0;
	s23 =	sshrl.u32 s10, $0x3;
	[dreg:$0x14] =	wrdreg s11  }
0x80: {  	s28 =	sshrl.u32 s6, $0x3;
	s24 =	sadd.s32 s19, s23;
	[dreg:$0x16] =	wrdreg s10  }
0x81: {  	s29 =	sshrl.u32 s26, $0x3;
	s21 =	sshrl.u32 s12, $0x3;
	[smem:$0x7F8] =	sst s24  }
0x82: {  	s25 =	sshrl.u32 s8, $0x3;
	s18 =	simm.s32 $0x1CA80;
	[dreg:$0x18] =	wrdreg s8  }
0x83: {  	s23 =	simm.s32 $0x1;
	s30 =	sadd.s32 s19, s29;
	[smem:$0x7FA] =	sst s6  }
0x84: {  	s31 =	sshrl.u32 s3, $0x3;
	s4 =	simm.s32 $0x1CB00;
	[smem:$0x7FC] =	sst s30  }
0x85: {  	p0 =	sne.s32 s16, $0x0;
	s11 =	simm.s32 $0x1C900;
	s5 =	sld [smem:$0x7EF]  }
0x86: {  	s6 =	simm.s32 $0x1CC00;
	s8 =	simm.s32 $0x1CD00;
	s7 =	rddreg [dreg:$0x8]  }
0x87: {  	s10 =	simm.s32 $0x1CE00;
	s12 =	simm.s32 $0x1C780;
	s9 =	rddreg [dreg:$0xa]  }
0x88: {  	s20 =	simm.s32 $0x1CB80;
	s14 =	rddreg [dreg:$0xc];
	s0 =	smax.u32 s5, $0x1  }
0x89: {  	s24 =	simm.s32 $0x1CD80;
	[smem:$0x7F0] =	sst s0;
	s0 =	sshrl.u32 s7, $0x3  }
0x8a: {  	s15 =	simm.s32 $0x1CE80;
	s16 =	rddreg [dreg:$0xe];
	s0 =	sadd.s32 s19, s0  }
0x8b: {  	s1 =	sshrl.u32 s9, $0x3;
	[smem:$0x7F1] =	sst s0;
	s0 =	sshrl.u32 s14, $0x3  }
0x8c: {  	s9 =	simm.s32 $0x1C800;
	s13 =	sadd.s32 s19, s1;
	s0 =	sadd.s32 s19, s0  }
0x8d: {  	s1 =	simm.s32 $0x0;
	[smem:$0x7F3] =	sst s0;
	s0 =	sshrl.u32 s16, $0x3  }
0x8e: {  	[smem:$0x7F2] =	sst s13;
	s5 =	smov.u32 s26;
	s0 =	sadd.s32 s19, s0  }
0x8f: {  	s13 =	simm.s32 $0x1CA00;
	[smem:$0x7F4] =	sst s0;
	s0 =	sadd.s32 s19, s21  }
0x90: {  	s7 =	smov.u32 s3;
	[smem:$0x7F6] =	sst s0;
	s0 =	sadd.s32 s19, s22  }
0x91: {  	s14 =	simm.s32 $0x1C880;
	[smem:$0x7F7] =	sst s0;
	s0 =	sadd.s32 s19, s25  }
0x92: {  	s16 =	simm.s32 $0x1C980;
	[smem:$0x7F9] =	sst s0;
	s0 =	sadd.s32 s19, s28  }
0x93: {  	s21 =	simm.s32 $0x1C700;
	[smem:$0x7FB] =	sst s0;
	s0 =	sadd.s32 s19, s31  }
0x94: {  	s22 =	simm.s32 $0x1CC80;
	s25 =	simm.s32 $0x2;
	[smem:$0x7FD] =	sst s0  }
.LBB2_1:
0x95: {  	[smem:$0x7D7] =	sst s1  }
0x96: {  	s0 =	rddreg [dreg:$0x4];
	s1 =	simm.s32 $0x80  }
0x97: {  	s3 =	simm.s32 $0x400;
	s26 =	simm.s32 $0x18700;
	s30 =	simm.s32 $0x3  }
0x98: {  	[tilespmem:s26], [sflag:$0x3] =	stream.strided.gather [hbm4b:s0+s1], $0x4000, s3, s1, $0x38;
	[tilespmem:$0x1CF00] =	vst v63  }
0x99: {  	_ =	swait.ge [sflag:s30], $0x4000  }
0x9a: {  	[sflag:s30] =	ssyncset.done $0x0  }
0x9b: {  	s31 =	rddreg [dreg:$0x1a];
	[sflag:s30] =	ssyncadd.s32 $0xFFFFC000  }
0x9c: {  	[tilespmem:s17], [sflag:$0x3] =	stream.strided.gather [hbm4b:s31+s1], $0x18700, s3, s1, $0x38;
	[tilespmem:$0x1CF00] =	vst v63  }
0x9d: {  	_ =	swait.ge [sflag:s30], $0x18700  }
0x9e: {  	s28 =	simm.s32 $0x18B70;
	[sflag:s30] =	ssyncset.done $0x0  }
0x9f: {  	s29 =	simm.s32 $0x0;
	s26 =	simm.s32 $0x18740;
	[sflag:s30] =	ssyncadd.s32 $0xFFFE7900  }
.LBB2_2:
0xa0: {  	p5 =	seq.s32 s29, $0x0  }
0xa1: {  	s0 =	simm.s32 @!p5 $0x1  }
0xa2: {  	_ =	swait.ge @!p5 [sflag:s0], $0x400  }
0xa3: {  	[sflag:s0] =	ssyncset.done @!p5 $0x0  }
0xa4: {  	[sflag:s0] =	ssyncadd.s32 @!p5 $0xFFFFFC00  }
0xa5: {  	v0 =	vld [tilespmem:s26+$0x30]  }
0xa6: {  	v1 =	vld [tilespmem:s26+$0xFFFFFFD0]  }
0xa7: {  	v2 =	vld [tilespmem:s26+$0xFFFFFFE0]  }
0xa8: {  	v3 =	vld [tilespmem:s26+$0xFFFFFFF0]  }
0xa9: {  	v6 =	vld [tilespmem:s26+$0x0]  }
0xaa: {  	v7 =	vld [tilespmem:s26+$0x10]  }
0xab: {  	v8 =	vld [tilespmem:s26+$0x20]  }
0xac: {  	v9 =	vld [tilespmem:s26+$0xFFFFFFC0]  }
0xad: {  	v10 =	vld.idx.msk [tilespmem:v0+s17+$0x0], $0xffff  }
0xae: {  	v11 =	vld.idx.msk [tilespmem:v1+s17+$0x0], $0xffff  }
0xaf: {  	v5 =	vld.idx.msk [tilespmem:v2+s17+$0x0], $0xffff  }
0xb0: {  	v4 =	vld.idx.msk [tilespmem:v3+s17+$0x0], $0xffff  }
0xb1: {  	v2 =	vld.idx.msk [tilespmem:v6+s17+$0x0], $0xffff  }
0xb2: {  	s0 =	simm.s32 $0x1C740;
	v1 =	vld.idx.msk [tilespmem:v7+s17+$0x0], $0xffff  }
0xb3: {  	v0 =	vld.idx.msk [tilespmem:v8+s17+$0x0], $0xffff;
	[tilespmem:s0+$0x30] =	vst v10  }
0xb4: {  	s30 =	sshll.u32 s29, $0x1;
	s31 =	simm.s32 $0x0;
	s1 =	sadd.s32 $0x80, s26;
	v3 =	vld.idx.msk [tilespmem:v9+s17+$0x0], $0xffff;
	[tilespmem:s0+$0xFFFFFFD0] =	vst v11  }
.LBB2_3:
0xb5: {  	v6 =	vld [tilespmem:s1+$0x30];
	s31 =	sadd.s32 $0x80, s31;
	[tilespmem:s0+$0xFFFFFFE0] =	vst v5  }
0xb6: {  	v5 =	vld [tilespmem:s1+$0xFFFFFFD0];
	p6 =	slt.u32 s31, $0x380;
	[tilespmem:s0+$0xFFFFFFF0] =	vst v4  }
0xb7: {  	v4 =	vld [tilespmem:s1+$0xFFFFFFE0];
	[tilespmem:s0+$0x0] =	vst v2  }
0xb8: {  	v2 =	vld [tilespmem:s1+$0xFFFFFFF0];
	[tilespmem:s0+$0x10] =	vst v1  }
0xb9: {  	v1 =	vld [tilespmem:s1+$0x0];
	[tilespmem:s0+$0x20] =	vst v0  }
0xba: {  	v0 =	vld [tilespmem:s1+$0x10];
	[tilespmem:s0+$0xFFFFFFC0] =	vst v3  }
0xbb: {  	v3 =	vld [tilespmem:s1+$0x20]  }
0xbc: {  	v7 =	vld [tilespmem:s1+$0xFFFFFFC0]  }
0xbd: {  	v6 =	vld.idx.msk [tilespmem:v6+s17+$0x0], $0xffff  }
0xbe: {  	v8 =	vld.idx.msk [tilespmem:v5+s17+$0x0], $0xffff  }
0xbf: {  	v5 =	vld.idx.msk [tilespmem:v4+s17+$0x0], $0xffff  }
.Ltmp0:
0xc0: {  	v4 =	vld.idx.msk [tilespmem:v2+s17+$0x0], $0xffff;
	(pc) =	sbr.rel @p6 .LBB2_3-.Ltmp0, $4  }
0xc1: {  	v2 =	vld.idx.msk [tilespmem:v1+s17+$0x0], $0xffff  }
0xc2: {  	s0 =	sadd.s32 $0x100, s0;
	v1 =	vld.idx.msk [tilespmem:v0+s17+$0x0], $0xffff  }
0xc3: {  	v0 =	vld.idx.msk [tilespmem:v3+s17+$0x0], $0xffff;
	[tilespmem:s0+$0x30] =	vst v6  }
0xc4: {  	s1 =	sadd.s32 $0x80, s1;
	v3 =	vld.idx.msk [tilespmem:v7+s17+$0x0], $0xffff;
	[tilespmem:s0+$0xFFFFFFD0] =	vst v8  }
0xc5: {  	[tilespmem:s0+$0xFFFFFFE0] =	vst v5  }
0xc6: {  	[tilespmem:s0+$0xFFFFFFF0] =	vst v4  }
0xc7: {  	s1 =	sshll.u32 s29, $0xE;
	[tilespmem:s0+$0x0] =	vst v2  }
0xc8: {  	s1 =	sadd.s32 s2, s1;
	[tilespmem:s0+$0x10] =	vst v1  }
0xc9: {  	s1 =	sshrl.u32 s1, $0x3;
	[tilespmem:s0+$0x20] =	vst v0  }
0xca: {  	[tilespmem:s0+$0xFFFFFFC0] =	vst v3;
	s0 =	sadd.s32 s19, s1  }
0xcb: {  	[hbm4b:s0+s17] =	stream.linear.scatter [tilespmem:s21], [sflag:$0x1], $0x80, $0x38;
	[tilespmem:$0x1CF00] =	vst v63  }
0xcc: {  	s1 =	sadd.s32 $0x80, s0  }
0xcd: {  	[hbm4b:s1+s17] =	stream.linear.scatter [tilespmem:s9], [sflag:$0x1], $0x80, $0x38;
	[tilespmem:$0x1CF00] =	vst v63  }
0xce: {  	s3 =	sadd.s32 $0x100, s0  }
0xcf: {  	[hbm4b:s3+s17] =	stream.linear.scatter [tilespmem:s11], [sflag:$0x1], $0x80, $0x38;
	[tilespmem:$0x1CF00] =	vst v63  }
0xd0: {  	s3 =	sadd.s32 $0x180, s0  }
0xd1: {  	[hbm4b:s3+s17] =	stream.linear.scatter [tilespmem:s13], [sflag:$0x1], $0x80, $0x38;
	[tilespmem:$0x1CF00] =	vst v63  }
0xd2: {  	s3 =	sadd.s32 $0x200, s0  }
0xd3: {  	[hbm4b:s3+s17] =	stream.linear.scatter [tilespmem:s4], [sflag:$0x1], $0x80, $0x38;
	[tilespmem:$0x1CF00] =	vst v63  }
0xd4: {  	s3 =	sadd.s32 $0x280, s0  }
0xd5: {  	[hbm4b:s3+s17] =	stream.linear.scatter [tilespmem:s6], [sflag:$0x1], $0x80, $0x38;
	[tilespmem:$0x1CF00] =	vst v63  }
0xd6: {  	s3 =	sadd.s32 $0x300, s0  }
0xd7: {  	[hbm4b:s3+s17] =	stream.linear.scatter [tilespmem:s8], [sflag:$0x1], $0x80, $0x38;
	[tilespmem:$0x1CF00] =	vst v63  }
0xd8: {  	s0 =	sadd.s32 $0x380, s0  }
0xd9: {  	[hbm4b:s0+s17] =	stream.linear.scatter [tilespmem:s10], [sflag:$0x1], $0x80, $0x38;
	[tilespmem:$0x1CF00] =	vst v63  }
0xda: {  	s0 =	simm.s32 @!p5 $0x2  }
0xdb: {  	_ =	swait.ge @!p5 [sflag:s0], $0x400  }
0xdc: {  	[sflag:s0] =	ssyncset.done @!p5 $0x0  }
0xdd: {  	[sflag:s0] =	ssyncadd.s32 @!p5 $0xFFFFFC00  }
0xde: {  	v0 =	vld [tilespmem:s28+$0x0]  }
0xdf: {  	v1 =	vld [tilespmem:s28+$0xFFFFFFA0]  }
0xe0: {  	v2 =	vld [tilespmem:s28+$0xFFFFFFB0]  }
0xe1: {  	v3 =	vld [tilespmem:s28+$0xFFFFFFC0]  }
0xe2: {  	v6 =	vld [tilespmem:s28+$0xFFFFFFD0]  }
0xe3: {  	v7 =	vld [tilespmem:s28+$0xFFFFFFE0]  }
0xe4: {  	v8 =	vld [tilespmem:s28+$0xFFFFFFF0]  }
0xe5: {  	v9 =	vld [tilespmem:s28+$0xFFFFFF90]  }
0xe6: {  	v10 =	vld.idx.msk [tilespmem:v0+s17+$0x0], $0xffff  }
0xe7: {  	v11 =	vld.idx.msk [tilespmem:v1+s17+$0x0], $0xffff  }
0xe8: {  	v5 =	vld.idx.msk [tilespmem:v2+s17+$0x0], $0xffff  }
0xe9: {  	v4 =	vld.idx.msk [tilespmem:v3+s17+$0x0], $0xffff  }
0xea: {  	v2 =	vld.idx.msk [tilespmem:v6+s17+$0x0], $0xffff  }
0xeb: {  	s0 =	simm.s32 $0x1C7F0;
	v1 =	vld.idx.msk [tilespmem:v7+s17+$0x0], $0xffff  }
0xec: {  	v0 =	vld.idx.msk [tilespmem:v8+s17+$0x0], $0xffff;
	[tilespmem:s0+$0x0] =	vst v10  }
0xed: {  	s30 =	sor.u32 $0x1, s30;
	s31 =	simm.s32 $0x0;
	s1 =	sadd.s32 $0x80, s28;
	v3 =	vld.idx.msk [tilespmem:v9+s17+$0x0], $0xffff;
	[tilespmem:s0+$0xFFFFFFA0] =	vst v11  }
.LBB2_5:
0xee: {  	v6 =	vld [tilespmem:s1+$0x0];
	s31 =	sadd.s32 $0x80, s31;
	[tilespmem:s0+$0xFFFFFFB0] =	vst v5  }
0xef: {  	v5 =	vld [tilespmem:s1+$0xFFFFFFA0];
	p5 =	slt.u32 s31, $0x380;
	[tilespmem:s0+$0xFFFFFFC0] =	vst v4  }
0xf0: {  	v4 =	vld [tilespmem:s1+$0xFFFFFFB0];
	[tilespmem:s0+$0xFFFFFFD0] =	vst v2  }
0xf1: {  	v2 =	vld [tilespmem:s1+$0xFFFFFFC0];
	[tilespmem:s0+$0xFFFFFFE0] =	vst v1  }
0xf2: {  	v1 =	vld [tilespmem:s1+$0xFFFFFFD0];
	[tilespmem:s0+$0xFFFFFFF0] =	vst v0  }
0xf3: {  	v0 =	vld [tilespmem:s1+$0xFFFFFFE0];
	[tilespmem:s0+$0xFFFFFF90] =	vst v3  }
0xf4: {  	v3 =	vld [tilespmem:s1+$0xFFFFFFF0]  }
0xf5: {  	v7 =	vld [tilespmem:s1+$0xFFFFFF90]  }
0xf6: {  	v6 =	vld.idx.msk [tilespmem:v6+s17+$0x0], $0xffff  }
0xf7: {  	v8 =	vld.idx.msk [tilespmem:v5+s17+$0x0], $0xffff  }
0xf8: {  	v5 =	vld.idx.msk [tilespmem:v4+s17+$0x0], $0xffff  }
.Ltmp1:
0xf9: {  	v4 =	vld.idx.msk [tilespmem:v2+s17+$0x0], $0xffff;
	(pc) =	sbr.rel @p5 .LBB2_5-.Ltmp1, $4  }
0xfa: {  	v2 =	vld.idx.msk [tilespmem:v1+s17+$0x0], $0xffff  }
0xfb: {  	s0 =	sadd.s32 $0x100, s0;
	v1 =	vld.idx.msk [tilespmem:v0+s17+$0x0], $0xffff  }
0xfc: {  	v0 =	vld.idx.msk [tilespmem:v3+s17+$0x0], $0xffff;
	[tilespmem:s0+$0x0] =	vst v6  }
0xfd: {  	s1 =	sadd.s32 $0x80, s1;
	v3 =	vld.idx.msk [tilespmem:v7+s17+$0x0], $0xffff;
	[tilespmem:s0+$0xFFFFFFA0] =	vst v8  }
0xfe: {  	[tilespmem:s0+$0xFFFFFFB0] =	vst v5  }
0xff: {  	[tilespmem:s0+$0xFFFFFFC0] =	vst v4  }
0x100: {  	s1 =	sshll.u32 s30, $0xD;
	[tilespmem:s0+$0xFFFFFFD0] =	vst v2  }
0x101: {  	s1 =	sadd.s32 s2, s1;
	[tilespmem:s0+$0xFFFFFFE0] =	vst v1  }
0x102: {  	s1 =	sshrl.u32 s1, $0x3;
	[tilespmem:s0+$0xFFFFFFF0] =	vst v0  }
0x103: {  	[tilespmem:s0+$0xFFFFFF90] =	vst v3;
	s0 =	sadd.s32 s19, s1  }
0x104: {  	[hbm4b:s0+s17] =	stream.linear.scatter [tilespmem:s12], [sflag:$0x2], $0x80, $0x38;
	[tilespmem:$0x1CF00] =	vst v63  }
0x105: {  	s1 =	sadd.s32 $0x80, s0  }
0x106: {  	[hbm4b:s1+s17] =	stream.linear.scatter [tilespmem:s14], [sflag:$0x2], $0x80, $0x38;
	[tilespmem:$0x1CF00] =	vst v63  }
0x107: {  	s30 =	sadd.s32 $0x100, s0  }
0x108: {  	[hbm4b:s30+s17] =	stream.linear.scatter [tilespmem:s16], [sflag:$0x2], $0x80, $0x38;
	[tilespmem:$0x1CF00] =	vst v63  }
0x109: {  	s31 =	sadd.s32 $0x180, s0  }
0x10a: {  	[hbm4b:s31+s17] =	stream.linear.scatter [tilespmem:s18], [sflag:$0x2], $0x80, $0x38;
	[tilespmem:$0x1CF00] =	vst v63  }
0x10b: {  	s29 =	sadd.s32 $0x1, s29;
	s3 =	sadd.s32 $0x200, s0  }
0x10c: {  	[hbm4b:s3+s17] =	stream.linear.scatter [tilespmem:s20], [sflag:$0x2], $0x80, $0x38;
	[tilespmem:$0x1CF00] =	vst v63  }
0x10d: {  	p5 =	sne.s32 s29, $0x8;
	s30 =	sadd.s32 $0x280, s0  }
0x10e: {  	[hbm4b:s30+s17] =	stream.linear.scatter [tilespmem:s22], [sflag:$0x2], $0x80, $0x38;
	[tilespmem:$0x1CF00] =	vst v63  }
.Ltmp2:
0x10f: {  	_ = 	snop;
	(pc) =	sbr.rel @p5 .LBB2_2-.Ltmp2, $4  }
0x110: {  	s31 =	sadd.s32 $0x300, s0  }
0x111: {  	[hbm4b:s31+s17] =	stream.linear.scatter [tilespmem:s24], [sflag:$0x2], $0x80, $0x38;
	[tilespmem:$0x1CF00] =	vst v63  }
0x112: {  	s26 =	sadd.s32 $0x800, s26;
	s28 =	sadd.s32 $0x800, s28;
	s0 =	sadd.s32 $0x380, s0  }
0x113: {  	[hbm4b:s0+s17] =	stream.linear.scatter [tilespmem:s15], [sflag:$0x2], $0x80, $0x38;
	[tilespmem:$0x1CF00] =	vst v63  }
0x114: {  	s0 =	sld [smem:$0x7E4];
	_ =	sdelay $0x2  }
0x115: {  	s26 =	rddreg [dreg:$0x5];
	p5 =	seq.s32 s0, $0x1  }
0x116: {  	s0 =	simm.s32 @!p5 $0x80;
	s1 =	simm.s32 @!p5 $0x400;
	s3 =	simm.s32 @!p5 $0x18700  }
0x117: {  	[tilespmem:s3], [sflag:$0x3] =	stream.strided.gather @!p5 [hbm4b:s26+s0], $0x4000, s1, s0, $0x38;
	[tilespmem:$0x1CF00] =	vst v63  }
0x118: {  	s0 =	simm.s32 @!p5 $0x3  }
0x119: {  	s30 =	simm.s32 $0x400;
	_ =	swait.ge @!p5 [sflag:s0], $0x4000  }
0x11a: {  	s31 =	simm.s32 $0x3;
	s26 =	simm.s32 $0x0;
	[sflag:s0] =	ssyncset.done @!p5 $0x0  }
0x11b: {  	s3 =	simm.s32 $0x80;
	s1 =	rddreg [dreg:$0x1b];
	[sflag:s0] =	ssyncadd.s32 @!p5 $0xFFFFC000  }
0x11c: {  	[tilespmem:s26], [sflag:$0x3] =	stream.strided.gather [hbm4b:s1+s3], $0x18700, s30, s3, $0x38;
	[tilespmem:$0x1CF00] =	vst v63  }
0x11d: {  	_ =	swait.ge [sflag:s31], $0x18700  }
0x11e: {  	[sflag:s31] =	ssyncset.done $0x0  }
0x11f: {  	s28 =	simm.s32 $0x18740;
	s29 =	simm.s32 $0x18B70;
	[sflag:s31] =	ssyncadd.s32 $0xFFFE7900  }
.LBB2_8:
0x120: {  	s1 =	rddreg [dreg:$0x8];
	_ =	swait.ge [sflag:s23], $0x400  }
0x121: {  	[sflag:s23] =	ssyncset.done $0x0  }
0x122: {  	[sflag:s23] =	ssyncadd.s32 $0xFFFFFC00  }
0x123: {  	v0 =	vld [tilespmem:s28+$0x30]  }
0x124: {  	v1 =	vld [tilespmem:s28+$0xFFFFFFD0]  }
0x125: {  	v2 =	vld [tilespmem:s28+$0xFFFFFFE0]  }
0x126: {  	v3 =	vld [tilespmem:s28+$0xFFFFFFF0]  }
0x127: {  	v4 =	vld [tilespmem:s28+$0x0]  }
0x128: {  	v6 =	vld [tilespmem:s28+$0x10]  }
0x129: {  	v7 =	vld [tilespmem:s28+$0x20]  }
0x12a: {  	v8 =	vld [tilespmem:s28+$0xFFFFFFC0]  }
0x12b: {  	v9 =	vld.idx.msk [tilespmem:v0+s17+$0x0], $0xffff  }
0x12c: {  	v10 =	vld.idx.msk [tilespmem:v1+s17+$0x0], $0xffff  }
0x12d: {  	s0 =	sshll.u32 s26, $0xE;
	v5 =	vld.idx.msk [tilespmem:v2+s17+$0x0], $0xffff  }
0x12e: {  	s0 =	sadd.s32 s1, s0;
	v3 =	vld.idx.msk [tilespmem:v3+s17+$0x0], $0xffff  }
0x12f: {  	s0 =	sshrl.u32 s0, $0x3;
	v2 =	vld.idx.msk [tilespmem:v4+s17+$0x0], $0xffff  }
0x130: {  	s31 =	sadd.s32 s19, s0;
	s0 =	simm.s32 $0x1C740;
	v0 =	vld.idx.msk [tilespmem:v6+s17+$0x0], $0xffff  }
0x131: {  	v1 =	vld.idx.msk [tilespmem:v7+s17+$0x0], $0xffff;
	[tilespmem:s0+$0x30] =	vst v9  }
0x132: {  	s30 =	sshll.u32 s26, $0xB;
	s3 =	sadd.s32 $0x80, s28;
	s1 =	simm.s32 $0x0;
	v4 =	vld.idx.msk [tilespmem:v8+s17+$0x0], $0xffff;
	[tilespmem:s0+$0xFFFFFFD0] =	vst v10  }
.LBB2_9:
0x133: {  	v6 =	vld [tilespmem:s3+$0x30];
	s1 =	sadd.s32 $0x80, s1;
	[tilespmem:s0+$0xFFFFFFE0] =	vst v5  }
0x134: {  	v5 =	vld [tilespmem:s3+$0xFFFFFFD0];
	p5 =	slt.u32 s1, $0x380;
	[tilespmem:s0+$0xFFFFFFF0] =	vst v3  }
0x135: {  	v3 =	vld [tilespmem:s3+$0xFFFFFFE0];
	[tilespmem:s0+$0x0] =	vst v2  }
0x136: {  	v2 =	vld [tilespmem:s3+$0xFFFFFFF0];
	[tilespmem:s0+$0x10] =	vst v0  }
0x137: {  	v0 =	vld [tilespmem:s3+$0x0];
	[tilespmem:s0+$0x20] =	vst v1  }
0x138: {  	v1 =	vld [tilespmem:s3+$0x10];
	[tilespmem:s0+$0xFFFFFFC0] =	vst v4  }
0x139: {  	v4 =	vld [tilespmem:s3+$0x20]  }
0x13a: {  	v7 =	vld [tilespmem:s3+$0xFFFFFFC0]  }
0x13b: {  	v6 =	vld.idx.msk [tilespmem:v6+s17+$0x0], $0xffff  }
0x13c: {  	v8 =	vld.idx.msk [tilespmem:v5+s17+$0x0], $0xffff  }
0x13d: {  	v5 =	vld.idx.msk [tilespmem:v3+s17+$0x0], $0xffff  }
.Ltmp3:
0x13e: {  	v3 =	vld.idx.msk [tilespmem:v2+s17+$0x0], $0xffff;
	(pc) =	sbr.rel @p5 .LBB2_9-.Ltmp3, $4  }
0x13f: {  	v2 =	vld.idx.msk [tilespmem:v0+s17+$0x0], $0xffff  }
0x140: {  	s0 =	sadd.s32 $0x100, s0;
	v0 =	vld.idx.msk [tilespmem:v1+s17+$0x0], $0xffff  }
0x141: {  	v1 =	vld.idx.msk [tilespmem:v4+s17+$0x0], $0xffff;
	[tilespmem:s0+$0x30] =	vst v6  }
0x142: {  	s3 =	sadd.s32 $0x80, s3;
	v4 =	vld.idx.msk [tilespmem:v7+s17+$0x0], $0xffff;
	[tilespmem:s0+$0xFFFFFFD0] =	vst v8  }
0x143: {  	[tilespmem:s0+$0xFFFFFFE0] =	vst v5  }
0x144: {  	[tilespmem:s0+$0xFFFFFFF0] =	vst v3  }
0x145: {  	[tilespmem:s0+$0x0] =	vst v2  }
0x146: {  	[tilespmem:s0+$0x10] =	vst v0  }
0x147: {  	[tilespmem:s0+$0x20] =	vst v1  }
0x148: {  	[tilespmem:s0+$0xFFFFFFC0] =	vst v4  }
0x149: {  	[hbm4b:s31+s17] =	stream.linear.scatter [tilespmem:s21], [sflag:$0x1], $0x80, $0x38;
	[tilespmem:$0x1CF00] =	vst v63  }
0x14a: {  	s3 =	sadd.s32 $0x80, s31  }
0x14b: {  	[hbm4b:s3+s17] =	stream.linear.scatter [tilespmem:s9], [sflag:$0x1], $0x80, $0x38;
	[tilespmem:$0x1CF00] =	vst v63  }
0x14c: {  	s1 =	sadd.s32 $0x100, s31  }
0x14d: {  	[hbm4b:s1+s17] =	stream.linear.scatter [tilespmem:s11], [sflag:$0x1], $0x80, $0x38;
	[tilespmem:$0x1CF00] =	vst v63  }
0x14e: {  	s3 =	sadd.s32 $0x180, s31  }
0x14f: {  	[hbm4b:s3+s17] =	stream.linear.scatter [tilespmem:s13], [sflag:$0x1], $0x80, $0x38;
	[tilespmem:$0x1CF00] =	vst v63  }
0x150: {  	s1 =	sadd.s32 $0x200, s31  }
0x151: {  	[hbm4b:s1+s17] =	stream.linear.scatter [tilespmem:s4], [sflag:$0x1], $0x80, $0x38;
	[tilespmem:$0x1CF00] =	vst v63  }
0x152: {  	s3 =	sadd.s32 $0x280, s31  }
0x153: {  	[hbm4b:s3+s17] =	stream.linear.scatter [tilespmem:s6], [sflag:$0x1], $0x80, $0x38;
	[tilespmem:$0x1CF00] =	vst v63  }
0x154: {  	s1 =	sadd.s32 $0x300, s31  }
0x155: {  	[hbm4b:s1+s17] =	stream.linear.scatter [tilespmem:s8], [sflag:$0x1], $0x80, $0x38;
	[tilespmem:$0x1CF00] =	vst v63  }
0x156: {  	s3 =	sadd.s32 $0x380, s31  }
0x157: {  	[hbm4b:s3+s17] =	stream.linear.scatter [tilespmem:s10], [sflag:$0x1], $0x80, $0x38;
	[tilespmem:$0x1CF00] =	vst v63  }
0x158: {  	_ =	swait.ge [sflag:s25], $0x400  }
0x159: {  	[sflag:s25] =	ssyncset.done $0x0  }
0x15a: {  	[sflag:s25] =	ssyncadd.s32 $0xFFFFFC00  }
0x15b: {  	v0 =	vld [tilespmem:s29+$0x0]  }
0x15c: {  	v1 =	vld [tilespmem:s29+$0xFFFFFFA0]  }
0x15d: {  	v2 =	vld [tilespmem:s29+$0xFFFFFFB0]  }
0x15e: {  	v3 =	vld [tilespmem:s29+$0xFFFFFFC0]  }
0x15f: {  	v4 =	vld [tilespmem:s29+$0xFFFFFFD0]  }
0x160: {  	v6 =	vld [tilespmem:s29+$0xFFFFFFE0]  }
0x161: {  	v7 =	vld [tilespmem:s29+$0xFFFFFFF0]  }
0x162: {  	v8 =	vld [tilespmem:s29+$0xFFFFFF90]  }
0x163: {  	v9 =	vld.idx.msk [tilespmem:v0+s17+$0x0], $0xffff  }
0x164: {  	s31 =	sld [smem:$0x7F1];
	v10 =	vld.idx.msk [tilespmem:v1+s17+$0x0], $0xffff  }
0x165: {  	v5 =	vld.idx.msk [tilespmem:v2+s17+$0x0], $0xffff  }
0x166: {  	v3 =	vld.idx.msk [tilespmem:v3+s17+$0x0], $0xffff  }
0x167: {  	s0 =	sadd.s32 s30, s31;
	v2 =	vld.idx.msk [tilespmem:v4+s17+$0x0], $0xffff  }
0x168: {  	s30 =	sadd.s32 $0x400, s0;
	s0 =	simm.s32 $0x1C7F0;
	v0 =	vld.idx.msk [tilespmem:v6+s17+$0x0], $0xffff  }
0x169: {  	v1 =	vld.idx.msk [tilespmem:v7+s17+$0x0], $0xffff;
	[tilespmem:s0+$0x0] =	vst v9  }
0x16a: {  	s1 =	simm.s32 $0x0;
	s3 =	sadd.s32 $0x80, s29;
	v4 =	vld.idx.msk [tilespmem:v8+s17+$0x0], $0xffff;
	[tilespmem:s0+$0xFFFFFFA0] =	vst v10  }
.LBB2_11:
0x16b: {  	v6 =	vld [tilespmem:s3+$0x0];
	s1 =	sadd.s32 $0x80, s1;
	[tilespmem:s0+$0xFFFFFFB0] =	vst v5  }
0x16c: {  	v5 =	vld [tilespmem:s3+$0xFFFFFFA0];
	p5 =	slt.u32 s1, $0x380;
	[tilespmem:s0+$0xFFFFFFC0] =	vst v3  }
0x16d: {  	v3 =	vld [tilespmem:s3+$0xFFFFFFB0];
	[tilespmem:s0+$0xFFFFFFD0] =	vst v2  }
0x16e: {  	v2 =	vld [tilespmem:s3+$0xFFFFFFC0];
	[tilespmem:s0+$0xFFFFFFE0] =	vst v0  }
0x16f: {  	v0 =	vld [tilespmem:s3+$0xFFFFFFD0];
	[tilespmem:s0+$0xFFFFFFF0] =	vst v1  }
0x170: {  	v1 =	vld [tilespmem:s3+$0xFFFFFFE0];
	[tilespmem:s0+$0xFFFFFF90] =	vst v4  }
0x171: {  	v4 =	vld [tilespmem:s3+$0xFFFFFFF0]  }
0x172: {  	v7 =	vld [tilespmem:s3+$0xFFFFFF90]  }
0x173: {  	v6 =	vld.idx.msk [tilespmem:v6+s17+$0x0], $0xffff  }
0x174: {  	v8 =	vld.idx.msk [tilespmem:v5+s17+$0x0], $0xffff  }
0x175: {  	v5 =	vld.idx.msk [tilespmem:v3+s17+$0x0], $0xffff  }
.Ltmp4:
0x176: {  	v3 =	vld.idx.msk [tilespmem:v2+s17+$0x0], $0xffff;
	(pc) =	sbr.rel @p5 .LBB2_11-.Ltmp4, $4  }
0x177: {  	v2 =	vld.idx.msk [tilespmem:v0+s17+$0x0], $0xffff  }
0x178: {  	s0 =	sadd.s32 $0x100, s0;
	v0 =	vld.idx.msk [tilespmem:v1+s17+$0x0], $0xffff  }
0x179: {  	v1 =	vld.idx.msk [tilespmem:v4+s17+$0x0], $0xffff;
	[tilespmem:s0+$0x0] =	vst v6  }
0x17a: {  	s3 =	sadd.s32 $0x80, s3;
	v4 =	vld.idx.msk [tilespmem:v7+s17+$0x0], $0xffff;
	[tilespmem:s0+$0xFFFFFFA0] =	vst v8  }
0x17b: {  	[tilespmem:s0+$0xFFFFFFB0] =	vst v5  }
0x17c: {  	[tilespmem:s0+$0xFFFFFFC0] =	vst v3  }
0x17d: {  	[tilespmem:s0+$0xFFFFFFD0] =	vst v2  }
0x17e: {  	[tilespmem:s0+$0xFFFFFFE0] =	vst v0  }
0x17f: {  	[tilespmem:s0+$0xFFFFFFF0] =	vst v1  }
0x180: {  	[tilespmem:s0+$0xFFFFFF90] =	vst v4  }
0x181: {  	[hbm4b:s30+s17] =	stream.linear.scatter [tilespmem:s12], [sflag:$0x2], $0x80, $0x38;
	[tilespmem:$0x1CF00] =	vst v63  }
0x182: {  	s31 =	sadd.s32 $0x80, s30  }
0x183: {  	[hbm4b:s31+s17] =	stream.linear.scatter [tilespmem:s14], [sflag:$0x2], $0x80, $0x38;
	[tilespmem:$0x1CF00] =	vst v63  }
0x184: {  	s1 =	sadd.s32 $0x100, s30  }
0x185: {  	[hbm4b:s1+s17] =	stream.linear.scatter [tilespmem:s16], [sflag:$0x2], $0x80, $0x38;
	[tilespmem:$0x1CF00] =	vst v63  }
0x186: {  	s3 =	sadd.s32 $0x180, s30  }
0x187: {  	[hbm4b:s3+s17] =	stream.linear.scatter [tilespmem:s18], [sflag:$0x2], $0x80, $0x38;
	[tilespmem:$0x1CF00] =	vst v63  }
0x188: {  	s26 =	sadd.s32 $0x1, s26;
	s31 =	sadd.s32 $0x200, s30  }
0x189: {  	[hbm4b:s31+s17] =	stream.linear.scatter [tilespmem:s20], [sflag:$0x2], $0x80, $0x38;
	[tilespmem:$0x1CF00] =	vst v63  }
0x18a: {  	p5 =	seq.s32 s26, $0x8;
	s1 =	sadd.s32 $0x280, s30  }
0x18b: {  	[hbm4b:s1+s17] =	stream.linear.scatter [tilespmem:s22], [sflag:$0x2], $0x80, $0x38;
	[tilespmem:$0x1CF00] =	vst v63  }
.Ltmp5:
0x18c: {  	_ = 	snop;
	(pc) =	sbr.rel @!p5 .LBB2_8-.Ltmp5, $4  }
0x18d: {  	s3 =	sadd.s32 $0x300, s30  }
0x18e: {  	[hbm4b:s3+s17] =	stream.linear.scatter [tilespmem:s24], [sflag:$0x2], $0x80, $0x38;
	[tilespmem:$0x1CF00] =	vst v63  }
0x18f: {  	s28 =	sadd.s32 $0x800, s28;
	s29 =	sadd.s32 $0x800, s29;
	s31 =	sadd.s32 $0x380, s30  }
0x190: {  	[hbm4b:s31+s17] =	stream.linear.scatter [tilespmem:s15], [sflag:$0x2], $0x80, $0x38;
	[tilespmem:$0x1CF00] =	vst v63  }
0x191: {  	s0 =	sld [smem:$0x7E6];
	_ =	sdelay $0x2  }
0x192: {  	s26 =	rddreg [dreg:$0x6];
	p5 =	seq.s32 s0, $0x1  }
0x193: {  	s0 =	simm.s32 @!p5 $0x80;
	s1 =	simm.s32 @!p5 $0x400;
	s3 =	simm.s32 @!p5 $0x18700  }
0x194: {  	[tilespmem:s3], [sflag:$0x3] =	stream.strided.gather @!p5 [hbm4b:s26+s0], $0x4000, s1, s0, $0x38;
	[tilespmem:$0x1CF00] =	vst v63  }
0x195: {  	s0 =	simm.s32 @!p5 $0x3  }
0x196: {  	s30 =	simm.s32 $0x400;
	_ =	swait.ge @!p5 [sflag:s0], $0x4000  }
0x197: {  	s31 =	simm.s32 $0x3;
	s26 =	simm.s32 $0x0;
	[sflag:s0] =	ssyncset.done @!p5 $0x0  }
0x198: {  	s3 =	simm.s32 $0x80;
	s1 =	rddreg [dreg:$0x1c];
	[sflag:s0] =	ssyncadd.s32 @!p5 $0xFFFFC000  }
0x199: {  	[tilespmem:s26], [sflag:$0x3] =	stream.strided.gather [hbm4b:s1+s3], $0x18700, s30, s3, $0x38;
	[tilespmem:$0x1CF00] =	vst v63  }
0x19a: {  	_ =	swait.ge [sflag:s31], $0x18700  }
0x19b: {  	[sflag:s31] =	ssyncset.done $0x0  }
0x19c: {  	s28 =	simm.s32 $0x18740;
	s29 =	simm.s32 $0x18B70;
	[sflag:s31] =	ssyncadd.s32 $0xFFFE7900  }
.LBB2_14:
0x19d: {  	s1 =	rddreg [dreg:$0xa];
	_ =	swait.ge [sflag:s23], $0x400  }
0x19e: {  	[sflag:s23] =	ssyncset.done $0x0  }
0x19f: {  	[sflag:s23] =	ssyncadd.s32 $0xFFFFFC00  }
0x1a0: {  	v0 =	vld [tilespmem:s28+$0x30]  }
0x1a1: {  	v1 =	vld [tilespmem:s28+$0xFFFFFFD0]  }
0x1a2: {  	v2 =	vld [tilespmem:s28+$0xFFFFFFE0]  }
0x1a3: {  	v3 =	vld [tilespmem:s28+$0xFFFFFFF0]  }
0x1a4: {  	v4 =	vld [tilespmem:s28+$0x0]  }
0x1a5: {  	v6 =	vld [tilespmem:s28+$0x10]  }
0x1a6: {  	v7 =	vld [tilespmem:s28+$0x20]  }
0x1a7: {  	v8 =	vld [tilespmem:s28+$0xFFFFFFC0]  }
0x1a8: {  	v9 =	vld.idx.msk [tilespmem:v0+s17+$0x0], $0xffff  }
0x1a9: {  	v10 =	vld.idx.msk [tilespmem:v1+s17+$0x0], $0xffff  }
0x1aa: {  	s0 =	sshll.u32 s26, $0xE;
	v5 =	vld.idx.msk [tilespmem:v2+s17+$0x0], $0xffff  }
0x1ab: {  	s0 =	sadd.s32 s1, s0;
	v3 =	vld.idx.msk [tilespmem:v3+s17+$0x0], $0xffff  }
0x1ac: {  	s0 =	sshrl.u32 s0, $0x3;
	v2 =	vld.idx.msk [tilespmem:v4+s17+$0x0], $0xffff  }
0x1ad: {  	s31 =	sadd.s32 s19, s0;
	s0 =	simm.s32 $0x1C740;
	v0 =	vld.idx.msk [tilespmem:v6+s17+$0x0], $0xffff  }
0x1ae: {  	v1 =	vld.idx.msk [tilespmem:v7+s17+$0x0], $0xffff;
	[tilespmem:s0+$0x30] =	vst v9  }
0x1af: {  	s30 =	sshll.u32 s26, $0xB;
	s3 =	sadd.s32 $0x80, s28;
	s1 =	simm.s32 $0x0;
	v4 =	vld.idx.msk [tilespmem:v8+s17+$0x0], $0xffff;
	[tilespmem:s0+$0xFFFFFFD0] =	vst v10  }
.LBB2_15:
0x1b0: {  	v6 =	vld [tilespmem:s3+$0x30];
	s1 =	sadd.s32 $0x80, s1;
	[tilespmem:s0+$0xFFFFFFE0] =	vst v5  }
0x1b1: {  	v5 =	vld [tilespmem:s3+$0xFFFFFFD0];
	p5 =	slt.u32 s1, $0x380;
	[tilespmem:s0+$0xFFFFFFF0] =	vst v3  }
0x1b2: {  	v3 =	vld [tilespmem:s3+$0xFFFFFFE0];
	[tilespmem:s0+$0x0] =	vst v2  }
0x1b3: {  	v2 =	vld [tilespmem:s3+$0xFFFFFFF0];
	[tilespmem:s0+$0x10] =	vst v0  }
0x1b4: {  	v0 =	vld [tilespmem:s3+$0x0];
	[tilespmem:s0+$0x20] =	vst v1  }
0x1b5: {  	v1 =	vld [tilespmem:s3+$0x10];
	[tilespmem:s0+$0xFFFFFFC0] =	vst v4  }
0x1b6: {  	v4 =	vld [tilespmem:s3+$0x20]  }
0x1b7: {  	v7 =	vld [tilespmem:s3+$0xFFFFFFC0]  }
0x1b8: {  	v6 =	vld.idx.msk [tilespmem:v6+s17+$0x0], $0xffff  }
0x1b9: {  	v8 =	vld.idx.msk [tilespmem:v5+s17+$0x0], $0xffff  }
0x1ba: {  	v5 =	vld.idx.msk [tilespmem:v3+s17+$0x0], $0xffff  }
.Ltmp6:
0x1bb: {  	v3 =	vld.idx.msk [tilespmem:v2+s17+$0x0], $0xffff;
	(pc) =	sbr.rel @p5 .LBB2_15-.Ltmp6, $4  }
0x1bc: {  	v2 =	vld.idx.msk [tilespmem:v0+s17+$0x0], $0xffff  }
0x1bd: {  	s0 =	sadd.s32 $0x100, s0;
	v0 =	vld.idx.msk [tilespmem:v1+s17+$0x0], $0xffff  }
0x1be: {  	v1 =	vld.idx.msk [tilespmem:v4+s17+$0x0], $0xffff;
	[tilespmem:s0+$0x30] =	vst v6  }
0x1bf: {  	s3 =	sadd.s32 $0x80, s3;
	v4 =	vld.idx.msk [tilespmem:v7+s17+$0x0], $0xffff;
	[tilespmem:s0+$0xFFFFFFD0] =	vst v8  }
0x1c0: {  	[tilespmem:s0+$0xFFFFFFE0] =	vst v5  }
0x1c1: {  	[tilespmem:s0+$0xFFFFFFF0] =	vst v3  }
0x1c2: {  	[tilespmem:s0+$0x0] =	vst v2  }
0x1c3: {  	[tilespmem:s0+$0x10] =	vst v0  }
0x1c4: {  	[tilespmem:s0+$0x20] =	vst v1  }
0x1c5: {  	[tilespmem:s0+$0xFFFFFFC0] =	vst v4  }
0x1c6: {  	[hbm4b:s31+s17] =	stream.linear.scatter [tilespmem:s21], [sflag:$0x1], $0x80, $0x38;
	[tilespmem:$0x1CF00] =	vst v63  }
0x1c7: {  	s3 =	sadd.s32 $0x80, s31  }
0x1c8: {  	[hbm4b:s3+s17] =	stream.linear.scatter [tilespmem:s9], [sflag:$0x1], $0x80, $0x38;
	[tilespmem:$0x1CF00] =	vst v63  }
0x1c9: {  	s1 =	sadd.s32 $0x100, s31  }
0x1ca: {  	[hbm4b:s1+s17] =	stream.linear.scatter [tilespmem:s11], [sflag:$0x1], $0x80, $0x38;
	[tilespmem:$0x1CF00] =	vst v63  }
0x1cb: {  	s3 =	sadd.s32 $0x180, s31  }
0x1cc: {  	[hbm4b:s3+s17] =	stream.linear.scatter [tilespmem:s13], [sflag:$0x1], $0x80, $0x38;
	[tilespmem:$0x1CF00] =	vst v63  }
0x1cd: {  	s1 =	sadd.s32 $0x200, s31  }
0x1ce: {  	[hbm4b:s1+s17] =	stream.linear.scatter [tilespmem:s4], [sflag:$0x1], $0x80, $0x38;
	[tilespmem:$0x1CF00] =	vst v63  }
0x1cf: {  	s3 =	sadd.s32 $0x280, s31  }
0x1d0: {  	[hbm4b:s3+s17] =	stream.linear.scatter [tilespmem:s6], [sflag:$0x1], $0x80, $0x38;
	[tilespmem:$0x1CF00] =	vst v63  }
0x1d1: {  	s1 =	sadd.s32 $0x300, s31  }
0x1d2: {  	[hbm4b:s1+s17] =	stream.linear.scatter [tilespmem:s8], [sflag:$0x1], $0x80, $0x38;
	[tilespmem:$0x1CF00] =	vst v63  }
0x1d3: {  	s3 =	sadd.s32 $0x380, s31  }
0x1d4: {  	[hbm4b:s3+s17] =	stream.linear.scatter [tilespmem:s10], [sflag:$0x1], $0x80, $0x38;
	[tilespmem:$0x1CF00] =	vst v63  }
0x1d5: {  	_ =	swait.ge [sflag:s25], $0x400  }
0x1d6: {  	[sflag:s25] =	ssyncset.done $0x0  }
0x1d7: {  	[sflag:s25] =	ssyncadd.s32 $0xFFFFFC00  }
0x1d8: {  	v0 =	vld [tilespmem:s29+$0x0]  }
0x1d9: {  	v1 =	vld [tilespmem:s29+$0xFFFFFFA0]  }
0x1da: {  	v2 =	vld [tilespmem:s29+$0xFFFFFFB0]  }
0x1db: {  	v3 =	vld [tilespmem:s29+$0xFFFFFFC0]  }
0x1dc: {  	v4 =	vld [tilespmem:s29+$0xFFFFFFD0]  }
0x1dd: {  	v6 =	vld [tilespmem:s29+$0xFFFFFFE0]  }
0x1de: {  	v7 =	vld [tilespmem:s29+$0xFFFFFFF0]  }
0x1df: {  	v8 =	vld [tilespmem:s29+$0xFFFFFF90]  }
0x1e0: {  	v9 =	vld.idx.msk [tilespmem:v0+s17+$0x0], $0xffff  }
0x1e1: {  	s31 =	sld [smem:$0x7F2];
	v10 =	vld.idx.msk [tilespmem:v1+s17+$0x0], $0xffff  }
0x1e2: {  	v5 =	vld.idx.msk [tilespmem:v2+s17+$0x0], $0xffff  }
0x1e3: {  	v3 =	vld.idx.msk [tilespmem:v3+s17+$0x0], $0xffff  }
0x1e4: {  	s0 =	sadd.s32 s30, s31;
	v2 =	vld.idx.msk [tilespmem:v4+s17+$0x0], $0xffff  }
0x1e5: {  	s30 =	sadd.s32 $0x400, s0;
	s0 =	simm.s32 $0x1C7F0;
	v0 =	vld.idx.msk [tilespmem:v6+s17+$0x0], $0xffff  }
0x1e6: {  	v1 =	vld.idx.msk [tilespmem:v7+s17+$0x0], $0xffff;
	[tilespmem:s0+$0x0] =	vst v9  }
0x1e7: {  	s1 =	simm.s32 $0x0;
	s3 =	sadd.s32 $0x80, s29;
	v4 =	vld.idx.msk [tilespmem:v8+s17+$0x0], $0xffff;
	[tilespmem:s0+$0xFFFFFFA0] =	vst v10  }
.LBB2_17:
0x1e8: {  	v6 =	vld [tilespmem:s3+$0x0];
	s1 =	sadd.s32 $0x80, s1;
	[tilespmem:s0+$0xFFFFFFB0] =	vst v5  }
0x1e9: {  	v5 =	vld [tilespmem:s3+$0xFFFFFFA0];
	p5 =	slt.u32 s1, $0x380;
	[tilespmem:s0+$0xFFFFFFC0] =	vst v3  }
0x1ea: {  	v3 =	vld [tilespmem:s3+$0xFFFFFFB0];
	[tilespmem:s0+$0xFFFFFFD0] =	vst v2  }
0x1eb: {  	v2 =	vld [tilespmem:s3+$0xFFFFFFC0];
	[tilespmem:s0+$0xFFFFFFE0] =	vst v0  }
0x1ec: {  	v0 =	vld [tilespmem:s3+$0xFFFFFFD0];
	[tilespmem:s0+$0xFFFFFFF0] =	vst v1  }
0x1ed: {  	v1 =	vld [tilespmem:s3+$0xFFFFFFE0];
	[tilespmem:s0+$0xFFFFFF90] =	vst v4  }
0x1ee: {  	v4 =	vld [tilespmem:s3+$0xFFFFFFF0]  }
0x1ef: {  	v7 =	vld [tilespmem:s3+$0xFFFFFF90]  }
0x1f0: {  	v6 =	vld.idx.msk [tilespmem:v6+s17+$0x0], $0xffff  }
0x1f1: {  	v8 =	vld.idx.msk [tilespmem:v5+s17+$0x0], $0xffff  }
0x1f2: {  	v5 =	vld.idx.msk [tilespmem:v3+s17+$0x0], $0xffff  }
.Ltmp7:
0x1f3: {  	v3 =	vld.idx.msk [tilespmem:v2+s17+$0x0], $0xffff;
	(pc) =	sbr.rel @p5 .LBB2_17-.Ltmp7, $4  }
0x1f4: {  	v2 =	vld.idx.msk [tilespmem:v0+s17+$0x0], $0xffff  }
0x1f5: {  	s0 =	sadd.s32 $0x100, s0;
	v0 =	vld.idx.msk [tilespmem:v1+s17+$0x0], $0xffff  }
0x1f6: {  	v1 =	vld.idx.msk [tilespmem:v4+s17+$0x0], $0xffff;
	[tilespmem:s0+$0x0] =	vst v6  }
0x1f7: {  	s3 =	sadd.s32 $0x80, s3;
	v4 =	vld.idx.msk [tilespmem:v7+s17+$0x0], $0xffff;
	[tilespmem:s0+$0xFFFFFFA0] =	vst v8  }
0x1f8: {  	[tilespmem:s0+$0xFFFFFFB0] =	vst v5  }
0x1f9: {  	[tilespmem:s0+$0xFFFFFFC0] =	vst v3  }
0x1fa: {  	[tilespmem:s0+$0xFFFFFFD0] =	vst v2  }
0x1fb: {  	[tilespmem:s0+$0xFFFFFFE0] =	vst v0  }
0x1fc: {  	[tilespmem:s0+$0xFFFFFFF0] =	vst v1  }
0x1fd: {  	[tilespmem:s0+$0xFFFFFF90] =	vst v4  }
0x1fe: {  	[hbm4b:s30+s17] =	stream.linear.scatter [tilespmem:s12], [sflag:$0x2], $0x80, $0x38;
	[tilespmem:$0x1CF00] =	vst v63  }
0x1ff: {  	s31 =	sadd.s32 $0x80, s30  }
0x200: {  	[hbm4b:s31+s17] =	stream.linear.scatter [tilespmem:s14], [sflag:$0x2], $0x80, $0x38;
	[tilespmem:$0x1CF00] =	vst v63  }
0x201: {  	s1 =	sadd.s32 $0x100, s30  }
0x202: {  	[hbm4b:s1+s17] =	stream.linear.scatter [tilespmem:s16], [sflag:$0x2], $0x80, $0x38;
	[tilespmem:$0x1CF00] =	vst v63  }
0x203: {  	s3 =	sadd.s32 $0x180, s30  }
0x204: {  	[hbm4b:s3+s17] =	stream.linear.scatter [tilespmem:s18], [sflag:$0x2], $0x80, $0x38;
	[tilespmem:$0x1CF00] =	vst v63  }
0x205: {  	s26 =	sadd.s32 $0x1, s26;
	s31 =	sadd.s32 $0x200, s30  }
0x206: {  	[hbm4b:s31+s17] =	stream.linear.scatter [tilespmem:s20], [sflag:$0x2], $0x80, $0x38;
	[tilespmem:$0x1CF00] =	vst v63  }
0x207: {  	p5 =	seq.s32 s26, $0x8;
	s1 =	sadd.s32 $0x280, s30  }
0x208: {  	[hbm4b:s1+s17] =	stream.linear.scatter [tilespmem:s22], [sflag:$0x2], $0x80, $0x38;
	[tilespmem:$0x1CF00] =	vst v63  }
.Ltmp8:
0x209: {  	_ = 	snop;
	(pc) =	sbr.rel @!p5 .LBB2_14-.Ltmp8, $4  }
0x20a: {  	s3 =	sadd.s32 $0x300, s30  }
0x20b: {  	[hbm4b:s3+s17] =	stream.linear.scatter [tilespmem:s24], [sflag:$0x2], $0x80, $0x38;
	[tilespmem:$0x1CF00] =	vst v63  }
0x20c: {  	s28 =	sadd.s32 $0x800, s28;
	s29 =	sadd.s32 $0x800, s29;
	s31 =	sadd.s32 $0x380, s30  }
0x20d: {  	[hbm4b:s31+s17] =	stream.linear.scatter [tilespmem:s15], [sflag:$0x2], $0x80, $0x38;
	[tilespmem:$0x1CF00] =	vst v63  }
0x20e: {  	s0 =	sld [smem:$0x7E8];
	_ =	sdelay $0x2  }
0x20f: {  	s26 =	rddreg [dreg:$0x7];
	p5 =	seq.s32 s0, $0x1  }
0x210: {  	s0 =	simm.s32 @!p5 $0x80;
	s1 =	simm.s32 @!p5 $0x400;
	s3 =	simm.s32 @!p5 $0x18700  }
0x211: {  	[tilespmem:s3], [sflag:$0x3] =	stream.strided.gather @!p5 [hbm4b:s26+s0], $0x4000, s1, s0, $0x38;
	[tilespmem:$0x1CF00] =	vst v63  }
0x212: {  	s0 =	simm.s32 @!p5 $0x3  }
0x213: {  	s30 =	simm.s32 $0x400;
	_ =	swait.ge @!p5 [sflag:s0], $0x4000  }
0x214: {  	s31 =	simm.s32 $0x3;
	s26 =	simm.s32 $0x0;
	[sflag:s0] =	ssyncset.done @!p5 $0x0  }
0x215: {  	s3 =	simm.s32 $0x80;
	s1 =	rddreg [dreg:$0x1d];
	[sflag:s0] =	ssyncadd.s32 @!p5 $0xFFFFC000  }
0x216: {  	[tilespmem:s26], [sflag:$0x3] =	stream.strided.gather [hbm4b:s1+s3], $0x18700, s30, s3, $0x38;
	[tilespmem:$0x1CF00] =	vst v63  }
0x217: {  	_ =	swait.ge [sflag:s31], $0x18700  }
0x218: {  	[sflag:s31] =	ssyncset.done $0x0  }
0x219: {  	s28 =	simm.s32 $0x18740;
	s29 =	simm.s32 $0x18B70;
	[sflag:s31] =	ssyncadd.s32 $0xFFFE7900  }
.LBB2_20:
0x21a: {  	s1 =	rddreg [dreg:$0xc];
	_ =	swait.ge [sflag:s23], $0x400  }
0x21b: {  	[sflag:s23] =	ssyncset.done $0x0  }
0x21c: {  	[sflag:s23] =	ssyncadd.s32 $0xFFFFFC00  }
0x21d: {  	v0 =	vld [tilespmem:s28+$0x30]  }
0x21e: {  	v1 =	vld [tilespmem:s28+$0xFFFFFFD0]  }
0x21f: {  	v2 =	vld [tilespmem:s28+$0xFFFFFFE0]  }
0x220: {  	v3 =	vld [tilespmem:s28+$0xFFFFFFF0]  }
0x221: {  	v4 =	vld [tilespmem:s28+$0x0]  }
0x222: {  	v6 =	vld [tilespmem:s28+$0x10]  }
0x223: {  	v7 =	vld [tilespmem:s28+$0x20]  }
0x224: {  	v8 =	vld [tilespmem:s28+$0xFFFFFFC0]  }
0x225: {  	v9 =	vld.idx.msk [tilespmem:v0+s17+$0x0], $0xffff  }
0x226: {  	v10 =	vld.idx.msk [tilespmem:v1+s17+$0x0], $0xffff  }
0x227: {  	s0 =	sshll.u32 s26, $0xE;
	v5 =	vld.idx.msk [tilespmem:v2+s17+$0x0], $0xffff  }
0x228: {  	s0 =	sadd.s32 s1, s0;
	v3 =	vld.idx.msk [tilespmem:v3+s17+$0x0], $0xffff  }
0x229: {  	s0 =	sshrl.u32 s0, $0x3;
	v2 =	vld.idx.msk [tilespmem:v4+s17+$0x0], $0xffff  }
0x22a: {  	s31 =	sadd.s32 s19, s0;
	s0 =	simm.s32 $0x1C740;
	v0 =	vld.idx.msk [tilespmem:v6+s17+$0x0], $0xffff  }
0x22b: {  	v1 =	vld.idx.msk [tilespmem:v7+s17+$0x0], $0xffff;
	[tilespmem:s0+$0x30] =	vst v9  }
0x22c: {  	s30 =	sshll.u32 s26, $0xB;
	s3 =	sadd.s32 $0x80, s28;
	s1 =	simm.s32 $0x0;
	v4 =	vld.idx.msk [tilespmem:v8+s17+$0x0], $0xffff;
	[tilespmem:s0+$0xFFFFFFD0] =	vst v10  }
.LBB2_21:
0x22d: {  	v6 =	vld [tilespmem:s3+$0x30];
	s1 =	sadd.s32 $0x80, s1;
	[tilespmem:s0+$0xFFFFFFE0] =	vst v5  }
0x22e: {  	v5 =	vld [tilespmem:s3+$0xFFFFFFD0];
	p5 =	slt.u32 s1, $0x380;
	[tilespmem:s0+$0xFFFFFFF0] =	vst v3  }
0x22f: {  	v3 =	vld [tilespmem:s3+$0xFFFFFFE0];
	[tilespmem:s0+$0x0] =	vst v2  }
0x230: {  	v2 =	vld [tilespmem:s3+$0xFFFFFFF0];
	[tilespmem:s0+$0x10] =	vst v0  }
0x231: {  	v0 =	vld [tilespmem:s3+$0x0];
	[tilespmem:s0+$0x20] =	vst v1  }
0x232: {  	v1 =	vld [tilespmem:s3+$0x10];
	[tilespmem:s0+$0xFFFFFFC0] =	vst v4  }
0x233: {  	v4 =	vld [tilespmem:s3+$0x20]  }
0x234: {  	v7 =	vld [tilespmem:s3+$0xFFFFFFC0]  }
0x235: {  	v6 =	vld.idx.msk [tilespmem:v6+s17+$0x0], $0xffff  }
0x236: {  	v8 =	vld.idx.msk [tilespmem:v5+s17+$0x0], $0xffff  }
0x237: {  	v5 =	vld.idx.msk [tilespmem:v3+s17+$0x0], $0xffff  }
.Ltmp9:
0x238: {  	v3 =	vld.idx.msk [tilespmem:v2+s17+$0x0], $0xffff;
	(pc) =	sbr.rel @p5 .LBB2_21-.Ltmp9, $4  }
0x239: {  	v2 =	vld.idx.msk [tilespmem:v0+s17+$0x0], $0xffff  }
0x23a: {  	s0 =	sadd.s32 $0x100, s0;
	v0 =	vld.idx.msk [tilespmem:v1+s17+$0x0], $0xffff  }
0x23b: {  	v1 =	vld.idx.msk [tilespmem:v4+s17+$0x0], $0xffff;
	[tilespmem:s0+$0x30] =	vst v6  }
0x23c: {  	s3 =	sadd.s32 $0x80, s3;
	v4 =	vld.idx.msk [tilespmem:v7+s17+$0x0], $0xffff;
	[tilespmem:s0+$0xFFFFFFD0] =	vst v8  }
0x23d: {  	[tilespmem:s0+$0xFFFFFFE0] =	vst v5  }
0x23e: {  	[tilespmem:s0+$0xFFFFFFF0] =	vst v3  }
0x23f: {  	[tilespmem:s0+$0x0] =	vst v2  }
0x240: {  	[tilespmem:s0+$0x10] =	vst v0  }
0x241: {  	[tilespmem:s0+$0x20] =	vst v1  }
0x242: {  	[tilespmem:s0+$0xFFFFFFC0] =	vst v4  }
0x243: {  	[hbm4b:s31+s17] =	stream.linear.scatter [tilespmem:s21], [sflag:$0x1], $0x80, $0x38;
	[tilespmem:$0x1CF00] =	vst v63  }
0x244: {  	s3 =	sadd.s32 $0x80, s31  }
0x245: {  	[hbm4b:s3+s17] =	stream.linear.scatter [tilespmem:s9], [sflag:$0x1], $0x80, $0x38;
	[tilespmem:$0x1CF00] =	vst v63  }
0x246: {  	s1 =	sadd.s32 $0x100, s31  }
0x247: {  	[hbm4b:s1+s17] =	stream.linear.scatter [tilespmem:s11], [sflag:$0x1], $0x80, $0x38;
	[tilespmem:$0x1CF00] =	vst v63  }
0x248: {  	s3 =	sadd.s32 $0x180, s31  }
0x249: {  	[hbm4b:s3+s17] =	stream.linear.scatter [tilespmem:s13], [sflag:$0x1], $0x80, $0x38;
	[tilespmem:$0x1CF00] =	vst v63  }
0x24a: {  	s1 =	sadd.s32 $0x200, s31  }
0x24b: {  	[hbm4b:s1+s17] =	stream.linear.scatter [tilespmem:s4], [sflag:$0x1], $0x80, $0x38;
	[tilespmem:$0x1CF00] =	vst v63  }
0x24c: {  	s3 =	sadd.s32 $0x280, s31  }
0x24d: {  	[hbm4b:s3+s17] =	stream.linear.scatter [tilespmem:s6], [sflag:$0x1], $0x80, $0x38;
	[tilespmem:$0x1CF00] =	vst v63  }
0x24e: {  	s1 =	sadd.s32 $0x300, s31  }
0x24f: {  	[hbm4b:s1+s17] =	stream.linear.scatter [tilespmem:s8], [sflag:$0x1], $0x80, $0x38;
	[tilespmem:$0x1CF00] =	vst v63  }
0x250: {  	s3 =	sadd.s32 $0x380, s31  }
0x251: {  	[hbm4b:s3+s17] =	stream.linear.scatter [tilespmem:s10], [sflag:$0x1], $0x80, $0x38;
	[tilespmem:$0x1CF00] =	vst v63  }
0x252: {  	_ =	swait.ge [sflag:s25], $0x400  }
0x253: {  	[sflag:s25] =	ssyncset.done $0x0  }
0x254: {  	[sflag:s25] =	ssyncadd.s32 $0xFFFFFC00  }
0x255: {  	v0 =	vld [tilespmem:s29+$0x0]  }
0x256: {  	v1 =	vld [tilespmem:s29+$0xFFFFFFA0]  }
0x257: {  	v2 =	vld [tilespmem:s29+$0xFFFFFFB0]  }
0x258: {  	v3 =	vld [tilespmem:s29+$0xFFFFFFC0]  }
0x259: {  	v4 =	vld [tilespmem:s29+$0xFFFFFFD0]  }
0x25a: {  	v6 =	vld [tilespmem:s29+$0xFFFFFFE0]  }
0x25b: {  	v7 =	vld [tilespmem:s29+$0xFFFFFFF0]  }
0x25c: {  	v8 =	vld [tilespmem:s29+$0xFFFFFF90]  }
0x25d: {  	v9 =	vld.idx.msk [tilespmem:v0+s17+$0x0], $0xffff  }
0x25e: {  	s31 =	sld [smem:$0x7F3];
	v10 =	vld.idx.msk [tilespmem:v1+s17+$0x0], $0xffff  }
0x25f: {  	v5 =	vld.idx.msk [tilespmem:v2+s17+$0x0], $0xffff  }
0x260: {  	v3 =	vld.idx.msk [tilespmem:v3+s17+$0x0], $0xffff  }
0x261: {  	s0 =	sadd.s32 s30, s31;
	v2 =	vld.idx.msk [tilespmem:v4+s17+$0x0], $0xffff  }
0x262: {  	s30 =	sadd.s32 $0x400, s0;
	s0 =	simm.s32 $0x1C7F0;
	v0 =	vld.idx.msk [tilespmem:v6+s17+$0x0], $0xffff  }
0x263: {  	v1 =	vld.idx.msk [tilespmem:v7+s17+$0x0], $0xffff;
	[tilespmem:s0+$0x0] =	vst v9  }
0x264: {  	s1 =	simm.s32 $0x0;
	s3 =	sadd.s32 $0x80, s29;
	v4 =	vld.idx.msk [tilespmem:v8+s17+$0x0], $0xffff;
	[tilespmem:s0+$0xFFFFFFA0] =	vst v10  }
.LBB2_23:
0x265: {  	v6 =	vld [tilespmem:s3+$0x0];
	s1 =	sadd.s32 $0x80, s1;
	[tilespmem:s0+$0xFFFFFFB0] =	vst v5  }
0x266: {  	v5 =	vld [tilespmem:s3+$0xFFFFFFA0];
	p5 =	slt.u32 s1, $0x380;
	[tilespmem:s0+$0xFFFFFFC0] =	vst v3  }
0x267: {  	v3 =	vld [tilespmem:s3+$0xFFFFFFB0];
	[tilespmem:s0+$0xFFFFFFD0] =	vst v2  }
0x268: {  	v2 =	vld [tilespmem:s3+$0xFFFFFFC0];
	[tilespmem:s0+$0xFFFFFFE0] =	vst v0  }
0x269: {  	v0 =	vld [tilespmem:s3+$0xFFFFFFD0];
	[tilespmem:s0+$0xFFFFFFF0] =	vst v1  }
0x26a: {  	v1 =	vld [tilespmem:s3+$0xFFFFFFE0];
	[tilespmem:s0+$0xFFFFFF90] =	vst v4  }
0x26b: {  	v4 =	vld [tilespmem:s3+$0xFFFFFFF0]  }
0x26c: {  	v7 =	vld [tilespmem:s3+$0xFFFFFF90]  }
0x26d: {  	v6 =	vld.idx.msk [tilespmem:v6+s17+$0x0], $0xffff  }
0x26e: {  	v8 =	vld.idx.msk [tilespmem:v5+s17+$0x0], $0xffff  }
0x26f: {  	v5 =	vld.idx.msk [tilespmem:v3+s17+$0x0], $0xffff  }
.Ltmp10:
0x270: {  	v3 =	vld.idx.msk [tilespmem:v2+s17+$0x0], $0xffff;
	(pc) =	sbr.rel @p5 .LBB2_23-.Ltmp10, $4  }
0x271: {  	v2 =	vld.idx.msk [tilespmem:v0+s17+$0x0], $0xffff  }
0x272: {  	s0 =	sadd.s32 $0x100, s0;
	v0 =	vld.idx.msk [tilespmem:v1+s17+$0x0], $0xffff  }
0x273: {  	v1 =	vld.idx.msk [tilespmem:v4+s17+$0x0], $0xffff;
	[tilespmem:s0+$0x0] =	vst v6  }
0x274: {  	s3 =	sadd.s32 $0x80, s3;
	v4 =	vld.idx.msk [tilespmem:v7+s17+$0x0], $0xffff;
	[tilespmem:s0+$0xFFFFFFA0] =	vst v8  }
0x275: {  	[tilespmem:s0+$0xFFFFFFB0] =	vst v5  }
0x276: {  	[tilespmem:s0+$0xFFFFFFC0] =	vst v3  }
0x277: {  	[tilespmem:s0+$0xFFFFFFD0] =	vst v2  }
0x278: {  	[tilespmem:s0+$0xFFFFFFE0] =	vst v0  }
0x279: {  	[tilespmem:s0+$0xFFFFFFF0] =	vst v1  }
0x27a: {  	[tilespmem:s0+$0xFFFFFF90] =	vst v4  }
0x27b: {  	[hbm4b:s30+s17] =	stream.linear.scatter [tilespmem:s12], [sflag:$0x2], $0x80, $0x38;
	[tilespmem:$0x1CF00] =	vst v63  }
0x27c: {  	s31 =	sadd.s32 $0x80, s30  }
0x27d: {  	[hbm4b:s31+s17] =	stream.linear.scatter [tilespmem:s14], [sflag:$0x2], $0x80, $0x38;
	[tilespmem:$0x1CF00] =	vst v63  }
0x27e: {  	s1 =	sadd.s32 $0x100, s30  }
0x27f: {  	[hbm4b:s1+s17] =	stream.linear.scatter [tilespmem:s16], [sflag:$0x2], $0x80, $0x38;
	[tilespmem:$0x1CF00] =	vst v63  }
0x280: {  	s3 =	sadd.s32 $0x180, s30  }
0x281: {  	[hbm4b:s3+s17] =	stream.linear.scatter [tilespmem:s18], [sflag:$0x2], $0x80, $0x38;
	[tilespmem:$0x1CF00] =	vst v63  }
0x282: {  	s26 =	sadd.s32 $0x1, s26;
	s31 =	sadd.s32 $0x200, s30  }
0x283: {  	[hbm4b:s31+s17] =	stream.linear.scatter [tilespmem:s20], [sflag:$0x2], $0x80, $0x38;
	[tilespmem:$0x1CF00] =	vst v63  }
0x284: {  	p5 =	seq.s32 s26, $0x8;
	s1 =	sadd.s32 $0x280, s30  }
0x285: {  	[hbm4b:s1+s17] =	stream.linear.scatter [tilespmem:s22], [sflag:$0x2], $0x80, $0x38;
	[tilespmem:$0x1CF00] =	vst v63  }
.Ltmp11:
0x286: {  	_ = 	snop;
	(pc) =	sbr.rel @!p5 .LBB2_20-.Ltmp11, $4  }
0x287: {  	s3 =	sadd.s32 $0x300, s30  }
0x288: {  	[hbm4b:s3+s17] =	stream.linear.scatter [tilespmem:s24], [sflag:$0x2], $0x80, $0x38;
	[tilespmem:$0x1CF00] =	vst v63  }
0x289: {  	s28 =	sadd.s32 $0x800, s28;
	s29 =	sadd.s32 $0x800, s29;
	s31 =	sadd.s32 $0x380, s30  }
0x28a: {  	[hbm4b:s31+s17] =	stream.linear.scatter [tilespmem:s15], [sflag:$0x2], $0x80, $0x38;
	[tilespmem:$0x1CF00] =	vst v63  }
0x28b: {  	s0 =	sld [smem:$0x7EA];
	_ =	sdelay $0x2  }
0x28c: {  	s26 =	rddreg [dreg:$0x9];
	p5 =	seq.s32 s0, $0x1  }
0x28d: {  	s0 =	simm.s32 @!p5 $0x80;
	s1 =	simm.s32 @!p5 $0x400;
	s3 =	simm.s32 @!p5 $0x18700  }
0x28e: {  	[tilespmem:s3], [sflag:$0x3] =	stream.strided.gather @!p5 [hbm4b:s26+s0], $0x4000, s1, s0, $0x38;
	[tilespmem:$0x1CF00] =	vst v63  }
0x28f: {  	s0 =	simm.s32 @!p5 $0x3  }
0x290: {  	s30 =	simm.s32 $0x400;
	_ =	swait.ge @!p5 [sflag:s0], $0x4000  }
0x291: {  	s31 =	simm.s32 $0x3;
	s26 =	simm.s32 $0x0;
	[sflag:s0] =	ssyncset.done @!p5 $0x0  }
0x292: {  	s3 =	simm.s32 $0x80;
	s1 =	rddreg [dreg:$0x1e];
	[sflag:s0] =	ssyncadd.s32 @!p5 $0xFFFFC000  }
0x293: {  	[tilespmem:s26], [sflag:$0x3] =	stream.strided.gather [hbm4b:s1+s3], $0x18700, s30, s3, $0x38;
	[tilespmem:$0x1CF00] =	vst v63  }
0x294: {  	_ =	swait.ge [sflag:s31], $0x18700  }
0x295: {  	[sflag:s31] =	ssyncset.done $0x0  }
0x296: {  	s28 =	simm.s32 $0x18740;
	s29 =	simm.s32 $0x18B70;
	[sflag:s31] =	ssyncadd.s32 $0xFFFE7900  }
.LBB2_26:
0x297: {  	s1 =	rddreg [dreg:$0xe];
	_ =	swait.ge [sflag:s23], $0x400  }
0x298: {  	[sflag:s23] =	ssyncset.done $0x0  }
0x299: {  	[sflag:s23] =	ssyncadd.s32 $0xFFFFFC00  }
0x29a: {  	v0 =	vld [tilespmem:s28+$0x30]  }
0x29b: {  	v1 =	vld [tilespmem:s28+$0xFFFFFFD0]  }
0x29c: {  	v2 =	vld [tilespmem:s28+$0xFFFFFFE0]  }
0x29d: {  	v3 =	vld [tilespmem:s28+$0xFFFFFFF0]  }
0x29e: {  	v4 =	vld [tilespmem:s28+$0x0]  }
0x29f: {  	v6 =	vld [tilespmem:s28+$0x10]  }
0x2a0: {  	v7 =	vld [tilespmem:s28+$0x20]  }
0x2a1: {  	v8 =	vld [tilespmem:s28+$0xFFFFFFC0]  }
0x2a2: {  	v9 =	vld.idx.msk [tilespmem:v0+s17+$0x0], $0xffff  }
0x2a3: {  	v10 =	vld.idx.msk [tilespmem:v1+s17+$0x0], $0xffff  }
0x2a4: {  	s0 =	sshll.u32 s26, $0xE;
	v5 =	vld.idx.msk [tilespmem:v2+s17+$0x0], $0xffff  }
0x2a5: {  	s0 =	sadd.s32 s1, s0;
	v3 =	vld.idx.msk [tilespmem:v3+s17+$0x0], $0xffff  }
0x2a6: {  	s0 =	sshrl.u32 s0, $0x3;
	v2 =	vld.idx.msk [tilespmem:v4+s17+$0x0], $0xffff  }
0x2a7: {  	s31 =	sadd.s32 s19, s0;
	s0 =	simm.s32 $0x1C740;
	v0 =	vld.idx.msk [tilespmem:v6+s17+$0x0], $0xffff  }
0x2a8: {  	v1 =	vld.idx.msk [tilespmem:v7+s17+$0x0], $0xffff;
	[tilespmem:s0+$0x30] =	vst v9  }
0x2a9: {  	s30 =	sshll.u32 s26, $0xB;
	s3 =	sadd.s32 $0x80, s28;
	s1 =	simm.s32 $0x0;
	v4 =	vld.idx.msk [tilespmem:v8+s17+$0x0], $0xffff;
	[tilespmem:s0+$0xFFFFFFD0] =	vst v10  }
.LBB2_27:
0x2aa: {  	v6 =	vld [tilespmem:s3+$0x30];
	s1 =	sadd.s32 $0x80, s1;
	[tilespmem:s0+$0xFFFFFFE0] =	vst v5  }
0x2ab: {  	v5 =	vld [tilespmem:s3+$0xFFFFFFD0];
	p5 =	slt.u32 s1, $0x380;
	[tilespmem:s0+$0xFFFFFFF0] =	vst v3  }
0x2ac: {  	v3 =	vld [tilespmem:s3+$0xFFFFFFE0];
	[tilespmem:s0+$0x0] =	vst v2  }
0x2ad: {  	v2 =	vld [tilespmem:s3+$0xFFFFFFF0];
	[tilespmem:s0+$0x10] =	vst v0  }
0x2ae: {  	v0 =	vld [tilespmem:s3+$0x0];
	[tilespmem:s0+$0x20] =	vst v1  }
0x2af: {  	v1 =	vld [tilespmem:s3+$0x10];
	[tilespmem:s0+$0xFFFFFFC0] =	vst v4  }
0x2b0: {  	v4 =	vld [tilespmem:s3+$0x20]  }
0x2b1: {  	v7 =	vld [tilespmem:s3+$0xFFFFFFC0]  }
0x2b2: {  	v6 =	vld.idx.msk [tilespmem:v6+s17+$0x0], $0xffff  }
0x2b3: {  	v8 =	vld.idx.msk [tilespmem:v5+s17+$0x0], $0xffff  }
0x2b4: {  	v5 =	vld.idx.msk [tilespmem:v3+s17+$0x0], $0xffff  }
.Ltmp12:
0x2b5: {  	v3 =	vld.idx.msk [tilespmem:v2+s17+$0x0], $0xffff;
	(pc) =	sbr.rel @p5 .LBB2_27-.Ltmp12, $4  }
0x2b6: {  	v2 =	vld.idx.msk [tilespmem:v0+s17+$0x0], $0xffff  }
0x2b7: {  	s0 =	sadd.s32 $0x100, s0;
	v0 =	vld.idx.msk [tilespmem:v1+s17+$0x0], $0xffff  }
0x2b8: {  	v1 =	vld.idx.msk [tilespmem:v4+s17+$0x0], $0xffff;
	[tilespmem:s0+$0x30] =	vst v6  }
0x2b9: {  	s3 =	sadd.s32 $0x80, s3;
	v4 =	vld.idx.msk [tilespmem:v7+s17+$0x0], $0xffff;
	[tilespmem:s0+$0xFFFFFFD0] =	vst v8  }
0x2ba: {  	[tilespmem:s0+$0xFFFFFFE0] =	vst v5  }
0x2bb: {  	[tilespmem:s0+$0xFFFFFFF0] =	vst v3  }
0x2bc: {  	[tilespmem:s0+$0x0] =	vst v2  }
0x2bd: {  	[tilespmem:s0+$0x10] =	vst v0  }
0x2be: {  	[tilespmem:s0+$0x20] =	vst v1  }
0x2bf: {  	[tilespmem:s0+$0xFFFFFFC0] =	vst v4  }
0x2c0: {  	[hbm4b:s31+s17] =	stream.linear.scatter [tilespmem:s21], [sflag:$0x1], $0x80, $0x38;
	[tilespmem:$0x1CF00] =	vst v63  }
0x2c1: {  	s3 =	sadd.s32 $0x80, s31  }
0x2c2: {  	[hbm4b:s3+s17] =	stream.linear.scatter [tilespmem:s9], [sflag:$0x1], $0x80, $0x38;
	[tilespmem:$0x1CF00] =	vst v63  }
0x2c3: {  	s1 =	sadd.s32 $0x100, s31  }
0x2c4: {  	[hbm4b:s1+s17] =	stream.linear.scatter [tilespmem:s11], [sflag:$0x1], $0x80, $0x38;
	[tilespmem:$0x1CF00] =	vst v63  }
0x2c5: {  	s3 =	sadd.s32 $0x180, s31  }
0x2c6: {  	[hbm4b:s3+s17] =	stream.linear.scatter [tilespmem:s13], [sflag:$0x1], $0x80, $0x38;
	[tilespmem:$0x1CF00] =	vst v63  }
0x2c7: {  	s1 =	sadd.s32 $0x200, s31  }
0x2c8: {  	[hbm4b:s1+s17] =	stream.linear.scatter [tilespmem:s4], [sflag:$0x1], $0x80, $0x38;
	[tilespmem:$0x1CF00] =	vst v63  }
0x2c9: {  	s3 =	sadd.s32 $0x280, s31  }
0x2ca: {  	[hbm4b:s3+s17] =	stream.linear.scatter [tilespmem:s6], [sflag:$0x1], $0x80, $0x38;
	[tilespmem:$0x1CF00] =	vst v63  }
0x2cb: {  	s1 =	sadd.s32 $0x300, s31  }
0x2cc: {  	[hbm4b:s1+s17] =	stream.linear.scatter [tilespmem:s8], [sflag:$0x1], $0x80, $0x38;
	[tilespmem:$0x1CF00] =	vst v63  }
0x2cd: {  	s3 =	sadd.s32 $0x380, s31  }
0x2ce: {  	[hbm4b:s3+s17] =	stream.linear.scatter [tilespmem:s10], [sflag:$0x1], $0x80, $0x38;
	[tilespmem:$0x1CF00] =	vst v63  }
0x2cf: {  	_ =	swait.ge [sflag:s25], $0x400  }
0x2d0: {  	[sflag:s25] =	ssyncset.done $0x0  }
0x2d1: {  	[sflag:s25] =	ssyncadd.s32 $0xFFFFFC00  }
0x2d2: {  	v0 =	vld [tilespmem:s29+$0x0]  }
0x2d3: {  	v1 =	vld [tilespmem:s29+$0xFFFFFFA0]  }
0x2d4: {  	v2 =	vld [tilespmem:s29+$0xFFFFFFB0]  }
0x2d5: {  	v3 =	vld [tilespmem:s29+$0xFFFFFFC0]  }
0x2d6: {  	v4 =	vld [tilespmem:s29+$0xFFFFFFD0]  }
0x2d7: {  	v6 =	vld [tilespmem:s29+$0xFFFFFFE0]  }
0x2d8: {  	v7 =	vld [tilespmem:s29+$0xFFFFFFF0]  }
0x2d9: {  	v8 =	vld [tilespmem:s29+$0xFFFFFF90]  }
0x2da: {  	v9 =	vld.idx.msk [tilespmem:v0+s17+$0x0], $0xffff  }
0x2db: {  	s31 =	sld [smem:$0x7F4];
	v10 =	vld.idx.msk [tilespmem:v1+s17+$0x0], $0xffff  }
0x2dc: {  	v5 =	vld.idx.msk [tilespmem:v2+s17+$0x0], $0xffff  }
0x2dd: {  	v3 =	vld.idx.msk [tilespmem:v3+s17+$0x0], $0xffff  }
0x2de: {  	s0 =	sadd.s32 s30, s31;
	v2 =	vld.idx.msk [tilespmem:v4+s17+$0x0], $0xffff  }
0x2df: {  	s30 =	sadd.s32 $0x400, s0;
	s0 =	simm.s32 $0x1C7F0;
	v0 =	vld.idx.msk [tilespmem:v6+s17+$0x0], $0xffff  }
0x2e0: {  	v1 =	vld.idx.msk [tilespmem:v7+s17+$0x0], $0xffff;
	[tilespmem:s0+$0x0] =	vst v9  }
0x2e1: {  	s1 =	simm.s32 $0x0;
	s3 =	sadd.s32 $0x80, s29;
	v4 =	vld.idx.msk [tilespmem:v8+s17+$0x0], $0xffff;
	[tilespmem:s0+$0xFFFFFFA0] =	vst v10  }
.LBB2_29:
0x2e2: {  	v6 =	vld [tilespmem:s3+$0x0];
	s1 =	sadd.s32 $0x80, s1;
	[tilespmem:s0+$0xFFFFFFB0] =	vst v5  }
0x2e3: {  	v5 =	vld [tilespmem:s3+$0xFFFFFFA0];
	p5 =	slt.u32 s1, $0x380;
	[tilespmem:s0+$0xFFFFFFC0] =	vst v3  }
0x2e4: {  	v3 =	vld [tilespmem:s3+$0xFFFFFFB0];
	[tilespmem:s0+$0xFFFFFFD0] =	vst v2  }
0x2e5: {  	v2 =	vld [tilespmem:s3+$0xFFFFFFC0];
	[tilespmem:s0+$0xFFFFFFE0] =	vst v0  }
0x2e6: {  	v0 =	vld [tilespmem:s3+$0xFFFFFFD0];
	[tilespmem:s0+$0xFFFFFFF0] =	vst v1  }
0x2e7: {  	v1 =	vld [tilespmem:s3+$0xFFFFFFE0];
	[tilespmem:s0+$0xFFFFFF90] =	vst v4  }
0x2e8: {  	v4 =	vld [tilespmem:s3+$0xFFFFFFF0]  }
0x2e9: {  	v7 =	vld [tilespmem:s3+$0xFFFFFF90]  }
0x2ea: {  	v6 =	vld.idx.msk [tilespmem:v6+s17+$0x0], $0xffff  }
0x2eb: {  	v8 =	vld.idx.msk [tilespmem:v5+s17+$0x0], $0xffff  }
0x2ec: {  	v5 =	vld.idx.msk [tilespmem:v3+s17+$0x0], $0xffff  }
.Ltmp13:
0x2ed: {  	v3 =	vld.idx.msk [tilespmem:v2+s17+$0x0], $0xffff;
	(pc) =	sbr.rel @p5 .LBB2_29-.Ltmp13, $4  }
0x2ee: {  	v2 =	vld.idx.msk [tilespmem:v0+s17+$0x0], $0xffff  }
0x2ef: {  	s0 =	sadd.s32 $0x100, s0;
	v0 =	vld.idx.msk [tilespmem:v1+s17+$0x0], $0xffff  }
0x2f0: {  	v1 =	vld.idx.msk [tilespmem:v4+s17+$0x0], $0xffff;
	[tilespmem:s0+$0x0] =	vst v6  }
0x2f1: {  	s3 =	sadd.s32 $0x80, s3;
	v4 =	vld.idx.msk [tilespmem:v7+s17+$0x0], $0xffff;
	[tilespmem:s0+$0xFFFFFFA0] =	vst v8  }
0x2f2: {  	[tilespmem:s0+$0xFFFFFFB0] =	vst v5  }
0x2f3: {  	[tilespmem:s0+$0xFFFFFFC0] =	vst v3  }
0x2f4: {  	[tilespmem:s0+$0xFFFFFFD0] =	vst v2  }
0x2f5: {  	[tilespmem:s0+$0xFFFFFFE0] =	vst v0  }
0x2f6: {  	[tilespmem:s0+$0xFFFFFFF0] =	vst v1  }
0x2f7: {  	[tilespmem:s0+$0xFFFFFF90] =	vst v4  }
0x2f8: {  	[hbm4b:s30+s17] =	stream.linear.scatter [tilespmem:s12], [sflag:$0x2], $0x80, $0x38;
	[tilespmem:$0x1CF00] =	vst v63  }
0x2f9: {  	s31 =	sadd.s32 $0x80, s30  }
0x2fa: {  	[hbm4b:s31+s17] =	stream.linear.scatter [tilespmem:s14], [sflag:$0x2], $0x80, $0x38;
	[tilespmem:$0x1CF00] =	vst v63  }
0x2fb: {  	s1 =	sadd.s32 $0x100, s30  }
0x2fc: {  	[hbm4b:s1+s17] =	stream.linear.scatter [tilespmem:s16], [sflag:$0x2], $0x80, $0x38;
	[tilespmem:$0x1CF00] =	vst v63  }
0x2fd: {  	s3 =	sadd.s32 $0x180, s30  }
0x2fe: {  	[hbm4b:s3+s17] =	stream.linear.scatter [tilespmem:s18], [sflag:$0x2], $0x80, $0x38;
	[tilespmem:$0x1CF00] =	vst v63  }
0x2ff: {  	s26 =	sadd.s32 $0x1, s26;
	s31 =	sadd.s32 $0x200, s30  }
0x300: {  	[hbm4b:s31+s17] =	stream.linear.scatter [tilespmem:s20], [sflag:$0x2], $0x80, $0x38;
	[tilespmem:$0x1CF00] =	vst v63  }
0x301: {  	p5 =	seq.s32 s26, $0x8;
	s1 =	sadd.s32 $0x280, s30  }
0x302: {  	[hbm4b:s1+s17] =	stream.linear.scatter [tilespmem:s22], [sflag:$0x2], $0x80, $0x38;
	[tilespmem:$0x1CF00] =	vst v63  }
.Ltmp14:
0x303: {  	_ = 	snop;
	(pc) =	sbr.rel @!p5 .LBB2_26-.Ltmp14, $4  }
0x304: {  	s3 =	sadd.s32 $0x300, s30  }
0x305: {  	[hbm4b:s3+s17] =	stream.linear.scatter [tilespmem:s24], [sflag:$0x2], $0x80, $0x38;
	[tilespmem:$0x1CF00] =	vst v63  }
0x306: {  	s28 =	sadd.s32 $0x800, s28;
	s29 =	sadd.s32 $0x800, s29;
	s31 =	sadd.s32 $0x380, s30  }
0x307: {  	[hbm4b:s31+s17] =	stream.linear.scatter [tilespmem:s15], [sflag:$0x2], $0x80, $0x38;
	[tilespmem:$0x1CF00] =	vst v63  }
0x308: {  	s0 =	sld [smem:$0x7EC];
	_ =	sdelay $0x2  }
0x309: {  	s26 =	rddreg [dreg:$0xb];
	p5 =	seq.s32 s0, $0x1  }
0x30a: {  	s0 =	simm.s32 @!p5 $0x80;
	s1 =	simm.s32 @!p5 $0x400;
	s3 =	simm.s32 @!p5 $0x18700  }
0x30b: {  	[tilespmem:s3], [sflag:$0x3] =	stream.strided.gather @!p5 [hbm4b:s26+s0], $0x4000, s1, s0, $0x38;
	[tilespmem:$0x1CF00] =	vst v63  }
0x30c: {  	s0 =	simm.s32 @!p5 $0x3  }
0x30d: {  	s30 =	simm.s32 $0x400;
	_ =	swait.ge @!p5 [sflag:s0], $0x4000  }
0x30e: {  	s31 =	simm.s32 $0x3;
	s26 =	simm.s32 $0x0;
	[sflag:s0] =	ssyncset.done @!p5 $0x0  }
0x30f: {  	s3 =	simm.s32 $0x80;
	s1 =	rddreg [dreg:$0x1f];
	[sflag:s0] =	ssyncadd.s32 @!p5 $0xFFFFC000  }
0x310: {  	[tilespmem:s26], [sflag:$0x3] =	stream.strided.gather [hbm4b:s1+s3], $0x18700, s30, s3, $0x38;
	[tilespmem:$0x1CF00] =	vst v63  }
0x311: {  	_ =	swait.ge [sflag:s31], $0x18700  }
0x312: {  	[sflag:s31] =	ssyncset.done $0x0  }
0x313: {  	s28 =	simm.s32 $0x18740;
	s29 =	simm.s32 $0x18B70;
	[sflag:s31] =	ssyncadd.s32 $0xFFFE7900  }
.LBB2_32:
0x314: {  	s1 =	rddreg [dreg:$0x10];
	_ =	swait.ge [sflag:s23], $0x400  }
0x315: {  	[sflag:s23] =	ssyncset.done $0x0  }
0x316: {  	[sflag:s23] =	ssyncadd.s32 $0xFFFFFC00  }
0x317: {  	v0 =	vld [tilespmem:s28+$0x30]  }
0x318: {  	v1 =	vld [tilespmem:s28+$0xFFFFFFD0]  }
0x319: {  	v2 =	vld [tilespmem:s28+$0xFFFFFFE0]  }
0x31a: {  	v3 =	vld [tilespmem:s28+$0xFFFFFFF0]  }
0x31b: {  	v4 =	vld [tilespmem:s28+$0x0]  }
0x31c: {  	v6 =	vld [tilespmem:s28+$0x10]  }
0x31d: {  	v7 =	vld [tilespmem:s28+$0x20]  }
0x31e: {  	v8 =	vld [tilespmem:s28+$0xFFFFFFC0]  }
0x31f: {  	v9 =	vld.idx.msk [tilespmem:v0+s17+$0x0], $0xffff  }
0x320: {  	v10 =	vld.idx.msk [tilespmem:v1+s17+$0x0], $0xffff  }
0x321: {  	s0 =	sshll.u32 s26, $0xE;
	v5 =	vld.idx.msk [tilespmem:v2+s17+$0x0], $0xffff  }
0x322: {  	s0 =	sadd.s32 s1, s0;
	v3 =	vld.idx.msk [tilespmem:v3+s17+$0x0], $0xffff  }
0x323: {  	s0 =	sshrl.u32 s0, $0x3;
	v2 =	vld.idx.msk [tilespmem:v4+s17+$0x0], $0xffff  }
0x324: {  	s31 =	sadd.s32 s19, s0;
	s0 =	simm.s32 $0x1C740;
	v0 =	vld.idx.msk [tilespmem:v6+s17+$0x0], $0xffff  }
0x325: {  	v1 =	vld.idx.msk [tilespmem:v7+s17+$0x0], $0xffff;
	[tilespmem:s0+$0x30] =	vst v9  }
0x326: {  	s30 =	sshll.u32 s26, $0xB;
	s3 =	sadd.s32 $0x80, s28;
	s1 =	simm.s32 $0x0;
	v4 =	vld.idx.msk [tilespmem:v8+s17+$0x0], $0xffff;
	[tilespmem:s0+$0xFFFFFFD0] =	vst v10  }
.LBB2_33:
0x327: {  	v6 =	vld [tilespmem:s3+$0x30];
	s1 =	sadd.s32 $0x80, s1;
	[tilespmem:s0+$0xFFFFFFE0] =	vst v5  }
0x328: {  	v5 =	vld [tilespmem:s3+$0xFFFFFFD0];
	p5 =	slt.u32 s1, $0x380;
	[tilespmem:s0+$0xFFFFFFF0] =	vst v3  }
0x329: {  	v3 =	vld [tilespmem:s3+$0xFFFFFFE0];
	[tilespmem:s0+$0x0] =	vst v2  }
0x32a: {  	v2 =	vld [tilespmem:s3+$0xFFFFFFF0];
	[tilespmem:s0+$0x10] =	vst v0  }
0x32b: {  	v0 =	vld [tilespmem:s3+$0x0];
	[tilespmem:s0+$0x20] =	vst v1  }
0x32c: {  	v1 =	vld [tilespmem:s3+$0x10];
	[tilespmem:s0+$0xFFFFFFC0] =	vst v4  }
0x32d: {  	v4 =	vld [tilespmem:s3+$0x20]  }
0x32e: {  	v7 =	vld [tilespmem:s3+$0xFFFFFFC0]  }
0x32f: {  	v6 =	vld.idx.msk [tilespmem:v6+s17+$0x0], $0xffff  }
0x330: {  	v8 =	vld.idx.msk [tilespmem:v5+s17+$0x0], $0xffff  }
0x331: {  	v5 =	vld.idx.msk [tilespmem:v3+s17+$0x0], $0xffff  }
.Ltmp15:
0x332: {  	v3 =	vld.idx.msk [tilespmem:v2+s17+$0x0], $0xffff;
	(pc) =	sbr.rel @p5 .LBB2_33-.Ltmp15, $4  }
0x333: {  	v2 =	vld.idx.msk [tilespmem:v0+s17+$0x0], $0xffff  }
0x334: {  	s0 =	sadd.s32 $0x100, s0;
	v0 =	vld.idx.msk [tilespmem:v1+s17+$0x0], $0xffff  }
0x335: {  	v1 =	vld.idx.msk [tilespmem:v4+s17+$0x0], $0xffff;
	[tilespmem:s0+$0x30] =	vst v6  }
0x336: {  	s3 =	sadd.s32 $0x80, s3;
	v4 =	vld.idx.msk [tilespmem:v7+s17+$0x0], $0xffff;
	[tilespmem:s0+$0xFFFFFFD0] =	vst v8  }
0x337: {  	[tilespmem:s0+$0xFFFFFFE0] =	vst v5  }
0x338: {  	[tilespmem:s0+$0xFFFFFFF0] =	vst v3  }
0x339: {  	[tilespmem:s0+$0x0] =	vst v2  }
0x33a: {  	[tilespmem:s0+$0x10] =	vst v0  }
0x33b: {  	[tilespmem:s0+$0x20] =	vst v1  }
0x33c: {  	[tilespmem:s0+$0xFFFFFFC0] =	vst v4  }
0x33d: {  	[hbm4b:s31+s17] =	stream.linear.scatter [tilespmem:s21], [sflag:$0x1], $0x80, $0x38;
	[tilespmem:$0x1CF00] =	vst v63  }
0x33e: {  	s3 =	sadd.s32 $0x80, s31  }
0x33f: {  	[hbm4b:s3+s17] =	stream.linear.scatter [tilespmem:s9], [sflag:$0x1], $0x80, $0x38;
	[tilespmem:$0x1CF00] =	vst v63  }
0x340: {  	s1 =	sadd.s32 $0x100, s31  }
0x341: {  	[hbm4b:s1+s17] =	stream.linear.scatter [tilespmem:s11], [sflag:$0x1], $0x80, $0x38;
	[tilespmem:$0x1CF00] =	vst v63  }
0x342: {  	s3 =	sadd.s32 $0x180, s31  }
0x343: {  	[hbm4b:s3+s17] =	stream.linear.scatter [tilespmem:s13], [sflag:$0x1], $0x80, $0x38;
	[tilespmem:$0x1CF00] =	vst v63  }
0x344: {  	s1 =	sadd.s32 $0x200, s31  }
0x345: {  	[hbm4b:s1+s17] =	stream.linear.scatter [tilespmem:s4], [sflag:$0x1], $0x80, $0x38;
	[tilespmem:$0x1CF00] =	vst v63  }
0x346: {  	s3 =	sadd.s32 $0x280, s31  }
0x347: {  	[hbm4b:s3+s17] =	stream.linear.scatter [tilespmem:s6], [sflag:$0x1], $0x80, $0x38;
	[tilespmem:$0x1CF00] =	vst v63  }
0x348: {  	s1 =	sadd.s32 $0x300, s31  }
0x349: {  	[hbm4b:s1+s17] =	stream.linear.scatter [tilespmem:s8], [sflag:$0x1], $0x80, $0x38;
	[tilespmem:$0x1CF00] =	vst v63  }
0x34a: {  	s3 =	sadd.s32 $0x380, s31  }
0x34b: {  	[hbm4b:s3+s17] =	stream.linear.scatter [tilespmem:s10], [sflag:$0x1], $0x80, $0x38;
	[tilespmem:$0x1CF00] =	vst v63  }
0x34c: {  	_ =	swait.ge [sflag:s25], $0x400  }
0x34d: {  	[sflag:s25] =	ssyncset.done $0x0  }
0x34e: {  	[sflag:s25] =	ssyncadd.s32 $0xFFFFFC00  }
0x34f: {  	v0 =	vld [tilespmem:s29+$0x0]  }
0x350: {  	v1 =	vld [tilespmem:s29+$0xFFFFFFA0]  }
0x351: {  	v2 =	vld [tilespmem:s29+$0xFFFFFFB0]  }
0x352: {  	v3 =	vld [tilespmem:s29+$0xFFFFFFC0]  }
0x353: {  	v4 =	vld [tilespmem:s29+$0xFFFFFFD0]  }
0x354: {  	v6 =	vld [tilespmem:s29+$0xFFFFFFE0]  }
0x355: {  	v7 =	vld [tilespmem:s29+$0xFFFFFFF0]  }
0x356: {  	v8 =	vld [tilespmem:s29+$0xFFFFFF90]  }
0x357: {  	v9 =	vld.idx.msk [tilespmem:v0+s17+$0x0], $0xffff  }
0x358: {  	s31 =	sld [smem:$0x7F5];
	v10 =	vld.idx.msk [tilespmem:v1+s17+$0x0], $0xffff  }
0x359: {  	v5 =	vld.idx.msk [tilespmem:v2+s17+$0x0], $0xffff  }
0x35a: {  	v3 =	vld.idx.msk [tilespmem:v3+s17+$0x0], $0xffff  }
0x35b: {  	s0 =	sadd.s32 s30, s31;
	v2 =	vld.idx.msk [tilespmem:v4+s17+$0x0], $0xffff  }
0x35c: {  	s30 =	sadd.s32 $0x400, s0;
	s0 =	simm.s32 $0x1C7F0;
	v0 =	vld.idx.msk [tilespmem:v6+s17+$0x0], $0xffff  }
0x35d: {  	v1 =	vld.idx.msk [tilespmem:v7+s17+$0x0], $0xffff;
	[tilespmem:s0+$0x0] =	vst v9  }
0x35e: {  	s1 =	simm.s32 $0x0;
	s3 =	sadd.s32 $0x80, s29;
	v4 =	vld.idx.msk [tilespmem:v8+s17+$0x0], $0xffff;
	[tilespmem:s0+$0xFFFFFFA0] =	vst v10  }
.LBB2_35:
0x35f: {  	v6 =	vld [tilespmem:s3+$0x0];
	s1 =	sadd.s32 $0x80, s1;
	[tilespmem:s0+$0xFFFFFFB0] =	vst v5  }
0x360: {  	v5 =	vld [tilespmem:s3+$0xFFFFFFA0];
	p5 =	slt.u32 s1, $0x380;
	[tilespmem:s0+$0xFFFFFFC0] =	vst v3  }
0x361: {  	v3 =	vld [tilespmem:s3+$0xFFFFFFB0];
	[tilespmem:s0+$0xFFFFFFD0] =	vst v2  }
0x362: {  	v2 =	vld [tilespmem:s3+$0xFFFFFFC0];
	[tilespmem:s0+$0xFFFFFFE0] =	vst v0  }
0x363: {  	v0 =	vld [tilespmem:s3+$0xFFFFFFD0];
	[tilespmem:s0+$0xFFFFFFF0] =	vst v1  }
0x364: {  	v1 =	vld [tilespmem:s3+$0xFFFFFFE0];
	[tilespmem:s0+$0xFFFFFF90] =	vst v4  }
0x365: {  	v4 =	vld [tilespmem:s3+$0xFFFFFFF0]  }
0x366: {  	v7 =	vld [tilespmem:s3+$0xFFFFFF90]  }
0x367: {  	v6 =	vld.idx.msk [tilespmem:v6+s17+$0x0], $0xffff  }
0x368: {  	v8 =	vld.idx.msk [tilespmem:v5+s17+$0x0], $0xffff  }
0x369: {  	v5 =	vld.idx.msk [tilespmem:v3+s17+$0x0], $0xffff  }
.Ltmp16:
0x36a: {  	v3 =	vld.idx.msk [tilespmem:v2+s17+$0x0], $0xffff;
	(pc) =	sbr.rel @p5 .LBB2_35-.Ltmp16, $4  }
0x36b: {  	v2 =	vld.idx.msk [tilespmem:v0+s17+$0x0], $0xffff  }
0x36c: {  	s0 =	sadd.s32 $0x100, s0;
	v0 =	vld.idx.msk [tilespmem:v1+s17+$0x0], $0xffff  }
0x36d: {  	v1 =	vld.idx.msk [tilespmem:v4+s17+$0x0], $0xffff;
	[tilespmem:s0+$0x0] =	vst v6  }
0x36e: {  	s3 =	sadd.s32 $0x80, s3;
	v4 =	vld.idx.msk [tilespmem:v7+s17+$0x0], $0xffff;
	[tilespmem:s0+$0xFFFFFFA0] =	vst v8  }
0x36f: {  	[tilespmem:s0+$0xFFFFFFB0] =	vst v5  }
0x370: {  	[tilespmem:s0+$0xFFFFFFC0] =	vst v3  }
0x371: {  	[tilespmem:s0+$0xFFFFFFD0] =	vst v2  }
0x372: {  	[tilespmem:s0+$0xFFFFFFE0] =	vst v0  }
0x373: {  	[tilespmem:s0+$0xFFFFFFF0] =	vst v1  }
0x374: {  	[tilespmem:s0+$0xFFFFFF90] =	vst v4  }
0x375: {  	[hbm4b:s30+s17] =	stream.linear.scatter [tilespmem:s12], [sflag:$0x2], $0x80, $0x38;
	[tilespmem:$0x1CF00] =	vst v63  }
0x376: {  	s31 =	sadd.s32 $0x80, s30  }
0x377: {  	[hbm4b:s31+s17] =	stream.linear.scatter [tilespmem:s14], [sflag:$0x2], $0x80, $0x38;
	[tilespmem:$0x1CF00] =	vst v63  }
0x378: {  	s1 =	sadd.s32 $0x100, s30  }
0x379: {  	[hbm4b:s1+s17] =	stream.linear.scatter [tilespmem:s16], [sflag:$0x2], $0x80, $0x38;
	[tilespmem:$0x1CF00] =	vst v63  }
0x37a: {  	s3 =	sadd.s32 $0x180, s30  }
0x37b: {  	[hbm4b:s3+s17] =	stream.linear.scatter [tilespmem:s18], [sflag:$0x2], $0x80, $0x38;
	[tilespmem:$0x1CF00] =	vst v63  }
0x37c: {  	s26 =	sadd.s32 $0x1, s26;
	s31 =	sadd.s32 $0x200, s30  }
0x37d: {  	[hbm4b:s31+s17] =	stream.linear.scatter [tilespmem:s20], [sflag:$0x2], $0x80, $0x38;
	[tilespmem:$0x1CF00] =	vst v63  }
0x37e: {  	p5 =	seq.s32 s26, $0x8;
	s1 =	sadd.s32 $0x280, s30  }
0x37f: {  	[hbm4b:s1+s17] =	stream.linear.scatter [tilespmem:s22], [sflag:$0x2], $0x80, $0x38;
	[tilespmem:$0x1CF00] =	vst v63  }
.Ltmp17:
0x380: {  	_ = 	snop;
	(pc) =	sbr.rel @!p5 .LBB2_32-.Ltmp17, $4  }
0x381: {  	s3 =	sadd.s32 $0x300, s30  }
0x382: {  	[hbm4b:s3+s17] =	stream.linear.scatter [tilespmem:s24], [sflag:$0x2], $0x80, $0x38;
	[tilespmem:$0x1CF00] =	vst v63  }
0x383: {  	s28 =	sadd.s32 $0x800, s28;
	s29 =	sadd.s32 $0x800, s29;
	s31 =	sadd.s32 $0x380, s30  }
0x384: {  	[hbm4b:s31+s17] =	stream.linear.scatter [tilespmem:s15], [sflag:$0x2], $0x80, $0x38;
	[tilespmem:$0x1CF00] =	vst v63  }
0x385: {  	s0 =	sld [smem:$0x7ED];
	_ =	sdelay $0x2  }
0x386: {  	s26 =	rddreg [dreg:$0xd];
	p5 =	seq.s32 s0, $0x1  }
0x387: {  	s0 =	simm.s32 @!p5 $0x80;
	s1 =	simm.s32 @!p5 $0x400;
	s3 =	simm.s32 @!p5 $0x18700  }
0x388: {  	[tilespmem:s3], [sflag:$0x3] =	stream.strided.gather @!p5 [hbm4b:s26+s0], $0x4000, s1, s0, $0x38;
	[tilespmem:$0x1CF00] =	vst v63  }
0x389: {  	s0 =	simm.s32 @!p5 $0x3  }
0x38a: {  	_ =	swait.ge @!p5 [sflag:s0], $0x4000  }
0x38b: {  	s1 =	sld [smem:$0x7DC]  }
0x38c: {  	s30 =	simm.s32 $0x400;
	s31 =	simm.s32 $0x3;
	[sflag:s0] =	ssyncset.done @!p5 $0x0  }
0x38d: {  	s26 =	simm.s32 $0x0;
	s3 =	simm.s32 $0x80;
	[sflag:s0] =	ssyncadd.s32 @!p5 $0xFFFFC000  }
0x38e: {  	[tilespmem:s26], [sflag:$0x3] =	stream.strided.gather [hbm4b:s1+s3], $0x18700, s30, s3, $0x38;
	[tilespmem:$0x1CF00] =	vst v63  }
0x38f: {  	_ =	swait.ge [sflag:s31], $0x18700  }
0x390: {  	[sflag:s31] =	ssyncset.done $0x0  }
0x391: {  	s28 =	simm.s32 $0x18740;
	s29 =	simm.s32 $0x18B70;
	[sflag:s31] =	ssyncadd.s32 $0xFFFE7900  }
.LBB2_38:
0x392: {  	s1 =	rddreg [dreg:$0x12];
	_ =	swait.ge [sflag:s23], $0x400  }
0x393: {  	[sflag:s23] =	ssyncset.done $0x0  }
0x394: {  	[sflag:s23] =	ssyncadd.s32 $0xFFFFFC00  }
0x395: {  	v0 =	vld [tilespmem:s28+$0x30]  }
0x396: {  	v1 =	vld [tilespmem:s28+$0xFFFFFFD0]  }
0x397: {  	v2 =	vld [tilespmem:s28+$0xFFFFFFE0]  }
0x398: {  	v3 =	vld [tilespmem:s28+$0xFFFFFFF0]  }
0x399: {  	v4 =	vld [tilespmem:s28+$0x0]  }
0x39a: {  	v6 =	vld [tilespmem:s28+$0x10]  }
0x39b: {  	v7 =	vld [tilespmem:s28+$0x20]  }
0x39c: {  	v8 =	vld [tilespmem:s28+$0xFFFFFFC0]  }
0x39d: {  	v9 =	vld.idx.msk [tilespmem:v0+s17+$0x0], $0xffff  }
0x39e: {  	v10 =	vld.idx.msk [tilespmem:v1+s17+$0x0], $0xffff  }
0x39f: {  	s0 =	sshll.u32 s26, $0xE;
	v5 =	vld.idx.msk [tilespmem:v2+s17+$0x0], $0xffff  }
0x3a0: {  	s0 =	sadd.s32 s1, s0;
	v3 =	vld.idx.msk [tilespmem:v3+s17+$0x0], $0xffff  }
0x3a1: {  	s0 =	sshrl.u32 s0, $0x3;
	v2 =	vld.idx.msk [tilespmem:v4+s17+$0x0], $0xffff  }
0x3a2: {  	s31 =	sadd.s32 s19, s0;
	s0 =	simm.s32 $0x1C740;
	v0 =	vld.idx.msk [tilespmem:v6+s17+$0x0], $0xffff  }
0x3a3: {  	v1 =	vld.idx.msk [tilespmem:v7+s17+$0x0], $0xffff;
	[tilespmem:s0+$0x30] =	vst v9  }
0x3a4: {  	s30 =	sshll.u32 s26, $0xB;
	s3 =	sadd.s32 $0x80, s28;
	s1 =	simm.s32 $0x0;
	v4 =	vld.idx.msk [tilespmem:v8+s17+$0x0], $0xffff;
	[tilespmem:s0+$0xFFFFFFD0] =	vst v10  }
.LBB2_39:
0x3a5: {  	v6 =	vld [tilespmem:s3+$0x30];
	s1 =	sadd.s32 $0x80, s1;
	[tilespmem:s0+$0xFFFFFFE0] =	vst v5  }
0x3a6: {  	v5 =	vld [tilespmem:s3+$0xFFFFFFD0];
	p5 =	slt.u32 s1, $0x380;
	[tilespmem:s0+$0xFFFFFFF0] =	vst v3  }
0x3a7: {  	v3 =	vld [tilespmem:s3+$0xFFFFFFE0];
	[tilespmem:s0+$0x0] =	vst v2  }
0x3a8: {  	v2 =	vld [tilespmem:s3+$0xFFFFFFF0];
	[tilespmem:s0+$0x10] =	vst v0  }
0x3a9: {  	v0 =	vld [tilespmem:s3+$0x0];
	[tilespmem:s0+$0x20] =	vst v1  }
0x3aa: {  	v1 =	vld [tilespmem:s3+$0x10];
	[tilespmem:s0+$0xFFFFFFC0] =	vst v4  }
0x3ab: {  	v4 =	vld [tilespmem:s3+$0x20]  }
0x3ac: {  	v7 =	vld [tilespmem:s3+$0xFFFFFFC0]  }
0x3ad: {  	v6 =	vld.idx.msk [tilespmem:v6+s17+$0x0], $0xffff  }
0x3ae: {  	v8 =	vld.idx.msk [tilespmem:v5+s17+$0x0], $0xffff  }
0x3af: {  	v5 =	vld.idx.msk [tilespmem:v3+s17+$0x0], $0xffff  }
.Ltmp18:
0x3b0: {  	v3 =	vld.idx.msk [tilespmem:v2+s17+$0x0], $0xffff;
	(pc) =	sbr.rel @p5 .LBB2_39-.Ltmp18, $4  }
0x3b1: {  	v2 =	vld.idx.msk [tilespmem:v0+s17+$0x0], $0xffff  }
0x3b2: {  	s0 =	sadd.s32 $0x100, s0;
	v0 =	vld.idx.msk [tilespmem:v1+s17+$0x0], $0xffff  }
0x3b3: {  	v1 =	vld.idx.msk [tilespmem:v4+s17+$0x0], $0xffff;
	[tilespmem:s0+$0x30] =	vst v6  }
0x3b4: {  	s3 =	sadd.s32 $0x80, s3;
	v4 =	vld.idx.msk [tilespmem:v7+s17+$0x0], $0xffff;
	[tilespmem:s0+$0xFFFFFFD0] =	vst v8  }
0x3b5: {  	[tilespmem:s0+$0xFFFFFFE0] =	vst v5  }
0x3b6: {  	[tilespmem:s0+$0xFFFFFFF0] =	vst v3  }
0x3b7: {  	[tilespmem:s0+$0x0] =	vst v2  }
0x3b8: {  	[tilespmem:s0+$0x10] =	vst v0  }
0x3b9: {  	[tilespmem:s0+$0x20] =	vst v1  }
0x3ba: {  	[tilespmem:s0+$0xFFFFFFC0] =	vst v4  }
0x3bb: {  	[hbm4b:s31+s17] =	stream.linear.scatter [tilespmem:s21], [sflag:$0x1], $0x80, $0x38;
	[tilespmem:$0x1CF00] =	vst v63  }
0x3bc: {  	s3 =	sadd.s32 $0x80, s31  }
0x3bd: {  	[hbm4b:s3+s17] =	stream.linear.scatter [tilespmem:s9], [sflag:$0x1], $0x80, $0x38;
	[tilespmem:$0x1CF00] =	vst v63  }
0x3be: {  	s1 =	sadd.s32 $0x100, s31  }
0x3bf: {  	[hbm4b:s1+s17] =	stream.linear.scatter [tilespmem:s11], [sflag:$0x1], $0x80, $0x38;
	[tilespmem:$0x1CF00] =	vst v63  }
0x3c0: {  	s3 =	sadd.s32 $0x180, s31  }
0x3c1: {  	[hbm4b:s3+s17] =	stream.linear.scatter [tilespmem:s13], [sflag:$0x1], $0x80, $0x38;
	[tilespmem:$0x1CF00] =	vst v63  }
0x3c2: {  	s1 =	sadd.s32 $0x200, s31  }
0x3c3: {  	[hbm4b:s1+s17] =	stream.linear.scatter [tilespmem:s4], [sflag:$0x1], $0x80, $0x38;
	[tilespmem:$0x1CF00] =	vst v63  }
0x3c4: {  	s3 =	sadd.s32 $0x280, s31  }
0x3c5: {  	[hbm4b:s3+s17] =	stream.linear.scatter [tilespmem:s6], [sflag:$0x1], $0x80, $0x38;
	[tilespmem:$0x1CF00] =	vst v63  }
0x3c6: {  	s1 =	sadd.s32 $0x300, s31  }
0x3c7: {  	[hbm4b:s1+s17] =	stream.linear.scatter [tilespmem:s8], [sflag:$0x1], $0x80, $0x38;
	[tilespmem:$0x1CF00] =	vst v63  }
0x3c8: {  	s3 =	sadd.s32 $0x380, s31  }
0x3c9: {  	[hbm4b:s3+s17] =	stream.linear.scatter [tilespmem:s10], [sflag:$0x1], $0x80, $0x38;
	[tilespmem:$0x1CF00] =	vst v63  }
0x3ca: {  	_ =	swait.ge [sflag:s25], $0x400  }
0x3cb: {  	[sflag:s25] =	ssyncset.done $0x0  }
0x3cc: {  	[sflag:s25] =	ssyncadd.s32 $0xFFFFFC00  }
0x3cd: {  	v0 =	vld [tilespmem:s29+$0x0]  }
0x3ce: {  	v1 =	vld [tilespmem:s29+$0xFFFFFFA0]  }
0x3cf: {  	v2 =	vld [tilespmem:s29+$0xFFFFFFB0]  }
0x3d0: {  	v3 =	vld [tilespmem:s29+$0xFFFFFFC0]  }
0x3d1: {  	v4 =	vld [tilespmem:s29+$0xFFFFFFD0]  }
0x3d2: {  	v6 =	vld [tilespmem:s29+$0xFFFFFFE0]  }
0x3d3: {  	v7 =	vld [tilespmem:s29+$0xFFFFFFF0]  }
0x3d4: {  	v8 =	vld [tilespmem:s29+$0xFFFFFF90]  }
0x3d5: {  	v9 =	vld.idx.msk [tilespmem:v0+s17+$0x0], $0xffff  }
0x3d6: {  	s31 =	sld [smem:$0x7F6];
	v10 =	vld.idx.msk [tilespmem:v1+s17+$0x0], $0xffff  }
0x3d7: {  	v5 =	vld.idx.msk [tilespmem:v2+s17+$0x0], $0xffff  }
0x3d8: {  	v3 =	vld.idx.msk [tilespmem:v3+s17+$0x0], $0xffff  }
0x3d9: {  	s0 =	sadd.s32 s30, s31;
	v2 =	vld.idx.msk [tilespmem:v4+s17+$0x0], $0xffff  }
0x3da: {  	s30 =	sadd.s32 $0x400, s0;
	s0 =	simm.s32 $0x1C7F0;
	v0 =	vld.idx.msk [tilespmem:v6+s17+$0x0], $0xffff  }
0x3db: {  	v1 =	vld.idx.msk [tilespmem:v7+s17+$0x0], $0xffff;
	[tilespmem:s0+$0x0] =	vst v9  }
0x3dc: {  	s1 =	simm.s32 $0x0;
	s3 =	sadd.s32 $0x80, s29;
	v4 =	vld.idx.msk [tilespmem:v8+s17+$0x0], $0xffff;
	[tilespmem:s0+$0xFFFFFFA0] =	vst v10  }
.LBB2_41:
0x3dd: {  	v6 =	vld [tilespmem:s3+$0x0];
	s1 =	sadd.s32 $0x80, s1;
	[tilespmem:s0+$0xFFFFFFB0] =	vst v5  }
0x3de: {  	v5 =	vld [tilespmem:s3+$0xFFFFFFA0];
	p5 =	slt.u32 s1, $0x380;
	[tilespmem:s0+$0xFFFFFFC0] =	vst v3  }
0x3df: {  	v3 =	vld [tilespmem:s3+$0xFFFFFFB0];
	[tilespmem:s0+$0xFFFFFFD0] =	vst v2  }
0x3e0: {  	v2 =	vld [tilespmem:s3+$0xFFFFFFC0];
	[tilespmem:s0+$0xFFFFFFE0] =	vst v0  }
0x3e1: {  	v0 =	vld [tilespmem:s3+$0xFFFFFFD0];
	[tilespmem:s0+$0xFFFFFFF0] =	vst v1  }
0x3e2: {  	v1 =	vld [tilespmem:s3+$0xFFFFFFE0];
	[tilespmem:s0+$0xFFFFFF90] =	vst v4  }
0x3e3: {  	v4 =	vld [tilespmem:s3+$0xFFFFFFF0]  }
0x3e4: {  	v7 =	vld [tilespmem:s3+$0xFFFFFF90]  }
0x3e5: {  	v6 =	vld.idx.msk [tilespmem:v6+s17+$0x0], $0xffff  }
0x3e6: {  	v8 =	vld.idx.msk [tilespmem:v5+s17+$0x0], $0xffff  }
0x3e7: {  	v5 =	vld.idx.msk [tilespmem:v3+s17+$0x0], $0xffff  }
.Ltmp19:
0x3e8: {  	v3 =	vld.idx.msk [tilespmem:v2+s17+$0x0], $0xffff;
	(pc) =	sbr.rel @p5 .LBB2_41-.Ltmp19, $4  }
0x3e9: {  	v2 =	vld.idx.msk [tilespmem:v0+s17+$0x0], $0xffff  }
0x3ea: {  	s0 =	sadd.s32 $0x100, s0;
	v0 =	vld.idx.msk [tilespmem:v1+s17+$0x0], $0xffff  }
0x3eb: {  	v1 =	vld.idx.msk [tilespmem:v4+s17+$0x0], $0xffff;
	[tilespmem:s0+$0x0] =	vst v6  }
0x3ec: {  	s3 =	sadd.s32 $0x80, s3;
	v4 =	vld.idx.msk [tilespmem:v7+s17+$0x0], $0xffff;
	[tilespmem:s0+$0xFFFFFFA0] =	vst v8  }
0x3ed: {  	[tilespmem:s0+$0xFFFFFFB0] =	vst v5  }
0x3ee: {  	[tilespmem:s0+$0xFFFFFFC0] =	vst v3  }
0x3ef: {  	[tilespmem:s0+$0xFFFFFFD0] =	vst v2  }
0x3f0: {  	[tilespmem:s0+$0xFFFFFFE0] =	vst v0  }
0x3f1: {  	[tilespmem:s0+$0xFFFFFFF0] =	vst v1  }
0x3f2: {  	[tilespmem:s0+$0xFFFFFF90] =	vst v4  }
0x3f3: {  	[hbm4b:s30+s17] =	stream.linear.scatter [tilespmem:s12], [sflag:$0x2], $0x80, $0x38;
	[tilespmem:$0x1CF00] =	vst v63  }
0x3f4: {  	s31 =	sadd.s32 $0x80, s30  }
0x3f5: {  	[hbm4b:s31+s17] =	stream.linear.scatter [tilespmem:s14], [sflag:$0x2], $0x80, $0x38;
	[tilespmem:$0x1CF00] =	vst v63  }
0x3f6: {  	s1 =	sadd.s32 $0x100, s30  }
0x3f7: {  	[hbm4b:s1+s17] =	stream.linear.scatter [tilespmem:s16], [sflag:$0x2], $0x80, $0x38;
	[tilespmem:$0x1CF00] =	vst v63  }
0x3f8: {  	s3 =	sadd.s32 $0x180, s30  }
0x3f9: {  	[hbm4b:s3+s17] =	stream.linear.scatter [tilespmem:s18], [sflag:$0x2], $0x80, $0x38;
	[tilespmem:$0x1CF00] =	vst v63  }
0x3fa: {  	s26 =	sadd.s32 $0x1, s26;
	s31 =	sadd.s32 $0x200, s30  }
0x3fb: {  	[hbm4b:s31+s17] =	stream.linear.scatter [tilespmem:s20], [sflag:$0x2], $0x80, $0x38;
	[tilespmem:$0x1CF00] =	vst v63  }
0x3fc: {  	p5 =	seq.s32 s26, $0x8;
	s1 =	sadd.s32 $0x280, s30  }
0x3fd: {  	[hbm4b:s1+s17] =	stream.linear.scatter [tilespmem:s22], [sflag:$0x2], $0x80, $0x38;
	[tilespmem:$0x1CF00] =	vst v63  }
.Ltmp20:
0x3fe: {  	_ = 	snop;
	(pc) =	sbr.rel @!p5 .LBB2_38-.Ltmp20, $4  }
0x3ff: {  	s3 =	sadd.s32 $0x300, s30  }
0x400: {  	[hbm4b:s3+s17] =	stream.linear.scatter [tilespmem:s24], [sflag:$0x2], $0x80, $0x38;
	[tilespmem:$0x1CF00] =	vst v63  }
0x401: {  	s28 =	sadd.s32 $0x800, s28;
	s29 =	sadd.s32 $0x800, s29;
	s31 =	sadd.s32 $0x380, s30  }
0x402: {  	[hbm4b:s31+s17] =	stream.linear.scatter [tilespmem:s15], [sflag:$0x2], $0x80, $0x38;
	[tilespmem:$0x1CF00] =	vst v63  }
0x403: {  	s0 =	sld [smem:$0x7EE];
	_ =	sdelay $0x2  }
0x404: {  	s26 =	rddreg [dreg:$0xf];
	p5 =	seq.s32 s0, $0x1  }
0x405: {  	s0 =	simm.s32 @!p5 $0x80;
	s1 =	simm.s32 @!p5 $0x400;
	s3 =	simm.s32 @!p5 $0x18700  }
0x406: {  	[tilespmem:s3], [sflag:$0x3] =	stream.strided.gather @!p5 [hbm4b:s26+s0], $0x4000, s1, s0, $0x38;
	[tilespmem:$0x1CF00] =	vst v63  }
0x407: {  	s0 =	simm.s32 @!p5 $0x3  }
0x408: {  	_ =	swait.ge @!p5 [sflag:s0], $0x4000  }
0x409: {  	s1 =	sld [smem:$0x7DD]  }
0x40a: {  	s30 =	simm.s32 $0x400;
	s31 =	simm.s32 $0x3;
	[sflag:s0] =	ssyncset.done @!p5 $0x0  }
0x40b: {  	s26 =	simm.s32 $0x0;
	s3 =	simm.s32 $0x80;
	[sflag:s0] =	ssyncadd.s32 @!p5 $0xFFFFC000  }
0x40c: {  	[tilespmem:s26], [sflag:$0x3] =	stream.strided.gather [hbm4b:s1+s3], $0x18700, s30, s3, $0x38;
	[tilespmem:$0x1CF00] =	vst v63  }
0x40d: {  	_ =	swait.ge [sflag:s31], $0x18700  }
0x40e: {  	[sflag:s31] =	ssyncset.done $0x0  }
0x40f: {  	s28 =	simm.s32 $0x18740;
	s29 =	simm.s32 $0x18B70;
	[sflag:s31] =	ssyncadd.s32 $0xFFFE7900  }
.LBB2_44:
0x410: {  	s1 =	rddreg [dreg:$0x14];
	_ =	swait.ge [sflag:s23], $0x400  }
0x411: {  	[sflag:s23] =	ssyncset.done $0x0  }
0x412: {  	[sflag:s23] =	ssyncadd.s32 $0xFFFFFC00  }
0x413: {  	v0 =	vld [tilespmem:s28+$0x30]  }
0x414: {  	v1 =	vld [tilespmem:s28+$0xFFFFFFD0]  }
0x415: {  	v2 =	vld [tilespmem:s28+$0xFFFFFFE0]  }
0x416: {  	v3 =	vld [tilespmem:s28+$0xFFFFFFF0]  }
0x417: {  	v4 =	vld [tilespmem:s28+$0x0]  }
0x418: {  	v6 =	vld [tilespmem:s28+$0x10]  }
0x419: {  	v7 =	vld [tilespmem:s28+$0x20]  }
0x41a: {  	v8 =	vld [tilespmem:s28+$0xFFFFFFC0]  }
0x41b: {  	v9 =	vld.idx.msk [tilespmem:v0+s17+$0x0], $0xffff  }
0x41c: {  	v10 =	vld.idx.msk [tilespmem:v1+s17+$0x0], $0xffff  }
0x41d: {  	s0 =	sshll.u32 s26, $0xE;
	v5 =	vld.idx.msk [tilespmem:v2+s17+$0x0], $0xffff  }
0x41e: {  	s0 =	sadd.s32 s1, s0;
	v3 =	vld.idx.msk [tilespmem:v3+s17+$0x0], $0xffff  }
0x41f: {  	s0 =	sshrl.u32 s0, $0x3;
	v2 =	vld.idx.msk [tilespmem:v4+s17+$0x0], $0xffff  }
0x420: {  	s31 =	sadd.s32 s19, s0;
	s0 =	simm.s32 $0x1C740;
	v0 =	vld.idx.msk [tilespmem:v6+s17+$0x0], $0xffff  }
0x421: {  	v1 =	vld.idx.msk [tilespmem:v7+s17+$0x0], $0xffff;
	[tilespmem:s0+$0x30] =	vst v9  }
0x422: {  	s30 =	sshll.u32 s26, $0xB;
	s3 =	sadd.s32 $0x80, s28;
	s1 =	simm.s32 $0x0;
	v4 =	vld.idx.msk [tilespmem:v8+s17+$0x0], $0xffff;
	[tilespmem:s0+$0xFFFFFFD0] =	vst v10  }
.LBB2_45:
0x423: {  	v6 =	vld [tilespmem:s3+$0x30];
	s1 =	sadd.s32 $0x80, s1;
	[tilespmem:s0+$0xFFFFFFE0] =	vst v5  }
0x424: {  	v5 =	vld [tilespmem:s3+$0xFFFFFFD0];
	p5 =	slt.u32 s1, $0x380;
	[tilespmem:s0+$0xFFFFFFF0] =	vst v3  }
0x425: {  	v3 =	vld [tilespmem:s3+$0xFFFFFFE0];
	[tilespmem:s0+$0x0] =	vst v2  }
0x426: {  	v2 =	vld [tilespmem:s3+$0xFFFFFFF0];
	[tilespmem:s0+$0x10] =	vst v0  }
0x427: {  	v0 =	vld [tilespmem:s3+$0x0];
	[tilespmem:s0+$0x20] =	vst v1  }
0x428: {  	v1 =	vld [tilespmem:s3+$0x10];
	[tilespmem:s0+$0xFFFFFFC0] =	vst v4  }
0x429: {  	v4 =	vld [tilespmem:s3+$0x20]  }
0x42a: {  	v7 =	vld [tilespmem:s3+$0xFFFFFFC0]  }
0x42b: {  	v6 =	vld.idx.msk [tilespmem:v6+s17+$0x0], $0xffff  }
0x42c: {  	v8 =	vld.idx.msk [tilespmem:v5+s17+$0x0], $0xffff  }
0x42d: {  	v5 =	vld.idx.msk [tilespmem:v3+s17+$0x0], $0xffff  }
.Ltmp21:
0x42e: {  	v3 =	vld.idx.msk [tilespmem:v2+s17+$0x0], $0xffff;
	(pc) =	sbr.rel @p5 .LBB2_45-.Ltmp21, $4  }
0x42f: {  	v2 =	vld.idx.msk [tilespmem:v0+s17+$0x0], $0xffff  }
0x430: {  	s0 =	sadd.s32 $0x100, s0;
	v0 =	vld.idx.msk [tilespmem:v1+s17+$0x0], $0xffff  }
0x431: {  	v1 =	vld.idx.msk [tilespmem:v4+s17+$0x0], $0xffff;
	[tilespmem:s0+$0x30] =	vst v6  }
0x432: {  	s3 =	sadd.s32 $0x80, s3;
	v4 =	vld.idx.msk [tilespmem:v7+s17+$0x0], $0xffff;
	[tilespmem:s0+$0xFFFFFFD0] =	vst v8  }
0x433: {  	[tilespmem:s0+$0xFFFFFFE0] =	vst v5  }
0x434: {  	[tilespmem:s0+$0xFFFFFFF0] =	vst v3  }
0x435: {  	[tilespmem:s0+$0x0] =	vst v2  }
0x436: {  	[tilespmem:s0+$0x10] =	vst v0  }
0x437: {  	[tilespmem:s0+$0x20] =	vst v1  }
0x438: {  	[tilespmem:s0+$0xFFFFFFC0] =	vst v4  }
0x439: {  	[hbm4b:s31+s17] =	stream.linear.scatter [tilespmem:s21], [sflag:$0x1], $0x80, $0x38;
	[tilespmem:$0x1CF00] =	vst v63  }
0x43a: {  	s3 =	sadd.s32 $0x80, s31  }
0x43b: {  	[hbm4b:s3+s17] =	stream.linear.scatter [tilespmem:s9], [sflag:$0x1], $0x80, $0x38;
	[tilespmem:$0x1CF00] =	vst v63  }
0x43c: {  	s1 =	sadd.s32 $0x100, s31  }
0x43d: {  	[hbm4b:s1+s17] =	stream.linear.scatter [tilespmem:s11], [sflag:$0x1], $0x80, $0x38;
	[tilespmem:$0x1CF00] =	vst v63  }
0x43e: {  	s3 =	sadd.s32 $0x180, s31  }
0x43f: {  	[hbm4b:s3+s17] =	stream.linear.scatter [tilespmem:s13], [sflag:$0x1], $0x80, $0x38;
	[tilespmem:$0x1CF00] =	vst v63  }
0x440: {  	s1 =	sadd.s32 $0x200, s31  }
0x441: {  	[hbm4b:s1+s17] =	stream.linear.scatter [tilespmem:s4], [sflag:$0x1], $0x80, $0x38;
	[tilespmem:$0x1CF00] =	vst v63  }
0x442: {  	s3 =	sadd.s32 $0x280, s31  }
0x443: {  	[hbm4b:s3+s17] =	stream.linear.scatter [tilespmem:s6], [sflag:$0x1], $0x80, $0x38;
	[tilespmem:$0x1CF00] =	vst v63  }
0x444: {  	s1 =	sadd.s32 $0x300, s31  }
0x445: {  	[hbm4b:s1+s17] =	stream.linear.scatter [tilespmem:s8], [sflag:$0x1], $0x80, $0x38;
	[tilespmem:$0x1CF00] =	vst v63  }
0x446: {  	s3 =	sadd.s32 $0x380, s31  }
0x447: {  	[hbm4b:s3+s17] =	stream.linear.scatter [tilespmem:s10], [sflag:$0x1], $0x80, $0x38;
	[tilespmem:$0x1CF00] =	vst v63  }
0x448: {  	_ =	swait.ge [sflag:s25], $0x400  }
0x449: {  	[sflag:s25] =	ssyncset.done $0x0  }
0x44a: {  	[sflag:s25] =	ssyncadd.s32 $0xFFFFFC00  }
0x44b: {  	v0 =	vld [tilespmem:s29+$0x0]  }
0x44c: {  	v1 =	vld [tilespmem:s29+$0xFFFFFFA0]  }
0x44d: {  	v2 =	vld [tilespmem:s29+$0xFFFFFFB0]  }
0x44e: {  	v3 =	vld [tilespmem:s29+$0xFFFFFFC0]  }
0x44f: {  	v4 =	vld [tilespmem:s29+$0xFFFFFFD0]  }
0x450: {  	v6 =	vld [tilespmem:s29+$0xFFFFFFE0]  }
0x451: {  	v7 =	vld [tilespmem:s29+$0xFFFFFFF0]  }
0x452: {  	v8 =	vld [tilespmem:s29+$0xFFFFFF90]  }
0x453: {  	v9 =	vld.idx.msk [tilespmem:v0+s17+$0x0], $0xffff  }
0x454: {  	s31 =	sld [smem:$0x7F7];
	v10 =	vld.idx.msk [tilespmem:v1+s17+$0x0], $0xffff  }
0x455: {  	v5 =	vld.idx.msk [tilespmem:v2+s17+$0x0], $0xffff  }
0x456: {  	v3 =	vld.idx.msk [tilespmem:v3+s17+$0x0], $0xffff  }
0x457: {  	s0 =	sadd.s32 s30, s31;
	v2 =	vld.idx.msk [tilespmem:v4+s17+$0x0], $0xffff  }
0x458: {  	s30 =	sadd.s32 $0x400, s0;
	s0 =	simm.s32 $0x1C7F0;
	v0 =	vld.idx.msk [tilespmem:v6+s17+$0x0], $0xffff  }
0x459: {  	v1 =	vld.idx.msk [tilespmem:v7+s17+$0x0], $0xffff;
	[tilespmem:s0+$0x0] =	vst v9  }
0x45a: {  	s1 =	simm.s32 $0x0;
	s3 =	sadd.s32 $0x80, s29;
	v4 =	vld.idx.msk [tilespmem:v8+s17+$0x0], $0xffff;
	[tilespmem:s0+$0xFFFFFFA0] =	vst v10  }
.LBB2_47:
0x45b: {  	v6 =	vld [tilespmem:s3+$0x0];
	s1 =	sadd.s32 $0x80, s1;
	[tilespmem:s0+$0xFFFFFFB0] =	vst v5  }
0x45c: {  	v5 =	vld [tilespmem:s3+$0xFFFFFFA0];
	p5 =	slt.u32 s1, $0x380;
	[tilespmem:s0+$0xFFFFFFC0] =	vst v3  }
0x45d: {  	v3 =	vld [tilespmem:s3+$0xFFFFFFB0];
	[tilespmem:s0+$0xFFFFFFD0] =	vst v2  }
0x45e: {  	v2 =	vld [tilespmem:s3+$0xFFFFFFC0];
	[tilespmem:s0+$0xFFFFFFE0] =	vst v0  }
0x45f: {  	v0 =	vld [tilespmem:s3+$0xFFFFFFD0];
	[tilespmem:s0+$0xFFFFFFF0] =	vst v1  }
0x460: {  	v1 =	vld [tilespmem:s3+$0xFFFFFFE0];
	[tilespmem:s0+$0xFFFFFF90] =	vst v4  }
0x461: {  	v4 =	vld [tilespmem:s3+$0xFFFFFFF0]  }
0x462: {  	v7 =	vld [tilespmem:s3+$0xFFFFFF90]  }
0x463: {  	v6 =	vld.idx.msk [tilespmem:v6+s17+$0x0], $0xffff  }
0x464: {  	v8 =	vld.idx.msk [tilespmem:v5+s17+$0x0], $0xffff  }
0x465: {  	v5 =	vld.idx.msk [tilespmem:v3+s17+$0x0], $0xffff  }
.Ltmp22:
0x466: {  	v3 =	vld.idx.msk [tilespmem:v2+s17+$0x0], $0xffff;
	(pc) =	sbr.rel @p5 .LBB2_47-.Ltmp22, $4  }
0x467: {  	v2 =	vld.idx.msk [tilespmem:v0+s17+$0x0], $0xffff  }
0x468: {  	s0 =	sadd.s32 $0x100, s0;
	v0 =	vld.idx.msk [tilespmem:v1+s17+$0x0], $0xffff  }
0x469: {  	v1 =	vld.idx.msk [tilespmem:v4+s17+$0x0], $0xffff;
	[tilespmem:s0+$0x0] =	vst v6  }
0x46a: {  	s3 =	sadd.s32 $0x80, s3;
	v4 =	vld.idx.msk [tilespmem:v7+s17+$0x0], $0xffff;
	[tilespmem:s0+$0xFFFFFFA0] =	vst v8  }
0x46b: {  	[tilespmem:s0+$0xFFFFFFB0] =	vst v5  }
0x46c: {  	[tilespmem:s0+$0xFFFFFFC0] =	vst v3  }
0x46d: {  	[tilespmem:s0+$0xFFFFFFD0] =	vst v2  }
0x46e: {  	[tilespmem:s0+$0xFFFFFFE0] =	vst v0  }
0x46f: {  	[tilespmem:s0+$0xFFFFFFF0] =	vst v1  }
0x470: {  	[tilespmem:s0+$0xFFFFFF90] =	vst v4  }
0x471: {  	[hbm4b:s30+s17] =	stream.linear.scatter [tilespmem:s12], [sflag:$0x2], $0x80, $0x38;
	[tilespmem:$0x1CF00] =	vst v63  }
0x472: {  	s31 =	sadd.s32 $0x80, s30  }
0x473: {  	[hbm4b:s31+s17] =	stream.linear.scatter [tilespmem:s14], [sflag:$0x2], $0x80, $0x38;
	[tilespmem:$0x1CF00] =	vst v63  }
0x474: {  	s1 =	sadd.s32 $0x100, s30  }
0x475: {  	[hbm4b:s1+s17] =	stream.linear.scatter [tilespmem:s16], [sflag:$0x2], $0x80, $0x38;
	[tilespmem:$0x1CF00] =	vst v63  }
0x476: {  	s3 =	sadd.s32 $0x180, s30  }
0x477: {  	[hbm4b:s3+s17] =	stream.linear.scatter [tilespmem:s18], [sflag:$0x2], $0x80, $0x38;
	[tilespmem:$0x1CF00] =	vst v63  }
0x478: {  	s26 =	sadd.s32 $0x1, s26;
	s31 =	sadd.s32 $0x200, s30  }
0x479: {  	[hbm4b:s31+s17] =	stream.linear.scatter [tilespmem:s20], [sflag:$0x2], $0x80, $0x38;
	[tilespmem:$0x1CF00] =	vst v63  }
0x47a: {  	p5 =	seq.s32 s26, $0x8;
	s1 =	sadd.s32 $0x280, s30  }
0x47b: {  	[hbm4b:s1+s17] =	stream.linear.scatter [tilespmem:s22], [sflag:$0x2], $0x80, $0x38;
	[tilespmem:$0x1CF00] =	vst v63  }
.Ltmp23:
0x47c: {  	_ = 	snop;
	(pc) =	sbr.rel @!p5 .LBB2_44-.Ltmp23, $4  }
0x47d: {  	s3 =	sadd.s32 $0x300, s30  }
0x47e: {  	[hbm4b:s3+s17] =	stream.linear.scatter [tilespmem:s24], [sflag:$0x2], $0x80, $0x38;
	[tilespmem:$0x1CF00] =	vst v63  }
0x47f: {  	s28 =	sadd.s32 $0x800, s28;
	s29 =	sadd.s32 $0x800, s29;
	s31 =	sadd.s32 $0x380, s30  }
0x480: {  	[hbm4b:s31+s17] =	stream.linear.scatter [tilespmem:s15], [sflag:$0x2], $0x80, $0x38;
	[tilespmem:$0x1CF00] =	vst v63  }
0x481: {  	s0 =	simm.s32 @!p0 $0x80  }
0x482: {  	s1 =	simm.s32 @!p0 $0x400;
	s3 =	simm.s32 @!p0 $0x18700;
	s26 =	rddreg [dreg:$0x11]  }
0x483: {  	[tilespmem:s3], [sflag:$0x3] =	stream.strided.gather @!p0 [hbm4b:s26+s0], $0x4000, s1, s0, $0x38;
	[tilespmem:$0x1CF00] =	vst v63  }
0x484: {  	s0 =	simm.s32 @!p0 $0x3  }
0x485: {  	_ =	swait.ge @!p0 [sflag:s0], $0x4000  }
0x486: {  	s1 =	sld [smem:$0x7DE]  }
0x487: {  	s30 =	simm.s32 $0x400;
	s31 =	simm.s32 $0x3;
	[sflag:s0] =	ssyncset.done @!p0 $0x0  }
0x488: {  	s26 =	simm.s32 $0x0;
	s3 =	simm.s32 $0x80;
	[sflag:s0] =	ssyncadd.s32 @!p0 $0xFFFFC000  }
0x489: {  	[tilespmem:s26], [sflag:$0x3] =	stream.strided.gather [hbm4b:s1+s3], $0x18700, s30, s3, $0x38;
	[tilespmem:$0x1CF00] =	vst v63  }
0x48a: {  	_ =	swait.ge [sflag:s31], $0x18700  }
0x48b: {  	[sflag:s31] =	ssyncset.done $0x0  }
0x48c: {  	s28 =	simm.s32 $0x18740;
	s29 =	simm.s32 $0x18B70;
	[sflag:s31] =	ssyncadd.s32 $0xFFFE7900  }
.LBB2_50:
0x48d: {  	s1 =	rddreg [dreg:$0x16];
	_ =	swait.ge [sflag:s23], $0x400  }
0x48e: {  	[sflag:s23] =	ssyncset.done $0x0  }
0x48f: {  	[sflag:s23] =	ssyncadd.s32 $0xFFFFFC00  }
0x490: {  	v0 =	vld [tilespmem:s28+$0x30]  }
0x491: {  	v1 =	vld [tilespmem:s28+$0xFFFFFFD0]  }
0x492: {  	v2 =	vld [tilespmem:s28+$0xFFFFFFE0]  }
0x493: {  	v3 =	vld [tilespmem:s28+$0xFFFFFFF0]  }
0x494: {  	v4 =	vld [tilespmem:s28+$0x0]  }
0x495: {  	v6 =	vld [tilespmem:s28+$0x10]  }
0x496: {  	v7 =	vld [tilespmem:s28+$0x20]  }
0x497: {  	v8 =	vld [tilespmem:s28+$0xFFFFFFC0]  }
0x498: {  	v9 =	vld.idx.msk [tilespmem:v0+s17+$0x0], $0xffff  }
0x499: {  	v10 =	vld.idx.msk [tilespmem:v1+s17+$0x0], $0xffff  }
0x49a: {  	s0 =	sshll.u32 s26, $0xE;
	v5 =	vld.idx.msk [tilespmem:v2+s17+$0x0], $0xffff  }
0x49b: {  	s0 =	sadd.s32 s1, s0;
	v3 =	vld.idx.msk [tilespmem:v3+s17+$0x0], $0xffff  }
0x49c: {  	s0 =	sshrl.u32 s0, $0x3;
	v2 =	vld.idx.msk [tilespmem:v4+s17+$0x0], $0xffff  }
0x49d: {  	s31 =	sadd.s32 s19, s0;
	s0 =	simm.s32 $0x1C740;
	v0 =	vld.idx.msk [tilespmem:v6+s17+$0x0], $0xffff  }
0x49e: {  	v1 =	vld.idx.msk [tilespmem:v7+s17+$0x0], $0xffff;
	[tilespmem:s0+$0x30] =	vst v9  }
0x49f: {  	s30 =	sshll.u32 s26, $0xB;
	s3 =	sadd.s32 $0x80, s28;
	s1 =	simm.s32 $0x0;
	v4 =	vld.idx.msk [tilespmem:v8+s17+$0x0], $0xffff;
	[tilespmem:s0+$0xFFFFFFD0] =	vst v10  }
.LBB2_51:
0x4a0: {  	v6 =	vld [tilespmem:s3+$0x30];
	s1 =	sadd.s32 $0x80, s1;
	[tilespmem:s0+$0xFFFFFFE0] =	vst v5  }
0x4a1: {  	v5 =	vld [tilespmem:s3+$0xFFFFFFD0];
	p5 =	slt.u32 s1, $0x380;
	[tilespmem:s0+$0xFFFFFFF0] =	vst v3  }
0x4a2: {  	v3 =	vld [tilespmem:s3+$0xFFFFFFE0];
	[tilespmem:s0+$0x0] =	vst v2  }
0x4a3: {  	v2 =	vld [tilespmem:s3+$0xFFFFFFF0];
	[tilespmem:s0+$0x10] =	vst v0  }
0x4a4: {  	v0 =	vld [tilespmem:s3+$0x0];
	[tilespmem:s0+$0x20] =	vst v1  }
0x4a5: {  	v1 =	vld [tilespmem:s3+$0x10];
	[tilespmem:s0+$0xFFFFFFC0] =	vst v4  }
0x4a6: {  	v4 =	vld [tilespmem:s3+$0x20]  }
0x4a7: {  	v7 =	vld [tilespmem:s3+$0xFFFFFFC0]  }
0x4a8: {  	v6 =	vld.idx.msk [tilespmem:v6+s17+$0x0], $0xffff  }
0x4a9: {  	v8 =	vld.idx.msk [tilespmem:v5+s17+$0x0], $0xffff  }
0x4aa: {  	v5 =	vld.idx.msk [tilespmem:v3+s17+$0x0], $0xffff  }
.Ltmp24:
0x4ab: {  	v3 =	vld.idx.msk [tilespmem:v2+s17+$0x0], $0xffff;
	(pc) =	sbr.rel @p5 .LBB2_51-.Ltmp24, $4  }
0x4ac: {  	v2 =	vld.idx.msk [tilespmem:v0+s17+$0x0], $0xffff  }
0x4ad: {  	s0 =	sadd.s32 $0x100, s0;
	v0 =	vld.idx.msk [tilespmem:v1+s17+$0x0], $0xffff  }
0x4ae: {  	v1 =	vld.idx.msk [tilespmem:v4+s17+$0x0], $0xffff;
	[tilespmem:s0+$0x30] =	vst v6  }
0x4af: {  	s3 =	sadd.s32 $0x80, s3;
	v4 =	vld.idx.msk [tilespmem:v7+s17+$0x0], $0xffff;
	[tilespmem:s0+$0xFFFFFFD0] =	vst v8  }
0x4b0: {  	[tilespmem:s0+$0xFFFFFFE0] =	vst v5  }
0x4b1: {  	[tilespmem:s0+$0xFFFFFFF0] =	vst v3  }
0x4b2: {  	[tilespmem:s0+$0x0] =	vst v2  }
0x4b3: {  	[tilespmem:s0+$0x10] =	vst v0  }
0x4b4: {  	[tilespmem:s0+$0x20] =	vst v1  }
0x4b5: {  	[tilespmem:s0+$0xFFFFFFC0] =	vst v4  }
0x4b6: {  	[hbm4b:s31+s17] =	stream.linear.scatter [tilespmem:s21], [sflag:$0x1], $0x80, $0x38;
	[tilespmem:$0x1CF00] =	vst v63  }
0x4b7: {  	s3 =	sadd.s32 $0x80, s31  }
0x4b8: {  	[hbm4b:s3+s17] =	stream.linear.scatter [tilespmem:s9], [sflag:$0x1], $0x80, $0x38;
	[tilespmem:$0x1CF00] =	vst v63  }
0x4b9: {  	s1 =	sadd.s32 $0x100, s31  }
0x4ba: {  	[hbm4b:s1+s17] =	stream.linear.scatter [tilespmem:s11], [sflag:$0x1], $0x80, $0x38;
	[tilespmem:$0x1CF00] =	vst v63  }
0x4bb: {  	s3 =	sadd.s32 $0x180, s31  }
0x4bc: {  	[hbm4b:s3+s17] =	stream.linear.scatter [tilespmem:s13], [sflag:$0x1], $0x80, $0x38;
	[tilespmem:$0x1CF00] =	vst v63  }
0x4bd: {  	s1 =	sadd.s32 $0x200, s31  }
0x4be: {  	[hbm4b:s1+s17] =	stream.linear.scatter [tilespmem:s4], [sflag:$0x1], $0x80, $0x38;
	[tilespmem:$0x1CF00] =	vst v63  }
0x4bf: {  	s3 =	sadd.s32 $0x280, s31  }
0x4c0: {  	[hbm4b:s3+s17] =	stream.linear.scatter [tilespmem:s6], [sflag:$0x1], $0x80, $0x38;
	[tilespmem:$0x1CF00] =	vst v63  }
0x4c1: {  	s1 =	sadd.s32 $0x300, s31  }
0x4c2: {  	[hbm4b:s1+s17] =	stream.linear.scatter [tilespmem:s8], [sflag:$0x1], $0x80, $0x38;
	[tilespmem:$0x1CF00] =	vst v63  }
0x4c3: {  	s3 =	sadd.s32 $0x380, s31  }
0x4c4: {  	[hbm4b:s3+s17] =	stream.linear.scatter [tilespmem:s10], [sflag:$0x1], $0x80, $0x38;
	[tilespmem:$0x1CF00] =	vst v63  }
0x4c5: {  	_ =	swait.ge [sflag:s25], $0x400  }
0x4c6: {  	[sflag:s25] =	ssyncset.done $0x0  }
0x4c7: {  	[sflag:s25] =	ssyncadd.s32 $0xFFFFFC00  }
0x4c8: {  	v0 =	vld [tilespmem:s29+$0x0]  }
0x4c9: {  	v1 =	vld [tilespmem:s29+$0xFFFFFFA0]  }
0x4ca: {  	v2 =	vld [tilespmem:s29+$0xFFFFFFB0]  }
0x4cb: {  	v3 =	vld [tilespmem:s29+$0xFFFFFFC0]  }
0x4cc: {  	v4 =	vld [tilespmem:s29+$0xFFFFFFD0]  }
0x4cd: {  	v6 =	vld [tilespmem:s29+$0xFFFFFFE0]  }
0x4ce: {  	v7 =	vld [tilespmem:s29+$0xFFFFFFF0]  }
0x4cf: {  	v8 =	vld [tilespmem:s29+$0xFFFFFF90]  }
0x4d0: {  	v9 =	vld.idx.msk [tilespmem:v0+s17+$0x0], $0xffff  }
0x4d1: {  	s31 =	sld [smem:$0x7F8];
	v10 =	vld.idx.msk [tilespmem:v1+s17+$0x0], $0xffff  }
0x4d2: {  	v5 =	vld.idx.msk [tilespmem:v2+s17+$0x0], $0xffff  }
0x4d3: {  	v3 =	vld.idx.msk [tilespmem:v3+s17+$0x0], $0xffff  }
0x4d4: {  	s0 =	sadd.s32 s30, s31;
	v2 =	vld.idx.msk [tilespmem:v4+s17+$0x0], $0xffff  }
0x4d5: {  	s30 =	sadd.s32 $0x400, s0;
	s0 =	simm.s32 $0x1C7F0;
	v0 =	vld.idx.msk [tilespmem:v6+s17+$0x0], $0xffff  }
0x4d6: {  	v1 =	vld.idx.msk [tilespmem:v7+s17+$0x0], $0xffff;
	[tilespmem:s0+$0x0] =	vst v9  }
0x4d7: {  	s1 =	simm.s32 $0x0;
	s3 =	sadd.s32 $0x80, s29;
	v4 =	vld.idx.msk [tilespmem:v8+s17+$0x0], $0xffff;
	[tilespmem:s0+$0xFFFFFFA0] =	vst v10  }
.LBB2_53:
0x4d8: {  	v6 =	vld [tilespmem:s3+$0x0];
	s1 =	sadd.s32 $0x80, s1;
	[tilespmem:s0+$0xFFFFFFB0] =	vst v5  }
0x4d9: {  	v5 =	vld [tilespmem:s3+$0xFFFFFFA0];
	p5 =	slt.u32 s1, $0x380;
	[tilespmem:s0+$0xFFFFFFC0] =	vst v3  }
0x4da: {  	v3 =	vld [tilespmem:s3+$0xFFFFFFB0];
	[tilespmem:s0+$0xFFFFFFD0] =	vst v2  }
0x4db: {  	v2 =	vld [tilespmem:s3+$0xFFFFFFC0];
	[tilespmem:s0+$0xFFFFFFE0] =	vst v0  }
0x4dc: {  	v0 =	vld [tilespmem:s3+$0xFFFFFFD0];
	[tilespmem:s0+$0xFFFFFFF0] =	vst v1  }
0x4dd: {  	v1 =	vld [tilespmem:s3+$0xFFFFFFE0];
	[tilespmem:s0+$0xFFFFFF90] =	vst v4  }
0x4de: {  	v4 =	vld [tilespmem:s3+$0xFFFFFFF0]  }
0x4df: {  	v7 =	vld [tilespmem:s3+$0xFFFFFF90]  }
0x4e0: {  	v6 =	vld.idx.msk [tilespmem:v6+s17+$0x0], $0xffff  }
0x4e1: {  	v8 =	vld.idx.msk [tilespmem:v5+s17+$0x0], $0xffff  }
0x4e2: {  	v5 =	vld.idx.msk [tilespmem:v3+s17+$0x0], $0xffff  }
.Ltmp25:
0x4e3: {  	v3 =	vld.idx.msk [tilespmem:v2+s17+$0x0], $0xffff;
	(pc) =	sbr.rel @p5 .LBB2_53-.Ltmp25, $4  }
0x4e4: {  	v2 =	vld.idx.msk [tilespmem:v0+s17+$0x0], $0xffff  }
0x4e5: {  	s0 =	sadd.s32 $0x100, s0;
	v0 =	vld.idx.msk [tilespmem:v1+s17+$0x0], $0xffff  }
0x4e6: {  	v1 =	vld.idx.msk [tilespmem:v4+s17+$0x0], $0xffff;
	[tilespmem:s0+$0x0] =	vst v6  }
0x4e7: {  	s3 =	sadd.s32 $0x80, s3;
	v4 =	vld.idx.msk [tilespmem:v7+s17+$0x0], $0xffff;
	[tilespmem:s0+$0xFFFFFFA0] =	vst v8  }
0x4e8: {  	[tilespmem:s0+$0xFFFFFFB0] =	vst v5  }
0x4e9: {  	[tilespmem:s0+$0xFFFFFFC0] =	vst v3  }
0x4ea: {  	[tilespmem:s0+$0xFFFFFFD0] =	vst v2  }
0x4eb: {  	[tilespmem:s0+$0xFFFFFFE0] =	vst v0  }
0x4ec: {  	[tilespmem:s0+$0xFFFFFFF0] =	vst v1  }
0x4ed: {  	[tilespmem:s0+$0xFFFFFF90] =	vst v4  }
0x4ee: {  	[hbm4b:s30+s17] =	stream.linear.scatter [tilespmem:s12], [sflag:$0x2], $0x80, $0x38;
	[tilespmem:$0x1CF00] =	vst v63  }
0x4ef: {  	s31 =	sadd.s32 $0x80, s30  }
0x4f0: {  	[hbm4b:s31+s17] =	stream.linear.scatter [tilespmem:s14], [sflag:$0x2], $0x80, $0x38;
	[tilespmem:$0x1CF00] =	vst v63  }
0x4f1: {  	s1 =	sadd.s32 $0x100, s30  }
0x4f2: {  	[hbm4b:s1+s17] =	stream.linear.scatter [tilespmem:s16], [sflag:$0x2], $0x80, $0x38;
	[tilespmem:$0x1CF00] =	vst v63  }
0x4f3: {  	s3 =	sadd.s32 $0x180, s30  }
0x4f4: {  	[hbm4b:s3+s17] =	stream.linear.scatter [tilespmem:s18], [sflag:$0x2], $0x80, $0x38;
	[tilespmem:$0x1CF00] =	vst v63  }
0x4f5: {  	s26 =	sadd.s32 $0x1, s26;
	s31 =	sadd.s32 $0x200, s30  }
0x4f6: {  	[hbm4b:s31+s17] =	stream.linear.scatter [tilespmem:s20], [sflag:$0x2], $0x80, $0x38;
	[tilespmem:$0x1CF00] =	vst v63  }
0x4f7: {  	p5 =	seq.s32 s26, $0x8;
	s1 =	sadd.s32 $0x280, s30  }
0x4f8: {  	[hbm4b:s1+s17] =	stream.linear.scatter [tilespmem:s22], [sflag:$0x2], $0x80, $0x38;
	[tilespmem:$0x1CF00] =	vst v63  }
.Ltmp26:
0x4f9: {  	_ = 	snop;
	(pc) =	sbr.rel @!p5 .LBB2_50-.Ltmp26, $4  }
0x4fa: {  	s3 =	sadd.s32 $0x300, s30  }
0x4fb: {  	[hbm4b:s3+s17] =	stream.linear.scatter [tilespmem:s24], [sflag:$0x2], $0x80, $0x38;
	[tilespmem:$0x1CF00] =	vst v63  }
0x4fc: {  	s28 =	sadd.s32 $0x800, s28;
	s29 =	sadd.s32 $0x800, s29;
	s31 =	sadd.s32 $0x380, s30  }
0x4fd: {  	[hbm4b:s31+s17] =	stream.linear.scatter [tilespmem:s15], [sflag:$0x2], $0x80, $0x38;
	[tilespmem:$0x1CF00] =	vst v63  }
0x4fe: {  	s0 =	simm.s32 @!p1 $0x80  }
0x4ff: {  	s1 =	simm.s32 @!p1 $0x400;
	s3 =	simm.s32 @!p1 $0x18700;
	s26 =	rddreg [dreg:$0x13]  }
0x500: {  	[tilespmem:s3], [sflag:$0x3] =	stream.strided.gather @!p1 [hbm4b:s26+s0], $0x4000, s1, s0, $0x38;
	[tilespmem:$0x1CF00] =	vst v63  }
0x501: {  	s0 =	simm.s32 @!p1 $0x3  }
0x502: {  	_ =	swait.ge @!p1 [sflag:s0], $0x4000  }
0x503: {  	s1 =	sld [smem:$0x7DF]  }
0x504: {  	s30 =	simm.s32 $0x400;
	s31 =	simm.s32 $0x3;
	[sflag:s0] =	ssyncset.done @!p1 $0x0  }
0x505: {  	s26 =	simm.s32 $0x0;
	s3 =	simm.s32 $0x80;
	[sflag:s0] =	ssyncadd.s32 @!p1 $0xFFFFC000  }
0x506: {  	[tilespmem:s26], [sflag:$0x3] =	stream.strided.gather [hbm4b:s1+s3], $0x18700, s30, s3, $0x38;
	[tilespmem:$0x1CF00] =	vst v63  }
0x507: {  	_ =	swait.ge [sflag:s31], $0x18700  }
0x508: {  	[sflag:s31] =	ssyncset.done $0x0  }
0x509: {  	s28 =	simm.s32 $0x18740;
	s29 =	simm.s32 $0x18B70;
	[sflag:s31] =	ssyncadd.s32 $0xFFFE7900  }
.LBB2_56:
0x50a: {  	s1 =	rddreg [dreg:$0x18];
	_ =	swait.ge [sflag:s23], $0x400  }
0x50b: {  	[sflag:s23] =	ssyncset.done $0x0  }
0x50c: {  	[sflag:s23] =	ssyncadd.s32 $0xFFFFFC00  }
0x50d: {  	v0 =	vld [tilespmem:s28+$0x30]  }
0x50e: {  	v1 =	vld [tilespmem:s28+$0xFFFFFFD0]  }
0x50f: {  	v2 =	vld [tilespmem:s28+$0xFFFFFFE0]  }
0x510: {  	v3 =	vld [tilespmem:s28+$0xFFFFFFF0]  }
0x511: {  	v4 =	vld [tilespmem:s28+$0x0]  }
0x512: {  	v6 =	vld [tilespmem:s28+$0x10]  }
0x513: {  	v7 =	vld [tilespmem:s28+$0x20]  }
0x514: {  	v8 =	vld [tilespmem:s28+$0xFFFFFFC0]  }
0x515: {  	v9 =	vld.idx.msk [tilespmem:v0+s17+$0x0], $0xffff  }
0x516: {  	v10 =	vld.idx.msk [tilespmem:v1+s17+$0x0], $0xffff  }
0x517: {  	s0 =	sshll.u32 s26, $0xE;
	v5 =	vld.idx.msk [tilespmem:v2+s17+$0x0], $0xffff  }
0x518: {  	s0 =	sadd.s32 s1, s0;
	v3 =	vld.idx.msk [tilespmem:v3+s17+$0x0], $0xffff  }
0x519: {  	s0 =	sshrl.u32 s0, $0x3;
	v2 =	vld.idx.msk [tilespmem:v4+s17+$0x0], $0xffff  }
0x51a: {  	s31 =	sadd.s32 s19, s0;
	s0 =	simm.s32 $0x1C740;
	v0 =	vld.idx.msk [tilespmem:v6+s17+$0x0], $0xffff  }
0x51b: {  	v1 =	vld.idx.msk [tilespmem:v7+s17+$0x0], $0xffff;
	[tilespmem:s0+$0x30] =	vst v9  }
0x51c: {  	s30 =	sshll.u32 s26, $0xB;
	s3 =	sadd.s32 $0x80, s28;
	s1 =	simm.s32 $0x0;
	v4 =	vld.idx.msk [tilespmem:v8+s17+$0x0], $0xffff;
	[tilespmem:s0+$0xFFFFFFD0] =	vst v10  }
.LBB2_57:
0x51d: {  	v6 =	vld [tilespmem:s3+$0x30];
	s1 =	sadd.s32 $0x80, s1;
	[tilespmem:s0+$0xFFFFFFE0] =	vst v5  }
0x51e: {  	v5 =	vld [tilespmem:s3+$0xFFFFFFD0];
	p5 =	slt.u32 s1, $0x380;
	[tilespmem:s0+$0xFFFFFFF0] =	vst v3  }
0x51f: {  	v3 =	vld [tilespmem:s3+$0xFFFFFFE0];
	[tilespmem:s0+$0x0] =	vst v2  }
0x520: {  	v2 =	vld [tilespmem:s3+$0xFFFFFFF0];
	[tilespmem:s0+$0x10] =	vst v0  }
0x521: {  	v0 =	vld [tilespmem:s3+$0x0];
	[tilespmem:s0+$0x20] =	vst v1  }
0x522: {  	v1 =	vld [tilespmem:s3+$0x10];
	[tilespmem:s0+$0xFFFFFFC0] =	vst v4  }
0x523: {  	v4 =	vld [tilespmem:s3+$0x20]  }
0x524: {  	v7 =	vld [tilespmem:s3+$0xFFFFFFC0]  }
0x525: {  	v6 =	vld.idx.msk [tilespmem:v6+s17+$0x0], $0xffff  }
0x526: {  	v8 =	vld.idx.msk [tilespmem:v5+s17+$0x0], $0xffff  }
0x527: {  	v5 =	vld.idx.msk [tilespmem:v3+s17+$0x0], $0xffff  }
.Ltmp27:
0x528: {  	v3 =	vld.idx.msk [tilespmem:v2+s17+$0x0], $0xffff;
	(pc) =	sbr.rel @p5 .LBB2_57-.Ltmp27, $4  }
0x529: {  	v2 =	vld.idx.msk [tilespmem:v0+s17+$0x0], $0xffff  }
0x52a: {  	s0 =	sadd.s32 $0x100, s0;
	v0 =	vld.idx.msk [tilespmem:v1+s17+$0x0], $0xffff  }
0x52b: {  	v1 =	vld.idx.msk [tilespmem:v4+s17+$0x0], $0xffff;
	[tilespmem:s0+$0x30] =	vst v6  }
0x52c: {  	s3 =	sadd.s32 $0x80, s3;
	v4 =	vld.idx.msk [tilespmem:v7+s17+$0x0], $0xffff;
	[tilespmem:s0+$0xFFFFFFD0] =	vst v8  }
0x52d: {  	[tilespmem:s0+$0xFFFFFFE0] =	vst v5  }
0x52e: {  	[tilespmem:s0+$0xFFFFFFF0] =	vst v3  }
0x52f: {  	[tilespmem:s0+$0x0] =	vst v2  }
0x530: {  	[tilespmem:s0+$0x10] =	vst v0  }
0x531: {  	[tilespmem:s0+$0x20] =	vst v1  }
0x532: {  	[tilespmem:s0+$0xFFFFFFC0] =	vst v4  }
0x533: {  	[hbm4b:s31+s17] =	stream.linear.scatter [tilespmem:s21], [sflag:$0x1], $0x80, $0x38;
	[tilespmem:$0x1CF00] =	vst v63  }
0x534: {  	s3 =	sadd.s32 $0x80, s31  }
0x535: {  	[hbm4b:s3+s17] =	stream.linear.scatter [tilespmem:s9], [sflag:$0x1], $0x80, $0x38;
	[tilespmem:$0x1CF00] =	vst v63  }
0x536: {  	s1 =	sadd.s32 $0x100, s31  }
0x537: {  	[hbm4b:s1+s17] =	stream.linear.scatter [tilespmem:s11], [sflag:$0x1], $0x80, $0x38;
	[tilespmem:$0x1CF00] =	vst v63  }
0x538: {  	s3 =	sadd.s32 $0x180, s31  }
0x539: {  	[hbm4b:s3+s17] =	stream.linear.scatter [tilespmem:s13], [sflag:$0x1], $0x80, $0x38;
	[tilespmem:$0x1CF00] =	vst v63  }
0x53a: {  	s1 =	sadd.s32 $0x200, s31  }
0x53b: {  	[hbm4b:s1+s17] =	stream.linear.scatter [tilespmem:s4], [sflag:$0x1], $0x80, $0x38;
	[tilespmem:$0x1CF00] =	vst v63  }
0x53c: {  	s3 =	sadd.s32 $0x280, s31  }
0x53d: {  	[hbm4b:s3+s17] =	stream.linear.scatter [tilespmem:s6], [sflag:$0x1], $0x80, $0x38;
	[tilespmem:$0x1CF00] =	vst v63  }
0x53e: {  	s1 =	sadd.s32 $0x300, s31  }
0x53f: {  	[hbm4b:s1+s17] =	stream.linear.scatter [tilespmem:s8], [sflag:$0x1], $0x80, $0x38;
	[tilespmem:$0x1CF00] =	vst v63  }
0x540: {  	s3 =	sadd.s32 $0x380, s31  }
0x541: {  	[hbm4b:s3+s17] =	stream.linear.scatter [tilespmem:s10], [sflag:$0x1], $0x80, $0x38;
	[tilespmem:$0x1CF00] =	vst v63  }
0x542: {  	_ =	swait.ge [sflag:s25], $0x400  }
0x543: {  	[sflag:s25] =	ssyncset.done $0x0  }
0x544: {  	[sflag:s25] =	ssyncadd.s32 $0xFFFFFC00  }
0x545: {  	v0 =	vld [tilespmem:s29+$0x0]  }
0x546: {  	v1 =	vld [tilespmem:s29+$0xFFFFFFA0]  }
0x547: {  	v2 =	vld [tilespmem:s29+$0xFFFFFFB0]  }
0x548: {  	v3 =	vld [tilespmem:s29+$0xFFFFFFC0]  }
0x549: {  	v4 =	vld [tilespmem:s29+$0xFFFFFFD0]  }
0x54a: {  	v6 =	vld [tilespmem:s29+$0xFFFFFFE0]  }
0x54b: {  	v7 =	vld [tilespmem:s29+$0xFFFFFFF0]  }
0x54c: {  	v8 =	vld [tilespmem:s29+$0xFFFFFF90]  }
0x54d: {  	v9 =	vld.idx.msk [tilespmem:v0+s17+$0x0], $0xffff  }
0x54e: {  	s31 =	sld [smem:$0x7F9];
	v10 =	vld.idx.msk [tilespmem:v1+s17+$0x0], $0xffff  }
0x54f: {  	v5 =	vld.idx.msk [tilespmem:v2+s17+$0x0], $0xffff  }
0x550: {  	v3 =	vld.idx.msk [tilespmem:v3+s17+$0x0], $0xffff  }
0x551: {  	s0 =	sadd.s32 s30, s31;
	v2 =	vld.idx.msk [tilespmem:v4+s17+$0x0], $0xffff  }
0x552: {  	s30 =	sadd.s32 $0x400, s0;
	s0 =	simm.s32 $0x1C7F0;
	v0 =	vld.idx.msk [tilespmem:v6+s17+$0x0], $0xffff  }
0x553: {  	v1 =	vld.idx.msk [tilespmem:v7+s17+$0x0], $0xffff;
	[tilespmem:s0+$0x0] =	vst v9  }
0x554: {  	s1 =	simm.s32 $0x0;
	s3 =	sadd.s32 $0x80, s29;
	v4 =	vld.idx.msk [tilespmem:v8+s17+$0x0], $0xffff;
	[tilespmem:s0+$0xFFFFFFA0] =	vst v10  }
.LBB2_59:
0x555: {  	v6 =	vld [tilespmem:s3+$0x0];
	s1 =	sadd.s32 $0x80, s1;
	[tilespmem:s0+$0xFFFFFFB0] =	vst v5  }
0x556: {  	v5 =	vld [tilespmem:s3+$0xFFFFFFA0];
	p5 =	slt.u32 s1, $0x380;
	[tilespmem:s0+$0xFFFFFFC0] =	vst v3  }
0x557: {  	v3 =	vld [tilespmem:s3+$0xFFFFFFB0];
	[tilespmem:s0+$0xFFFFFFD0] =	vst v2  }
0x558: {  	v2 =	vld [tilespmem:s3+$0xFFFFFFC0];
	[tilespmem:s0+$0xFFFFFFE0] =	vst v0  }
0x559: {  	v0 =	vld [tilespmem:s3+$0xFFFFFFD0];
	[tilespmem:s0+$0xFFFFFFF0] =	vst v1  }
0x55a: {  	v1 =	vld [tilespmem:s3+$0xFFFFFFE0];
	[tilespmem:s0+$0xFFFFFF90] =	vst v4  }
0x55b: {  	v4 =	vld [tilespmem:s3+$0xFFFFFFF0]  }
0x55c: {  	v7 =	vld [tilespmem:s3+$0xFFFFFF90]  }
0x55d: {  	v6 =	vld.idx.msk [tilespmem:v6+s17+$0x0], $0xffff  }
0x55e: {  	v8 =	vld.idx.msk [tilespmem:v5+s17+$0x0], $0xffff  }
0x55f: {  	v5 =	vld.idx.msk [tilespmem:v3+s17+$0x0], $0xffff  }
.Ltmp28:
0x560: {  	v3 =	vld.idx.msk [tilespmem:v2+s17+$0x0], $0xffff;
	(pc) =	sbr.rel @p5 .LBB2_59-.Ltmp28, $4  }
0x561: {  	v2 =	vld.idx.msk [tilespmem:v0+s17+$0x0], $0xffff  }
0x562: {  	s0 =	sadd.s32 $0x100, s0;
	v0 =	vld.idx.msk [tilespmem:v1+s17+$0x0], $0xffff  }
0x563: {  	v1 =	vld.idx.msk [tilespmem:v4+s17+$0x0], $0xffff;
	[tilespmem:s0+$0x0] =	vst v6  }
0x564: {  	s3 =	sadd.s32 $0x80, s3;
	v4 =	vld.idx.msk [tilespmem:v7+s17+$0x0], $0xffff;
	[tilespmem:s0+$0xFFFFFFA0] =	vst v8  }
0x565: {  	[tilespmem:s0+$0xFFFFFFB0] =	vst v5  }
0x566: {  	[tilespmem:s0+$0xFFFFFFC0] =	vst v3  }
0x567: {  	[tilespmem:s0+$0xFFFFFFD0] =	vst v2  }
0x568: {  	[tilespmem:s0+$0xFFFFFFE0] =	vst v0  }
0x569: {  	[tilespmem:s0+$0xFFFFFFF0] =	vst v1  }
0x56a: {  	[tilespmem:s0+$0xFFFFFF90] =	vst v4  }
0x56b: {  	[hbm4b:s30+s17] =	stream.linear.scatter [tilespmem:s12], [sflag:$0x2], $0x80, $0x38;
	[tilespmem:$0x1CF00] =	vst v63  }
0x56c: {  	s31 =	sadd.s32 $0x80, s30  }
0x56d: {  	[hbm4b:s31+s17] =	stream.linear.scatter [tilespmem:s14], [sflag:$0x2], $0x80, $0x38;
	[tilespmem:$0x1CF00] =	vst v63  }
0x56e: {  	s1 =	sadd.s32 $0x100, s30  }
0x56f: {  	[hbm4b:s1+s17] =	stream.linear.scatter [tilespmem:s16], [sflag:$0x2], $0x80, $0x38;
	[tilespmem:$0x1CF00] =	vst v63  }
0x570: {  	s3 =	sadd.s32 $0x180, s30  }
0x571: {  	[hbm4b:s3+s17] =	stream.linear.scatter [tilespmem:s18], [sflag:$0x2], $0x80, $0x38;
	[tilespmem:$0x1CF00] =	vst v63  }
0x572: {  	s26 =	sadd.s32 $0x1, s26;
	s31 =	sadd.s32 $0x200, s30  }
0x573: {  	[hbm4b:s31+s17] =	stream.linear.scatter [tilespmem:s20], [sflag:$0x2], $0x80, $0x38;
	[tilespmem:$0x1CF00] =	vst v63  }
0x574: {  	p5 =	seq.s32 s26, $0x8;
	s1 =	sadd.s32 $0x280, s30  }
0x575: {  	[hbm4b:s1+s17] =	stream.linear.scatter [tilespmem:s22], [sflag:$0x2], $0x80, $0x38;
	[tilespmem:$0x1CF00] =	vst v63  }
.Ltmp29:
0x576: {  	_ = 	snop;
	(pc) =	sbr.rel @!p5 .LBB2_56-.Ltmp29, $4  }
0x577: {  	s3 =	sadd.s32 $0x300, s30  }
0x578: {  	[hbm4b:s3+s17] =	stream.linear.scatter [tilespmem:s24], [sflag:$0x2], $0x80, $0x38;
	[tilespmem:$0x1CF00] =	vst v63  }
0x579: {  	s28 =	sadd.s32 $0x800, s28;
	s29 =	sadd.s32 $0x800, s29;
	s31 =	sadd.s32 $0x380, s30  }
0x57a: {  	[hbm4b:s31+s17] =	stream.linear.scatter [tilespmem:s15], [sflag:$0x2], $0x80, $0x38;
	[tilespmem:$0x1CF00] =	vst v63  }
0x57b: {  	s0 =	simm.s32 @!p2 $0x80  }
0x57c: {  	s1 =	simm.s32 @!p2 $0x400;
	s3 =	simm.s32 @!p2 $0x18700;
	s26 =	rddreg [dreg:$0x15]  }
0x57d: {  	[tilespmem:s3], [sflag:$0x3] =	stream.strided.gather @!p2 [hbm4b:s26+s0], $0x4000, s1, s0, $0x38;
	[tilespmem:$0x1CF00] =	vst v63  }
0x57e: {  	s0 =	simm.s32 @!p2 $0x3  }
0x57f: {  	_ =	swait.ge @!p2 [sflag:s0], $0x4000  }
0x580: {  	s1 =	sld [smem:$0x7E0]  }
0x581: {  	s30 =	simm.s32 $0x400;
	s31 =	simm.s32 $0x3;
	[sflag:s0] =	ssyncset.done @!p2 $0x0  }
0x582: {  	s26 =	simm.s32 $0x0;
	s3 =	simm.s32 $0x80;
	[sflag:s0] =	ssyncadd.s32 @!p2 $0xFFFFC000  }
0x583: {  	[tilespmem:s26], [sflag:$0x3] =	stream.strided.gather [hbm4b:s1+s3], $0x18700, s30, s3, $0x38;
	[tilespmem:$0x1CF00] =	vst v63  }
0x584: {  	_ =	swait.ge [sflag:s31], $0x18700  }
0x585: {  	[sflag:s31] =	ssyncset.done $0x0  }
0x586: {  	s28 =	simm.s32 $0x18740;
	s29 =	simm.s32 $0x18B70;
	[sflag:s31] =	ssyncadd.s32 $0xFFFE7900  }
.LBB2_62:
0x587: {  	s1 =	sld [smem:$0x7FA];
	_ =	swait.ge [sflag:s23], $0x400  }
0x588: {  	[sflag:s23] =	ssyncset.done $0x0  }
0x589: {  	[sflag:s23] =	ssyncadd.s32 $0xFFFFFC00  }
0x58a: {  	v0 =	vld [tilespmem:s28+$0x30]  }
0x58b: {  	v1 =	vld [tilespmem:s28+$0xFFFFFFD0]  }
0x58c: {  	v2 =	vld [tilespmem:s28+$0xFFFFFFE0]  }
0x58d: {  	v3 =	vld [tilespmem:s28+$0xFFFFFFF0]  }
0x58e: {  	v4 =	vld [tilespmem:s28+$0x0]  }
0x58f: {  	v6 =	vld [tilespmem:s28+$0x10]  }
0x590: {  	v7 =	vld [tilespmem:s28+$0x20]  }
0x591: {  	v8 =	vld [tilespmem:s28+$0xFFFFFFC0]  }
0x592: {  	v9 =	vld.idx.msk [tilespmem:v0+s17+$0x0], $0xffff  }
0x593: {  	v10 =	vld.idx.msk [tilespmem:v1+s17+$0x0], $0xffff  }
0x594: {  	s0 =	sshll.u32 s26, $0xE;
	v5 =	vld.idx.msk [tilespmem:v2+s17+$0x0], $0xffff  }
0x595: {  	s0 =	sadd.s32 s1, s0;
	v3 =	vld.idx.msk [tilespmem:v3+s17+$0x0], $0xffff  }
0x596: {  	s0 =	sshrl.u32 s0, $0x3;
	v2 =	vld.idx.msk [tilespmem:v4+s17+$0x0], $0xffff  }
0x597: {  	s31 =	sadd.s32 s19, s0;
	s0 =	simm.s32 $0x1C740;
	v0 =	vld.idx.msk [tilespmem:v6+s17+$0x0], $0xffff  }
0x598: {  	v1 =	vld.idx.msk [tilespmem:v7+s17+$0x0], $0xffff;
	[tilespmem:s0+$0x30] =	vst v9  }
0x599: {  	s30 =	sshll.u32 s26, $0xB;
	s3 =	sadd.s32 $0x80, s28;
	s1 =	simm.s32 $0x0;
	v4 =	vld.idx.msk [tilespmem:v8+s17+$0x0], $0xffff;
	[tilespmem:s0+$0xFFFFFFD0] =	vst v10  }
.LBB2_63:
0x59a: {  	v6 =	vld [tilespmem:s3+$0x30];
	s1 =	sadd.s32 $0x80, s1;
	[tilespmem:s0+$0xFFFFFFE0] =	vst v5  }
0x59b: {  	v5 =	vld [tilespmem:s3+$0xFFFFFFD0];
	p5 =	slt.u32 s1, $0x380;
	[tilespmem:s0+$0xFFFFFFF0] =	vst v3  }
0x59c: {  	v3 =	vld [tilespmem:s3+$0xFFFFFFE0];
	[tilespmem:s0+$0x0] =	vst v2  }
0x59d: {  	v2 =	vld [tilespmem:s3+$0xFFFFFFF0];
	[tilespmem:s0+$0x10] =	vst v0  }
0x59e: {  	v0 =	vld [tilespmem:s3+$0x0];
	[tilespmem:s0+$0x20] =	vst v1  }
0x59f: {  	v1 =	vld [tilespmem:s3+$0x10];
	[tilespmem:s0+$0xFFFFFFC0] =	vst v4  }
0x5a0: {  	v4 =	vld [tilespmem:s3+$0x20]  }
0x5a1: {  	v7 =	vld [tilespmem:s3+$0xFFFFFFC0]  }
0x5a2: {  	v6 =	vld.idx.msk [tilespmem:v6+s17+$0x0], $0xffff  }
0x5a3: {  	v8 =	vld.idx.msk [tilespmem:v5+s17+$0x0], $0xffff  }
0x5a4: {  	v5 =	vld.idx.msk [tilespmem:v3+s17+$0x0], $0xffff  }
.Ltmp30:
0x5a5: {  	v3 =	vld.idx.msk [tilespmem:v2+s17+$0x0], $0xffff;
	(pc) =	sbr.rel @p5 .LBB2_63-.Ltmp30, $4  }
0x5a6: {  	v2 =	vld.idx.msk [tilespmem:v0+s17+$0x0], $0xffff  }
0x5a7: {  	s0 =	sadd.s32 $0x100, s0;
	v0 =	vld.idx.msk [tilespmem:v1+s17+$0x0], $0xffff  }
0x5a8: {  	v1 =	vld.idx.msk [tilespmem:v4+s17+$0x0], $0xffff;
	[tilespmem:s0+$0x30] =	vst v6  }
0x5a9: {  	s3 =	sadd.s32 $0x80, s3;
	v4 =	vld.idx.msk [tilespmem:v7+s17+$0x0], $0xffff;
	[tilespmem:s0+$0xFFFFFFD0] =	vst v8  }
0x5aa: {  	[tilespmem:s0+$0xFFFFFFE0] =	vst v5  }
0x5ab: {  	[tilespmem:s0+$0xFFFFFFF0] =	vst v3  }
0x5ac: {  	[tilespmem:s0+$0x0] =	vst v2  }
0x5ad: {  	[tilespmem:s0+$0x10] =	vst v0  }
0x5ae: {  	[tilespmem:s0+$0x20] =	vst v1  }
0x5af: {  	[tilespmem:s0+$0xFFFFFFC0] =	vst v4  }
0x5b0: {  	[hbm4b:s31+s17] =	stream.linear.scatter [tilespmem:s21], [sflag:$0x1], $0x80, $0x38;
	[tilespmem:$0x1CF00] =	vst v63  }
0x5b1: {  	s3 =	sadd.s32 $0x80, s31  }
0x5b2: {  	[hbm4b:s3+s17] =	stream.linear.scatter [tilespmem:s9], [sflag:$0x1], $0x80, $0x38;
	[tilespmem:$0x1CF00] =	vst v63  }
0x5b3: {  	s1 =	sadd.s32 $0x100, s31  }
0x5b4: {  	[hbm4b:s1+s17] =	stream.linear.scatter [tilespmem:s11], [sflag:$0x1], $0x80, $0x38;
	[tilespmem:$0x1CF00] =	vst v63  }
0x5b5: {  	s3 =	sadd.s32 $0x180, s31  }
0x5b6: {  	[hbm4b:s3+s17] =	stream.linear.scatter [tilespmem:s13], [sflag:$0x1], $0x80, $0x38;
	[tilespmem:$0x1CF00] =	vst v63  }
0x5b7: {  	s1 =	sadd.s32 $0x200, s31  }
0x5b8: {  	[hbm4b:s1+s17] =	stream.linear.scatter [tilespmem:s4], [sflag:$0x1], $0x80, $0x38;
	[tilespmem:$0x1CF00] =	vst v63  }
0x5b9: {  	s3 =	sadd.s32 $0x280, s31  }
0x5ba: {  	[hbm4b:s3+s17] =	stream.linear.scatter [tilespmem:s6], [sflag:$0x1], $0x80, $0x38;
	[tilespmem:$0x1CF00] =	vst v63  }
0x5bb: {  	s1 =	sadd.s32 $0x300, s31  }
0x5bc: {  	[hbm4b:s1+s17] =	stream.linear.scatter [tilespmem:s8], [sflag:$0x1], $0x80, $0x38;
	[tilespmem:$0x1CF00] =	vst v63  }
0x5bd: {  	s3 =	sadd.s32 $0x380, s31  }
0x5be: {  	[hbm4b:s3+s17] =	stream.linear.scatter [tilespmem:s10], [sflag:$0x1], $0x80, $0x38;
	[tilespmem:$0x1CF00] =	vst v63  }
0x5bf: {  	_ =	swait.ge [sflag:s25], $0x400  }
0x5c0: {  	[sflag:s25] =	ssyncset.done $0x0  }
0x5c1: {  	[sflag:s25] =	ssyncadd.s32 $0xFFFFFC00  }
0x5c2: {  	v0 =	vld [tilespmem:s29+$0x0]  }
0x5c3: {  	v1 =	vld [tilespmem:s29+$0xFFFFFFA0]  }
0x5c4: {  	v2 =	vld [tilespmem:s29+$0xFFFFFFB0]  }
0x5c5: {  	v3 =	vld [tilespmem:s29+$0xFFFFFFC0]  }
0x5c6: {  	v4 =	vld [tilespmem:s29+$0xFFFFFFD0]  }
0x5c7: {  	v6 =	vld [tilespmem:s29+$0xFFFFFFE0]  }
0x5c8: {  	v7 =	vld [tilespmem:s29+$0xFFFFFFF0]  }
0x5c9: {  	v8 =	vld [tilespmem:s29+$0xFFFFFF90]  }
0x5ca: {  	v9 =	vld.idx.msk [tilespmem:v0+s17+$0x0], $0xffff  }
0x5cb: {  	s31 =	sld [smem:$0x7FB];
	v10 =	vld.idx.msk [tilespmem:v1+s17+$0x0], $0xffff  }
0x5cc: {  	v5 =	vld.idx.msk [tilespmem:v2+s17+$0x0], $0xffff  }
0x5cd: {  	v3 =	vld.idx.msk [tilespmem:v3+s17+$0x0], $0xffff  }
0x5ce: {  	s0 =	sadd.s32 s30, s31;
	v2 =	vld.idx.msk [tilespmem:v4+s17+$0x0], $0xffff  }
0x5cf: {  	s30 =	sadd.s32 $0x400, s0;
	s0 =	simm.s32 $0x1C7F0;
	v0 =	vld.idx.msk [tilespmem:v6+s17+$0x0], $0xffff  }
0x5d0: {  	v1 =	vld.idx.msk [tilespmem:v7+s17+$0x0], $0xffff;
	[tilespmem:s0+$0x0] =	vst v9  }
0x5d1: {  	s1 =	simm.s32 $0x0;
	s3 =	sadd.s32 $0x80, s29;
	v4 =	vld.idx.msk [tilespmem:v8+s17+$0x0], $0xffff;
	[tilespmem:s0+$0xFFFFFFA0] =	vst v10  }
.LBB2_65:
0x5d2: {  	v6 =	vld [tilespmem:s3+$0x0];
	s1 =	sadd.s32 $0x80, s1;
	[tilespmem:s0+$0xFFFFFFB0] =	vst v5  }
0x5d3: {  	v5 =	vld [tilespmem:s3+$0xFFFFFFA0];
	p5 =	slt.u32 s1, $0x380;
	[tilespmem:s0+$0xFFFFFFC0] =	vst v3  }
0x5d4: {  	v3 =	vld [tilespmem:s3+$0xFFFFFFB0];
	[tilespmem:s0+$0xFFFFFFD0] =	vst v2  }
0x5d5: {  	v2 =	vld [tilespmem:s3+$0xFFFFFFC0];
	[tilespmem:s0+$0xFFFFFFE0] =	vst v0  }
0x5d6: {  	v0 =	vld [tilespmem:s3+$0xFFFFFFD0];
	[tilespmem:s0+$0xFFFFFFF0] =	vst v1  }
0x5d7: {  	v1 =	vld [tilespmem:s3+$0xFFFFFFE0];
	[tilespmem:s0+$0xFFFFFF90] =	vst v4  }
0x5d8: {  	v4 =	vld [tilespmem:s3+$0xFFFFFFF0]  }
0x5d9: {  	v7 =	vld [tilespmem:s3+$0xFFFFFF90]  }
0x5da: {  	v6 =	vld.idx.msk [tilespmem:v6+s17+$0x0], $0xffff  }
0x5db: {  	v8 =	vld.idx.msk [tilespmem:v5+s17+$0x0], $0xffff  }
0x5dc: {  	v5 =	vld.idx.msk [tilespmem:v3+s17+$0x0], $0xffff  }
.Ltmp31:
0x5dd: {  	v3 =	vld.idx.msk [tilespmem:v2+s17+$0x0], $0xffff;
	(pc) =	sbr.rel @p5 .LBB2_65-.Ltmp31, $4  }
0x5de: {  	v2 =	vld.idx.msk [tilespmem:v0+s17+$0x0], $0xffff  }
0x5df: {  	s0 =	sadd.s32 $0x100, s0;
	v0 =	vld.idx.msk [tilespmem:v1+s17+$0x0], $0xffff  }
0x5e0: {  	v1 =	vld.idx.msk [tilespmem:v4+s17+$0x0], $0xffff;
	[tilespmem:s0+$0x0] =	vst v6  }
0x5e1: {  	s3 =	sadd.s32 $0x80, s3;
	v4 =	vld.idx.msk [tilespmem:v7+s17+$0x0], $0xffff;
	[tilespmem:s0+$0xFFFFFFA0] =	vst v8  }
0x5e2: {  	[tilespmem:s0+$0xFFFFFFB0] =	vst v5  }
0x5e3: {  	[tilespmem:s0+$0xFFFFFFC0] =	vst v3  }
0x5e4: {  	[tilespmem:s0+$0xFFFFFFD0] =	vst v2  }
0x5e5: {  	[tilespmem:s0+$0xFFFFFFE0] =	vst v0  }
0x5e6: {  	[tilespmem:s0+$0xFFFFFFF0] =	vst v1  }
0x5e7: {  	[tilespmem:s0+$0xFFFFFF90] =	vst v4  }
0x5e8: {  	[hbm4b:s30+s17] =	stream.linear.scatter [tilespmem:s12], [sflag:$0x2], $0x80, $0x38;
	[tilespmem:$0x1CF00] =	vst v63  }
0x5e9: {  	s31 =	sadd.s32 $0x80, s30  }
0x5ea: {  	[hbm4b:s31+s17] =	stream.linear.scatter [tilespmem:s14], [sflag:$0x2], $0x80, $0x38;
	[tilespmem:$0x1CF00] =	vst v63  }
0x5eb: {  	s1 =	sadd.s32 $0x100, s30  }
0x5ec: {  	[hbm4b:s1+s17] =	stream.linear.scatter [tilespmem:s16], [sflag:$0x2], $0x80, $0x38;
	[tilespmem:$0x1CF00] =	vst v63  }
0x5ed: {  	s3 =	sadd.s32 $0x180, s30  }
0x5ee: {  	[hbm4b:s3+s17] =	stream.linear.scatter [tilespmem:s18], [sflag:$0x2], $0x80, $0x38;
	[tilespmem:$0x1CF00] =	vst v63  }
0x5ef: {  	s26 =	sadd.s32 $0x1, s26;
	s31 =	sadd.s32 $0x200, s30  }
0x5f0: {  	[hbm4b:s31+s17] =	stream.linear.scatter [tilespmem:s20], [sflag:$0x2], $0x80, $0x38;
	[tilespmem:$0x1CF00] =	vst v63  }
0x5f1: {  	p5 =	seq.s32 s26, $0x8;
	s1 =	sadd.s32 $0x280, s30  }
0x5f2: {  	[hbm4b:s1+s17] =	stream.linear.scatter [tilespmem:s22], [sflag:$0x2], $0x80, $0x38;
	[tilespmem:$0x1CF00] =	vst v63  }
.Ltmp32:
0x5f3: {  	_ = 	snop;
	(pc) =	sbr.rel @!p5 .LBB2_62-.Ltmp32, $4  }
0x5f4: {  	s3 =	sadd.s32 $0x300, s30  }
0x5f5: {  	[hbm4b:s3+s17] =	stream.linear.scatter [tilespmem:s24], [sflag:$0x2], $0x80, $0x38;
	[tilespmem:$0x1CF00] =	vst v63  }
0x5f6: {  	s28 =	sadd.s32 $0x800, s28;
	s29 =	sadd.s32 $0x800, s29;
	s31 =	sadd.s32 $0x380, s30  }
0x5f7: {  	[hbm4b:s31+s17] =	stream.linear.scatter [tilespmem:s15], [sflag:$0x2], $0x80, $0x38;
	[tilespmem:$0x1CF00] =	vst v63  }
0x5f8: {  	s0 =	simm.s32 @!p3 $0x80  }
0x5f9: {  	s1 =	simm.s32 @!p3 $0x400;
	s3 =	simm.s32 @!p3 $0x18700;
	s26 =	rddreg [dreg:$0x17]  }
0x5fa: {  	[tilespmem:s3], [sflag:$0x3] =	stream.strided.gather @!p3 [hbm4b:s26+s0], $0x4000, s1, s0, $0x38;
	[tilespmem:$0x1CF00] =	vst v63  }
0x5fb: {  	s0 =	simm.s32 @!p3 $0x3  }
0x5fc: {  	_ =	swait.ge @!p3 [sflag:s0], $0x4000  }
0x5fd: {  	s1 =	sld [smem:$0x7E1]  }
0x5fe: {  	s30 =	simm.s32 $0x400;
	s31 =	simm.s32 $0x3;
	[sflag:s0] =	ssyncset.done @!p3 $0x0  }
0x5ff: {  	s26 =	simm.s32 $0x0;
	s3 =	simm.s32 $0x80;
	[sflag:s0] =	ssyncadd.s32 @!p3 $0xFFFFC000  }
0x600: {  	[tilespmem:s26], [sflag:$0x3] =	stream.strided.gather [hbm4b:s1+s3], $0x18700, s30, s3, $0x38;
	[tilespmem:$0x1CF00] =	vst v63  }
0x601: {  	_ =	swait.ge [sflag:s31], $0x18700  }
0x602: {  	[sflag:s31] =	ssyncset.done $0x0  }
0x603: {  	s28 =	simm.s32 $0x18740;
	s29 =	simm.s32 $0x18B70;
	[sflag:s31] =	ssyncadd.s32 $0xFFFE7900  }
.LBB2_68:
0x604: {  	_ =	swait.ge [sflag:s23], $0x400  }
0x605: {  	[sflag:s23] =	ssyncset.done $0x0  }
0x606: {  	[sflag:s23] =	ssyncadd.s32 $0xFFFFFC00  }
0x607: {  	v0 =	vld [tilespmem:s28+$0x30]  }
0x608: {  	v1 =	vld [tilespmem:s28+$0xFFFFFFD0]  }
0x609: {  	v2 =	vld [tilespmem:s28+$0xFFFFFFE0]  }
0x60a: {  	v3 =	vld [tilespmem:s28+$0xFFFFFFF0]  }
0x60b: {  	v4 =	vld [tilespmem:s28+$0x0]  }
0x60c: {  	v6 =	vld [tilespmem:s28+$0x10]  }
0x60d: {  	v7 =	vld [tilespmem:s28+$0x20]  }
0x60e: {  	v8 =	vld [tilespmem:s28+$0xFFFFFFC0]  }
0x60f: {  	v9 =	vld.idx.msk [tilespmem:v0+s17+$0x0], $0xffff  }
0x610: {  	v10 =	vld.idx.msk [tilespmem:v1+s17+$0x0], $0xffff  }
0x611: {  	s0 =	sshll.u32 s26, $0xE;
	v5 =	vld.idx.msk [tilespmem:v2+s17+$0x0], $0xffff  }
0x612: {  	s0 =	sadd.s32 s5, s0;
	v3 =	vld.idx.msk [tilespmem:v3+s17+$0x0], $0xffff  }
0x613: {  	s0 =	sshrl.u32 s0, $0x3;
	v2 =	vld.idx.msk [tilespmem:v4+s17+$0x0], $0xffff  }
0x614: {  	s31 =	sadd.s32 s19, s0;
	s0 =	simm.s32 $0x1C740;
	v0 =	vld.idx.msk [tilespmem:v6+s17+$0x0], $0xffff  }
0x615: {  	v1 =	vld.idx.msk [tilespmem:v7+s17+$0x0], $0xffff;
	[tilespmem:s0+$0x30] =	vst v9  }
0x616: {  	s30 =	sshll.u32 s26, $0xB;
	s1 =	simm.s32 $0x0;
	s3 =	sadd.s32 $0x80, s28;
	v4 =	vld.idx.msk [tilespmem:v8+s17+$0x0], $0xffff;
	[tilespmem:s0+$0xFFFFFFD0] =	vst v10  }
.LBB2_69:
0x617: {  	v6 =	vld [tilespmem:s3+$0x30];
	s1 =	sadd.s32 $0x80, s1;
	[tilespmem:s0+$0xFFFFFFE0] =	vst v5  }
0x618: {  	v5 =	vld [tilespmem:s3+$0xFFFFFFD0];
	p5 =	slt.u32 s1, $0x380;
	[tilespmem:s0+$0xFFFFFFF0] =	vst v3  }
0x619: {  	v3 =	vld [tilespmem:s3+$0xFFFFFFE0];
	[tilespmem:s0+$0x0] =	vst v2  }
0x61a: {  	v2 =	vld [tilespmem:s3+$0xFFFFFFF0];
	[tilespmem:s0+$0x10] =	vst v0  }
0x61b: {  	v0 =	vld [tilespmem:s3+$0x0];
	[tilespmem:s0+$0x20] =	vst v1  }
0x61c: {  	v1 =	vld [tilespmem:s3+$0x10];
	[tilespmem:s0+$0xFFFFFFC0] =	vst v4  }
0x61d: {  	v4 =	vld [tilespmem:s3+$0x20]  }
0x61e: {  	v7 =	vld [tilespmem:s3+$0xFFFFFFC0]  }
0x61f: {  	v6 =	vld.idx.msk [tilespmem:v6+s17+$0x0], $0xffff  }
0x620: {  	v8 =	vld.idx.msk [tilespmem:v5+s17+$0x0], $0xffff  }
0x621: {  	v5 =	vld.idx.msk [tilespmem:v3+s17+$0x0], $0xffff  }
.Ltmp33:
0x622: {  	v3 =	vld.idx.msk [tilespmem:v2+s17+$0x0], $0xffff;
	(pc) =	sbr.rel @p5 .LBB2_69-.Ltmp33, $4  }
0x623: {  	v2 =	vld.idx.msk [tilespmem:v0+s17+$0x0], $0xffff  }
0x624: {  	s0 =	sadd.s32 $0x100, s0;
	v0 =	vld.idx.msk [tilespmem:v1+s17+$0x0], $0xffff  }
0x625: {  	v1 =	vld.idx.msk [tilespmem:v4+s17+$0x0], $0xffff;
	[tilespmem:s0+$0x30] =	vst v6  }
0x626: {  	s3 =	sadd.s32 $0x80, s3;
	v4 =	vld.idx.msk [tilespmem:v7+s17+$0x0], $0xffff;
	[tilespmem:s0+$0xFFFFFFD0] =	vst v8  }
0x627: {  	[tilespmem:s0+$0xFFFFFFE0] =	vst v5  }
0x628: {  	[tilespmem:s0+$0xFFFFFFF0] =	vst v3  }
0x629: {  	[tilespmem:s0+$0x0] =	vst v2  }
0x62a: {  	[tilespmem:s0+$0x10] =	vst v0  }
0x62b: {  	[tilespmem:s0+$0x20] =	vst v1  }
0x62c: {  	[tilespmem:s0+$0xFFFFFFC0] =	vst v4  }
0x62d: {  	[hbm4b:s31+s17] =	stream.linear.scatter [tilespmem:s21], [sflag:$0x1], $0x80, $0x38;
	[tilespmem:$0x1CF00] =	vst v63  }
0x62e: {  	s3 =	sadd.s32 $0x80, s31  }
0x62f: {  	[hbm4b:s3+s17] =	stream.linear.scatter [tilespmem:s9], [sflag:$0x1], $0x80, $0x38;
	[tilespmem:$0x1CF00] =	vst v63  }
0x630: {  	s1 =	sadd.s32 $0x100, s31  }
0x631: {  	[hbm4b:s1+s17] =	stream.linear.scatter [tilespmem:s11], [sflag:$0x1], $0x80, $0x38;
	[tilespmem:$0x1CF00] =	vst v63  }
0x632: {  	s3 =	sadd.s32 $0x180, s31  }
0x633: {  	[hbm4b:s3+s17] =	stream.linear.scatter [tilespmem:s13], [sflag:$0x1], $0x80, $0x38;
	[tilespmem:$0x1CF00] =	vst v63  }
0x634: {  	s1 =	sadd.s32 $0x200, s31  }
0x635: {  	[hbm4b:s1+s17] =	stream.linear.scatter [tilespmem:s4], [sflag:$0x1], $0x80, $0x38;
	[tilespmem:$0x1CF00] =	vst v63  }
0x636: {  	s3 =	sadd.s32 $0x280, s31  }
0x637: {  	[hbm4b:s3+s17] =	stream.linear.scatter [tilespmem:s6], [sflag:$0x1], $0x80, $0x38;
	[tilespmem:$0x1CF00] =	vst v63  }
0x638: {  	s1 =	sadd.s32 $0x300, s31  }
0x639: {  	[hbm4b:s1+s17] =	stream.linear.scatter [tilespmem:s8], [sflag:$0x1], $0x80, $0x38;
	[tilespmem:$0x1CF00] =	vst v63  }
0x63a: {  	s3 =	sadd.s32 $0x380, s31  }
0x63b: {  	[hbm4b:s3+s17] =	stream.linear.scatter [tilespmem:s10], [sflag:$0x1], $0x80, $0x38;
	[tilespmem:$0x1CF00] =	vst v63  }
0x63c: {  	_ =	swait.ge [sflag:s25], $0x400  }
0x63d: {  	[sflag:s25] =	ssyncset.done $0x0  }
0x63e: {  	[sflag:s25] =	ssyncadd.s32 $0xFFFFFC00  }
0x63f: {  	v0 =	vld [tilespmem:s29+$0x0]  }
0x640: {  	v1 =	vld [tilespmem:s29+$0xFFFFFFA0]  }
0x641: {  	v2 =	vld [tilespmem:s29+$0xFFFFFFB0]  }
0x642: {  	v3 =	vld [tilespmem:s29+$0xFFFFFFC0]  }
0x643: {  	v4 =	vld [tilespmem:s29+$0xFFFFFFD0]  }
0x644: {  	v6 =	vld [tilespmem:s29+$0xFFFFFFE0]  }
0x645: {  	v7 =	vld [tilespmem:s29+$0xFFFFFFF0]  }
0x646: {  	v8 =	vld [tilespmem:s29+$0xFFFFFF90]  }
0x647: {  	v9 =	vld.idx.msk [tilespmem:v0+s17+$0x0], $0xffff  }
0x648: {  	s31 =	sld [smem:$0x7FC];
	v10 =	vld.idx.msk [tilespmem:v1+s17+$0x0], $0xffff  }
0x649: {  	v5 =	vld.idx.msk [tilespmem:v2+s17+$0x0], $0xffff  }
0x64a: {  	v3 =	vld.idx.msk [tilespmem:v3+s17+$0x0], $0xffff  }
0x64b: {  	s0 =	sadd.s32 s30, s31;
	v2 =	vld.idx.msk [tilespmem:v4+s17+$0x0], $0xffff  }
0x64c: {  	s30 =	sadd.s32 $0x400, s0;
	s0 =	simm.s32 $0x1C7F0;
	v0 =	vld.idx.msk [tilespmem:v6+s17+$0x0], $0xffff  }
0x64d: {  	v1 =	vld.idx.msk [tilespmem:v7+s17+$0x0], $0xffff;
	[tilespmem:s0+$0x0] =	vst v9  }
0x64e: {  	s1 =	simm.s32 $0x0;
	s3 =	sadd.s32 $0x80, s29;
	v4 =	vld.idx.msk [tilespmem:v8+s17+$0x0], $0xffff;
	[tilespmem:s0+$0xFFFFFFA0] =	vst v10  }
.LBB2_71:
0x64f: {  	v6 =	vld [tilespmem:s3+$0x0];
	s1 =	sadd.s32 $0x80, s1;
	[tilespmem:s0+$0xFFFFFFB0] =	vst v5  }
0x650: {  	v5 =	vld [tilespmem:s3+$0xFFFFFFA0];
	p5 =	slt.u32 s1, $0x380;
	[tilespmem:s0+$0xFFFFFFC0] =	vst v3  }
0x651: {  	v3 =	vld [tilespmem:s3+$0xFFFFFFB0];
	[tilespmem:s0+$0xFFFFFFD0] =	vst v2  }
0x652: {  	v2 =	vld [tilespmem:s3+$0xFFFFFFC0];
	[tilespmem:s0+$0xFFFFFFE0] =	vst v0  }
0x653: {  	v0 =	vld [tilespmem:s3+$0xFFFFFFD0];
	[tilespmem:s0+$0xFFFFFFF0] =	vst v1  }
0x654: {  	v1 =	vld [tilespmem:s3+$0xFFFFFFE0];
	[tilespmem:s0+$0xFFFFFF90] =	vst v4  }
0x655: {  	v4 =	vld [tilespmem:s3+$0xFFFFFFF0]  }
0x656: {  	v7 =	vld [tilespmem:s3+$0xFFFFFF90]  }
0x657: {  	v6 =	vld.idx.msk [tilespmem:v6+s17+$0x0], $0xffff  }
0x658: {  	v8 =	vld.idx.msk [tilespmem:v5+s17+$0x0], $0xffff  }
0x659: {  	v5 =	vld.idx.msk [tilespmem:v3+s17+$0x0], $0xffff  }
.Ltmp34:
0x65a: {  	v3 =	vld.idx.msk [tilespmem:v2+s17+$0x0], $0xffff;
	(pc) =	sbr.rel @p5 .LBB2_71-.Ltmp34, $4  }
0x65b: {  	v2 =	vld.idx.msk [tilespmem:v0+s17+$0x0], $0xffff  }
0x65c: {  	s0 =	sadd.s32 $0x100, s0;
	v0 =	vld.idx.msk [tilespmem:v1+s17+$0x0], $0xffff  }
0x65d: {  	v1 =	vld.idx.msk [tilespmem:v4+s17+$0x0], $0xffff;
	[tilespmem:s0+$0x0] =	vst v6  }
0x65e: {  	s3 =	sadd.s32 $0x80, s3;
	v4 =	vld.idx.msk [tilespmem:v7+s17+$0x0], $0xffff;
	[tilespmem:s0+$0xFFFFFFA0] =	vst v8  }
0x65f: {  	[tilespmem:s0+$0xFFFFFFB0] =	vst v5  }
0x660: {  	[tilespmem:s0+$0xFFFFFFC0] =	vst v3  }
0x661: {  	[tilespmem:s0+$0xFFFFFFD0] =	vst v2  }
0x662: {  	[tilespmem:s0+$0xFFFFFFE0] =	vst v0  }
0x663: {  	[tilespmem:s0+$0xFFFFFFF0] =	vst v1  }
0x664: {  	[tilespmem:s0+$0xFFFFFF90] =	vst v4  }
0x665: {  	[hbm4b:s30+s17] =	stream.linear.scatter [tilespmem:s12], [sflag:$0x2], $0x80, $0x38;
	[tilespmem:$0x1CF00] =	vst v63  }
0x666: {  	s31 =	sadd.s32 $0x80, s30  }
0x667: {  	[hbm4b:s31+s17] =	stream.linear.scatter [tilespmem:s14], [sflag:$0x2], $0x80, $0x38;
	[tilespmem:$0x1CF00] =	vst v63  }
0x668: {  	s1 =	sadd.s32 $0x100, s30  }
0x669: {  	[hbm4b:s1+s17] =	stream.linear.scatter [tilespmem:s16], [sflag:$0x2], $0x80, $0x38;
	[tilespmem:$0x1CF00] =	vst v63  }
0x66a: {  	s3 =	sadd.s32 $0x180, s30  }
0x66b: {  	[hbm4b:s3+s17] =	stream.linear.scatter [tilespmem:s18], [sflag:$0x2], $0x80, $0x38;
	[tilespmem:$0x1CF00] =	vst v63  }
0x66c: {  	s26 =	sadd.s32 $0x1, s26;
	s31 =	sadd.s32 $0x200, s30  }
0x66d: {  	[hbm4b:s31+s17] =	stream.linear.scatter [tilespmem:s20], [sflag:$0x2], $0x80, $0x38;
	[tilespmem:$0x1CF00] =	vst v63  }
0x66e: {  	p5 =	seq.s32 s26, $0x8;
	s1 =	sadd.s32 $0x280, s30  }
0x66f: {  	[hbm4b:s1+s17] =	stream.linear.scatter [tilespmem:s22], [sflag:$0x2], $0x80, $0x38;
	[tilespmem:$0x1CF00] =	vst v63  }
.Ltmp35:
0x670: {  	_ = 	snop;
	(pc) =	sbr.rel @!p5 .LBB2_68-.Ltmp35, $4  }
0x671: {  	s3 =	sadd.s32 $0x300, s30  }
0x672: {  	[hbm4b:s3+s17] =	stream.linear.scatter [tilespmem:s24], [sflag:$0x2], $0x80, $0x38;
	[tilespmem:$0x1CF00] =	vst v63  }
0x673: {  	s28 =	sadd.s32 $0x800, s28;
	s29 =	sadd.s32 $0x800, s29;
	s31 =	sadd.s32 $0x380, s30  }
0x674: {  	[hbm4b:s31+s17] =	stream.linear.scatter [tilespmem:s15], [sflag:$0x2], $0x80, $0x38;
	[tilespmem:$0x1CF00] =	vst v63  }
0x675: {  	s0 =	simm.s32 @!p4 $0x80  }
0x676: {  	s1 =	simm.s32 @!p4 $0x400;
	s3 =	simm.s32 @!p4 $0x18700;
	s26 =	rddreg [dreg:$0x19]  }
0x677: {  	[tilespmem:s3], [sflag:$0x3] =	stream.strided.gather @!p4 [hbm4b:s26+s0], $0x4000, s1, s0, $0x38;
	[tilespmem:$0x1CF00] =	vst v63  }
0x678: {  	s0 =	simm.s32 @!p4 $0x3  }
0x679: {  	_ =	swait.ge @!p4 [sflag:s0], $0x4000  }
0x67a: {  	s1 =	sld [smem:$0x7E2]  }
0x67b: {  	s30 =	simm.s32 $0x400;
	s31 =	simm.s32 $0x3;
	[sflag:s0] =	ssyncset.done @!p4 $0x0  }
0x67c: {  	s26 =	simm.s32 $0x0;
	s3 =	simm.s32 $0x80;
	[sflag:s0] =	ssyncadd.s32 @!p4 $0xFFFFC000  }
0x67d: {  	[tilespmem:s26], [sflag:$0x3] =	stream.strided.gather [hbm4b:s1+s3], $0x18700, s30, s3, $0x38;
	[tilespmem:$0x1CF00] =	vst v63  }
0x67e: {  	_ =	swait.ge [sflag:s31], $0x18700  }
0x67f: {  	[sflag:s31] =	ssyncset.done $0x0  }
0x680: {  	s28 =	simm.s32 $0x18740;
	s29 =	simm.s32 $0x18B70;
	[sflag:s31] =	ssyncadd.s32 $0xFFFE7900  }
.LBB2_74:
0x681: {  	_ =	swait.ge [sflag:s23], $0x400  }
0x682: {  	[sflag:s23] =	ssyncset.done $0x0  }
0x683: {  	[sflag:s23] =	ssyncadd.s32 $0xFFFFFC00  }
0x684: {  	v0 =	vld [tilespmem:s28+$0x30]  }
0x685: {  	v1 =	vld [tilespmem:s28+$0xFFFFFFD0]  }
0x686: {  	v2 =	vld [tilespmem:s28+$0xFFFFFFE0]  }
0x687: {  	v3 =	vld [tilespmem:s28+$0xFFFFFFF0]  }
0x688: {  	v4 =	vld [tilespmem:s28+$0x0]  }
0x689: {  	v6 =	vld [tilespmem:s28+$0x10]  }
0x68a: {  	v7 =	vld [tilespmem:s28+$0x20]  }
0x68b: {  	v8 =	vld [tilespmem:s28+$0xFFFFFFC0]  }
0x68c: {  	v9 =	vld.idx.msk [tilespmem:v0+s17+$0x0], $0xffff  }
0x68d: {  	v10 =	vld.idx.msk [tilespmem:v1+s17+$0x0], $0xffff  }
0x68e: {  	s0 =	sshll.u32 s26, $0xE;
	v5 =	vld.idx.msk [tilespmem:v2+s17+$0x0], $0xffff  }
0x68f: {  	s0 =	sadd.s32 s7, s0;
	v3 =	vld.idx.msk [tilespmem:v3+s17+$0x0], $0xffff  }
0x690: {  	s0 =	sshrl.u32 s0, $0x3;
	v2 =	vld.idx.msk [tilespmem:v4+s17+$0x0], $0xffff  }
0x691: {  	s31 =	sadd.s32 s19, s0;
	s0 =	simm.s32 $0x1C740;
	v0 =	vld.idx.msk [tilespmem:v6+s17+$0x0], $0xffff  }
0x692: {  	v1 =	vld.idx.msk [tilespmem:v7+s17+$0x0], $0xffff;
	[tilespmem:s0+$0x30] =	vst v9  }
0x693: {  	s30 =	sshll.u32 s26, $0xB;
	s1 =	simm.s32 $0x0;
	s3 =	sadd.s32 $0x80, s28;
	v4 =	vld.idx.msk [tilespmem:v8+s17+$0x0], $0xffff;
	[tilespmem:s0+$0xFFFFFFD0] =	vst v10  }
.LBB2_75:
0x694: {  	v6 =	vld [tilespmem:s3+$0x30];
	s1 =	sadd.s32 $0x80, s1;
	[tilespmem:s0+$0xFFFFFFE0] =	vst v5  }
0x695: {  	v5 =	vld [tilespmem:s3+$0xFFFFFFD0];
	p5 =	slt.u32 s1, $0x380;
	[tilespmem:s0+$0xFFFFFFF0] =	vst v3  }
0x696: {  	v3 =	vld [tilespmem:s3+$0xFFFFFFE0];
	[tilespmem:s0+$0x0] =	vst v2  }
0x697: {  	v2 =	vld [tilespmem:s3+$0xFFFFFFF0];
	[tilespmem:s0+$0x10] =	vst v0  }
0x698: {  	v0 =	vld [tilespmem:s3+$0x0];
	[tilespmem:s0+$0x20] =	vst v1  }
0x699: {  	v1 =	vld [tilespmem:s3+$0x10];
	[tilespmem:s0+$0xFFFFFFC0] =	vst v4  }
0x69a: {  	v4 =	vld [tilespmem:s3+$0x20]  }
0x69b: {  	v7 =	vld [tilespmem:s3+$0xFFFFFFC0]  }
0x69c: {  	v6 =	vld.idx.msk [tilespmem:v6+s17+$0x0], $0xffff  }
0x69d: {  	v8 =	vld.idx.msk [tilespmem:v5+s17+$0x0], $0xffff  }
0x69e: {  	v5 =	vld.idx.msk [tilespmem:v3+s17+$0x0], $0xffff  }
.Ltmp36:
0x69f: {  	v3 =	vld.idx.msk [tilespmem:v2+s17+$0x0], $0xffff;
	(pc) =	sbr.rel @p5 .LBB2_75-.Ltmp36, $4  }
0x6a0: {  	v2 =	vld.idx.msk [tilespmem:v0+s17+$0x0], $0xffff  }
0x6a1: {  	s0 =	sadd.s32 $0x100, s0;
	v0 =	vld.idx.msk [tilespmem:v1+s17+$0x0], $0xffff  }
0x6a2: {  	v1 =	vld.idx.msk [tilespmem:v4+s17+$0x0], $0xffff;
	[tilespmem:s0+$0x30] =	vst v6  }
0x6a3: {  	s3 =	sadd.s32 $0x80, s3;
	v4 =	vld.idx.msk [tilespmem:v7+s17+$0x0], $0xffff;
	[tilespmem:s0+$0xFFFFFFD0] =	vst v8  }
0x6a4: {  	[tilespmem:s0+$0xFFFFFFE0] =	vst v5  }
0x6a5: {  	[tilespmem:s0+$0xFFFFFFF0] =	vst v3  }
0x6a6: {  	[tilespmem:s0+$0x0] =	vst v2  }
0x6a7: {  	[tilespmem:s0+$0x10] =	vst v0  }
0x6a8: {  	[tilespmem:s0+$0x20] =	vst v1  }
0x6a9: {  	[tilespmem:s0+$0xFFFFFFC0] =	vst v4  }
0x6aa: {  	[hbm4b:s31+s17] =	stream.linear.scatter [tilespmem:s21], [sflag:$0x1], $0x80, $0x38;
	[tilespmem:$0x1CF00] =	vst v63  }
0x6ab: {  	s3 =	sadd.s32 $0x80, s31  }
0x6ac: {  	[hbm4b:s3+s17] =	stream.linear.scatter [tilespmem:s9], [sflag:$0x1], $0x80, $0x38;
	[tilespmem:$0x1CF00] =	vst v63  }
0x6ad: {  	s1 =	sadd.s32 $0x100, s31  }
0x6ae: {  	[hbm4b:s1+s17] =	stream.linear.scatter [tilespmem:s11], [sflag:$0x1], $0x80, $0x38;
	[tilespmem:$0x1CF00] =	vst v63  }
0x6af: {  	s3 =	sadd.s32 $0x180, s31  }
0x6b0: {  	[hbm4b:s3+s17] =	stream.linear.scatter [tilespmem:s13], [sflag:$0x1], $0x80, $0x38;
	[tilespmem:$0x1CF00] =	vst v63  }
0x6b1: {  	s1 =	sadd.s32 $0x200, s31  }
0x6b2: {  	[hbm4b:s1+s17] =	stream.linear.scatter [tilespmem:s4], [sflag:$0x1], $0x80, $0x38;
	[tilespmem:$0x1CF00] =	vst v63  }
0x6b3: {  	s3 =	sadd.s32 $0x280, s31  }
0x6b4: {  	[hbm4b:s3+s17] =	stream.linear.scatter [tilespmem:s6], [sflag:$0x1], $0x80, $0x38;
	[tilespmem:$0x1CF00] =	vst v63  }
0x6b5: {  	s1 =	sadd.s32 $0x300, s31  }
0x6b6: {  	[hbm4b:s1+s17] =	stream.linear.scatter [tilespmem:s8], [sflag:$0x1], $0x80, $0x38;
	[tilespmem:$0x1CF00] =	vst v63  }
0x6b7: {  	s3 =	sadd.s32 $0x380, s31  }
0x6b8: {  	[hbm4b:s3+s17] =	stream.linear.scatter [tilespmem:s10], [sflag:$0x1], $0x80, $0x38;
	[tilespmem:$0x1CF00] =	vst v63  }
0x6b9: {  	_ =	swait.ge [sflag:s25], $0x400  }
0x6ba: {  	[sflag:s25] =	ssyncset.done $0x0  }
0x6bb: {  	[sflag:s25] =	ssyncadd.s32 $0xFFFFFC00  }
0x6bc: {  	v0 =	vld [tilespmem:s29+$0x0]  }
0x6bd: {  	v1 =	vld [tilespmem:s29+$0xFFFFFFA0]  }
0x6be: {  	v2 =	vld [tilespmem:s29+$0xFFFFFFB0]  }
0x6bf: {  	v3 =	vld [tilespmem:s29+$0xFFFFFFC0]  }
0x6c0: {  	v4 =	vld [tilespmem:s29+$0xFFFFFFD0]  }
0x6c1: {  	v6 =	vld [tilespmem:s29+$0xFFFFFFE0]  }
0x6c2: {  	v7 =	vld [tilespmem:s29+$0xFFFFFFF0]  }
0x6c3: {  	v8 =	vld [tilespmem:s29+$0xFFFFFF90]  }
0x6c4: {  	v9 =	vld.idx.msk [tilespmem:v0+s17+$0x0], $0xffff  }
0x6c5: {  	s31 =	sld [smem:$0x7FD];
	v10 =	vld.idx.msk [tilespmem:v1+s17+$0x0], $0xffff  }
0x6c6: {  	v5 =	vld.idx.msk [tilespmem:v2+s17+$0x0], $0xffff  }
0x6c7: {  	v3 =	vld.idx.msk [tilespmem:v3+s17+$0x0], $0xffff  }
0x6c8: {  	s0 =	sadd.s32 s30, s31;
	v2 =	vld.idx.msk [tilespmem:v4+s17+$0x0], $0xffff  }
0x6c9: {  	s30 =	sadd.s32 $0x400, s0;
	s0 =	simm.s32 $0x1C7F0;
	v0 =	vld.idx.msk [tilespmem:v6+s17+$0x0], $0xffff  }
0x6ca: {  	v1 =	vld.idx.msk [tilespmem:v7+s17+$0x0], $0xffff;
	[tilespmem:s0+$0x0] =	vst v9  }
0x6cb: {  	s1 =	simm.s32 $0x0;
	s3 =	sadd.s32 $0x80, s29;
	v4 =	vld.idx.msk [tilespmem:v8+s17+$0x0], $0xffff;
	[tilespmem:s0+$0xFFFFFFA0] =	vst v10  }
.LBB2_77:
0x6cc: {  	v6 =	vld [tilespmem:s3+$0x0];
	s1 =	sadd.s32 $0x80, s1;
	[tilespmem:s0+$0xFFFFFFB0] =	vst v5  }
0x6cd: {  	v5 =	vld [tilespmem:s3+$0xFFFFFFA0];
	p5 =	slt.u32 s1, $0x380;
	[tilespmem:s0+$0xFFFFFFC0] =	vst v3  }
0x6ce: {  	v3 =	vld [tilespmem:s3+$0xFFFFFFB0];
	[tilespmem:s0+$0xFFFFFFD0] =	vst v2  }
0x6cf: {  	v2 =	vld [tilespmem:s3+$0xFFFFFFC0];
	[tilespmem:s0+$0xFFFFFFE0] =	vst v0  }
0x6d0: {  	v0 =	vld [tilespmem:s3+$0xFFFFFFD0];
	[tilespmem:s0+$0xFFFFFFF0] =	vst v1  }
0x6d1: {  	v1 =	vld [tilespmem:s3+$0xFFFFFFE0];
	[tilespmem:s0+$0xFFFFFF90] =	vst v4  }
0x6d2: {  	v4 =	vld [tilespmem:s3+$0xFFFFFFF0]  }
0x6d3: {  	v7 =	vld [tilespmem:s3+$0xFFFFFF90]  }
0x6d4: {  	v6 =	vld.idx.msk [tilespmem:v6+s17+$0x0], $0xffff  }
0x6d5: {  	v8 =	vld.idx.msk [tilespmem:v5+s17+$0x0], $0xffff  }
0x6d6: {  	v5 =	vld.idx.msk [tilespmem:v3+s17+$0x0], $0xffff  }
.Ltmp37:
0x6d7: {  	v3 =	vld.idx.msk [tilespmem:v2+s17+$0x0], $0xffff;
	(pc) =	sbr.rel @p5 .LBB2_77-.Ltmp37, $4  }
0x6d8: {  	v2 =	vld.idx.msk [tilespmem:v0+s17+$0x0], $0xffff  }
0x6d9: {  	s0 =	sadd.s32 $0x100, s0;
	v0 =	vld.idx.msk [tilespmem:v1+s17+$0x0], $0xffff  }
0x6da: {  	v1 =	vld.idx.msk [tilespmem:v4+s17+$0x0], $0xffff;
	[tilespmem:s0+$0x0] =	vst v6  }
0x6db: {  	s3 =	sadd.s32 $0x80, s3;
	v4 =	vld.idx.msk [tilespmem:v7+s17+$0x0], $0xffff;
	[tilespmem:s0+$0xFFFFFFA0] =	vst v8  }
0x6dc: {  	[tilespmem:s0+$0xFFFFFFB0] =	vst v5  }
0x6dd: {  	[tilespmem:s0+$0xFFFFFFC0] =	vst v3  }
0x6de: {  	[tilespmem:s0+$0xFFFFFFD0] =	vst v2  }
0x6df: {  	[tilespmem:s0+$0xFFFFFFE0] =	vst v0  }
0x6e0: {  	[tilespmem:s0+$0xFFFFFFF0] =	vst v1  }
0x6e1: {  	[tilespmem:s0+$0xFFFFFF90] =	vst v4  }
0x6e2: {  	[hbm4b:s30+s17] =	stream.linear.scatter [tilespmem:s12], [sflag:$0x2], $0x80, $0x38;
	[tilespmem:$0x1CF00] =	vst v63  }
0x6e3: {  	s31 =	sadd.s32 $0x80, s30  }
0x6e4: {  	[hbm4b:s31+s17] =	stream.linear.scatter [tilespmem:s14], [sflag:$0x2], $0x80, $0x38;
	[tilespmem:$0x1CF00] =	vst v63  }
0x6e5: {  	s1 =	sadd.s32 $0x100, s30  }
0x6e6: {  	[hbm4b:s1+s17] =	stream.linear.scatter [tilespmem:s16], [sflag:$0x2], $0x80, $0x38;
	[tilespmem:$0x1CF00] =	vst v63  }
0x6e7: {  	s3 =	sadd.s32 $0x180, s30  }
0x6e8: {  	[hbm4b:s3+s17] =	stream.linear.scatter [tilespmem:s18], [sflag:$0x2], $0x80, $0x38;
	[tilespmem:$0x1CF00] =	vst v63  }
0x6e9: {  	s26 =	sadd.s32 $0x1, s26;
	s31 =	sadd.s32 $0x200, s30  }
0x6ea: {  	[hbm4b:s31+s17] =	stream.linear.scatter [tilespmem:s20], [sflag:$0x2], $0x80, $0x38;
	[tilespmem:$0x1CF00] =	vst v63  }
0x6eb: {  	p5 =	seq.s32 s26, $0x8;
	s1 =	sadd.s32 $0x280, s30  }
0x6ec: {  	[hbm4b:s1+s17] =	stream.linear.scatter [tilespmem:s22], [sflag:$0x2], $0x80, $0x38;
	[tilespmem:$0x1CF00] =	vst v63  }
.Ltmp38:
0x6ed: {  	_ = 	snop;
	(pc) =	sbr.rel @!p5 .LBB2_74-.Ltmp38, $4  }
0x6ee: {  	s3 =	sadd.s32 $0x300, s30  }
0x6ef: {  	[hbm4b:s3+s17] =	stream.linear.scatter [tilespmem:s24], [sflag:$0x2], $0x80, $0x38;
	[tilespmem:$0x1CF00] =	vst v63  }
0x6f0: {  	s28 =	sadd.s32 $0x800, s28;
	s29 =	sadd.s32 $0x800, s29;
	s31 =	sadd.s32 $0x380, s30  }
0x6f1: {  	[hbm4b:s31+s17] =	stream.linear.scatter [tilespmem:s15], [sflag:$0x2], $0x80, $0x38;
	[tilespmem:$0x1CF00] =	vst v63  }
0x6f2: {  	_ =	swait.ge [sflag:s23], $0x400  }
0x6f3: {  	[sflag:s23] =	ssyncset.done $0x0  }
0x6f4: {  	[sflag:s23] =	ssyncadd.s32 $0xFFFFFC00  }
0x6f5: {  	_ =	swait.ge [sflag:s25], $0x400  }
0x6f6: {  	s1 =	sld [smem:$0x7D7]  }
0x6f7: {  	s0 =	sld [smem:$0x7F0];
	_ =	sdelay $0x1  }
0x6f8: {  	s1 =	sadd.s32 $0x1, s1  }
0x6f9: {  	p5 =	sne.s32 s1, s0  }
.Ltmp39:
0x6fa: {  	_ = 	snop;
	(pc) =	sbr.rel @p5 .LBB2_1-.Ltmp39, $3  }
0x6fb: {  	_ =	sdelay $0x1  }
0x6fc: {  	[sflag:s25] =	ssyncset.done $0x0  }
0x6fd: {  	[sflag:s25] =	ssyncadd.s32 $0xFFFFFC00  }
0x6fe: {  	_ =	sfence.sel $0x180000  }
0x6ff: {  	[bflag:$0x0] =	sbarrier.arrive $0xFFFF  }
0x700: {  	_ =	strace $0x90000047  }
0x701: {  	s0 =	stileid.u32;
	[bflag:$0x2] =	sbarrier.arrive $0xFFFF  }
0x702: {  	p0 =	sne.s32 s0, $0x0;
	s0 =	rddreg [dreg:$0x3]  }
0x703: {  	s0 =	sadd.s32 @!p0 $0x100000, s0  }
0x704: {  	[sflag:s0] =	ssyncadd.tile.s32 @!p0 $0x1;
	_ =	shalt  }
.Lfunc_end2:
_tile_overlayer_lowered:
.L_overlay_start_2:
0x705: {  	(tag) =	ssettag $0x2  }
0x706: {  	s0 =	rddreg [dreg:$0x0];
	s2 =	stileid.u32  }
0x707: {  	s1 =	rddreg [dreg:$0x1];
	p0 =	sne.s32 s2, $0x0  }
0x708: {  	s3 =	rddreg [dreg:$0x2];
	[bflag:$0x3] =	sbarrier.arrive $0xFFFF;
	s2 =	simm.s32 @!p0 $0x1C03  }
0x709: {  	[timem:s3], [sflag:s2] =	dma.local @!p0 [hbm:s0], s1  }
0x70a: {  	s0 =	simm.s32 @!p0 $0x3  }
0x70b: {  	_ =	swait.ge @!p0 [sflag:s0], s1  }
0x70c: {  	s1 =	ssub.s32 @!p0 $0x0, s1;
	[sflag:s0] =	ssyncset.done @!p0 $0x0  }
0x70d: {  	[sflag:s0] =	ssyncadd.s32 @!p0 s1  }
0x70e: {  	[bflag:$0x3] =	sbarrier.arrive $0xFFFF  }
0x70f: {  	_ =	shalt  }

</sc_bundles>
